<compile_context>
chip_gen: v7x
topology: tpu7x:2x2x1
jax: 0.10.2.dev20260603
libtpu: 0.0.44.dev20260713+nightly
codegen_flags: <defaults>
</compile_context>

<pallas_src>
import functools

import jax
import jax.numpy as jnp
from jax import lax
from jax.experimental import pallas as pl
from jax.experimental.pallas import tpu as pltpu
from jax.experimental.pallas import tpu_sc as plsc

N = 10000
D = 128
E = 320000
NC, NS = 2, 16
NW = NC * NS
K = 128
NCHUNK = 2560
EPAD = NCHUNK * K
NPAD = 10240
RPT = NPAD // NS
GSZ = 16
RSTEP = 64
NB = 2
NG0, NG1 = 8, 2
CPW0, CPW1 = NG0 * GSZ, NG1 * GSZ
DEG_K = 128
DEG_CPW = 80

_mesh = plsc.VectorSubcoreMesh(core_axis_name="c", subcore_axis_name="s")


def _fill2d(ref, rows, cols, value):
    v = jnp.full((16,), value, jnp.float32)
    per_row = cols // 16

    def body(i, carry):
        r = i // per_row
        c = (i % per_row) * 16
        ref[r, pl.ds(c, 16)] = v
        return carry

    lax.fori_loop(0, rows * per_row, body, 0)


def _fill1d(ref, n, value):
    v = jnp.full((16,), value, jnp.float32)

    def body(i, carry):
        ref[pl.ds(i * 16, 16)] = v
        return carry

    lax.fori_loop(0, n // 16, body, 0)


def _deg_body(dst2d, out, dst_v, stage_v, ones_v, deg_sh):
    cid = lax.axis_index("c")
    sid = lax.axis_index("s")
    wid = sid * NC + cid
    _fill1d(stage_v, RPT, 0.0)
    pltpu.sync_copy(stage_v, deg_sh.at[pl.ds(sid * RPT, RPT)])
    _fill1d(ones_v, DEG_K, 1.0)
    pltpu.sync_copy(dst2d.at[pl.ds(wid * DEG_CPW, DEG_CPW)], dst_v)
    plsc.subcore_barrier()

    def body(j, carry):
        pltpu.sync_copy(ones_v, deg_sh.at[dst_v.at[j]], add=True)
        return carry

    lax.fori_loop(0, DEG_CPW, body, 0)
    plsc.subcore_barrier()
    pltpu.sync_copy(deg_sh.at[pl.ds(sid * RPT, RPT)], stage_v)
    pltpu.sync_copy(stage_v, out.at[pl.ds(cid * NPAD + sid * RPT, RPT)])


_deg_kernel = functools.partial(
    pl.kernel,
    out_type=jax.ShapeDtypeStruct((NC * NPAD,), jnp.float32),
    mesh=_mesh,
    scratch_types=[
        pltpu.VMEM((DEG_CPW, DEG_K), jnp.int32),
        pltpu.VMEM((RPT,), jnp.float32),
        pltpu.VMEM((DEG_K,), jnp.float32),
        pltpu.VMEM_SHARED((NPAD,), jnp.float32),
    ],
)(_deg_body)


def _zero_buf0(rows_v):
    v = jnp.zeros((16,), jnp.float32)

    def body(i, carry):
        r = i // (D // 16)
        c = (i % (D // 16)) * 16
        rows_v[0, r, pl.ds(c, 16)] = v
        return carry

    lax.fori_loop(0, RSTEP * (D // 16), body, 0)


def _scat_body(hs, src2d, dst2d, out, src_v, dst_v, rows_v, sem_g, sem_s, acc_sh):
    cid = lax.axis_index("c")
    sid = lax.axis_index("s")
    wid = sid * NC + cid
    _zero_buf0(rows_v)
    for t in range(RPT // RSTEP):
        pltpu.sync_copy(rows_v.at[0, pl.ds(0, RSTEP)],
                        acc_sh.at[pl.ds(sid * RPT + t * RSTEP, RSTEP)])
    plsc.subcore_barrier()

    def group(base):
        pltpu.sync_copy(src2d.at[pl.ds(base, GSZ)], src_v)
        pltpu.sync_copy(dst2d.at[pl.ds(base, GSZ)], dst_v)
        pltpu.async_copy(hs.at[src_v.at[0]], rows_v.at[0], sem_g)

        def body(j, carry):
            b = lax.rem(j, NB)
            pltpu.make_async_copy(hs.at[src_v.at[j]], rows_v.at[b], sem_g).wait()

            @pl.when(j < GSZ - 1)
            def _prefetch():
                pltpu.async_copy(hs.at[src_v.at[j + 1]], rows_v.at[1 - b], sem_g)

            pltpu.sync_copy(rows_v.at[b], acc_sh.at[dst_v.at[j]], add=True)
            return carry

        lax.fori_loop(0, GSZ, body, 0)

    @pl.when(cid == 0)
    def _sc0():
        for g in range(NG0):
            group(sid * CPW0 + g * GSZ)

    @pl.when(cid == 1)
    def _sc1():
        for g in range(NG1):
            group(NS * CPW0 + sid * CPW1 + g * GSZ)

    plsc.subcore_barrier()
    for t in range(RPT // RSTEP):
        pltpu.sync_copy(acc_sh.at[pl.ds(sid * RPT + t * RSTEP, RSTEP)],
                        rows_v.at[0, pl.ds(0, RSTEP)])
        pltpu.sync_copy(rows_v.at[0, pl.ds(0, RSTEP)],
                        out.at[pl.ds(cid * NPAD + sid * RPT + t * RSTEP, RSTEP)])


_scat_kernel = functools.partial(
    pl.kernel,
    out_type=jax.ShapeDtypeStruct((NC * NPAD, D), jnp.float32),
    mesh=_mesh,
    scratch_types=[
        pltpu.VMEM((GSZ, K), jnp.int32),
        pltpu.VMEM((GSZ, K), jnp.int32),
        pltpu.VMEM((NB, K, D), jnp.float32),
        pltpu.SemaphoreType.DMA,
        pltpu.SemaphoreType.DMA,
        pltpu.VMEM_SHARED((NPAD, D), jnp.float32),
    ],
)(_scat_body)


def _mm_body(x_ref, w_ref, deg_ref, hs_ref):
    dinv = lax.rsqrt(deg_ref[...])
    h = jnp.dot(x_ref[...], w_ref[...], preferred_element_type=jnp.float32)
    hs_ref[...] = h * dinv


def _fin_body(acc_ref, hs_ref, deg_ref, b_ref, gam_ref, bet_ref, out_ref):
    dinv = lax.rsqrt(deg_ref[...])
    t = (acc_ref[0:N, :] + acc_ref[NPAD : NPAD + N, :] + hs_ref[...]) * dinv + b_ref[...]
    mean = jnp.mean(t, axis=0, keepdims=True)
    var = jnp.mean((t - mean) ** 2, axis=0, keepdims=True)
    out_ref[...] = jnp.maximum(
        (t - mean) * lax.rsqrt(var + 1e-5) * gam_ref[...] + bet_ref[...], 0.0
    )


def kernel(x, edge_index, W, b, gamma, beta):
    ei = edge_index.astype(jnp.int32)
    pad = EPAD - E
    src2d = jnp.concatenate([ei[0], jnp.zeros((pad,), jnp.int32)]).reshape(NCHUNK, K)
    dst2d = jnp.concatenate([ei[1], jnp.full((pad,), N, jnp.int32)]).reshape(NCHUNK, K)

    degp = _deg_kernel(dst2d.reshape(NW * DEG_CPW, DEG_K))
    deg_col = (degp[0:N] + degp[NPAD : NPAD + N] + 1.0)[:, None]

    hs = pl.pallas_call(
        _mm_body,
        out_shape=jax.ShapeDtypeStruct((N, D), jnp.float32),
    )(x, W, deg_col)

    accp = _scat_kernel(hs, src2d, dst2d)

    out = pl.pallas_call(
        _fin_body,
        out_shape=jax.ShapeDtypeStruct((N, D), jnp.float32),
    )(
        accp,
        hs,
        deg_col,
        b.reshape(1, D),
        gamma.reshape(1, D),
        beta.reshape(1, D),
    )
    return out

# --- scband reference (transcript-rebuilt; emitter-appended) ---
"""Pipeline reference for scband-gnnblock-35613868819062 (READ-ONLY COPY).

The authoritative reference and input builder live on the scoring server;
editing this copy changes nothing except your own understanding.
"""

import jax, jax.numpy as jnp
import numpy as np

N_NODES = 10000
N_EDGES = 320000
D_IN = 128
D_OUT = 128


def setup_inputs(seed: int = 0) -> dict:
    key = jax.random.key(seed)
    k_x, k_e, k_w, k_b, k_g, k_bt = jax.random.split(key, 6)
    x = jax.random.normal(k_x, (N_NODES, D_IN), dtype=jnp.float32)
    edge_index = jax.random.randint(k_e, (2, N_EDGES), 0, N_NODES, dtype=jnp.int64)
    # GCNConv weight (glorot) and bias
    scale = jnp.sqrt(6.0 / (D_IN + D_OUT))
    W = jax.random.uniform(k_w, (D_IN, D_OUT), dtype=jnp.float32, minval=-scale, maxval=scale)
    b = jnp.zeros((D_OUT,), dtype=jnp.float32)
    # BatchNorm1d affine params
    gamma = jnp.ones((D_OUT,), dtype=jnp.float32)
    beta = jnp.zeros((D_OUT,), dtype=jnp.float32)
    return {"x": x, "edge_index": edge_index, "W": W, "b": b, "gamma": gamma, "beta": beta}


def reference(x, edge_index, W, b, gamma, beta):
    N = x.shape[0]
    src = edge_index[0]
    dst = edge_index[1]
    # GCN adds self-loops
    loop = jnp.arange(N, dtype=edge_index.dtype)
    src = jnp.concatenate([src, loop])
    dst = jnp.concatenate([dst, loop])
    # symmetric normalization: D^{-1/2} (A+I) D^{-1/2}
    deg = jnp.zeros((N,), dtype=x.dtype).at[dst].add(1.0)
    deg_inv_sqrt = jnp.where(deg > 0, jax.lax.rsqrt(jnp.maximum(deg, 1e-12)), 0.0)
    norm = deg_inv_sqrt[src] * deg_inv_sqrt[dst]
    # linear transform then gather/scatter-add aggregation
    h = x @ W
    msg = h[src] * norm[:, None]
    out = jax.ops.segment_sum(msg, dst, num_segments=N) + b
    # BatchNorm1d (training mode: batch statistics, biased variance)
    mean = jnp.mean(out, axis=0)
    var = jnp.mean((out - mean) ** 2, axis=0)
    out = (out - mean) * jax.lax.rsqrt(var + 1e-5) * gamma + beta
    return jax.nn.relu(out)

if __name__ == "__main__":
    import jax
    _d = setup_inputs()
    print(jax.jit(kernel)(*tuple(_d.values())))

</pallas_src>

<mosaic_0001>
#map = affine_map<(d0, d1) -> (0, 0)>
module attributes {stable_mosaic.version = 14 : i64} {
  func.func @_scat_body(%arg0: i32, %arg1: i32, %arg2: memref<10000x128xf32, #tpu.memory_space<hbm>>, %arg3: memref<2560x128xi32, #tpu.memory_space<hbm>>, %arg4: memref<2560x128xi32, #tpu.memory_space<hbm>>, %arg5: memref<20480x128xf32, #tpu.memory_space<hbm>>, %arg6: memref<16x128xi32, #tpu.memory_space<vmem>>, %arg7: memref<16x128xi32, #tpu.memory_space<vmem>>, %arg8: memref<2x128x128xf32, #tpu.memory_space<vmem>>, %arg9: memref<!tpu.dma_semaphore, #tpu.memory_space<semaphore_mem>>, %arg10: memref<!tpu.dma_semaphore, #tpu.memory_space<semaphore_mem>>, %arg11: memref<10240x128xf32, #tpu.memory_space<vmem_shared>>) attributes {dimension_semantics = [#tpu.dimension_semantics<core_parallel>, #tpu.dimension_semantics<subcore_parallel>], iteration_bounds = array<i64: 2, 16>, scalar_prefetch = 0 : i64, scratch_operands = 6 : i64, tpu.core_type = #tpu.core_type<sc_vector_subcore>, window_params = [{transform_indices = #map}, {transform_indices = #map}, {transform_indices = #map}, {transform_indices = #map}]} {
    %mul3A = arith.constant 2 : i32
    %mul3A_0 = arith.muli %arg1, %mul3A : i32
    %add3A = arith.addi %mul3A_0, %arg0 : i32
    %broadcast_in_dim3A = arith.constant 0.000000e+00 : f32
    %broadcast_in_dim3A_1 = vector.broadcast %broadcast_in_dim3A : f32 to vector<16xf32>
    %scan3A = arith.constant 0 : i32
    %scan3A_2 = arith.constant 0 : i32
    %scan3A_3 = arith.constant 512 : i32
    %scan3A_4 = arith.addi %scan3A_2, %scan3A_3 : i32
    %scan3A_5 = arith.constant 1 : i32
    scf.for %scan3A_194 = %scan3A_2 to %scan3A_4 step %scan3A_5  : i32 {
      %jit3A = arith.constant 8 : i32
      %div3A = arith.divsi %scan3A_194, %jit3A : i32
      %sign3A = arith.constant 0 : i32
      %sign3A_195 = arith.cmpi sgt, %scan3A_194, %sign3A : i32
      %sign3A_196 = arith.extui %sign3A_195 : i1 to i32
      %sign3A_197 = arith.constant 0 : i32
      %sign3A_198 = arith.cmpi slt, %scan3A_194, %sign3A_197 : i32
      %sign3A_199 = arith.extui %sign3A_198 : i1 to i32
      %sign3A_200 = arith.subi %sign3A_196, %sign3A_199 : i32
      %sign3A_201 = arith.constant 0 : i32
      %sign3A_202 = arith.cmpi sgt, %jit3A, %sign3A_201 : i32
      %sign3A_203 = arith.extui %sign3A_202 : i1 to i32
      %sign3A_204 = arith.constant 0 : i32
      %sign3A_205 = arith.cmpi slt, %jit3A, %sign3A_204 : i32
      %sign3A_206 = arith.extui %sign3A_205 : i1 to i32
      %sign3A_207 = arith.subi %sign3A_203, %sign3A_206 : i32
      %ne3A = arith.cmpi ne, %sign3A_200, %sign3A_207 : i32
      %rem3A = arith.remsi %scan3A_194, %jit3A : i32
      %ne3A_208 = arith.constant 0 : i32
      %ne3A_209 = arith.cmpi ne, %rem3A, %ne3A_208 : i32
      %and3A = arith.andi %ne3A, %ne3A_209 : i1
      %sub3A = arith.constant 1 : i32
      %sub3A_210 = arith.subi %div3A, %sub3A : i32
      %select_n3A = arith.select %and3A, %sub3A_210, %div3A : i32
      %jit3A_211 = arith.constant 8 : i32
      %eq3A_212 = arith.constant 0 : i32
      %eq3A_213 = arith.cmpi eq, %jit3A_211, %eq3A_212 : i32
      %jit3A_214 = arith.constant 1 : i32
      %select_n3A_215 = arith.select %eq3A_213, %jit3A_214, %jit3A_211 : i32
      %rem3A_216 = arith.remsi %scan3A_194, %select_n3A_215 : i32
      %ne3A_217 = arith.constant 0 : i32
      %ne3A_218 = arith.cmpi ne, %rem3A_216, %ne3A_217 : i32
      %lt3A = arith.constant 0 : i32
      %lt3A_219 = arith.cmpi slt, %rem3A_216, %lt3A : i32
      %lt3A_220 = arith.constant 0 : i32
      %lt3A_221 = arith.cmpi slt, %select_n3A_215, %lt3A_220 : i32
      %ne3A_222 = arith.xori %lt3A_219, %lt3A_221 : i1
      %and3A_223 = arith.andi %ne3A_222, %ne3A_218 : i1
      %add3A_224 = arith.addi %rem3A_216, %select_n3A_215 : i32
      %select_n3A_225 = arith.select %and3A_223, %add3A_224, %rem3A_216 : i32
      %mul3A_226 = arith.constant 16 : i32
      %mul3A_227 = arith.muli %select_n3A_225, %mul3A_226 : i32
      %swap3A = arith.constant 0 : i32
      %swap3A_228 = arith.index_cast %swap3A : i32 to index
      %swap3A_229 = arith.index_cast %select_n3A : i32 to index
      %swap3A_230 = arith.index_cast %mul3A_227 : i32 to index
      %swap3A_231 = tpu.vector_load %arg8[%swap3A_228, %swap3A_229, %swap3A_230] {strides = array<i32>} : memref<2x128x128xf32, #tpu.memory_space<vmem>>, vector<1x1x16xf32>,
      %swap3A_232 = vector.shape_cast %swap3A_231 : vector<1x1x16xf32> to vector<16xf32>
      %swap3A_233 = vector.shape_cast %broadcast_in_dim3A_1 : vector<16xf32> to vector<1x1x16xf32>
      tpu.vector_store %arg8[%swap3A_228, %swap3A_229, %swap3A_230], %swap3A_233 {strides = array<i32>} : memref<2x128x128xf32, #tpu.memory_space<vmem>>, vector<1x1x16xf32>,
    }
    %scan3A_6 = arith.constant 512 : i32
    %mul3A_7 = arith.constant 640 : i32
    %mul3A_8 = arith.muli %arg1, %mul3A_7 : i32
    %add3A_9 = arith.constant 0 : i32
    %add3A_10 = arith.addi %mul3A_8, %add3A_9 : i32
    %run_scoped3A = arith.constant 0 : i32
    "tpu.region"() ({
      %run_scoped3A_194 = tpu.sem_alloc : memref<!tpu.dma_semaphore, #tpu.memory_space<semaphore_mem>>
      %dma_start3A = arith.constant 0 : i32
      %dma_start3A_195 = arith.constant 0 : i32
      %dma_start3A_196 = tpu.memref_slice %arg8[%run_scoped3A, %dma_start3A, %dma_start3A_195] : memref<2x128x128xf32, #tpu.memory_space<vmem>> -> memref<1x64x128xf32, #tpu.memory_space<vmem>>
      %dma_start3A_197 = tpu.memref_squeeze %dma_start3A_196 : memref<1x64x128xf32, #tpu.memory_space<vmem>> -> memref<64x128xf32, #tpu.memory_space<vmem>>
      %dma_start3A_198 = arith.constant 0 : i32
      %dma_start3A_199 = tpu.memref_slice %arg11[%add3A_10, %dma_start3A_198] : memref<10240x128xf32, #tpu.memory_space<vmem_shared>> -> memref<64x128xf32, #tpu.memory_space<vmem_shared>>
      %dma_start3A_200 = arith.constant 0 : i32
      %dma_start3A_201 = tpu.memref_slice %arg11[%add3A_10, %dma_start3A_200] : memref<10240x128xf32, #tpu.memory_space<vmem_shared>> -> memref<64x128xf32, #tpu.memory_space<vmem_shared>>
      %dma_start3A_202 = arith.constant 0 : i32
      %dma_start3A_203 = arith.constant 0 : i32
      %dma_start3A_204 = tpu.memref_slice %arg8[%run_scoped3A, %dma_start3A_202, %dma_start3A_203] : memref<2x128x128xf32, #tpu.memory_space<vmem>> -> memref<1x64x128xf32, #tpu.memory_space<vmem>>
      %dma_start3A_205 = tpu.memref_squeeze %dma_start3A_204 : memref<1x64x128xf32, #tpu.memory_space<vmem>> -> memref<64x128xf32, #tpu.memory_space<vmem>>
      tpu.enqueue_dma source(%dma_start3A_205 : memref<64x128xf32, #tpu.memory_space<vmem>>) target(%dma_start3A_201 : memref<64x128xf32, #tpu.memory_space<vmem_shared>>) target_semaphore(%run_scoped3A_194 : memref<!tpu.dma_semaphore, #tpu.memory_space<semaphore_mem>>)
      %dma_wait3A = arith.constant 0 : i32
      %dma_wait3A_206 = arith.constant 0 : i32
      %dma_wait3A_207 = tpu.memref_slice %arg8[%run_scoped3A, %dma_wait3A, %dma_wait3A_206] : memref<2x128x128xf32, #tpu.memory_space<vmem>> -> memref<1x64x128xf32, #tpu.memory_space<vmem>>
      %dma_wait3A_208 = tpu.memref_squeeze %dma_wait3A_207 : memref<1x64x128xf32, #tpu.memory_space<vmem>> -> memref<64x128xf32, #tpu.memory_space<vmem>>
      %dma_wait3A_209 = arith.constant 0 : i32
      %dma_wait3A_210 = tpu.memref_slice %arg11[%add3A_10, %dma_wait3A_209] : memref<10240x128xf32, #tpu.memory_space<vmem_shared>> -> memref<64x128xf32, #tpu.memory_space<vmem_shared>>
      %dma_wait3A_211 = arith.constant 0 : i32
      %dma_wait3A_212 = tpu.memref_slice %arg11[%add3A_10, %dma_wait3A_211] : memref<10240x128xf32, #tpu.memory_space<vmem_shared>> -> memref<64x128xf32, #tpu.memory_space<vmem_shared>>
      %dma_wait3A_213 = arith.constant 0 : i32
      %dma_wait3A_214 = arith.constant 0 : i32
      %dma_wait3A_215 = tpu.memref_slice %arg8[%run_scoped3A, %dma_wait3A_213, %dma_wait3A_214] : memref<2x128x128xf32, #tpu.memory_space<vmem>> -> memref<1x64x128xf32, #tpu.memory_space<vmem>>
      %dma_wait3A_216 = tpu.memref_squeeze %dma_wait3A_215 : memref<1x64x128xf32, #tpu.memory_space<vmem>> -> memref<64x128xf32, #tpu.memory_space<vmem>>
      tpu.wait_dma2 semaphore(%run_scoped3A_194 : memref<!tpu.dma_semaphore, #tpu.memory_space<semaphore_mem>>) src(%dma_wait3A_216 : memref<64x128xf32, #tpu.memory_space<vmem>>) dst(%dma_wait3A_212 : memref<64x128xf32, #tpu.memory_space<vmem_shared>>)
      tpu.yield
    }) : () -> ()
    %mul3A_11 = arith.constant 640 : i32
    %mul3A_12 = arith.muli %arg1, %mul3A_11 : i32
    %add3A_13 = arith.constant 64 : i32
    %add3A_14 = arith.addi %mul3A_12, %add3A_13 : i32
    %run_scoped3A_15 = arith.constant 0 : i32
    "tpu.region"() ({
      %run_scoped3A_194 = tpu.sem_alloc : memref<!tpu.dma_semaphore, #tpu.memory_space<semaphore_mem>>
      %dma_start3A = arith.constant 0 : i32
      %dma_start3A_195 = arith.constant 0 : i32
      %dma_start3A_196 = tpu.memref_slice %arg8[%run_scoped3A_15, %dma_start3A, %dma_start3A_195] : memref<2x128x128xf32, #tpu.memory_space<vmem>> -> memref<1x64x128xf32, #tpu.memory_space<vmem>>
      %dma_start3A_197 = tpu.memref_squeeze %dma_start3A_196 : memref<1x64x128xf32, #tpu.memory_space<vmem>> -> memref<64x128xf32, #tpu.memory_space<vmem>>
      %dma_start3A_198 = arith.constant 0 : i32
      %dma_start3A_199 = tpu.memref_slice %arg11[%add3A_14, %dma_start3A_198] : memref<10240x128xf32, #tpu.memory_space<vmem_shared>> -> memref<64x128xf32, #tpu.memory_space<vmem_shared>>
      %dma_start3A_200 = arith.constant 0 : i32
      %dma_start3A_201 = tpu.memref_slice %arg11[%add3A_14, %dma_start3A_200] : memref<10240x128xf32, #tpu.memory_space<vmem_shared>> -> memref<64x128xf32, #tpu.memory_space<vmem_shared>>
      %dma_start3A_202 = arith.constant 0 : i32
      %dma_start3A_203 = arith.constant 0 : i32
      %dma_start3A_204 = tpu.memref_slice %arg8[%run_scoped3A_15, %dma_start3A_202, %dma_start3A_203] : memref<2x128x128xf32, #tpu.memory_space<vmem>> -> memref<1x64x128xf32, #tpu.memory_space<vmem>>
      %dma_start3A_205 = tpu.memref_squeeze %dma_start3A_204 : memref<1x64x128xf32, #tpu.memory_space<vmem>> -> memref<64x128xf32, #tpu.memory_space<vmem>>
      tpu.enqueue_dma source(%dma_start3A_205 : memref<64x128xf32, #tpu.memory_space<vmem>>) target(%dma_start3A_201 : memref<64x128xf32, #tpu.memory_space<vmem_shared>>) target_semaphore(%run_scoped3A_194 : memref<!tpu.dma_semaphore, #tpu.memory_space<semaphore_mem>>)
      %dma_wait3A = arith.constant 0 : i32
      %dma_wait3A_206 = arith.constant 0 : i32
      %dma_wait3A_207 = tpu.memref_slice %arg8[%run_scoped3A_15, %dma_wait3A, %dma_wait3A_206] : memref<2x128x128xf32, #tpu.memory_space<vmem>> -> memref<1x64x128xf32, #tpu.memory_space<vmem>>
      %dma_wait3A_208 = tpu.memref_squeeze %dma_wait3A_207 : memref<1x64x128xf32, #tpu.memory_space<vmem>> -> memref<64x128xf32, #tpu.memory_space<vmem>>
      %dma_wait3A_209 = arith.constant 0 : i32
      %dma_wait3A_210 = tpu.memref_slice %arg11[%add3A_14, %dma_wait3A_209] : memref<10240x128xf32, #tpu.memory_space<vmem_shared>> -> memref<64x128xf32, #tpu.memory_space<vmem_shared>>
      %dma_wait3A_211 = arith.constant 0 : i32
      %dma_wait3A_212 = tpu.memref_slice %arg11[%add3A_14, %dma_wait3A_211] : memref<10240x128xf32, #tpu.memory_space<vmem_shared>> -> memref<64x128xf32, #tpu.memory_space<vmem_shared>>
      %dma_wait3A_213 = arith.constant 0 : i32
      %dma_wait3A_214 = arith.constant 0 : i32
      %dma_wait3A_215 = tpu.memref_slice %arg8[%run_scoped3A_15, %dma_wait3A_213, %dma_wait3A_214] : memref<2x128x128xf32, #tpu.memory_space<vmem>> -> memref<1x64x128xf32, #tpu.memory_space<vmem>>
      %dma_wait3A_216 = tpu.memref_squeeze %dma_wait3A_215 : memref<1x64x128xf32, #tpu.memory_space<vmem>> -> memref<64x128xf32, #tpu.memory_space<vmem>>
      tpu.wait_dma2 semaphore(%run_scoped3A_194 : memref<!tpu.dma_semaphore, #tpu.memory_space<semaphore_mem>>) src(%dma_wait3A_216 : memref<64x128xf32, #tpu.memory_space<vmem>>) dst(%dma_wait3A_212 : memref<64x128xf32, #tpu.memory_space<vmem_shared>>)
      tpu.yield
    }) : () -> ()
    %mul3A_16 = arith.constant 640 : i32
    %mul3A_17 = arith.muli %arg1, %mul3A_16 : i32
    %add3A_18 = arith.constant 128 : i32
    %add3A_19 = arith.addi %mul3A_17, %add3A_18 : i32
    %run_scoped3A_20 = arith.constant 0 : i32
    "tpu.region"() ({
      %run_scoped3A_194 = tpu.sem_alloc : memref<!tpu.dma_semaphore, #tpu.memory_space<semaphore_mem>>
      %dma_start3A = arith.constant 0 : i32
      %dma_start3A_195 = arith.constant 0 : i32
      %dma_start3A_196 = tpu.memref_slice %arg8[%run_scoped3A_20, %dma_start3A, %dma_start3A_195] : memref<2x128x128xf32, #tpu.memory_space<vmem>> -> memref<1x64x128xf32, #tpu.memory_space<vmem>>
      %dma_start3A_197 = tpu.memref_squeeze %dma_start3A_196 : memref<1x64x128xf32, #tpu.memory_space<vmem>> -> memref<64x128xf32, #tpu.memory_space<vmem>>
      %dma_start3A_198 = arith.constant 0 : i32
      %dma_start3A_199 = tpu.memref_slice %arg11[%add3A_19, %dma_start3A_198] : memref<10240x128xf32, #tpu.memory_space<vmem_shared>> -> memref<64x128xf32, #tpu.memory_space<vmem_shared>>
      %dma_start3A_200 = arith.constant 0 : i32
      %dma_start3A_201 = tpu.memref_slice %arg11[%add3A_19, %dma_start3A_200] : memref<10240x128xf32, #tpu.memory_space<vmem_shared>> -> memref<64x128xf32, #tpu.memory_space<vmem_shared>>
      %dma_start3A_202 = arith.constant 0 : i32
      %dma_start3A_203 = arith.constant 0 : i32
      %dma_start3A_204 = tpu.memref_slice %arg8[%run_scoped3A_20, %dma_start3A_202, %dma_start3A_203] : memref<2x128x128xf32, #tpu.memory_space<vmem>> -> memref<1x64x128xf32, #tpu.memory_space<vmem>>
      %dma_start3A_205 = tpu.memref_squeeze %dma_start3A_204 : memref<1x64x128xf32, #tpu.memory_space<vmem>> -> memref<64x128xf32, #tpu.memory_space<vmem>>
      tpu.enqueue_dma source(%dma_start3A_205 : memref<64x128xf32, #tpu.memory_space<vmem>>) target(%dma_start3A_201 : memref<64x128xf32, #tpu.memory_space<vmem_shared>>) target_semaphore(%run_scoped3A_194 : memref<!tpu.dma_semaphore, #tpu.memory_space<semaphore_mem>>)
      %dma_wait3A = arith.constant 0 : i32
      %dma_wait3A_206 = arith.constant 0 : i32
      %dma_wait3A_207 = tpu.memref_slice %arg8[%run_scoped3A_20, %dma_wait3A, %dma_wait3A_206] : memref<2x128x128xf32, #tpu.memory_space<vmem>> -> memref<1x64x128xf32, #tpu.memory_space<vmem>>
      %dma_wait3A_208 = tpu.memref_squeeze %dma_wait3A_207 : memref<1x64x128xf32, #tpu.memory_space<vmem>> -> memref<64x128xf32, #tpu.memory_space<vmem>>
      %dma_wait3A_209 = arith.constant 0 : i32
      %dma_wait3A_210 = tpu.memref_slice %arg11[%add3A_19, %dma_wait3A_209] : memref<10240x128xf32, #tpu.memory_space<vmem_shared>> -> memref<64x128xf32, #tpu.memory_space<vmem_shared>>
      %dma_wait3A_211 = arith.constant 0 : i32
      %dma_wait3A_212 = tpu.memref_slice %arg11[%add3A_19, %dma_wait3A_211] : memref<10240x128xf32, #tpu.memory_space<vmem_shared>> -> memref<64x128xf32, #tpu.memory_space<vmem_shared>>
      %dma_wait3A_213 = arith.constant 0 : i32
      %dma_wait3A_214 = arith.constant 0 : i32
      %dma_wait3A_215 = tpu.memref_slice %arg8[%run_scoped3A_20, %dma_wait3A_213, %dma_wait3A_214] : memref<2x128x128xf32, #tpu.memory_space<vmem>> -> memref<1x64x128xf32, #tpu.memory_space<vmem>>
      %dma_wait3A_216 = tpu.memref_squeeze %dma_wait3A_215 : memref<1x64x128xf32, #tpu.memory_space<vmem>> -> memref<64x128xf32, #tpu.memory_space<vmem>>
      tpu.wait_dma2 semaphore(%run_scoped3A_194 : memref<!tpu.dma_semaphore, #tpu.memory_space<semaphore_mem>>) src(%dma_wait3A_216 : memref<64x128xf32, #tpu.memory_space<vmem>>) dst(%dma_wait3A_212 : memref<64x128xf32, #tpu.memory_space<vmem_shared>>)
      tpu.yield
    }) : () -> ()
    %mul3A_21 = arith.constant 640 : i32
    %mul3A_22 = arith.muli %arg1, %mul3A_21 : i32
    %add3A_23 = arith.constant 192 : i32
    %add3A_24 = arith.addi %mul3A_22, %add3A_23 : i32
    %run_scoped3A_25 = arith.constant 0 : i32
    "tpu.region"() ({
      %run_scoped3A_194 = tpu.sem_alloc : memref<!tpu.dma_semaphore, #tpu.memory_space<semaphore_mem>>
      %dma_start3A = arith.constant 0 : i32
      %dma_start3A_195 = arith.constant 0 : i32
      %dma_start3A_196 = tpu.memref_slice %arg8[%run_scoped3A_25, %dma_start3A, %dma_start3A_195] : memref<2x128x128xf32, #tpu.memory_space<vmem>> -> memref<1x64x128xf32, #tpu.memory_space<vmem>>
      %dma_start3A_197 = tpu.memref_squeeze %dma_start3A_196 : memref<1x64x128xf32, #tpu.memory_space<vmem>> -> memref<64x128xf32, #tpu.memory_space<vmem>>
      %dma_start3A_198 = arith.constant 0 : i32
      %dma_start3A_199 = tpu.memref_slice %arg11[%add3A_24, %dma_start3A_198] : memref<10240x128xf32, #tpu.memory_space<vmem_shared>> -> memref<64x128xf32, #tpu.memory_space<vmem_shared>>
      %dma_start3A_200 = arith.constant 0 : i32
      %dma_start3A_201 = tpu.memref_slice %arg11[%add3A_24, %dma_start3A_200] : memref<10240x128xf32, #tpu.memory_space<vmem_shared>> -> memref<64x128xf32, #tpu.memory_space<vmem_shared>>
      %dma_start3A_202 = arith.constant 0 : i32
      %dma_start3A_203 = arith.constant 0 : i32
      %dma_start3A_204 = tpu.memref_slice %arg8[%run_scoped3A_25, %dma_start3A_202, %dma_start3A_203] : memref<2x128x128xf32, #tpu.memory_space<vmem>> -> memref<1x64x128xf32, #tpu.memory_space<vmem>>
      %dma_start3A_205 = tpu.memref_squeeze %dma_start3A_204 : memref<1x64x128xf32, #tpu.memory_space<vmem>> -> memref<64x128xf32, #tpu.memory_space<vmem>>
      tpu.enqueue_dma source(%dma_start3A_205 : memref<64x128xf32, #tpu.memory_space<vmem>>) target(%dma_start3A_201 : memref<64x128xf32, #tpu.memory_space<vmem_shared>>) target_semaphore(%run_scoped3A_194 : memref<!tpu.dma_semaphore, #tpu.memory_space<semaphore_mem>>)
      %dma_wait3A = arith.constant 0 : i32
      %dma_wait3A_206 = arith.constant 0 : i32
      %dma_wait3A_207 = tpu.memref_slice %arg8[%run_scoped3A_25, %dma_wait3A, %dma_wait3A_206] : memref<2x128x128xf32, #tpu.memory_space<vmem>> -> memref<1x64x128xf32, #tpu.memory_space<vmem>>
      %dma_wait3A_208 = tpu.memref_squeeze %dma_wait3A_207 : memref<1x64x128xf32, #tpu.memory_space<vmem>> -> memref<64x128xf32, #tpu.memory_space<vmem>>
      %dma_wait3A_209 = arith.constant 0 : i32
      %dma_wait3A_210 = tpu.memref_slice %arg11[%add3A_24, %dma_wait3A_209] : memref<10240x128xf32, #tpu.memory_space<vmem_shared>> -> memref<64x128xf32, #tpu.memory_space<vmem_shared>>
      %dma_wait3A_211 = arith.constant 0 : i32
      %dma_wait3A_212 = tpu.memref_slice %arg11[%add3A_24, %dma_wait3A_211] : memref<10240x128xf32, #tpu.memory_space<vmem_shared>> -> memref<64x128xf32, #tpu.memory_space<vmem_shared>>
      %dma_wait3A_213 = arith.constant 0 : i32
      %dma_wait3A_214 = arith.constant 0 : i32
      %dma_wait3A_215 = tpu.memref_slice %arg8[%run_scoped3A_25, %dma_wait3A_213, %dma_wait3A_214] : memref<2x128x128xf32, #tpu.memory_space<vmem>> -> memref<1x64x128xf32, #tpu.memory_space<vmem>>
      %dma_wait3A_216 = tpu.memref_squeeze %dma_wait3A_215 : memref<1x64x128xf32, #tpu.memory_space<vmem>> -> memref<64x128xf32, #tpu.memory_space<vmem>>
      tpu.wait_dma2 semaphore(%run_scoped3A_194 : memref<!tpu.dma_semaphore, #tpu.memory_space<semaphore_mem>>) src(%dma_wait3A_216 : memref<64x128xf32, #tpu.memory_space<vmem>>) dst(%dma_wait3A_212 : memref<64x128xf32, #tpu.memory_space<vmem_shared>>)
      tpu.yield
    }) : () -> ()
    %mul3A_26 = arith.constant 640 : i32
    %mul3A_27 = arith.muli %arg1, %mul3A_26 : i32
    %add3A_28 = arith.constant 256 : i32
    %add3A_29 = arith.addi %mul3A_27, %add3A_28 : i32
    %run_scoped3A_30 = arith.constant 0 : i32
    "tpu.region"() ({
      %run_scoped3A_194 = tpu.sem_alloc : memref<!tpu.dma_semaphore, #tpu.memory_space<semaphore_mem>>
      %dma_start3A = arith.constant 0 : i32
      %dma_start3A_195 = arith.constant 0 : i32
      %dma_start3A_196 = tpu.memref_slice %arg8[%run_scoped3A_30, %dma_start3A, %dma_start3A_195] : memref<2x128x128xf32, #tpu.memory_space<vmem>> -> memref<1x64x128xf32, #tpu.memory_space<vmem>>
      %dma_start3A_197 = tpu.memref_squeeze %dma_start3A_196 : memref<1x64x128xf32, #tpu.memory_space<vmem>> -> memref<64x128xf32, #tpu.memory_space<vmem>>
      %dma_start3A_198 = arith.constant 0 : i32
      %dma_start3A_199 = tpu.memref_slice %arg11[%add3A_29, %dma_start3A_198] : memref<10240x128xf32, #tpu.memory_space<vmem_shared>> -> memref<64x128xf32, #tpu.memory_space<vmem_shared>>
      %dma_start3A_200 = arith.constant 0 : i32
      %dma_start3A_201 = tpu.memref_slice %arg11[%add3A_29, %dma_start3A_200] : memref<10240x128xf32, #tpu.memory_space<vmem_shared>> -> memref<64x128xf32, #tpu.memory_space<vmem_shared>>
      %dma_start3A_202 = arith.constant 0 : i32
      %dma_start3A_203 = arith.constant 0 : i32
      %dma_start3A_204 = tpu.memref_slice %arg8[%run_scoped3A_30, %dma_start3A_202, %dma_start3A_203] : memref<2x128x128xf32, #tpu.memory_space<vmem>> -> memref<1x64x128xf32, #tpu.memory_space<vmem>>
      %dma_start3A_205 = tpu.memref_squeeze %dma_start3A_204 : memref<1x64x128xf32, #tpu.memory_space<vmem>> -> memref<64x128xf32, #tpu.memory_space<vmem>>
      tpu.enqueue_dma source(%dma_start3A_205 : memref<64x128xf32, #tpu.memory_space<vmem>>) target(%dma_start3A_201 : memref<64x128xf32, #tpu.memory_space<vmem_shared>>) target_semaphore(%run_scoped3A_194 : memref<!tpu.dma_semaphore, #tpu.memory_space<semaphore_mem>>)
      %dma_wait3A = arith.constant 0 : i32
      %dma_wait3A_206 = arith.constant 0 : i32
      %dma_wait3A_207 = tpu.memref_slice %arg8[%run_scoped3A_30, %dma_wait3A, %dma_wait3A_206] : memref<2x128x128xf32, #tpu.memory_space<vmem>> -> memref<1x64x128xf32, #tpu.memory_space<vmem>>
      %dma_wait3A_208 = tpu.memref_squeeze %dma_wait3A_207 : memref<1x64x128xf32, #tpu.memory_space<vmem>> -> memref<64x128xf32, #tpu.memory_space<vmem>>
      %dma_wait3A_209 = arith.constant 0 : i32
      %dma_wait3A_210 = tpu.memref_slice %arg11[%add3A_29, %dma_wait3A_209] : memref<10240x128xf32, #tpu.memory_space<vmem_shared>> -> memref<64x128xf32, #tpu.memory_space<vmem_shared>>
      %dma_wait3A_211 = arith.constant 0 : i32
      %dma_wait3A_212 = tpu.memref_slice %arg11[%add3A_29, %dma_wait3A_211] : memref<10240x128xf32, #tpu.memory_space<vmem_shared>> -> memref<64x128xf32, #tpu.memory_space<vmem_shared>>
      %dma_wait3A_213 = arith.constant 0 : i32
      %dma_wait3A_214 = arith.constant 0 : i32
      %dma_wait3A_215 = tpu.memref_slice %arg8[%run_scoped3A_30, %dma_wait3A_213, %dma_wait3A_214] : memref<2x128x128xf32, #tpu.memory_space<vmem>> -> memref<1x64x128xf32, #tpu.memory_space<vmem>>
      %dma_wait3A_216 = tpu.memref_squeeze %dma_wait3A_215 : memref<1x64x128xf32, #tpu.memory_space<vmem>> -> memref<64x128xf32, #tpu.memory_space<vmem>>
      tpu.wait_dma2 semaphore(%run_scoped3A_194 : memref<!tpu.dma_semaphore, #tpu.memory_space<semaphore_mem>>) src(%dma_wait3A_216 : memref<64x128xf32, #tpu.memory_space<vmem>>) dst(%dma_wait3A_212 : memref<64x128xf32, #tpu.memory_space<vmem_shared>>)
      tpu.yield
    }) : () -> ()
    %mul3A_31 = arith.constant 640 : i32
    %mul3A_32 = arith.muli %arg1, %mul3A_31 : i32
    %add3A_33 = arith.constant 320 : i32
    %add3A_34 = arith.addi %mul3A_32, %add3A_33 : i32
    %run_scoped3A_35 = arith.constant 0 : i32
    "tpu.region"() ({
      %run_scoped3A_194 = tpu.sem_alloc : memref<!tpu.dma_semaphore, #tpu.memory_space<semaphore_mem>>
      %dma_start3A = arith.constant 0 : i32
      %dma_start3A_195 = arith.constant 0 : i32
      %dma_start3A_196 = tpu.memref_slice %arg8[%run_scoped3A_35, %dma_start3A, %dma_start3A_195] : memref<2x128x128xf32, #tpu.memory_space<vmem>> -> memref<1x64x128xf32, #tpu.memory_space<vmem>>
      %dma_start3A_197 = tpu.memref_squeeze %dma_start3A_196 : memref<1x64x128xf32, #tpu.memory_space<vmem>> -> memref<64x128xf32, #tpu.memory_space<vmem>>
      %dma_start3A_198 = arith.constant 0 : i32
      %dma_start3A_199 = tpu.memref_slice %arg11[%add3A_34, %dma_start3A_198] : memref<10240x128xf32, #tpu.memory_space<vmem_shared>> -> memref<64x128xf32, #tpu.memory_space<vmem_shared>>
      %dma_start3A_200 = arith.constant 0 : i32
      %dma_start3A_201 = tpu.memref_slice %arg11[%add3A_34, %dma_start3A_200] : memref<10240x128xf32, #tpu.memory_space<vmem_shared>> -> memref<64x128xf32, #tpu.memory_space<vmem_shared>>
      %dma_start3A_202 = arith.constant 0 : i32
      %dma_start3A_203 = arith.constant 0 : i32
      %dma_start3A_204 = tpu.memref_slice %arg8[%run_scoped3A_35, %dma_start3A_202, %dma_start3A_203] : memref<2x128x128xf32, #tpu.memory_space<vmem>> -> memref<1x64x128xf32, #tpu.memory_space<vmem>>
      %dma_start3A_205 = tpu.memref_squeeze %dma_start3A_204 : memref<1x64x128xf32, #tpu.memory_space<vmem>> -> memref<64x128xf32, #tpu.memory_space<vmem>>
      tpu.enqueue_dma source(%dma_start3A_205 : memref<64x128xf32, #tpu.memory_space<vmem>>) target(%dma_start3A_201 : memref<64x128xf32, #tpu.memory_space<vmem_shared>>) target_semaphore(%run_scoped3A_194 : memref<!tpu.dma_semaphore, #tpu.memory_space<semaphore_mem>>)
      %dma_wait3A = arith.constant 0 : i32
      %dma_wait3A_206 = arith.constant 0 : i32
      %dma_wait3A_207 = tpu.memref_slice %arg8[%run_scoped3A_35, %dma_wait3A, %dma_wait3A_206] : memref<2x128x128xf32, #tpu.memory_space<vmem>> -> memref<1x64x128xf32, #tpu.memory_space<vmem>>
      %dma_wait3A_208 = tpu.memref_squeeze %dma_wait3A_207 : memref<1x64x128xf32, #tpu.memory_space<vmem>> -> memref<64x128xf32, #tpu.memory_space<vmem>>
      %dma_wait3A_209 = arith.constant 0 : i32
      %dma_wait3A_210 = tpu.memref_slice %arg11[%add3A_34, %dma_wait3A_209] : memref<10240x128xf32, #tpu.memory_space<vmem_shared>> -> memref<64x128xf32, #tpu.memory_space<vmem_shared>>
      %dma_wait3A_211 = arith.constant 0 : i32
      %dma_wait3A_212 = tpu.memref_slice %arg11[%add3A_34, %dma_wait3A_211] : memref<10240x128xf32, #tpu.memory_space<vmem_shared>> -> memref<64x128xf32, #tpu.memory_space<vmem_shared>>
      %dma_wait3A_213 = arith.constant 0 : i32
      %dma_wait3A_214 = arith.constant 0 : i32
      %dma_wait3A_215 = tpu.memref_slice %arg8[%run_scoped3A_35, %dma_wait3A_213, %dma_wait3A_214] : memref<2x128x128xf32, #tpu.memory_space<vmem>> -> memref<1x64x128xf32, #tpu.memory_space<vmem>>
      %dma_wait3A_216 = tpu.memref_squeeze %dma_wait3A_215 : memref<1x64x128xf32, #tpu.memory_space<vmem>> -> memref<64x128xf32, #tpu.memory_space<vmem>>
      tpu.wait_dma2 semaphore(%run_scoped3A_194 : memref<!tpu.dma_semaphore, #tpu.memory_space<semaphore_mem>>) src(%dma_wait3A_216 : memref<64x128xf32, #tpu.memory_space<vmem>>) dst(%dma_wait3A_212 : memref<64x128xf32, #tpu.memory_space<vmem_shared>>)
      tpu.yield
    }) : () -> ()
    %mul3A_36 = arith.constant 640 : i32
    %mul3A_37 = arith.muli %arg1, %mul3A_36 : i32
    %add3A_38 = arith.constant 384 : i32
    %add3A_39 = arith.addi %mul3A_37, %add3A_38 : i32
    %run_scoped3A_40 = arith.constant 0 : i32
    "tpu.region"() ({
      %run_scoped3A_194 = tpu.sem_alloc : memref<!tpu.dma_semaphore, #tpu.memory_space<semaphore_mem>>
      %dma_start3A = arith.constant 0 : i32
      %dma_start3A_195 = arith.constant 0 : i32
      %dma_start3A_196 = tpu.memref_slice %arg8[%run_scoped3A_40, %dma_start3A, %dma_start3A_195] : memref<2x128x128xf32, #tpu.memory_space<vmem>> -> memref<1x64x128xf32, #tpu.memory_space<vmem>>
      %dma_start3A_197 = tpu.memref_squeeze %dma_start3A_196 : memref<1x64x128xf32, #tpu.memory_space<vmem>> -> memref<64x128xf32, #tpu.memory_space<vmem>>
      %dma_start3A_198 = arith.constant 0 : i32
      %dma_start3A_199 = tpu.memref_slice %arg11[%add3A_39, %dma_start3A_198] : memref<10240x128xf32, #tpu.memory_space<vmem_shared>> -> memref<64x128xf32, #tpu.memory_space<vmem_shared>>
      %dma_start3A_200 = arith.constant 0 : i32
      %dma_start3A_201 = tpu.memref_slice %arg11[%add3A_39, %dma_start3A_200] : memref<10240x128xf32, #tpu.memory_space<vmem_shared>> -> memref<64x128xf32, #tpu.memory_space<vmem_shared>>
      %dma_start3A_202 = arith.constant 0 : i32
      %dma_start3A_203 = arith.constant 0 : i32
      %dma_start3A_204 = tpu.memref_slice %arg8[%run_scoped3A_40, %dma_start3A_202, %dma_start3A_203] : memref<2x128x128xf32, #tpu.memory_space<vmem>> -> memref<1x64x128xf32, #tpu.memory_space<vmem>>
      %dma_start3A_205 = tpu.memref_squeeze %dma_start3A_204 : memref<1x64x128xf32, #tpu.memory_space<vmem>> -> memref<64x128xf32, #tpu.memory_space<vmem>>
      tpu.enqueue_dma source(%dma_start3A_205 : memref<64x128xf32, #tpu.memory_space<vmem>>) target(%dma_start3A_201 : memref<64x128xf32, #tpu.memory_space<vmem_shared>>) target_semaphore(%run_scoped3A_194 : memref<!tpu.dma_semaphore, #tpu.memory_space<semaphore_mem>>)
      %dma_wait3A = arith.constant 0 : i32
      %dma_wait3A_206 = arith.constant 0 : i32
      %dma_wait3A_207 = tpu.memref_slice %arg8[%run_scoped3A_40, %dma_wait3A, %dma_wait3A_206] : memref<2x128x128xf32, #tpu.memory_space<vmem>> -> memref<1x64x128xf32, #tpu.memory_space<vmem>>
      %dma_wait3A_208 = tpu.memref_squeeze %dma_wait3A_207 : memref<1x64x128xf32, #tpu.memory_space<vmem>> -> memref<64x128xf32, #tpu.memory_space<vmem>>
      %dma_wait3A_209 = arith.constant 0 : i32
      %dma_wait3A_210 = tpu.memref_slice %arg11[%add3A_39, %dma_wait3A_209] : memref<10240x128xf32, #tpu.memory_space<vmem_shared>> -> memref<64x128xf32, #tpu.memory_space<vmem_shared>>
      %dma_wait3A_211 = arith.constant 0 : i32
      %dma_wait3A_212 = tpu.memref_slice %arg11[%add3A_39, %dma_wait3A_211] : memref<10240x128xf32, #tpu.memory_space<vmem_shared>> -> memref<64x128xf32, #tpu.memory_space<vmem_shared>>
      %dma_wait3A_213 = arith.constant 0 : i32
      %dma_wait3A_214 = arith.constant 0 : i32
      %dma_wait3A_215 = tpu.memref_slice %arg8[%run_scoped3A_40, %dma_wait3A_213, %dma_wait3A_214] : memref<2x128x128xf32, #tpu.memory_space<vmem>> -> memref<1x64x128xf32, #tpu.memory_space<vmem>>
      %dma_wait3A_216 = tpu.memref_squeeze %dma_wait3A_215 : memref<1x64x128xf32, #tpu.memory_space<vmem>> -> memref<64x128xf32, #tpu.memory_space<vmem>>
      tpu.wait_dma2 semaphore(%run_scoped3A_194 : memref<!tpu.dma_semaphore, #tpu.memory_space<semaphore_mem>>) src(%dma_wait3A_216 : memref<64x128xf32, #tpu.memory_space<vmem>>) dst(%dma_wait3A_212 : memref<64x128xf32, #tpu.memory_space<vmem_shared>>)
      tpu.yield
    }) : () -> ()
    %mul3A_41 = arith.constant 640 : i32
    %mul3A_42 = arith.muli %arg1, %mul3A_41 : i32
    %add3A_43 = arith.constant 448 : i32
    %add3A_44 = arith.addi %mul3A_42, %add3A_43 : i32
    %run_scoped3A_45 = arith.constant 0 : i32
    "tpu.region"() ({
      %run_scoped3A_194 = tpu.sem_alloc : memref<!tpu.dma_semaphore, #tpu.memory_space<semaphore_mem>>
      %dma_start3A = arith.constant 0 : i32
      %dma_start3A_195 = arith.constant 0 : i32
      %dma_start3A_196 = tpu.memref_slice %arg8[%run_scoped3A_45, %dma_start3A, %dma_start3A_195] : memref<2x128x128xf32, #tpu.memory_space<vmem>> -> memref<1x64x128xf32, #tpu.memory_space<vmem>>
      %dma_start3A_197 = tpu.memref_squeeze %dma_start3A_196 : memref<1x64x128xf32, #tpu.memory_space<vmem>> -> memref<64x128xf32, #tpu.memory_space<vmem>>
      %dma_start3A_198 = arith.constant 0 : i32
      %dma_start3A_199 = tpu.memref_slice %arg11[%add3A_44, %dma_start3A_198] : memref<10240x128xf32, #tpu.memory_space<vmem_shared>> -> memref<64x128xf32, #tpu.memory_space<vmem_shared>>
      %dma_start3A_200 = arith.constant 0 : i32
      %dma_start3A_201 = tpu.memref_slice %arg11[%add3A_44, %dma_start3A_200] : memref<10240x128xf32, #tpu.memory_space<vmem_shared>> -> memref<64x128xf32, #tpu.memory_space<vmem_shared>>
      %dma_start3A_202 = arith.constant 0 : i32
      %dma_start3A_203 = arith.constant 0 : i32
      %dma_start3A_204 = tpu.memref_slice %arg8[%run_scoped3A_45, %dma_start3A_202, %dma_start3A_203] : memref<2x128x128xf32, #tpu.memory_space<vmem>> -> memref<1x64x128xf32, #tpu.memory_space<vmem>>
      %dma_start3A_205 = tpu.memref_squeeze %dma_start3A_204 : memref<1x64x128xf32, #tpu.memory_space<vmem>> -> memref<64x128xf32, #tpu.memory_space<vmem>>
      tpu.enqueue_dma source(%dma_start3A_205 : memref<64x128xf32, #tpu.memory_space<vmem>>) target(%dma_start3A_201 : memref<64x128xf32, #tpu.memory_space<vmem_shared>>) target_semaphore(%run_scoped3A_194 : memref<!tpu.dma_semaphore, #tpu.memory_space<semaphore_mem>>)
      %dma_wait3A = arith.constant 0 : i32
      %dma_wait3A_206 = arith.constant 0 : i32
      %dma_wait3A_207 = tpu.memref_slice %arg8[%run_scoped3A_45, %dma_wait3A, %dma_wait3A_206] : memref<2x128x128xf32, #tpu.memory_space<vmem>> -> memref<1x64x128xf32, #tpu.memory_space<vmem>>
      %dma_wait3A_208 = tpu.memref_squeeze %dma_wait3A_207 : memref<1x64x128xf32, #tpu.memory_space<vmem>> -> memref<64x128xf32, #tpu.memory_space<vmem>>
      %dma_wait3A_209 = arith.constant 0 : i32
      %dma_wait3A_210 = tpu.memref_slice %arg11[%add3A_44, %dma_wait3A_209] : memref<10240x128xf32, #tpu.memory_space<vmem_shared>> -> memref<64x128xf32, #tpu.memory_space<vmem_shared>>
      %dma_wait3A_211 = arith.constant 0 : i32
      %dma_wait3A_212 = tpu.memref_slice %arg11[%add3A_44, %dma_wait3A_211] : memref<10240x128xf32, #tpu.memory_space<vmem_shared>> -> memref<64x128xf32, #tpu.memory_space<vmem_shared>>
      %dma_wait3A_213 = arith.constant 0 : i32
      %dma_wait3A_214 = arith.constant 0 : i32
      %dma_wait3A_215 = tpu.memref_slice %arg8[%run_scoped3A_45, %dma_wait3A_213, %dma_wait3A_214] : memref<2x128x128xf32, #tpu.memory_space<vmem>> -> memref<1x64x128xf32, #tpu.memory_space<vmem>>
      %dma_wait3A_216 = tpu.memref_squeeze %dma_wait3A_215 : memref<1x64x128xf32, #tpu.memory_space<vmem>> -> memref<64x128xf32, #tpu.memory_space<vmem>>
      tpu.wait_dma2 semaphore(%run_scoped3A_194 : memref<!tpu.dma_semaphore, #tpu.memory_space<semaphore_mem>>) src(%dma_wait3A_216 : memref<64x128xf32, #tpu.memory_space<vmem>>) dst(%dma_wait3A_212 : memref<64x128xf32, #tpu.memory_space<vmem_shared>>)
      tpu.yield
    }) : () -> ()
    %mul3A_46 = arith.constant 640 : i32
    %mul3A_47 = arith.muli %arg1, %mul3A_46 : i32
    %add3A_48 = arith.constant 512 : i32
    %add3A_49 = arith.addi %mul3A_47, %add3A_48 : i32
    %run_scoped3A_50 = arith.constant 0 : i32
    "tpu.region"() ({
      %run_scoped3A_194 = tpu.sem_alloc : memref<!tpu.dma_semaphore, #tpu.memory_space<semaphore_mem>>
      %dma_start3A = arith.constant 0 : i32
      %dma_start3A_195 = arith.constant 0 : i32
      %dma_start3A_196 = tpu.memref_slice %arg8[%run_scoped3A_50, %dma_start3A, %dma_start3A_195] : memref<2x128x128xf32, #tpu.memory_space<vmem>> -> memref<1x64x128xf32, #tpu.memory_space<vmem>>
      %dma_start3A_197 = tpu.memref_squeeze %dma_start3A_196 : memref<1x64x128xf32, #tpu.memory_space<vmem>> -> memref<64x128xf32, #tpu.memory_space<vmem>>
      %dma_start3A_198 = arith.constant 0 : i32
      %dma_start3A_199 = tpu.memref_slice %arg11[%add3A_49, %dma_start3A_198] : memref<10240x128xf32, #tpu.memory_space<vmem_shared>> -> memref<64x128xf32, #tpu.memory_space<vmem_shared>>
      %dma_start3A_200 = arith.constant 0 : i32
      %dma_start3A_201 = tpu.memref_slice %arg11[%add3A_49, %dma_start3A_200] : memref<10240x128xf32, #tpu.memory_space<vmem_shared>> -> memref<64x128xf32, #tpu.memory_space<vmem_shared>>
      %dma_start3A_202 = arith.constant 0 : i32
      %dma_start3A_203 = arith.constant 0 : i32
      %dma_start3A_204 = tpu.memref_slice %arg8[%run_scoped3A_50, %dma_start3A_202, %dma_start3A_203] : memref<2x128x128xf32, #tpu.memory_space<vmem>> -> memref<1x64x128xf32, #tpu.memory_space<vmem>>
      %dma_start3A_205 = tpu.memref_squeeze %dma_start3A_204 : memref<1x64x128xf32, #tpu.memory_space<vmem>> -> memref<64x128xf32, #tpu.memory_space<vmem>>
      tpu.enqueue_dma source(%dma_start3A_205 : memref<64x128xf32, #tpu.memory_space<vmem>>) target(%dma_start3A_201 : memref<64x128xf32, #tpu.memory_space<vmem_shared>>) target_semaphore(%run_scoped3A_194 : memref<!tpu.dma_semaphore, #tpu.memory_space<semaphore_mem>>)
      %dma_wait3A = arith.constant 0 : i32
      %dma_wait3A_206 = arith.constant 0 : i32
      %dma_wait3A_207 = tpu.memref_slice %arg8[%run_scoped3A_50, %dma_wait3A, %dma_wait3A_206] : memref<2x128x128xf32, #tpu.memory_space<vmem>> -> memref<1x64x128xf32, #tpu.memory_space<vmem>>
      %dma_wait3A_208 = tpu.memref_squeeze %dma_wait3A_207 : memref<1x64x128xf32, #tpu.memory_space<vmem>> -> memref<64x128xf32, #tpu.memory_space<vmem>>
      %dma_wait3A_209 = arith.constant 0 : i32
      %dma_wait3A_210 = tpu.memref_slice %arg11[%add3A_49, %dma_wait3A_209] : memref<10240x128xf32, #tpu.memory_space<vmem_shared>> -> memref<64x128xf32, #tpu.memory_space<vmem_shared>>
      %dma_wait3A_211 = arith.constant 0 : i32
      %dma_wait3A_212 = tpu.memref_slice %arg11[%add3A_49, %dma_wait3A_211] : memref<10240x128xf32, #tpu.memory_space<vmem_shared>> -> memref<64x128xf32, #tpu.memory_space<vmem_shared>>
      %dma_wait3A_213 = arith.constant 0 : i32
      %dma_wait3A_214 = arith.constant 0 : i32
      %dma_wait3A_215 = tpu.memref_slice %arg8[%run_scoped3A_50, %dma_wait3A_213, %dma_wait3A_214] : memref<2x128x128xf32, #tpu.memory_space<vmem>> -> memref<1x64x128xf32, #tpu.memory_space<vmem>>
      %dma_wait3A_216 = tpu.memref_squeeze %dma_wait3A_215 : memref<1x64x128xf32, #tpu.memory_space<vmem>> -> memref<64x128xf32, #tpu.memory_space<vmem>>
      tpu.wait_dma2 semaphore(%run_scoped3A_194 : memref<!tpu.dma_semaphore, #tpu.memory_space<semaphore_mem>>) src(%dma_wait3A_216 : memref<64x128xf32, #tpu.memory_space<vmem>>) dst(%dma_wait3A_212 : memref<64x128xf32, #tpu.memory_space<vmem_shared>>)
      tpu.yield
    }) : () -> ()
    %mul3A_51 = arith.constant 640 : i32
    %mul3A_52 = arith.muli %arg1, %mul3A_51 : i32
    %add3A_53 = arith.constant 576 : i32
    %add3A_54 = arith.addi %mul3A_52, %add3A_53 : i32
    %run_scoped3A_55 = arith.constant 0 : i32
    "tpu.region"() ({
      %run_scoped3A_194 = tpu.sem_alloc : memref<!tpu.dma_semaphore, #tpu.memory_space<semaphore_mem>>
      %dma_start3A = arith.constant 0 : i32
      %dma_start3A_195 = arith.constant 0 : i32
      %dma_start3A_196 = tpu.memref_slice %arg8[%run_scoped3A_55, %dma_start3A, %dma_start3A_195] : memref<2x128x128xf32, #tpu.memory_space<vmem>> -> memref<1x64x128xf32, #tpu.memory_space<vmem>>
      %dma_start3A_197 = tpu.memref_squeeze %dma_start3A_196 : memref<1x64x128xf32, #tpu.memory_space<vmem>> -> memref<64x128xf32, #tpu.memory_space<vmem>>
      %dma_start3A_198 = arith.constant 0 : i32
      %dma_start3A_199 = tpu.memref_slice %arg11[%add3A_54, %dma_start3A_198] : memref<10240x128xf32, #tpu.memory_space<vmem_shared>> -> memref<64x128xf32, #tpu.memory_space<vmem_shared>>
      %dma_start3A_200 = arith.constant 0 : i32
      %dma_start3A_201 = tpu.memref_slice %arg11[%add3A_54, %dma_start3A_200] : memref<10240x128xf32, #tpu.memory_space<vmem_shared>> -> memref<64x128xf32, #tpu.memory_space<vmem_shared>>
      %dma_start3A_202 = arith.constant 0 : i32
      %dma_start3A_203 = arith.constant 0 : i32
      %dma_start3A_204 = tpu.memref_slice %arg8[%run_scoped3A_55, %dma_start3A_202, %dma_start3A_203] : memref<2x128x128xf32, #tpu.memory_space<vmem>> -> memref<1x64x128xf32, #tpu.memory_space<vmem>>
      %dma_start3A_205 = tpu.memref_squeeze %dma_start3A_204 : memref<1x64x128xf32, #tpu.memory_space<vmem>> -> memref<64x128xf32, #tpu.memory_space<vmem>>
      tpu.enqueue_dma source(%dma_start3A_205 : memref<64x128xf32, #tpu.memory_space<vmem>>) target(%dma_start3A_201 : memref<64x128xf32, #tpu.memory_space<vmem_shared>>) target_semaphore(%run_scoped3A_194 : memref<!tpu.dma_semaphore, #tpu.memory_space<semaphore_mem>>)
      %dma_wait3A = arith.constant 0 : i32
      %dma_wait3A_206 = arith.constant 0 : i32
      %dma_wait3A_207 = tpu.memref_slice %arg8[%run_scoped3A_55, %dma_wait3A, %dma_wait3A_206] : memref<2x128x128xf32, #tpu.memory_space<vmem>> -> memref<1x64x128xf32, #tpu.memory_space<vmem>>
      %dma_wait3A_208 = tpu.memref_squeeze %dma_wait3A_207 : memref<1x64x128xf32, #tpu.memory_space<vmem>> -> memref<64x128xf32, #tpu.memory_space<vmem>>
      %dma_wait3A_209 = arith.constant 0 : i32
      %dma_wait3A_210 = tpu.memref_slice %arg11[%add3A_54, %dma_wait3A_209] : memref<10240x128xf32, #tpu.memory_space<vmem_shared>> -> memref<64x128xf32, #tpu.memory_space<vmem_shared>>
      %dma_wait3A_211 = arith.constant 0 : i32
      %dma_wait3A_212 = tpu.memref_slice %arg11[%add3A_54, %dma_wait3A_211] : memref<10240x128xf32, #tpu.memory_space<vmem_shared>> -> memref<64x128xf32, #tpu.memory_space<vmem_shared>>
      %dma_wait3A_213 = arith.constant 0 : i32
      %dma_wait3A_214 = arith.constant 0 : i32
      %dma_wait3A_215 = tpu.memref_slice %arg8[%run_scoped3A_55, %dma_wait3A_213, %dma_wait3A_214] : memref<2x128x128xf32, #tpu.memory_space<vmem>> -> memref<1x64x128xf32, #tpu.memory_space<vmem>>
      %dma_wait3A_216 = tpu.memref_squeeze %dma_wait3A_215 : memref<1x64x128xf32, #tpu.memory_space<vmem>> -> memref<64x128xf32, #tpu.memory_space<vmem>>
      tpu.wait_dma2 semaphore(%run_scoped3A_194 : memref<!tpu.dma_semaphore, #tpu.memory_space<semaphore_mem>>) src(%dma_wait3A_216 : memref<64x128xf32, #tpu.memory_space<vmem>>) dst(%dma_wait3A_212 : memref<64x128xf32, #tpu.memory_space<vmem_shared>>)
      tpu.yield
    }) : () -> ()
    %barrier3A = arith.constant 0 : index
    tpu.barrier barrier_id(%barrier3A)
    %eq3A = arith.constant 0 : i32
    %eq3A_56 = arith.cmpi eq, %arg0, %eq3A : i32
    %convert_element_type3A = arith.extui %eq3A_56 : i1 to i32
    %cond3A = arith.constant 0 : i32
    %cond3A_57 = arith.cmpi ne, %convert_element_type3A, %cond3A : i32
    scf.if %cond3A_57 {
      %mul3A_194 = arith.constant 128 : i32
      %mul3A_195 = arith.muli %arg1, %mul3A_194 : i32
      %add3A_196 = arith.constant 0 : i32
      %add3A_197 = arith.addi %mul3A_195, %add3A_196 : i32
      "tpu.region"() ({
        %run_scoped3A_369 = tpu.sem_alloc : memref<!tpu.dma_semaphore, #tpu.memory_space<semaphore_mem>>
        %dma_start3A_370 = arith.constant 0 : i32
        %dma_start3A_371 = tpu.memref_slice %arg3[%add3A_197, %dma_start3A_370] : memref<2560x128xi32, #tpu.memory_space<hbm>> -> memref<16x128xi32, #tpu.memory_space<hbm>>
        %dma_start3A_372 = arith.constant 0 : i32
        %dma_start3A_373 = tpu.memref_slice %arg3[%add3A_197, %dma_start3A_372] : memref<2560x128xi32, #tpu.memory_space<hbm>> -> memref<16x128xi32, #tpu.memory_space<hbm>>
        tpu.enqueue_dma source(%dma_start3A_373 : memref<16x128xi32, #tpu.memory_space<hbm>>) target(%arg6 : memref<16x128xi32, #tpu.memory_space<vmem>>) target_semaphore(%run_scoped3A_369 : memref<!tpu.dma_semaphore, #tpu.memory_space<semaphore_mem>>)
        %dma_wait3A = arith.constant 0 : i32
        %dma_wait3A_374 = tpu.memref_slice %arg3[%add3A_197, %dma_wait3A] : memref<2560x128xi32, #tpu.memory_space<hbm>> -> memref<16x128xi32, #tpu.memory_space<hbm>>
        %dma_wait3A_375 = arith.constant 0 : i32
        %dma_wait3A_376 = tpu.memref_slice %arg3[%add3A_197, %dma_wait3A_375] : memref<2560x128xi32, #tpu.memory_space<hbm>> -> memref<16x128xi32, #tpu.memory_space<hbm>>
        tpu.wait_dma2 semaphore(%run_scoped3A_369 : memref<!tpu.dma_semaphore, #tpu.memory_space<semaphore_mem>>) src(%dma_wait3A_376 : memref<16x128xi32, #tpu.memory_space<hbm>>) dst(%arg6 : memref<16x128xi32, #tpu.memory_space<vmem>>)
        tpu.yield
      }) : () -> ()
      "tpu.region"() ({
        %run_scoped3A_369 = tpu.sem_alloc : memref<!tpu.dma_semaphore, #tpu.memory_space<semaphore_mem>>
        %dma_start3A_370 = arith.constant 0 : i32
        %dma_start3A_371 = tpu.memref_slice %arg4[%add3A_197, %dma_start3A_370] : memref<2560x128xi32, #tpu.memory_space<hbm>> -> memref<16x128xi32, #tpu.memory_space<hbm>>
        %dma_start3A_372 = arith.constant 0 : i32
        %dma_start3A_373 = tpu.memref_slice %arg4[%add3A_197, %dma_start3A_372] : memref<2560x128xi32, #tpu.memory_space<hbm>> -> memref<16x128xi32, #tpu.memory_space<hbm>>
        tpu.enqueue_dma source(%dma_start3A_373 : memref<16x128xi32, #tpu.memory_space<hbm>>) target(%arg7 : memref<16x128xi32, #tpu.memory_space<vmem>>) target_semaphore(%run_scoped3A_369 : memref<!tpu.dma_semaphore, #tpu.memory_space<semaphore_mem>>)
        %dma_wait3A = arith.constant 0 : i32
        %dma_wait3A_374 = tpu.memref_slice %arg4[%add3A_197, %dma_wait3A] : memref<2560x128xi32, #tpu.memory_space<hbm>> -> memref<16x128xi32, #tpu.memory_space<hbm>>
        %dma_wait3A_375 = arith.constant 0 : i32
        %dma_wait3A_376 = tpu.memref_slice %arg4[%add3A_197, %dma_wait3A_375] : memref<2560x128xi32, #tpu.memory_space<hbm>> -> memref<16x128xi32, #tpu.memory_space<hbm>>
        tpu.wait_dma2 semaphore(%run_scoped3A_369 : memref<!tpu.dma_semaphore, #tpu.memory_space<semaphore_mem>>) src(%dma_wait3A_376 : memref<16x128xi32, #tpu.memory_space<hbm>>) dst(%arg7 : memref<16x128xi32, #tpu.memory_space<vmem>>)
        tpu.yield
      }) : () -> ()
      %dma_start3A = arith.constant 0 : i32
      %dma_start3A_198 = arith.constant 0 : i32
      %dma_start3A_199 = arith.constant 0 : i32
      %dma_start3A_200 = arith.constant 0 : i32
      %dma_start3A_201 = tpu.memref_slice %arg8[%dma_start3A_198, %dma_start3A_199, %dma_start3A_200] : memref<2x128x128xf32, #tpu.memory_space<vmem>> -> memref<1x128x128xf32, #tpu.memory_space<vmem>>
      %dma_start3A_202 = tpu.memref_squeeze %dma_start3A_201 : memref<1x128x128xf32, #tpu.memory_space<vmem>> -> memref<128x128xf32, #tpu.memory_space<vmem>>
      %dma_start3A_203 = arith.constant 0 : i32
      %dma_start3A_204 = tpu.memref_slice %arg6[%dma_start3A, %dma_start3A_203] : memref<16x128xi32, #tpu.memory_space<vmem>> -> memref<1x128xi32, #tpu.memory_space<vmem>>
      %dma_start3A_205 = tpu.memref_squeeze %dma_start3A_204 : memref<1x128xi32, #tpu.memory_space<vmem>> -> memref<128xi32, #tpu.memory_space<vmem>>
      %dma_start3A_206 = arith.constant 0 : i32
      %dma_start3A_207 = arith.constant 0 : i32
      %dma_start3A_208 = tpu.memref_slice %arg2[%dma_start3A_206, %dma_start3A_207] : memref<10000x128xf32, #tpu.memory_space<hbm>> -> memref<10000x128xf32, #tpu.memory_space<hbm>>
      tpu.enqueue_indirect_dma source(%dma_start3A_208 : memref<10000x128xf32, #tpu.memory_space<hbm>>) target(%dma_start3A_202 : memref<128x128xf32, #tpu.memory_space<vmem>>) offsets(%dma_start3A_205 : memref<128xi32, #tpu.memory_space<vmem>>) semaphore(%arg9 : memref<!tpu.dma_semaphore, #tpu.memory_space<semaphore_mem>>)
      %scan3A_209 = arith.constant 0 : i32
      %scan3A_210 = arith.constant 0 : i32
      %scan3A_211 = arith.constant 16 : i32
      %scan3A_212 = arith.addi %scan3A_210, %scan3A_211 : i32
      %scan3A_213 = arith.constant 1 : i32
      scf.for %scan3A_369 = %scan3A_210 to %scan3A_212 step %scan3A_213  : i32 {
        %rem3A = arith.constant 2 : i32
        %rem3A_370 = arith.remsi %scan3A_369, %rem3A : i32
        %dma_wait3A = arith.constant 0 : i32
        %dma_wait3A_371 = arith.constant 0 : i32
        %dma_wait3A_372 = tpu.memref_slice %arg8[%rem3A_370, %dma_wait3A, %dma_wait3A_371] : memref<2x128x128xf32, #tpu.memory_space<vmem>> -> memref<1x128x128xf32, #tpu.memory_space<vmem>>
        %dma_wait3A_373 = tpu.memref_squeeze %dma_wait3A_372 : memref<1x128x128xf32, #tpu.memory_space<vmem>> -> memref<128x128xf32, #tpu.memory_space<vmem>>
        %dma_wait3A_374 = arith.constant 0 : i32
        %dma_wait3A_375 = tpu.memref_slice %arg6[%scan3A_369, %dma_wait3A_374] : memref<16x128xi32, #tpu.memory_space<vmem>> -> memref<1x128xi32, #tpu.memory_space<vmem>>
        %dma_wait3A_376 = tpu.memref_squeeze %dma_wait3A_375 : memref<1x128xi32, #tpu.memory_space<vmem>> -> memref<128xi32, #tpu.memory_space<vmem>>
        %dma_wait3A_377 = arith.constant 0 : i32
        %dma_wait3A_378 = arith.constant 0 : i32
        %dma_wait3A_379 = tpu.memref_slice %arg2[%dma_wait3A_377, %dma_wait3A_378] : memref<10000x128xf32, #tpu.memory_space<hbm>> -> memref<10000x128xf32, #tpu.memory_space<hbm>>
        tpu.wait_indirect_dma semaphore(%arg9 : memref<!tpu.dma_semaphore, #tpu.memory_space<semaphore_mem>>) src(%dma_wait3A_379 : memref<10000x128xf32, #tpu.memory_space<hbm>>) dst(%dma_wait3A_373 : memref<128x128xf32, #tpu.memory_space<vmem>>)
        %lt3A = arith.constant 15 : i32
        %lt3A_380 = arith.cmpi slt, %scan3A_369, %lt3A : i32
        %convert_element_type3A_381 = arith.extui %lt3A_380 : i1 to i32
        %cond3A_382 = arith.constant 0 : i32
        %cond3A_383 = arith.cmpi ne, %convert_element_type3A_381, %cond3A_382 : i32
        scf.if %cond3A_383 {
          %add3A_384 = arith.constant 1 : i32
          %add3A_385 = arith.addi %scan3A_369, %add3A_384 : i32
          %sub3A = arith.constant 1 : i32
          %sub3A_386 = arith.subi %sub3A, %rem3A_370 : i32
          %dma_start3A_387 = arith.constant 0 : i32
          %dma_start3A_388 = arith.constant 0 : i32
          %dma_start3A_389 = tpu.memref_slice %arg8[%sub3A_386, %dma_start3A_387, %dma_start3A_388] : memref<2x128x128xf32, #tpu.memory_space<vmem>> -> memref<1x128x128xf32, #tpu.memory_space<vmem>>
          %dma_start3A_390 = tpu.memref_squeeze %dma_start3A_389 : memref<1x128x128xf32, #tpu.memory_space<vmem>> -> memref<128x128xf32, #tpu.memory_space<vmem>>
          %dma_start3A_391 = arith.constant 0 : i32
          %dma_start3A_392 = tpu.memref_slice %arg6[%add3A_385, %dma_start3A_391] : memref<16x128xi32, #tpu.memory_space<vmem>> -> memref<1x128xi32, #tpu.memory_space<vmem>>
          %dma_start3A_393 = tpu.memref_squeeze %dma_start3A_392 : memref<1x128xi32, #tpu.memory_space<vmem>> -> memref<128xi32, #tpu.memory_space<vmem>>
          %dma_start3A_394 = arith.constant 0 : i32
          %dma_start3A_395 = arith.constant 0 : i32
          %dma_start3A_396 = tpu.memref_slice %arg2[%dma_start3A_394, %dma_start3A_395] : memref<10000x128xf32, #tpu.memory_space<hbm>> -> memref<10000x128xf32, #tpu.memory_space<hbm>>
          tpu.enqueue_indirect_dma source(%dma_start3A_396 : memref<10000x128xf32, #tpu.memory_space<hbm>>) target(%dma_start3A_390 : memref<128x128xf32, #tpu.memory_space<vmem>>) offsets(%dma_start3A_393 : memref<128xi32, #tpu.memory_space<vmem>>) semaphore(%arg9 : memref<!tpu.dma_semaphore, #tpu.memory_space<semaphore_mem>>)
        } else {
        }
        "tpu.region"() ({
          %run_scoped3A_384 = tpu.sem_alloc : memref<!tpu.dma_semaphore, #tpu.memory_space<semaphore_mem>>
          %dma_start3A_385 = arith.constant 0 : i32
          %dma_start3A_386 = arith.constant 0 : i32
          %dma_start3A_387 = tpu.memref_slice %arg8[%rem3A_370, %dma_start3A_385, %dma_start3A_386] : memref<2x128x128xf32, #tpu.memory_space<vmem>> -> memref<1x128x128xf32, #tpu.memory_space<vmem>>
          %dma_start3A_388 = tpu.memref_squeeze %dma_start3A_387 : memref<1x128x128xf32, #tpu.memory_space<vmem>> -> memref<128x128xf32, #tpu.memory_space<vmem>>
          %dma_start3A_389 = arith.constant 0 : i32
          %dma_start3A_390 = tpu.memref_slice %arg7[%scan3A_369, %dma_start3A_389] : memref<16x128xi32, #tpu.memory_space<vmem>> -> memref<1x128xi32, #tpu.memory_space<vmem>>
          %dma_start3A_391 = tpu.memref_squeeze %dma_start3A_390 : memref<1x128xi32, #tpu.memory_space<vmem>> -> memref<128xi32, #tpu.memory_space<vmem>>
          %dma_start3A_392 = arith.constant 0 : i32
          %dma_start3A_393 = arith.constant 0 : i32
          %dma_start3A_394 = tpu.memref_slice %arg11[%dma_start3A_392, %dma_start3A_393] : memref<10240x128xf32, #tpu.memory_space<vmem_shared>> -> memref<10240x128xf32, #tpu.memory_space<vmem_shared>>
          tpu.enqueue_indirect_dma source(%dma_start3A_388 : memref<128x128xf32, #tpu.memory_space<vmem>>) target(%dma_start3A_394 : memref<10240x128xf32, #tpu.memory_space<vmem_shared>>) offsets(%dma_start3A_391 : memref<128xi32, #tpu.memory_space<vmem>>) semaphore(%run_scoped3A_384 : memref<!tpu.dma_semaphore, #tpu.memory_space<semaphore_mem>>) {add = true}
          %dma_wait3A_395 = arith.constant 0 : i32
          %dma_wait3A_396 = arith.constant 0 : i32
          %dma_wait3A_397 = tpu.memref_slice %arg8[%rem3A_370, %dma_wait3A_395, %dma_wait3A_396] : memref<2x128x128xf32, #tpu.memory_space<vmem>> -> memref<1x128x128xf32, #tpu.memory_space<vmem>>
          %dma_wait3A_398 = tpu.memref_squeeze %dma_wait3A_397 : memref<1x128x128xf32, #tpu.memory_space<vmem>> -> memref<128x128xf32, #tpu.memory_space<vmem>>
          %dma_wait3A_399 = arith.constant 0 : i32
          %dma_wait3A_400 = tpu.memref_slice %arg7[%scan3A_369, %dma_wait3A_399] : memref<16x128xi32, #tpu.memory_space<vmem>> -> memref<1x128xi32, #tpu.memory_space<vmem>>
          %dma_wait3A_401 = tpu.memref_squeeze %dma_wait3A_400 : memref<1x128xi32, #tpu.memory_space<vmem>> -> memref<128xi32, #tpu.memory_space<vmem>>
          %dma_wait3A_402 = arith.constant 0 : i32
          %dma_wait3A_403 = arith.constant 0 : i32
          %dma_wait3A_404 = tpu.memref_slice %arg11[%dma_wait3A_402, %dma_wait3A_403] : memref<10240x128xf32, #tpu.memory_space<vmem_shared>> -> memref<10240x128xf32, #tpu.memory_space<vmem_shared>>
          tpu.wait_indirect_dma semaphore(%run_scoped3A_384 : memref<!tpu.dma_semaphore, #tpu.memory_space<semaphore_mem>>) src(%dma_wait3A_398 : memref<128x128xf32, #tpu.memory_space<vmem>>) dst(%dma_wait3A_404 : memref<10240x128xf32, #tpu.memory_space<vmem_shared>>)
          tpu.yield
        }) : () -> ()
      }
      %scan3A_214 = arith.constant 16 : i32
      %mul3A_215 = arith.constant 128 : i32
      %mul3A_216 = arith.muli %arg1, %mul3A_215 : i32
      %add3A_217 = arith.constant 16 : i32
      %add3A_218 = arith.addi %mul3A_216, %add3A_217 : i32
      "tpu.region"() ({
        %run_scoped3A_369 = tpu.sem_alloc : memref<!tpu.dma_semaphore, #tpu.memory_space<semaphore_mem>>
        %dma_start3A_370 = arith.constant 0 : i32
        %dma_start3A_371 = tpu.memref_slice %arg3[%add3A_218, %dma_start3A_370] : memref<2560x128xi32, #tpu.memory_space<hbm>> -> memref<16x128xi32, #tpu.memory_space<hbm>>
        %dma_start3A_372 = arith.constant 0 : i32
        %dma_start3A_373 = tpu.memref_slice %arg3[%add3A_218, %dma_start3A_372] : memref<2560x128xi32, #tpu.memory_space<hbm>> -> memref<16x128xi32, #tpu.memory_space<hbm>>
        tpu.enqueue_dma source(%dma_start3A_373 : memref<16x128xi32, #tpu.memory_space<hbm>>) target(%arg6 : memref<16x128xi32, #tpu.memory_space<vmem>>) target_semaphore(%run_scoped3A_369 : memref<!tpu.dma_semaphore, #tpu.memory_space<semaphore_mem>>)
        %dma_wait3A = arith.constant 0 : i32
        %dma_wait3A_374 = tpu.memref_slice %arg3[%add3A_218, %dma_wait3A] : memref<2560x128xi32, #tpu.memory_space<hbm>> -> memref<16x128xi32, #tpu.memory_space<hbm>>
        %dma_wait3A_375 = arith.constant 0 : i32
        %dma_wait3A_376 = tpu.memref_slice %arg3[%add3A_218, %dma_wait3A_375] : memref<2560x128xi32, #tpu.memory_space<hbm>> -> memref<16x128xi32, #tpu.memory_space<hbm>>
        tpu.wait_dma2 semaphore(%run_scoped3A_369 : memref<!tpu.dma_semaphore, #tpu.memory_space<semaphore_mem>>) src(%dma_wait3A_376 : memref<16x128xi32, #tpu.memory_space<hbm>>) dst(%arg6 : memref<16x128xi32, #tpu.memory_space<vmem>>)
        tpu.yield
      }) : () -> ()
      "tpu.region"() ({
        %run_scoped3A_369 = tpu.sem_alloc : memref<!tpu.dma_semaphore, #tpu.memory_space<semaphore_mem>>
        %dma_start3A_370 = arith.constant 0 : i32
        %dma_start3A_371 = tpu.memref_slice %arg4[%add3A_218, %dma_start3A_370] : memref<2560x128xi32, #tpu.memory_space<hbm>> -> memref<16x128xi32, #tpu.memory_space<hbm>>
        %dma_start3A_372 = arith.constant 0 : i32
        %dma_start3A_373 = tpu.memref_slice %arg4[%add3A_218, %dma_start3A_372] : memref<2560x128xi32, #tpu.memory_space<hbm>> -> memref<16x128xi32, #tpu.memory_space<hbm>>
        tpu.enqueue_dma source(%dma_start3A_373 : memref<16x128xi32, #tpu.memory_space<hbm>>) target(%arg7 : memref<16x128xi32, #tpu.memory_space<vmem>>) target_semaphore(%run_scoped3A_369 : memref<!tpu.dma_semaphore, #tpu.memory_space<semaphore_mem>>)
        %dma_wait3A = arith.constant 0 : i32
        %dma_wait3A_374 = tpu.memref_slice %arg4[%add3A_218, %dma_wait3A] : memref<2560x128xi32, #tpu.memory_space<hbm>> -> memref<16x128xi32, #tpu.memory_space<hbm>>
        %dma_wait3A_375 = arith.constant 0 : i32
        %dma_wait3A_376 = tpu.memref_slice %arg4[%add3A_218, %dma_wait3A_375] : memref<2560x128xi32, #tpu.memory_space<hbm>> -> memref<16x128xi32, #tpu.memory_space<hbm>>
        tpu.wait_dma2 semaphore(%run_scoped3A_369 : memref<!tpu.dma_semaphore, #tpu.memory_space<semaphore_mem>>) src(%dma_wait3A_376 : memref<16x128xi32, #tpu.memory_space<hbm>>) dst(%arg7 : memref<16x128xi32, #tpu.memory_space<vmem>>)
        tpu.yield
      }) : () -> ()
      %dma_start3A_219 = arith.constant 0 : i32
      %dma_start3A_220 = arith.constant 0 : i32
      %dma_start3A_221 = arith.constant 0 : i32
      %dma_start3A_222 = arith.constant 0 : i32
      %dma_start3A_223 = tpu.memref_slice %arg8[%dma_start3A_220, %dma_start3A_221, %dma_start3A_222] : memref<2x128x128xf32, #tpu.memory_space<vmem>> -> memref<1x128x128xf32, #tpu.memory_space<vmem>>
      %dma_start3A_224 = tpu.memref_squeeze %dma_start3A_223 : memref<1x128x128xf32, #tpu.memory_space<vmem>> -> memref<128x128xf32, #tpu.memory_space<vmem>>
      %dma_start3A_225 = arith.constant 0 : i32
      %dma_start3A_226 = tpu.memref_slice %arg6[%dma_start3A_219, %dma_start3A_225] : memref<16x128xi32, #tpu.memory_space<vmem>> -> memref<1x128xi32, #tpu.memory_space<vmem>>
      %dma_start3A_227 = tpu.memref_squeeze %dma_start3A_226 : memref<1x128xi32, #tpu.memory_space<vmem>> -> memref<128xi32, #tpu.memory_space<vmem>>
      %dma_start3A_228 = arith.constant 0 : i32
      %dma_start3A_229 = arith.constant 0 : i32
      %dma_start3A_230 = tpu.memref_slice %arg2[%dma_start3A_228, %dma_start3A_229] : memref<10000x128xf32, #tpu.memory_space<hbm>> -> memref<10000x128xf32, #tpu.memory_space<hbm>>
      tpu.enqueue_indirect_dma source(%dma_start3A_230 : memref<10000x128xf32, #tpu.memory_space<hbm>>) target(%dma_start3A_224 : memref<128x128xf32, #tpu.memory_space<vmem>>) offsets(%dma_start3A_227 : memref<128xi32, #tpu.memory_space<vmem>>) semaphore(%arg9 : memref<!tpu.dma_semaphore, #tpu.memory_space<semaphore_mem>>)
      %scan3A_231 = arith.constant 0 : i32
      %scan3A_232 = arith.constant 0 : i32
      %scan3A_233 = arith.constant 16 : i32
      %scan3A_234 = arith.addi %scan3A_232, %scan3A_233 : i32
      %scan3A_235 = arith.constant 1 : i32
      scf.for %scan3A_369 = %scan3A_232 to %scan3A_234 step %scan3A_235  : i32 {
        %rem3A = arith.constant 2 : i32
        %rem3A_370 = arith.remsi %scan3A_369, %rem3A : i32
        %dma_wait3A = arith.constant 0 : i32
        %dma_wait3A_371 = arith.constant 0 : i32
        %dma_wait3A_372 = tpu.memref_slice %arg8[%rem3A_370, %dma_wait3A, %dma_wait3A_371] : memref<2x128x128xf32, #tpu.memory_space<vmem>> -> memref<1x128x128xf32, #tpu.memory_space<vmem>>
        %dma_wait3A_373 = tpu.memref_squeeze %dma_wait3A_372 : memref<1x128x128xf32, #tpu.memory_space<vmem>> -> memref<128x128xf32, #tpu.memory_space<vmem>>
        %dma_wait3A_374 = arith.constant 0 : i32
        %dma_wait3A_375 = tpu.memref_slice %arg6[%scan3A_369, %dma_wait3A_374] : memref<16x128xi32, #tpu.memory_space<vmem>> -> memref<1x128xi32, #tpu.memory_space<vmem>>
        %dma_wait3A_376 = tpu.memref_squeeze %dma_wait3A_375 : memref<1x128xi32, #tpu.memory_space<vmem>> -> memref<128xi32, #tpu.memory_space<vmem>>
        %dma_wait3A_377 = arith.constant 0 : i32
        %dma_wait3A_378 = arith.constant 0 : i32
        %dma_wait3A_379 = tpu.memref_slice %arg2[%dma_wait3A_377, %dma_wait3A_378] : memref<10000x128xf32, #tpu.memory_space<hbm>> -> memref<10000x128xf32, #tpu.memory_space<hbm>>
        tpu.wait_indirect_dma semaphore(%arg9 : memref<!tpu.dma_semaphore, #tpu.memory_space<semaphore_mem>>) src(%dma_wait3A_379 : memref<10000x128xf32, #tpu.memory_space<hbm>>) dst(%dma_wait3A_373 : memref<128x128xf32, #tpu.memory_space<vmem>>)
        %lt3A = arith.constant 15 : i32
        %lt3A_380 = arith.cmpi slt, %scan3A_369, %lt3A : i32
        %convert_element_type3A_381 = arith.extui %lt3A_380 : i1 to i32
        %cond3A_382 = arith.constant 0 : i32
        %cond3A_383 = arith.cmpi ne, %convert_element_type3A_381, %cond3A_382 : i32
        scf.if %cond3A_383 {
          %add3A_384 = arith.constant 1 : i32
          %add3A_385 = arith.addi %scan3A_369, %add3A_384 : i32
          %sub3A = arith.constant 1 : i32
          %sub3A_386 = arith.subi %sub3A, %rem3A_370 : i32
          %dma_start3A_387 = arith.constant 0 : i32
          %dma_start3A_388 = arith.constant 0 : i32
          %dma_start3A_389 = tpu.memref_slice %arg8[%sub3A_386, %dma_start3A_387, %dma_start3A_388] : memref<2x128x128xf32, #tpu.memory_space<vmem>> -> memref<1x128x128xf32, #tpu.memory_space<vmem>>
          %dma_start3A_390 = tpu.memref_squeeze %dma_start3A_389 : memref<1x128x128xf32, #tpu.memory_space<vmem>> -> memref<128x128xf32, #tpu.memory_space<vmem>>
          %dma_start3A_391 = arith.constant 0 : i32
          %dma_start3A_392 = tpu.memref_slice %arg6[%add3A_385, %dma_start3A_391] : memref<16x128xi32, #tpu.memory_space<vmem>> -> memref<1x128xi32, #tpu.memory_space<vmem>>
          %dma_start3A_393 = tpu.memref_squeeze %dma_start3A_392 : memref<1x128xi32, #tpu.memory_space<vmem>> -> memref<128xi32, #tpu.memory_space<vmem>>
          %dma_start3A_394 = arith.constant 0 : i32
          %dma_start3A_395 = arith.constant 0 : i32
          %dma_start3A_396 = tpu.memref_slice %arg2[%dma_start3A_394, %dma_start3A_395] : memref<10000x128xf32, #tpu.memory_space<hbm>> -> memref<10000x128xf32, #tpu.memory_space<hbm>>
          tpu.enqueue_indirect_dma source(%dma_start3A_396 : memref<10000x128xf32, #tpu.memory_space<hbm>>) target(%dma_start3A_390 : memref<128x128xf32, #tpu.memory_space<vmem>>) offsets(%dma_start3A_393 : memref<128xi32, #tpu.memory_space<vmem>>) semaphore(%arg9 : memref<!tpu.dma_semaphore, #tpu.memory_space<semaphore_mem>>)
        } else {
        }
        "tpu.region"() ({
          %run_scoped3A_384 = tpu.sem_alloc : memref<!tpu.dma_semaphore, #tpu.memory_space<semaphore_mem>>
          %dma_start3A_385 = arith.constant 0 : i32
          %dma_start3A_386 = arith.constant 0 : i32
          %dma_start3A_387 = tpu.memref_slice %arg8[%rem3A_370, %dma_start3A_385, %dma_start3A_386] : memref<2x128x128xf32, #tpu.memory_space<vmem>> -> memref<1x128x128xf32, #tpu.memory_space<vmem>>
          %dma_start3A_388 = tpu.memref_squeeze %dma_start3A_387 : memref<1x128x128xf32, #tpu.memory_space<vmem>> -> memref<128x128xf32, #tpu.memory_space<vmem>>
          %dma_start3A_389 = arith.constant 0 : i32
          %dma_start3A_390 = tpu.memref_slice %arg7[%scan3A_369, %dma_start3A_389] : memref<16x128xi32, #tpu.memory_space<vmem>> -> memref<1x128xi32, #tpu.memory_space<vmem>>
          %dma_start3A_391 = tpu.memref_squeeze %dma_start3A_390 : memref<1x128xi32, #tpu.memory_space<vmem>> -> memref<128xi32, #tpu.memory_space<vmem>>
          %dma_start3A_392 = arith.constant 0 : i32
          %dma_start3A_393 = arith.constant 0 : i32
          %dma_start3A_394 = tpu.memref_slice %arg11[%dma_start3A_392, %dma_start3A_393] : memref<10240x128xf32, #tpu.memory_space<vmem_shared>> -> memref<10240x128xf32, #tpu.memory_space<vmem_shared>>
          tpu.enqueue_indirect_dma source(%dma_start3A_388 : memref<128x128xf32, #tpu.memory_space<vmem>>) target(%dma_start3A_394 : memref<10240x128xf32, #tpu.memory_space<vmem_shared>>) offsets(%dma_start3A_391 : memref<128xi32, #tpu.memory_space<vmem>>) semaphore(%run_scoped3A_384 : memref<!tpu.dma_semaphore, #tpu.memory_space<semaphore_mem>>) {add = true}
          %dma_wait3A_395 = arith.constant 0 : i32
          %dma_wait3A_396 = arith.constant 0 : i32
          %dma_wait3A_397 = tpu.memref_slice %arg8[%rem3A_370, %dma_wait3A_395, %dma_wait3A_396] : memref<2x128x128xf32, #tpu.memory_space<vmem>> -> memref<1x128x128xf32, #tpu.memory_space<vmem>>
          %dma_wait3A_398 = tpu.memref_squeeze %dma_wait3A_397 : memref<1x128x128xf32, #tpu.memory_space<vmem>> -> memref<128x128xf32, #tpu.memory_space<vmem>>
          %dma_wait3A_399 = arith.constant 0 : i32
          %dma_wait3A_400 = tpu.memref_slice %arg7[%scan3A_369, %dma_wait3A_399] : memref<16x128xi32, #tpu.memory_space<vmem>> -> memref<1x128xi32, #tpu.memory_space<vmem>>
          %dma_wait3A_401 = tpu.memref_squeeze %dma_wait3A_400 : memref<1x128xi32, #tpu.memory_space<vmem>> -> memref<128xi32, #tpu.memory_space<vmem>>
          %dma_wait3A_402 = arith.constant 0 : i32
          %dma_wait3A_403 = arith.constant 0 : i32
          %dma_wait3A_404 = tpu.memref_slice %arg11[%dma_wait3A_402, %dma_wait3A_403] : memref<10240x128xf32, #tpu.memory_space<vmem_shared>> -> memref<10240x128xf32, #tpu.memory_space<vmem_shared>>
          tpu.wait_indirect_dma semaphore(%run_scoped3A_384 : memref<!tpu.dma_semaphore, #tpu.memory_space<semaphore_mem>>) src(%dma_wait3A_398 : memref<128x128xf32, #tpu.memory_space<vmem>>) dst(%dma_wait3A_404 : memref<10240x128xf32, #tpu.memory_space<vmem_shared>>)
          tpu.yield
        }) : () -> ()
      }
      %scan3A_236 = arith.constant 16 : i32
      %mul3A_237 = arith.constant 128 : i32
      %mul3A_238 = arith.muli %arg1, %mul3A_237 : i32
      %add3A_239 = arith.constant 32 : i32
      %add3A_240 = arith.addi %mul3A_238, %add3A_239 : i32
      "tpu.region"() ({
        %run_scoped3A_369 = tpu.sem_alloc : memref<!tpu.dma_semaphore, #tpu.memory_space<semaphore_mem>>
        %dma_start3A_370 = arith.constant 0 : i32
        %dma_start3A_371 = tpu.memref_slice %arg3[%add3A_240, %dma_start3A_370] : memref<2560x128xi32, #tpu.memory_space<hbm>> -> memref<16x128xi32, #tpu.memory_space<hbm>>
        %dma_start3A_372 = arith.constant 0 : i32
        %dma_start3A_373 = tpu.memref_slice %arg3[%add3A_240, %dma_start3A_372] : memref<2560x128xi32, #tpu.memory_space<hbm>> -> memref<16x128xi32, #tpu.memory_space<hbm>>
        tpu.enqueue_dma source(%dma_start3A_373 : memref<16x128xi32, #tpu.memory_space<hbm>>) target(%arg6 : memref<16x128xi32, #tpu.memory_space<vmem>>) target_semaphore(%run_scoped3A_369 : memref<!tpu.dma_semaphore, #tpu.memory_space<semaphore_mem>>)
        %dma_wait3A = arith.constant 0 : i32
        %dma_wait3A_374 = tpu.memref_slice %arg3[%add3A_240, %dma_wait3A] : memref<2560x128xi32, #tpu.memory_space<hbm>> -> memref<16x128xi32, #tpu.memory_space<hbm>>
        %dma_wait3A_375 = arith.constant 0 : i32
        %dma_wait3A_376 = tpu.memref_slice %arg3[%add3A_240, %dma_wait3A_375] : memref<2560x128xi32, #tpu.memory_space<hbm>> -> memref<16x128xi32, #tpu.memory_space<hbm>>
        tpu.wait_dma2 semaphore(%run_scoped3A_369 : memref<!tpu.dma_semaphore, #tpu.memory_space<semaphore_mem>>) src(%dma_wait3A_376 : memref<16x128xi32, #tpu.memory_space<hbm>>) dst(%arg6 : memref<16x128xi32, #tpu.memory_space<vmem>>)
        tpu.yield
      }) : () -> ()
      "tpu.region"() ({
        %run_scoped3A_369 = tpu.sem_alloc : memref<!tpu.dma_semaphore, #tpu.memory_space<semaphore_mem>>
        %dma_start3A_370 = arith.constant 0 : i32
        %dma_start3A_371 = tpu.memref_slice %arg4[%add3A_240, %dma_start3A_370] : memref<2560x128xi32, #tpu.memory_space<hbm>> -> memref<16x128xi32, #tpu.memory_space<hbm>>
        %dma_start3A_372 = arith.constant 0 : i32
        %dma_start3A_373 = tpu.memref_slice %arg4[%add3A_240, %dma_start3A_372] : memref<2560x128xi32, #tpu.memory_space<hbm>> -> memref<16x128xi32, #tpu.memory_space<hbm>>
        tpu.enqueue_dma source(%dma_start3A_373 : memref<16x128xi32, #tpu.memory_space<hbm>>) target(%arg7 : memref<16x128xi32, #tpu.memory_space<vmem>>) target_semaphore(%run_scoped3A_369 : memref<!tpu.dma_semaphore, #tpu.memory_space<semaphore_mem>>)
        %dma_wait3A = arith.constant 0 : i32
        %dma_wait3A_374 = tpu.memref_slice %arg4[%add3A_240, %dma_wait3A] : memref<2560x128xi32, #tpu.memory_space<hbm>> -> memref<16x128xi32, #tpu.memory_space<hbm>>
        %dma_wait3A_375 = arith.constant 0 : i32
        %dma_wait3A_376 = tpu.memref_slice %arg4[%add3A_240, %dma_wait3A_375] : memref<2560x128xi32, #tpu.memory_space<hbm>> -> memref<16x128xi32, #tpu.memory_space<hbm>>
        tpu.wait_dma2 semaphore(%run_scoped3A_369 : memref<!tpu.dma_semaphore, #tpu.memory_space<semaphore_mem>>) src(%dma_wait3A_376 : memref<16x128xi32, #tpu.memory_space<hbm>>) dst(%arg7 : memref<16x128xi32, #tpu.memory_space<vmem>>)
        tpu.yield
      }) : () -> ()
      %dma_start3A_241 = arith.constant 0 : i32
      %dma_start3A_242 = arith.constant 0 : i32
      %dma_start3A_243 = arith.constant 0 : i32
      %dma_start3A_244 = arith.constant 0 : i32
      %dma_start3A_245 = tpu.memref_slice %arg8[%dma_start3A_242, %dma_start3A_243, %dma_start3A_244] : memref<2x128x128xf32, #tpu.memory_space<vmem>> -> memref<1x128x128xf32, #tpu.memory_space<vmem>>
      %dma_start3A_246 = tpu.memref_squeeze %dma_start3A_245 : memref<1x128x128xf32, #tpu.memory_space<vmem>> -> memref<128x128xf32, #tpu.memory_space<vmem>>
      %dma_start3A_247 = arith.constant 0 : i32
      %dma_start3A_248 = tpu.memref_slice %arg6[%dma_start3A_241, %dma_start3A_247] : memref<16x128xi32, #tpu.memory_space<vmem>> -> memref<1x128xi32, #tpu.memory_space<vmem>>
      %dma_start3A_249 = tpu.memref_squeeze %dma_start3A_248 : memref<1x128xi32, #tpu.memory_space<vmem>> -> memref<128xi32, #tpu.memory_space<vmem>>
      %dma_start3A_250 = arith.constant 0 : i32
      %dma_start3A_251 = arith.constant 0 : i32
      %dma_start3A_252 = tpu.memref_slice %arg2[%dma_start3A_250, %dma_start3A_251] : memref<10000x128xf32, #tpu.memory_space<hbm>> -> memref<10000x128xf32, #tpu.memory_space<hbm>>
      tpu.enqueue_indirect_dma source(%dma_start3A_252 : memref<10000x128xf32, #tpu.memory_space<hbm>>) target(%dma_start3A_246 : memref<128x128xf32, #tpu.memory_space<vmem>>) offsets(%dma_start3A_249 : memref<128xi32, #tpu.memory_space<vmem>>) semaphore(%arg9 : memref<!tpu.dma_semaphore, #tpu.memory_space<semaphore_mem>>)
      %scan3A_253 = arith.constant 0 : i32
      %scan3A_254 = arith.constant 0 : i32
      %scan3A_255 = arith.constant 16 : i32
      %scan3A_256 = arith.addi %scan3A_254, %scan3A_255 : i32
      %scan3A_257 = arith.constant 1 : i32
      scf.for %scan3A_369 = %scan3A_254 to %scan3A_256 step %scan3A_257  : i32 {
        %rem3A = arith.constant 2 : i32
        %rem3A_370 = arith.remsi %scan3A_369, %rem3A : i32
        %dma_wait3A = arith.constant 0 : i32
        %dma_wait3A_371 = arith.constant 0 : i32
        %dma_wait3A_372 = tpu.memref_slice %arg8[%rem3A_370, %dma_wait3A, %dma_wait3A_371] : memref<2x128x128xf32, #tpu.memory_space<vmem>> -> memref<1x128x128xf32, #tpu.memory_space<vmem>>
        %dma_wait3A_373 = tpu.memref_squeeze %dma_wait3A_372 : memref<1x128x128xf32, #tpu.memory_space<vmem>> -> memref<128x128xf32, #tpu.memory_space<vmem>>
        %dma_wait3A_374 = arith.constant 0 : i32
        %dma_wait3A_375 = tpu.memref_slice %arg6[%scan3A_369, %dma_wait3A_374] : memref<16x128xi32, #tpu.memory_space<vmem>> -> memref<1x128xi32, #tpu.memory_space<vmem>>
        %dma_wait3A_376 = tpu.memref_squeeze %dma_wait3A_375 : memref<1x128xi32, #tpu.memory_space<vmem>> -> memref<128xi32, #tpu.memory_space<vmem>>
        %dma_wait3A_377 = arith.constant 0 : i32
        %dma_wait3A_378 = arith.constant 0 : i32
        %dma_wait3A_379 = tpu.memref_slice %arg2[%dma_wait3A_377, %dma_wait3A_378] : memref<10000x128xf32, #tpu.memory_space<hbm>> -> memref<10000x128xf32, #tpu.memory_space<hbm>>
        tpu.wait_indirect_dma semaphore(%arg9 : memref<!tpu.dma_semaphore, #tpu.memory_space<semaphore_mem>>) src(%dma_wait3A_379 : memref<10000x128xf32, #tpu.memory_space<hbm>>) dst(%dma_wait3A_373 : memref<128x128xf32, #tpu.memory_space<vmem>>)
        %lt3A = arith.constant 15 : i32
        %lt3A_380 = arith.cmpi slt, %scan3A_369, %lt3A : i32
        %convert_element_type3A_381 = arith.extui %lt3A_380 : i1 to i32
        %cond3A_382 = arith.constant 0 : i32
        %cond3A_383 = arith.cmpi ne, %convert_element_type3A_381, %cond3A_382 : i32
        scf.if %cond3A_383 {
          %add3A_384 = arith.constant 1 : i32
          %add3A_385 = arith.addi %scan3A_369, %add3A_384 : i32
          %sub3A = arith.constant 1 : i32
          %sub3A_386 = arith.subi %sub3A, %rem3A_370 : i32
          %dma_start3A_387 = arith.constant 0 : i32
          %dma_start3A_388 = arith.constant 0 : i32
          %dma_start3A_389 = tpu.memref_slice %arg8[%sub3A_386, %dma_start3A_387, %dma_start3A_388] : memref<2x128x128xf32, #tpu.memory_space<vmem>> -> memref<1x128x128xf32, #tpu.memory_space<vmem>>
          %dma_start3A_390 = tpu.memref_squeeze %dma_start3A_389 : memref<1x128x128xf32, #tpu.memory_space<vmem>> -> memref<128x128xf32, #tpu.memory_space<vmem>>
          %dma_start3A_391 = arith.constant 0 : i32
          %dma_start3A_392 = tpu.memref_slice %arg6[%add3A_385, %dma_start3A_391] : memref<16x128xi32, #tpu.memory_space<vmem>> -> memref<1x128xi32, #tpu.memory_space<vmem>>
          %dma_start3A_393 = tpu.memref_squeeze %dma_start3A_392 : memref<1x128xi32, #tpu.memory_space<vmem>> -> memref<128xi32, #tpu.memory_space<vmem>>
          %dma_start3A_394 = arith.constant 0 : i32
          %dma_start3A_395 = arith.constant 0 : i32
          %dma_start3A_396 = tpu.memref_slice %arg2[%dma_start3A_394, %dma_start3A_395] : memref<10000x128xf32, #tpu.memory_space<hbm>> -> memref<10000x128xf32, #tpu.memory_space<hbm>>
          tpu.enqueue_indirect_dma source(%dma_start3A_396 : memref<10000x128xf32, #tpu.memory_space<hbm>>) target(%dma_start3A_390 : memref<128x128xf32, #tpu.memory_space<vmem>>) offsets(%dma_start3A_393 : memref<128xi32, #tpu.memory_space<vmem>>) semaphore(%arg9 : memref<!tpu.dma_semaphore, #tpu.memory_space<semaphore_mem>>)
        } else {
        }
        "tpu.region"() ({
          %run_scoped3A_384 = tpu.sem_alloc : memref<!tpu.dma_semaphore, #tpu.memory_space<semaphore_mem>>
          %dma_start3A_385 = arith.constant 0 : i32
          %dma_start3A_386 = arith.constant 0 : i32
          %dma_start3A_387 = tpu.memref_slice %arg8[%rem3A_370, %dma_start3A_385, %dma_start3A_386] : memref<2x128x128xf32, #tpu.memory_space<vmem>> -> memref<1x128x128xf32, #tpu.memory_space<vmem>>
          %dma_start3A_388 = tpu.memref_squeeze %dma_start3A_387 : memref<1x128x128xf32, #tpu.memory_space<vmem>> -> memref<128x128xf32, #tpu.memory_space<vmem>>
          %dma_start3A_389 = arith.constant 0 : i32
          %dma_start3A_390 = tpu.memref_slice %arg7[%scan3A_369, %dma_start3A_389] : memref<16x128xi32, #tpu.memory_space<vmem>> -> memref<1x128xi32, #tpu.memory_space<vmem>>
          %dma_start3A_391 = tpu.memref_squeeze %dma_start3A_390 : memref<1x128xi32, #tpu.memory_space<vmem>> -> memref<128xi32, #tpu.memory_space<vmem>>
          %dma_start3A_392 = arith.constant 0 : i32
          %dma_start3A_393 = arith.constant 0 : i32
          %dma_start3A_394 = tpu.memref_slice %arg11[%dma_start3A_392, %dma_start3A_393] : memref<10240x128xf32, #tpu.memory_space<vmem_shared>> -> memref<10240x128xf32, #tpu.memory_space<vmem_shared>>
          tpu.enqueue_indirect_dma source(%dma_start3A_388 : memref<128x128xf32, #tpu.memory_space<vmem>>) target(%dma_start3A_394 : memref<10240x128xf32, #tpu.memory_space<vmem_shared>>) offsets(%dma_start3A_391 : memref<128xi32, #tpu.memory_space<vmem>>) semaphore(%run_scoped3A_384 : memref<!tpu.dma_semaphore, #tpu.memory_space<semaphore_mem>>) {add = true}
          %dma_wait3A_395 = arith.constant 0 : i32
          %dma_wait3A_396 = arith.constant 0 : i32
          %dma_wait3A_397 = tpu.memref_slice %arg8[%rem3A_370, %dma_wait3A_395, %dma_wait3A_396] : memref<2x128x128xf32, #tpu.memory_space<vmem>> -> memref<1x128x128xf32, #tpu.memory_space<vmem>>
          %dma_wait3A_398 = tpu.memref_squeeze %dma_wait3A_397 : memref<1x128x128xf32, #tpu.memory_space<vmem>> -> memref<128x128xf32, #tpu.memory_space<vmem>>
          %dma_wait3A_399 = arith.constant 0 : i32
          %dma_wait3A_400 = tpu.memref_slice %arg7[%scan3A_369, %dma_wait3A_399] : memref<16x128xi32, #tpu.memory_space<vmem>> -> memref<1x128xi32, #tpu.memory_space<vmem>>
          %dma_wait3A_401 = tpu.memref_squeeze %dma_wait3A_400 : memref<1x128xi32, #tpu.memory_space<vmem>> -> memref<128xi32, #tpu.memory_space<vmem>>
          %dma_wait3A_402 = arith.constant 0 : i32
          %dma_wait3A_403 = arith.constant 0 : i32
          %dma_wait3A_404 = tpu.memref_slice %arg11[%dma_wait3A_402, %dma_wait3A_403] : memref<10240x128xf32, #tpu.memory_space<vmem_shared>> -> memref<10240x128xf32, #tpu.memory_space<vmem_shared>>
          tpu.wait_indirect_dma semaphore(%run_scoped3A_384 : memref<!tpu.dma_semaphore, #tpu.memory_space<semaphore_mem>>) src(%dma_wait3A_398 : memref<128x128xf32, #tpu.memory_space<vmem>>) dst(%dma_wait3A_404 : memref<10240x128xf32, #tpu.memory_space<vmem_shared>>)
          tpu.yield
        }) : () -> ()
      }
      %scan3A_258 = arith.constant 16 : i32
      %mul3A_259 = arith.constant 128 : i32
      %mul3A_260 = arith.muli %arg1, %mul3A_259 : i32
      %add3A_261 = arith.constant 48 : i32
      %add3A_262 = arith.addi %mul3A_260, %add3A_261 : i32
      "tpu.region"() ({
        %run_scoped3A_369 = tpu.sem_alloc : memref<!tpu.dma_semaphore, #tpu.memory_space<semaphore_mem>>
        %dma_start3A_370 = arith.constant 0 : i32
        %dma_start3A_371 = tpu.memref_slice %arg3[%add3A_262, %dma_start3A_370] : memref<2560x128xi32, #tpu.memory_space<hbm>> -> memref<16x128xi32, #tpu.memory_space<hbm>>
        %dma_start3A_372 = arith.constant 0 : i32
        %dma_start3A_373 = tpu.memref_slice %arg3[%add3A_262, %dma_start3A_372] : memref<2560x128xi32, #tpu.memory_space<hbm>> -> memref<16x128xi32, #tpu.memory_space<hbm>>
        tpu.enqueue_dma source(%dma_start3A_373 : memref<16x128xi32, #tpu.memory_space<hbm>>) target(%arg6 : memref<16x128xi32, #tpu.memory_space<vmem>>) target_semaphore(%run_scoped3A_369 : memref<!tpu.dma_semaphore, #tpu.memory_space<semaphore_mem>>)
        %dma_wait3A = arith.constant 0 : i32
        %dma_wait3A_374 = tpu.memref_slice %arg3[%add3A_262, %dma_wait3A] : memref<2560x128xi32, #tpu.memory_space<hbm>> -> memref<16x128xi32, #tpu.memory_space<hbm>>
        %dma_wait3A_375 = arith.constant 0 : i32
        %dma_wait3A_376 = tpu.memref_slice %arg3[%add3A_262, %dma_wait3A_375] : memref<2560x128xi32, #tpu.memory_space<hbm>> -> memref<16x128xi32, #tpu.memory_space<hbm>>
        tpu.wait_dma2 semaphore(%run_scoped3A_369 : memref<!tpu.dma_semaphore, #tpu.memory_space<semaphore_mem>>) src(%dma_wait3A_376 : memref<16x128xi32, #tpu.memory_space<hbm>>) dst(%arg6 : memref<16x128xi32, #tpu.memory_space<vmem>>)
        tpu.yield
      }) : () -> ()
      "tpu.region"() ({
        %run_scoped3A_369 = tpu.sem_alloc : memref<!tpu.dma_semaphore, #tpu.memory_space<semaphore_mem>>
        %dma_start3A_370 = arith.constant 0 : i32
        %dma_start3A_371 = tpu.memref_slice %arg4[%add3A_262, %dma_start3A_370] : memref<2560x128xi32, #tpu.memory_space<hbm>> -> memref<16x128xi32, #tpu.memory_space<hbm>>
        %dma_start3A_372 = arith.constant 0 : i32
        %dma_start3A_373 = tpu.memref_slice %arg4[%add3A_262, %dma_start3A_372] : memref<2560x128xi32, #tpu.memory_space<hbm>> -> memref<16x128xi32, #tpu.memory_space<hbm>>
        tpu.enqueue_dma source(%dma_start3A_373 : memref<16x128xi32, #tpu.memory_space<hbm>>) target(%arg7 : memref<16x128xi32, #tpu.memory_space<vmem>>) target_semaphore(%run_scoped3A_369 : memref<!tpu.dma_semaphore, #tpu.memory_space<semaphore_mem>>)
        %dma_wait3A = arith.constant 0 : i32
        %dma_wait3A_374 = tpu.memref_slice %arg4[%add3A_262, %dma_wait3A] : memref<2560x128xi32, #tpu.memory_space<hbm>> -> memref<16x128xi32, #tpu.memory_space<hbm>>
        %dma_wait3A_375 = arith.constant 0 : i32
        %dma_wait3A_376 = tpu.memref_slice %arg4[%add3A_262, %dma_wait3A_375] : memref<2560x128xi32, #tpu.memory_space<hbm>> -> memref<16x128xi32, #tpu.memory_space<hbm>>
        tpu.wait_dma2 semaphore(%run_scoped3A_369 : memref<!tpu.dma_semaphore, #tpu.memory_space<semaphore_mem>>) src(%dma_wait3A_376 : memref<16x128xi32, #tpu.memory_space<hbm>>) dst(%arg7 : memref<16x128xi32, #tpu.memory_space<vmem>>)
        tpu.yield
      }) : () -> ()
      %dma_start3A_263 = arith.constant 0 : i32
      %dma_start3A_264 = arith.constant 0 : i32
      %dma_start3A_265 = arith.constant 0 : i32
      %dma_start3A_266 = arith.constant 0 : i32
      %dma_start3A_267 = tpu.memref_slice %arg8[%dma_start3A_264, %dma_start3A_265, %dma_start3A_266] : memref<2x128x128xf32, #tpu.memory_space<vmem>> -> memref<1x128x128xf32, #tpu.memory_space<vmem>>
      %dma_start3A_268 = tpu.memref_squeeze %dma_start3A_267 : memref<1x128x128xf32, #tpu.memory_space<vmem>> -> memref<128x128xf32, #tpu.memory_space<vmem>>
      %dma_start3A_269 = arith.constant 0 : i32
      %dma_start3A_270 = tpu.memref_slice %arg6[%dma_start3A_263, %dma_start3A_269] : memref<16x128xi32, #tpu.memory_space<vmem>> -> memref<1x128xi32, #tpu.memory_space<vmem>>
      %dma_start3A_271 = tpu.memref_squeeze %dma_start3A_270 : memref<1x128xi32, #tpu.memory_space<vmem>> -> memref<128xi32, #tpu.memory_space<vmem>>
      %dma_start3A_272 = arith.constant 0 : i32
      %dma_start3A_273 = arith.constant 0 : i32
      %dma_start3A_274 = tpu.memref_slice %arg2[%dma_start3A_272, %dma_start3A_273] : memref<10000x128xf32, #tpu.memory_space<hbm>> -> memref<10000x128xf32, #tpu.memory_space<hbm>>
      tpu.enqueue_indirect_dma source(%dma_start3A_274 : memref<10000x128xf32, #tpu.memory_space<hbm>>) target(%dma_start3A_268 : memref<128x128xf32, #tpu.memory_space<vmem>>) offsets(%dma_start3A_271 : memref<128xi32, #tpu.memory_space<vmem>>) semaphore(%arg9 : memref<!tpu.dma_semaphore, #tpu.memory_space<semaphore_mem>>)
      %scan3A_275 = arith.constant 0 : i32
      %scan3A_276 = arith.constant 0 : i32
      %scan3A_277 = arith.constant 16 : i32
      %scan3A_278 = arith.addi %scan3A_276, %scan3A_277 : i32
      %scan3A_279 = arith.constant 1 : i32
      scf.for %scan3A_369 = %scan3A_276 to %scan3A_278 step %scan3A_279  : i32 {
        %rem3A = arith.constant 2 : i32
        %rem3A_370 = arith.remsi %scan3A_369, %rem3A : i32
        %dma_wait3A = arith.constant 0 : i32
        %dma_wait3A_371 = arith.constant 0 : i32
        %dma_wait3A_372 = tpu.memref_slice %arg8[%rem3A_370, %dma_wait3A, %dma_wait3A_371] : memref<2x128x128xf32, #tpu.memory_space<vmem>> -> memref<1x128x128xf32, #tpu.memory_space<vmem>>
        %dma_wait3A_373 = tpu.memref_squeeze %dma_wait3A_372 : memref<1x128x128xf32, #tpu.memory_space<vmem>> -> memref<128x128xf32, #tpu.memory_space<vmem>>
        %dma_wait3A_374 = arith.constant 0 : i32
        %dma_wait3A_375 = tpu.memref_slice %arg6[%scan3A_369, %dma_wait3A_374] : memref<16x128xi32, #tpu.memory_space<vmem>> -> memref<1x128xi32, #tpu.memory_space<vmem>>
        %dma_wait3A_376 = tpu.memref_squeeze %dma_wait3A_375 : memref<1x128xi32, #tpu.memory_space<vmem>> -> memref<128xi32, #tpu.memory_space<vmem>>
        %dma_wait3A_377 = arith.constant 0 : i32
        %dma_wait3A_378 = arith.constant 0 : i32
        %dma_wait3A_379 = tpu.memref_slice %arg2[%dma_wait3A_377, %dma_wait3A_378] : memref<10000x128xf32, #tpu.memory_space<hbm>> -> memref<10000x128xf32, #tpu.memory_space<hbm>>
        tpu.wait_indirect_dma semaphore(%arg9 : memref<!tpu.dma_semaphore, #tpu.memory_space<semaphore_mem>>) src(%dma_wait3A_379 : memref<10000x128xf32, #tpu.memory_space<hbm>>) dst(%dma_wait3A_373 : memref<128x128xf32, #tpu.memory_space<vmem>>)
        %lt3A = arith.constant 15 : i32
        %lt3A_380 = arith.cmpi slt, %scan3A_369, %lt3A : i32
        %convert_element_type3A_381 = arith.extui %lt3A_380 : i1 to i32
        %cond3A_382 = arith.constant 0 : i32
        %cond3A_383 = arith.cmpi ne, %convert_element_type3A_381, %cond3A_382 : i32
        scf.if %cond3A_383 {
          %add3A_384 = arith.constant 1 : i32
          %add3A_385 = arith.addi %scan3A_369, %add3A_384 : i32
          %sub3A = arith.constant 1 : i32
          %sub3A_386 = arith.subi %sub3A, %rem3A_370 : i32
          %dma_start3A_387 = arith.constant 0 : i32
          %dma_start3A_388 = arith.constant 0 : i32
          %dma_start3A_389 = tpu.memref_slice %arg8[%sub3A_386, %dma_start3A_387, %dma_start3A_388] : memref<2x128x128xf32, #tpu.memory_space<vmem>> -> memref<1x128x128xf32, #tpu.memory_space<vmem>>
          %dma_start3A_390 = tpu.memref_squeeze %dma_start3A_389 : memref<1x128x128xf32, #tpu.memory_space<vmem>> -> memref<128x128xf32, #tpu.memory_space<vmem>>
          %dma_start3A_391 = arith.constant 0 : i32
          %dma_start3A_392 = tpu.memref_slice %arg6[%add3A_385, %dma_start3A_391] : memref<16x128xi32, #tpu.memory_space<vmem>> -> memref<1x128xi32, #tpu.memory_space<vmem>>
          %dma_start3A_393 = tpu.memref_squeeze %dma_start3A_392 : memref<1x128xi32, #tpu.memory_space<vmem>> -> memref<128xi32, #tpu.memory_space<vmem>>
          %dma_start3A_394 = arith.constant 0 : i32
          %dma_start3A_395 = arith.constant 0 : i32
          %dma_start3A_396 = tpu.memref_slice %arg2[%dma_start3A_394, %dma_start3A_395] : memref<10000x128xf32, #tpu.memory_space<hbm>> -> memref<10000x128xf32, #tpu.memory_space<hbm>>
          tpu.enqueue_indirect_dma source(%dma_start3A_396 : memref<10000x128xf32, #tpu.memory_space<hbm>>) target(%dma_start3A_390 : memref<128x128xf32, #tpu.memory_space<vmem>>) offsets(%dma_start3A_393 : memref<128xi32, #tpu.memory_space<vmem>>) semaphore(%arg9 : memref<!tpu.dma_semaphore, #tpu.memory_space<semaphore_mem>>)
        } else {
        }
        "tpu.region"() ({
          %run_scoped3A_384 = tpu.sem_alloc : memref<!tpu.dma_semaphore, #tpu.memory_space<semaphore_mem>>
          %dma_start3A_385 = arith.constant 0 : i32
          %dma_start3A_386 = arith.constant 0 : i32
          %dma_start3A_387 = tpu.memref_slice %arg8[%rem3A_370, %dma_start3A_385, %dma_start3A_386] : memref<2x128x128xf32, #tpu.memory_space<vmem>> -> memref<1x128x128xf32, #tpu.memory_space<vmem>>
          %dma_start3A_388 = tpu.memref_squeeze %dma_start3A_387 : memref<1x128x128xf32, #tpu.memory_space<vmem>> -> memref<128x128xf32, #tpu.memory_space<vmem>>
          %dma_start3A_389 = arith.constant 0 : i32
          %dma_start3A_390 = tpu.memref_slice %arg7[%scan3A_369, %dma_start3A_389] : memref<16x128xi32, #tpu.memory_space<vmem>> -> memref<1x128xi32, #tpu.memory_space<vmem>>
          %dma_start3A_391 = tpu.memref_squeeze %dma_start3A_390 : memref<1x128xi32, #tpu.memory_space<vmem>> -> memref<128xi32, #tpu.memory_space<vmem>>
          %dma_start3A_392 = arith.constant 0 : i32
          %dma_start3A_393 = arith.constant 0 : i32
          %dma_start3A_394 = tpu.memref_slice %arg11[%dma_start3A_392, %dma_start3A_393] : memref<10240x128xf32, #tpu.memory_space<vmem_shared>> -> memref<10240x128xf32, #tpu.memory_space<vmem_shared>>
          tpu.enqueue_indirect_dma source(%dma_start3A_388 : memref<128x128xf32, #tpu.memory_space<vmem>>) target(%dma_start3A_394 : memref<10240x128xf32, #tpu.memory_space<vmem_shared>>) offsets(%dma_start3A_391 : memref<128xi32, #tpu.memory_space<vmem>>) semaphore(%run_scoped3A_384 : memref<!tpu.dma_semaphore, #tpu.memory_space<semaphore_mem>>) {add = true}
          %dma_wait3A_395 = arith.constant 0 : i32
          %dma_wait3A_396 = arith.constant 0 : i32
          %dma_wait3A_397 = tpu.memref_slice %arg8[%rem3A_370, %dma_wait3A_395, %dma_wait3A_396] : memref<2x128x128xf32, #tpu.memory_space<vmem>> -> memref<1x128x128xf32, #tpu.memory_space<vmem>>
          %dma_wait3A_398 = tpu.memref_squeeze %dma_wait3A_397 : memref<1x128x128xf32, #tpu.memory_space<vmem>> -> memref<128x128xf32, #tpu.memory_space<vmem>>
          %dma_wait3A_399 = arith.constant 0 : i32
          %dma_wait3A_400 = tpu.memref_slice %arg7[%scan3A_369, %dma_wait3A_399] : memref<16x128xi32, #tpu.memory_space<vmem>> -> memref<1x128xi32, #tpu.memory_space<vmem>>
          %dma_wait3A_401 = tpu.memref_squeeze %dma_wait3A_400 : memref<1x128xi32, #tpu.memory_space<vmem>> -> memref<128xi32, #tpu.memory_space<vmem>>
          %dma_wait3A_402 = arith.constant 0 : i32
          %dma_wait3A_403 = arith.constant 0 : i32
          %dma_wait3A_404 = tpu.memref_slice %arg11[%dma_wait3A_402, %dma_wait3A_403] : memref<10240x128xf32, #tpu.memory_space<vmem_shared>> -> memref<10240x128xf32, #tpu.memory_space<vmem_shared>>
          tpu.wait_indirect_dma semaphore(%run_scoped3A_384 : memref<!tpu.dma_semaphore, #tpu.memory_space<semaphore_mem>>) src(%dma_wait3A_398 : memref<128x128xf32, #tpu.memory_space<vmem>>) dst(%dma_wait3A_404 : memref<10240x128xf32, #tpu.memory_space<vmem_shared>>)
          tpu.yield
        }) : () -> ()
      }
      %scan3A_280 = arith.constant 16 : i32
      %mul3A_281 = arith.constant 128 : i32
      %mul3A_282 = arith.muli %arg1, %mul3A_281 : i32
      %add3A_283 = arith.constant 64 : i32
      %add3A_284 = arith.addi %mul3A_282, %add3A_283 : i32
      "tpu.region"() ({
        %run_scoped3A_369 = tpu.sem_alloc : memref<!tpu.dma_semaphore, #tpu.memory_space<semaphore_mem>>
        %dma_start3A_370 = arith.constant 0 : i32
        %dma_start3A_371 = tpu.memref_slice %arg3[%add3A_284, %dma_start3A_370] : memref<2560x128xi32, #tpu.memory_space<hbm>> -> memref<16x128xi32, #tpu.memory_space<hbm>>
        %dma_start3A_372 = arith.constant 0 : i32
        %dma_start3A_373 = tpu.memref_slice %arg3[%add3A_284, %dma_start3A_372] : memref<2560x128xi32, #tpu.memory_space<hbm>> -> memref<16x128xi32, #tpu.memory_space<hbm>>
        tpu.enqueue_dma source(%dma_start3A_373 : memref<16x128xi32, #tpu.memory_space<hbm>>) target(%arg6 : memref<16x128xi32, #tpu.memory_space<vmem>>) target_semaphore(%run_scoped3A_369 : memref<!tpu.dma_semaphore, #tpu.memory_space<semaphore_mem>>)
        %dma_wait3A = arith.constant 0 : i32
        %dma_wait3A_374 = tpu.memref_slice %arg3[%add3A_284, %dma_wait3A] : memref<2560x128xi32, #tpu.memory_space<hbm>> -> memref<16x128xi32, #tpu.memory_space<hbm>>
        %dma_wait3A_375 = arith.constant 0 : i32
        %dma_wait3A_376 = tpu.memref_slice %arg3[%add3A_284, %dma_wait3A_375] : memref<2560x128xi32, #tpu.memory_space<hbm>> -> memref<16x128xi32, #tpu.memory_space<hbm>>
        tpu.wait_dma2 semaphore(%run_scoped3A_369 : memref<!tpu.dma_semaphore, #tpu.memory_space<semaphore_mem>>) src(%dma_wait3A_376 : memref<16x128xi32, #tpu.memory_space<hbm>>) dst(%arg6 : memref<16x128xi32, #tpu.memory_space<vmem>>)
        tpu.yield
      }) : () -> ()
      "tpu.region"() ({
        %run_scoped3A_369 = tpu.sem_alloc : memref<!tpu.dma_semaphore, #tpu.memory_space<semaphore_mem>>
        %dma_start3A_370 = arith.constant 0 : i32
        %dma_start3A_371 = tpu.memref_slice %arg4[%add3A_284, %dma_start3A_370] : memref<2560x128xi32, #tpu.memory_space<hbm>> -> memref<16x128xi32, #tpu.memory_space<hbm>>
        %dma_start3A_372 = arith.constant 0 : i32
        %dma_start3A_373 = tpu.memref_slice %arg4[%add3A_284, %dma_start3A_372] : memref<2560x128xi32, #tpu.memory_space<hbm>> -> memref<16x128xi32, #tpu.memory_space<hbm>>
        tpu.enqueue_dma source(%dma_start3A_373 : memref<16x128xi32, #tpu.memory_space<hbm>>) target(%arg7 : memref<16x128xi32, #tpu.memory_space<vmem>>) target_semaphore(%run_scoped3A_369 : memref<!tpu.dma_semaphore, #tpu.memory_space<semaphore_mem>>)
        %dma_wait3A = arith.constant 0 : i32
        %dma_wait3A_374 = tpu.memref_slice %arg4[%add3A_284, %dma_wait3A] : memref<2560x128xi32, #tpu.memory_space<hbm>> -> memref<16x128xi32, #tpu.memory_space<hbm>>
        %dma_wait3A_375 = arith.constant 0 : i32
        %dma_wait3A_376 = tpu.memref_slice %arg4[%add3A_284, %dma_wait3A_375] : memref<2560x128xi32, #tpu.memory_space<hbm>> -> memref<16x128xi32, #tpu.memory_space<hbm>>
        tpu.wait_dma2 semaphore(%run_scoped3A_369 : memref<!tpu.dma_semaphore, #tpu.memory_space<semaphore_mem>>) src(%dma_wait3A_376 : memref<16x128xi32, #tpu.memory_space<hbm>>) dst(%arg7 : memref<16x128xi32, #tpu.memory_space<vmem>>)
        tpu.yield
      }) : () -> ()
      %dma_start3A_285 = arith.constant 0 : i32
      %dma_start3A_286 = arith.constant 0 : i32
      %dma_start3A_287 = arith.constant 0 : i32
      %dma_start3A_288 = arith.constant 0 : i32
      %dma_start3A_289 = tpu.memref_slice %arg8[%dma_start3A_286, %dma_start3A_287, %dma_start3A_288] : memref<2x128x128xf32, #tpu.memory_space<vmem>> -> memref<1x128x128xf32, #tpu.memory_space<vmem>>
      %dma_start3A_290 = tpu.memref_squeeze %dma_start3A_289 : memref<1x128x128xf32, #tpu.memory_space<vmem>> -> memref<128x128xf32, #tpu.memory_space<vmem>>
      %dma_start3A_291 = arith.constant 0 : i32
      %dma_start3A_292 = tpu.memref_slice %arg6[%dma_start3A_285, %dma_start3A_291] : memref<16x128xi32, #tpu.memory_space<vmem>> -> memref<1x128xi32, #tpu.memory_space<vmem>>
      %dma_start3A_293 = tpu.memref_squeeze %dma_start3A_292 : memref<1x128xi32, #tpu.memory_space<vmem>> -> memref<128xi32, #tpu.memory_space<vmem>>
      %dma_start3A_294 = arith.constant 0 : i32
      %dma_start3A_295 = arith.constant 0 : i32
      %dma_start3A_296 = tpu.memref_slice %arg2[%dma_start3A_294, %dma_start3A_295] : memref<10000x128xf32, #tpu.memory_space<hbm>> -> memref<10000x128xf32, #tpu.memory_space<hbm>>
      tpu.enqueue_indirect_dma source(%dma_start3A_296 : memref<10000x128xf32, #tpu.memory_space<hbm>>) target(%dma_start3A_290 : memref<128x128xf32, #tpu.memory_space<vmem>>) offsets(%dma_start3A_293 : memref<128xi32, #tpu.memory_space<vmem>>) semaphore(%arg9 : memref<!tpu.dma_semaphore, #tpu.memory_space<semaphore_mem>>)
      %scan3A_297 = arith.constant 0 : i32
      %scan3A_298 = arith.constant 0 : i32
      %scan3A_299 = arith.constant 16 : i32
      %scan3A_300 = arith.addi %scan3A_298, %scan3A_299 : i32
      %scan3A_301 = arith.constant 1 : i32
      scf.for %scan3A_369 = %scan3A_298 to %scan3A_300 step %scan3A_301  : i32 {
        %rem3A = arith.constant 2 : i32
        %rem3A_370 = arith.remsi %scan3A_369, %rem3A : i32
        %dma_wait3A = arith.constant 0 : i32
        %dma_wait3A_371 = arith.constant 0 : i32
        %dma_wait3A_372 = tpu.memref_slice %arg8[%rem3A_370, %dma_wait3A, %dma_wait3A_371] : memref<2x128x128xf32, #tpu.memory_space<vmem>> -> memref<1x128x128xf32, #tpu.memory_space<vmem>>
        %dma_wait3A_373 = tpu.memref_squeeze %dma_wait3A_372 : memref<1x128x128xf32, #tpu.memory_space<vmem>> -> memref<128x128xf32, #tpu.memory_space<vmem>>
        %dma_wait3A_374 = arith.constant 0 : i32
        %dma_wait3A_375 = tpu.memref_slice %arg6[%scan3A_369, %dma_wait3A_374] : memref<16x128xi32, #tpu.memory_space<vmem>> -> memref<1x128xi32, #tpu.memory_space<vmem>>
        %dma_wait3A_376 = tpu.memref_squeeze %dma_wait3A_375 : memref<1x128xi32, #tpu.memory_space<vmem>> -> memref<128xi32, #tpu.memory_space<vmem>>
        %dma_wait3A_377 = arith.constant 0 : i32
        %dma_wait3A_378 = arith.constant 0 : i32
        %dma_wait3A_379 = tpu.memref_slice %arg2[%dma_wait3A_377, %dma_wait3A_378] : memref<10000x128xf32, #tpu.memory_space<hbm>> -> memref<10000x128xf32, #tpu.memory_space<hbm>>
        tpu.wait_indirect_dma semaphore(%arg9 : memref<!tpu.dma_semaphore, #tpu.memory_space<semaphore_mem>>) src(%dma_wait3A_379 : memref<10000x128xf32, #tpu.memory_space<hbm>>) dst(%dma_wait3A_373 : memref<128x128xf32, #tpu.memory_space<vmem>>)
        %lt3A = arith.constant 15 : i32
        %lt3A_380 = arith.cmpi slt, %scan3A_369, %lt3A : i32
        %convert_element_type3A_381 = arith.extui %lt3A_380 : i1 to i32
        %cond3A_382 = arith.constant 0 : i32
        %cond3A_383 = arith.cmpi ne, %convert_element_type3A_381, %cond3A_382 : i32
        scf.if %cond3A_383 {
          %add3A_384 = arith.constant 1 : i32
          %add3A_385 = arith.addi %scan3A_369, %add3A_384 : i32
          %sub3A = arith.constant 1 : i32
          %sub3A_386 = arith.subi %sub3A, %rem3A_370 : i32
          %dma_start3A_387 = arith.constant 0 : i32
          %dma_start3A_388 = arith.constant 0 : i32
          %dma_start3A_389 = tpu.memref_slice %arg8[%sub3A_386, %dma_start3A_387, %dma_start3A_388] : memref<2x128x128xf32, #tpu.memory_space<vmem>> -> memref<1x128x128xf32, #tpu.memory_space<vmem>>
          %dma_start3A_390 = tpu.memref_squeeze %dma_start3A_389 : memref<1x128x128xf32, #tpu.memory_space<vmem>> -> memref<128x128xf32, #tpu.memory_space<vmem>>
          %dma_start3A_391 = arith.constant 0 : i32
          %dma_start3A_392 = tpu.memref_slice %arg6[%add3A_385, %dma_start3A_391] : memref<16x128xi32, #tpu.memory_space<vmem>> -> memref<1x128xi32, #tpu.memory_space<vmem>>
          %dma_start3A_393 = tpu.memref_squeeze %dma_start3A_392 : memref<1x128xi32, #tpu.memory_space<vmem>> -> memref<128xi32, #tpu.memory_space<vmem>>
          %dma_start3A_394 = arith.constant 0 : i32
          %dma_start3A_395 = arith.constant 0 : i32
          %dma_start3A_396 = tpu.memref_slice %arg2[%dma_start3A_394, %dma_start3A_395] : memref<10000x128xf32, #tpu.memory_space<hbm>> -> memref<10000x128xf32, #tpu.memory_space<hbm>>
          tpu.enqueue_indirect_dma source(%dma_start3A_396 : memref<10000x128xf32, #tpu.memory_space<hbm>>) target(%dma_start3A_390 : memref<128x128xf32, #tpu.memory_space<vmem>>) offsets(%dma_start3A_393 : memref<128xi32, #tpu.memory_space<vmem>>) semaphore(%arg9 : memref<!tpu.dma_semaphore, #tpu.memory_space<semaphore_mem>>)
        } else {
        }
        "tpu.region"() ({
          %run_scoped3A_384 = tpu.sem_alloc : memref<!tpu.dma_semaphore, #tpu.memory_space<semaphore_mem>>
          %dma_start3A_385 = arith.constant 0 : i32
          %dma_start3A_386 = arith.constant 0 : i32
          %dma_start3A_387 = tpu.memref_slice %arg8[%rem3A_370, %dma_start3A_385, %dma_start3A_386] : memref<2x128x128xf32, #tpu.memory_space<vmem>> -> memref<1x128x128xf32, #tpu.memory_space<vmem>>
          %dma_start3A_388 = tpu.memref_squeeze %dma_start3A_387 : memref<1x128x128xf32, #tpu.memory_space<vmem>> -> memref<128x128xf32, #tpu.memory_space<vmem>>
          %dma_start3A_389 = arith.constant 0 : i32
          %dma_start3A_390 = tpu.memref_slice %arg7[%scan3A_369, %dma_start3A_389] : memref<16x128xi32, #tpu.memory_space<vmem>> -> memref<1x128xi32, #tpu.memory_space<vmem>>
          %dma_start3A_391 = tpu.memref_squeeze %dma_start3A_390 : memref<1x128xi32, #tpu.memory_space<vmem>> -> memref<128xi32, #tpu.memory_space<vmem>>
          %dma_start3A_392 = arith.constant 0 : i32
          %dma_start3A_393 = arith.constant 0 : i32
          %dma_start3A_394 = tpu.memref_slice %arg11[%dma_start3A_392, %dma_start3A_393] : memref<10240x128xf32, #tpu.memory_space<vmem_shared>> -> memref<10240x128xf32, #tpu.memory_space<vmem_shared>>
          tpu.enqueue_indirect_dma source(%dma_start3A_388 : memref<128x128xf32, #tpu.memory_space<vmem>>) target(%dma_start3A_394 : memref<10240x128xf32, #tpu.memory_space<vmem_shared>>) offsets(%dma_start3A_391 : memref<128xi32, #tpu.memory_space<vmem>>) semaphore(%run_scoped3A_384 : memref<!tpu.dma_semaphore, #tpu.memory_space<semaphore_mem>>) {add = true}
          %dma_wait3A_395 = arith.constant 0 : i32
          %dma_wait3A_396 = arith.constant 0 : i32
          %dma_wait3A_397 = tpu.memref_slice %arg8[%rem3A_370, %dma_wait3A_395, %dma_wait3A_396] : memref<2x128x128xf32, #tpu.memory_space<vmem>> -> memref<1x128x128xf32, #tpu.memory_space<vmem>>
          %dma_wait3A_398 = tpu.memref_squeeze %dma_wait3A_397 : memref<1x128x128xf32, #tpu.memory_space<vmem>> -> memref<128x128xf32, #tpu.memory_space<vmem>>
          %dma_wait3A_399 = arith.constant 0 : i32
          %dma_wait3A_400 = tpu.memref_slice %arg7[%scan3A_369, %dma_wait3A_399] : memref<16x128xi32, #tpu.memory_space<vmem>> -> memref<1x128xi32, #tpu.memory_space<vmem>>
          %dma_wait3A_401 = tpu.memref_squeeze %dma_wait3A_400 : memref<1x128xi32, #tpu.memory_space<vmem>> -> memref<128xi32, #tpu.memory_space<vmem>>
          %dma_wait3A_402 = arith.constant 0 : i32
          %dma_wait3A_403 = arith.constant 0 : i32
          %dma_wait3A_404 = tpu.memref_slice %arg11[%dma_wait3A_402, %dma_wait3A_403] : memref<10240x128xf32, #tpu.memory_space<vmem_shared>> -> memref<10240x128xf32, #tpu.memory_space<vmem_shared>>
          tpu.wait_indirect_dma semaphore(%run_scoped3A_384 : memref<!tpu.dma_semaphore, #tpu.memory_space<semaphore_mem>>) src(%dma_wait3A_398 : memref<128x128xf32, #tpu.memory_space<vmem>>) dst(%dma_wait3A_404 : memref<10240x128xf32, #tpu.memory_space<vmem_shared>>)
          tpu.yield
        }) : () -> ()
      }
      %scan3A_302 = arith.constant 16 : i32
      %mul3A_303 = arith.constant 128 : i32
      %mul3A_304 = arith.muli %arg1, %mul3A_303 : i32
      %add3A_305 = arith.constant 80 : i32
      %add3A_306 = arith.addi %mul3A_304, %add3A_305 : i32
      "tpu.region"() ({
        %run_scoped3A_369 = tpu.sem_alloc : memref<!tpu.dma_semaphore, #tpu.memory_space<semaphore_mem>>
        %dma_start3A_370 = arith.constant 0 : i32
        %dma_start3A_371 = tpu.memref_slice %arg3[%add3A_306, %dma_start3A_370] : memref<2560x128xi32, #tpu.memory_space<hbm>> -> memref<16x128xi32, #tpu.memory_space<hbm>>
        %dma_start3A_372 = arith.constant 0 : i32
        %dma_start3A_373 = tpu.memref_slice %arg3[%add3A_306, %dma_start3A_372] : memref<2560x128xi32, #tpu.memory_space<hbm>> -> memref<16x128xi32, #tpu.memory_space<hbm>>
        tpu.enqueue_dma source(%dma_start3A_373 : memref<16x128xi32, #tpu.memory_space<hbm>>) target(%arg6 : memref<16x128xi32, #tpu.memory_space<vmem>>) target_semaphore(%run_scoped3A_369 : memref<!tpu.dma_semaphore, #tpu.memory_space<semaphore_mem>>)
        %dma_wait3A = arith.constant 0 : i32
        %dma_wait3A_374 = tpu.memref_slice %arg3[%add3A_306, %dma_wait3A] : memref<2560x128xi32, #tpu.memory_space<hbm>> -> memref<16x128xi32, #tpu.memory_space<hbm>>
        %dma_wait3A_375 = arith.constant 0 : i32
        %dma_wait3A_376 = tpu.memref_slice %arg3[%add3A_306, %dma_wait3A_375] : memref<2560x128xi32, #tpu.memory_space<hbm>> -> memref<16x128xi32, #tpu.memory_space<hbm>>
        tpu.wait_dma2 semaphore(%run_scoped3A_369 : memref<!tpu.dma_semaphore, #tpu.memory_space<semaphore_mem>>) src(%dma_wait3A_376 : memref<16x128xi32, #tpu.memory_space<hbm>>) dst(%arg6 : memref<16x128xi32, #tpu.memory_space<vmem>>)
        tpu.yield
      }) : () -> ()
      "tpu.region"() ({
        %run_scoped3A_369 = tpu.sem_alloc : memref<!tpu.dma_semaphore, #tpu.memory_space<semaphore_mem>>
        %dma_start3A_370 = arith.constant 0 : i32
        %dma_start3A_371 = tpu.memref_slice %arg4[%add3A_306, %dma_start3A_370] : memref<2560x128xi32, #tpu.memory_space<hbm>> -> memref<16x128xi32, #tpu.memory_space<hbm>>
        %dma_start3A_372 = arith.constant 0 : i32
        %dma_start3A_373 = tpu.memref_slice %arg4[%add3A_306, %dma_start3A_372] : memref<2560x128xi32, #tpu.memory_space<hbm>> -> memref<16x128xi32, #tpu.memory_space<hbm>>
        tpu.enqueue_dma source(%dma_start3A_373 : memref<16x128xi32, #tpu.memory_space<hbm>>) target(%arg7 : memref<16x128xi32, #tpu.memory_space<vmem>>) target_semaphore(%run_scoped3A_369 : memref<!tpu.dma_semaphore, #tpu.memory_space<semaphore_mem>>)
        %dma_wait3A = arith.constant 0 : i32
        %dma_wait3A_374 = tpu.memref_slice %arg4[%add3A_306, %dma_wait3A] : memref<2560x128xi32, #tpu.memory_space<hbm>> -> memref<16x128xi32, #tpu.memory_space<hbm>>
        %dma_wait3A_375 = arith.constant 0 : i32
        %dma_wait3A_376 = tpu.memref_slice %arg4[%add3A_306, %dma_wait3A_375] : memref<2560x128xi32, #tpu.memory_space<hbm>> -> memref<16x128xi32, #tpu.memory_space<hbm>>
        tpu.wait_dma2 semaphore(%run_scoped3A_369 : memref<!tpu.dma_semaphore, #tpu.memory_space<semaphore_mem>>) src(%dma_wait3A_376 : memref<16x128xi32, #tpu.memory_space<hbm>>) dst(%arg7 : memref<16x128xi32, #tpu.memory_space<vmem>>)
        tpu.yield
      }) : () -> ()
      %dma_start3A_307 = arith.constant 0 : i32
      %dma_start3A_308 = arith.constant 0 : i32
      %dma_start3A_309 = arith.constant 0 : i32
      %dma_start3A_310 = arith.constant 0 : i32
      %dma_start3A_311 = tpu.memref_slice %arg8[%dma_start3A_308, %dma_start3A_309, %dma_start3A_310] : memref<2x128x128xf32, #tpu.memory_space<vmem>> -> memref<1x128x128xf32, #tpu.memory_space<vmem>>
      %dma_start3A_312 = tpu.memref_squeeze %dma_start3A_311 : memref<1x128x128xf32, #tpu.memory_space<vmem>> -> memref<128x128xf32, #tpu.memory_space<vmem>>
      %dma_start3A_313 = arith.constant 0 : i32
      %dma_start3A_314 = tpu.memref_slice %arg6[%dma_start3A_307, %dma_start3A_313] : memref<16x128xi32, #tpu.memory_space<vmem>> -> memref<1x128xi32, #tpu.memory_space<vmem>>
      %dma_start3A_315 = tpu.memref_squeeze %dma_start3A_314 : memref<1x128xi32, #tpu.memory_space<vmem>> -> memref<128xi32, #tpu.memory_space<vmem>>
      %dma_start3A_316 = arith.constant 0 : i32
      %dma_start3A_317 = arith.constant 0 : i32
      %dma_start3A_318 = tpu.memref_slice %arg2[%dma_start3A_316, %dma_start3A_317] : memref<10000x128xf32, #tpu.memory_space<hbm>> -> memref<10000x128xf32, #tpu.memory_space<hbm>>
      tpu.enqueue_indirect_dma source(%dma_start3A_318 : memref<10000x128xf32, #tpu.memory_space<hbm>>) target(%dma_start3A_312 : memref<128x128xf32, #tpu.memory_space<vmem>>) offsets(%dma_start3A_315 : memref<128xi32, #tpu.memory_space<vmem>>) semaphore(%arg9 : memref<!tpu.dma_semaphore, #tpu.memory_space<semaphore_mem>>)
      %scan3A_319 = arith.constant 0 : i32
      %scan3A_320 = arith.constant 0 : i32
      %scan3A_321 = arith.constant 16 : i32
      %scan3A_322 = arith.addi %scan3A_320, %scan3A_321 : i32
      %scan3A_323 = arith.constant 1 : i32
      scf.for %scan3A_369 = %scan3A_320 to %scan3A_322 step %scan3A_323  : i32 {
        %rem3A = arith.constant 2 : i32
        %rem3A_370 = arith.remsi %scan3A_369, %rem3A : i32
        %dma_wait3A = arith.constant 0 : i32
        %dma_wait3A_371 = arith.constant 0 : i32
        %dma_wait3A_372 = tpu.memref_slice %arg8[%rem3A_370, %dma_wait3A, %dma_wait3A_371] : memref<2x128x128xf32, #tpu.memory_space<vmem>> -> memref<1x128x128xf32, #tpu.memory_space<vmem>>
        %dma_wait3A_373 = tpu.memref_squeeze %dma_wait3A_372 : memref<1x128x128xf32, #tpu.memory_space<vmem>> -> memref<128x128xf32, #tpu.memory_space<vmem>>
        %dma_wait3A_374 = arith.constant 0 : i32
        %dma_wait3A_375 = tpu.memref_slice %arg6[%scan3A_369, %dma_wait3A_374] : memref<16x128xi32, #tpu.memory_space<vmem>> -> memref<1x128xi32, #tpu.memory_space<vmem>>
        %dma_wait3A_376 = tpu.memref_squeeze %dma_wait3A_375 : memref<1x128xi32, #tpu.memory_space<vmem>> -> memref<128xi32, #tpu.memory_space<vmem>>
        %dma_wait3A_377 = arith.constant 0 : i32
        %dma_wait3A_378 = arith.constant 0 : i32
        %dma_wait3A_379 = tpu.memref_slice %arg2[%dma_wait3A_377, %dma_wait3A_378] : memref<10000x128xf32, #tpu.memory_space<hbm>> -> memref<10000x128xf32, #tpu.memory_space<hbm>>
        tpu.wait_indirect_dma semaphore(%arg9 : memref<!tpu.dma_semaphore, #tpu.memory_space<semaphore_mem>>) src(%dma_wait3A_379 : memref<10000x128xf32, #tpu.memory_space<hbm>>) dst(%dma_wait3A_373 : memref<128x128xf32, #tpu.memory_space<vmem>>)
        %lt3A = arith.constant 15 : i32
        %lt3A_380 = arith.cmpi slt, %scan3A_369, %lt3A : i32
        %convert_element_type3A_381 = arith.extui %lt3A_380 : i1 to i32
        %cond3A_382 = arith.constant 0 : i32
        %cond3A_383 = arith.cmpi ne, %convert_element_type3A_381, %cond3A_382 : i32
        scf.if %cond3A_383 {
          %add3A_384 = arith.constant 1 : i32
          %add3A_385 = arith.addi %scan3A_369, %add3A_384 : i32
          %sub3A = arith.constant 1 : i32
          %sub3A_386 = arith.subi %sub3A, %rem3A_370 : i32
          %dma_start3A_387 = arith.constant 0 : i32
          %dma_start3A_388 = arith.constant 0 : i32
          %dma_start3A_389 = tpu.memref_slice %arg8[%sub3A_386, %dma_start3A_387, %dma_start3A_388] : memref<2x128x128xf32, #tpu.memory_space<vmem>> -> memref<1x128x128xf32, #tpu.memory_space<vmem>>
          %dma_start3A_390 = tpu.memref_squeeze %dma_start3A_389 : memref<1x128x128xf32, #tpu.memory_space<vmem>> -> memref<128x128xf32, #tpu.memory_space<vmem>>
          %dma_start3A_391 = arith.constant 0 : i32
          %dma_start3A_392 = tpu.memref_slice %arg6[%add3A_385, %dma_start3A_391] : memref<16x128xi32, #tpu.memory_space<vmem>> -> memref<1x128xi32, #tpu.memory_space<vmem>>
          %dma_start3A_393 = tpu.memref_squeeze %dma_start3A_392 : memref<1x128xi32, #tpu.memory_space<vmem>> -> memref<128xi32, #tpu.memory_space<vmem>>
          %dma_start3A_394 = arith.constant 0 : i32
          %dma_start3A_395 = arith.constant 0 : i32
          %dma_start3A_396 = tpu.memref_slice %arg2[%dma_start3A_394, %dma_start3A_395] : memref<10000x128xf32, #tpu.memory_space<hbm>> -> memref<10000x128xf32, #tpu.memory_space<hbm>>
          tpu.enqueue_indirect_dma source(%dma_start3A_396 : memref<10000x128xf32, #tpu.memory_space<hbm>>) target(%dma_start3A_390 : memref<128x128xf32, #tpu.memory_space<vmem>>) offsets(%dma_start3A_393 : memref<128xi32, #tpu.memory_space<vmem>>) semaphore(%arg9 : memref<!tpu.dma_semaphore, #tpu.memory_space<semaphore_mem>>)
        } else {
        }
        "tpu.region"() ({
          %run_scoped3A_384 = tpu.sem_alloc : memref<!tpu.dma_semaphore, #tpu.memory_space<semaphore_mem>>
          %dma_start3A_385 = arith.constant 0 : i32
          %dma_start3A_386 = arith.constant 0 : i32
          %dma_start3A_387 = tpu.memref_slice %arg8[%rem3A_370, %dma_start3A_385, %dma_start3A_386] : memref<2x128x128xf32, #tpu.memory_space<vmem>> -> memref<1x128x128xf32, #tpu.memory_space<vmem>>
          %dma_start3A_388 = tpu.memref_squeeze %dma_start3A_387 : memref<1x128x128xf32, #tpu.memory_space<vmem>> -> memref<128x128xf32, #tpu.memory_space<vmem>>
          %dma_start3A_389 = arith.constant 0 : i32
          %dma_start3A_390 = tpu.memref_slice %arg7[%scan3A_369, %dma_start3A_389] : memref<16x128xi32, #tpu.memory_space<vmem>> -> memref<1x128xi32, #tpu.memory_space<vmem>>
          %dma_start3A_391 = tpu.memref_squeeze %dma_start3A_390 : memref<1x128xi32, #tpu.memory_space<vmem>> -> memref<128xi32, #tpu.memory_space<vmem>>
          %dma_start3A_392 = arith.constant 0 : i32
          %dma_start3A_393 = arith.constant 0 : i32
          %dma_start3A_394 = tpu.memref_slice %arg11[%dma_start3A_392, %dma_start3A_393] : memref<10240x128xf32, #tpu.memory_space<vmem_shared>> -> memref<10240x128xf32, #tpu.memory_space<vmem_shared>>
          tpu.enqueue_indirect_dma source(%dma_start3A_388 : memref<128x128xf32, #tpu.memory_space<vmem>>) target(%dma_start3A_394 : memref<10240x128xf32, #tpu.memory_space<vmem_shared>>) offsets(%dma_start3A_391 : memref<128xi32, #tpu.memory_space<vmem>>) semaphore(%run_scoped3A_384 : memref<!tpu.dma_semaphore, #tpu.memory_space<semaphore_mem>>) {add = true}
          %dma_wait3A_395 = arith.constant 0 : i32
          %dma_wait3A_396 = arith.constant 0 : i32
          %dma_wait3A_397 = tpu.memref_slice %arg8[%rem3A_370, %dma_wait3A_395, %dma_wait3A_396] : memref<2x128x128xf32, #tpu.memory_space<vmem>> -> memref<1x128x128xf32, #tpu.memory_space<vmem>>
          %dma_wait3A_398 = tpu.memref_squeeze %dma_wait3A_397 : memref<1x128x128xf32, #tpu.memory_space<vmem>> -> memref<128x128xf32, #tpu.memory_space<vmem>>
          %dma_wait3A_399 = arith.constant 0 : i32
          %dma_wait3A_400 = tpu.memref_slice %arg7[%scan3A_369, %dma_wait3A_399] : memref<16x128xi32, #tpu.memory_space<vmem>> -> memref<1x128xi32, #tpu.memory_space<vmem>>
          %dma_wait3A_401 = tpu.memref_squeeze %dma_wait3A_400 : memref<1x128xi32, #tpu.memory_space<vmem>> -> memref<128xi32, #tpu.memory_space<vmem>>
          %dma_wait3A_402 = arith.constant 0 : i32
          %dma_wait3A_403 = arith.constant 0 : i32
          %dma_wait3A_404 = tpu.memref_slice %arg11[%dma_wait3A_402, %dma_wait3A_403] : memref<10240x128xf32, #tpu.memory_space<vmem_shared>> -> memref<10240x128xf32, #tpu.memory_space<vmem_shared>>
          tpu.wait_indirect_dma semaphore(%run_scoped3A_384 : memref<!tpu.dma_semaphore, #tpu.memory_space<semaphore_mem>>) src(%dma_wait3A_398 : memref<128x128xf32, #tpu.memory_space<vmem>>) dst(%dma_wait3A_404 : memref<10240x128xf32, #tpu.memory_space<vmem_shared>>)
          tpu.yield
        }) : () -> ()
      }
      %scan3A_324 = arith.constant 16 : i32
      %mul3A_325 = arith.constant 128 : i32
      %mul3A_326 = arith.muli %arg1, %mul3A_325 : i32
      %add3A_327 = arith.constant 96 : i32
      %add3A_328 = arith.addi %mul3A_326, %add3A_327 : i32
      "tpu.region"() ({
        %run_scoped3A_369 = tpu.sem_alloc : memref<!tpu.dma_semaphore, #tpu.memory_space<semaphore_mem>>
        %dma_start3A_370 = arith.constant 0 : i32
        %dma_start3A_371 = tpu.memref_slice %arg3[%add3A_328, %dma_start3A_370] : memref<2560x128xi32, #tpu.memory_space<hbm>> -> memref<16x128xi32, #tpu.memory_space<hbm>>
        %dma_start3A_372 = arith.constant 0 : i32
        %dma_start3A_373 = tpu.memref_slice %arg3[%add3A_328, %dma_start3A_372] : memref<2560x128xi32, #tpu.memory_space<hbm>> -> memref<16x128xi32, #tpu.memory_space<hbm>>
        tpu.enqueue_dma source(%dma_start3A_373 : memref<16x128xi32, #tpu.memory_space<hbm>>) target(%arg6 : memref<16x128xi32, #tpu.memory_space<vmem>>) target_semaphore(%run_scoped3A_369 : memref<!tpu.dma_semaphore, #tpu.memory_space<semaphore_mem>>)
        %dma_wait3A = arith.constant 0 : i32
        %dma_wait3A_374 = tpu.memref_slice %arg3[%add3A_328, %dma_wait3A] : memref<2560x128xi32, #tpu.memory_space<hbm>> -> memref<16x128xi32, #tpu.memory_space<hbm>>
        %dma_wait3A_375 = arith.constant 0 : i32
        %dma_wait3A_376 = tpu.memref_slice %arg3[%add3A_328, %dma_wait3A_375] : memref<2560x128xi32, #tpu.memory_space<hbm>> -> memref<16x128xi32, #tpu.memory_space<hbm>>
        tpu.wait_dma2 semaphore(%run_scoped3A_369 : memref<!tpu.dma_semaphore, #tpu.memory_space<semaphore_mem>>) src(%dma_wait3A_376 : memref<16x128xi32, #tpu.memory_space<hbm>>) dst(%arg6 : memref<16x128xi32, #tpu.memory_space<vmem>>)
        tpu.yield
      }) : () -> ()
      "tpu.region"() ({
        %run_scoped3A_369 = tpu.sem_alloc : memref<!tpu.dma_semaphore, #tpu.memory_space<semaphore_mem>>
        %dma_start3A_370 = arith.constant 0 : i32
        %dma_start3A_371 = tpu.memref_slice %arg4[%add3A_328, %dma_start3A_370] : memref<2560x128xi32, #tpu.memory_space<hbm>> -> memref<16x128xi32, #tpu.memory_space<hbm>>
        %dma_start3A_372 = arith.constant 0 : i32
        %dma_start3A_373 = tpu.memref_slice %arg4[%add3A_328, %dma_start3A_372] : memref<2560x128xi32, #tpu.memory_space<hbm>> -> memref<16x128xi32, #tpu.memory_space<hbm>>
        tpu.enqueue_dma source(%dma_start3A_373 : memref<16x128xi32, #tpu.memory_space<hbm>>) target(%arg7 : memref<16x128xi32, #tpu.memory_space<vmem>>) target_semaphore(%run_scoped3A_369 : memref<!tpu.dma_semaphore, #tpu.memory_space<semaphore_mem>>)
        %dma_wait3A = arith.constant 0 : i32
        %dma_wait3A_374 = tpu.memref_slice %arg4[%add3A_328, %dma_wait3A] : memref<2560x128xi32, #tpu.memory_space<hbm>> -> memref<16x128xi32, #tpu.memory_space<hbm>>
        %dma_wait3A_375 = arith.constant 0 : i32
        %dma_wait3A_376 = tpu.memref_slice %arg4[%add3A_328, %dma_wait3A_375] : memref<2560x128xi32, #tpu.memory_space<hbm>> -> memref<16x128xi32, #tpu.memory_space<hbm>>
        tpu.wait_dma2 semaphore(%run_scoped3A_369 : memref<!tpu.dma_semaphore, #tpu.memory_space<semaphore_mem>>) src(%dma_wait3A_376 : memref<16x128xi32, #tpu.memory_space<hbm>>) dst(%arg7 : memref<16x128xi32, #tpu.memory_space<vmem>>)
        tpu.yield
      }) : () -> ()
      %dma_start3A_329 = arith.constant 0 : i32
      %dma_start3A_330 = arith.constant 0 : i32
      %dma_start3A_331 = arith.constant 0 : i32
      %dma_start3A_332 = arith.constant 0 : i32
      %dma_start3A_333 = tpu.memref_slice %arg8[%dma_start3A_330, %dma_start3A_331, %dma_start3A_332] : memref<2x128x128xf32, #tpu.memory_space<vmem>> -> memref<1x128x128xf32, #tpu.memory_space<vmem>>
      %dma_start3A_334 = tpu.memref_squeeze %dma_start3A_333 : memref<1x128x128xf32, #tpu.memory_space<vmem>> -> memref<128x128xf32, #tpu.memory_space<vmem>>
      %dma_start3A_335 = arith.constant 0 : i32
      %dma_start3A_336 = tpu.memref_slice %arg6[%dma_start3A_329, %dma_start3A_335] : memref<16x128xi32, #tpu.memory_space<vmem>> -> memref<1x128xi32, #tpu.memory_space<vmem>>
      %dma_start3A_337 = tpu.memref_squeeze %dma_start3A_336 : memref<1x128xi32, #tpu.memory_space<vmem>> -> memref<128xi32, #tpu.memory_space<vmem>>
      %dma_start3A_338 = arith.constant 0 : i32
      %dma_start3A_339 = arith.constant 0 : i32
      %dma_start3A_340 = tpu.memref_slice %arg2[%dma_start3A_338, %dma_start3A_339] : memref<10000x128xf32, #tpu.memory_space<hbm>> -> memref<10000x128xf32, #tpu.memory_space<hbm>>
      tpu.enqueue_indirect_dma source(%dma_start3A_340 : memref<10000x128xf32, #tpu.memory_space<hbm>>) target(%dma_start3A_334 : memref<128x128xf32, #tpu.memory_space<vmem>>) offsets(%dma_start3A_337 : memref<128xi32, #tpu.memory_space<vmem>>) semaphore(%arg9 : memref<!tpu.dma_semaphore, #tpu.memory_space<semaphore_mem>>)
      %scan3A_341 = arith.constant 0 : i32
      %scan3A_342 = arith.constant 0 : i32
      %scan3A_343 = arith.constant 16 : i32
      %scan3A_344 = arith.addi %scan3A_342, %scan3A_343 : i32
      %scan3A_345 = arith.constant 1 : i32
      scf.for %scan3A_369 = %scan3A_342 to %scan3A_344 step %scan3A_345  : i32 {
        %rem3A = arith.constant 2 : i32
        %rem3A_370 = arith.remsi %scan3A_369, %rem3A : i32
        %dma_wait3A = arith.constant 0 : i32
        %dma_wait3A_371 = arith.constant 0 : i32
        %dma_wait3A_372 = tpu.memref_slice %arg8[%rem3A_370, %dma_wait3A, %dma_wait3A_371] : memref<2x128x128xf32, #tpu.memory_space<vmem>> -> memref<1x128x128xf32, #tpu.memory_space<vmem>>
        %dma_wait3A_373 = tpu.memref_squeeze %dma_wait3A_372 : memref<1x128x128xf32, #tpu.memory_space<vmem>> -> memref<128x128xf32, #tpu.memory_space<vmem>>
        %dma_wait3A_374 = arith.constant 0 : i32
        %dma_wait3A_375 = tpu.memref_slice %arg6[%scan3A_369, %dma_wait3A_374] : memref<16x128xi32, #tpu.memory_space<vmem>> -> memref<1x128xi32, #tpu.memory_space<vmem>>
        %dma_wait3A_376 = tpu.memref_squeeze %dma_wait3A_375 : memref<1x128xi32, #tpu.memory_space<vmem>> -> memref<128xi32, #tpu.memory_space<vmem>>
        %dma_wait3A_377 = arith.constant 0 : i32
        %dma_wait3A_378 = arith.constant 0 : i32
        %dma_wait3A_379 = tpu.memref_slice %arg2[%dma_wait3A_377, %dma_wait3A_378] : memref<10000x128xf32, #tpu.memory_space<hbm>> -> memref<10000x128xf32, #tpu.memory_space<hbm>>
        tpu.wait_indirect_dma semaphore(%arg9 : memref<!tpu.dma_semaphore, #tpu.memory_space<semaphore_mem>>) src(%dma_wait3A_379 : memref<10000x128xf32, #tpu.memory_space<hbm>>) dst(%dma_wait3A_373 : memref<128x128xf32, #tpu.memory_space<vmem>>)
        %lt3A = arith.constant 15 : i32
        %lt3A_380 = arith.cmpi slt, %scan3A_369, %lt3A : i32
        %convert_element_type3A_381 = arith.extui %lt3A_380 : i1 to i32
        %cond3A_382 = arith.constant 0 : i32
        %cond3A_383 = arith.cmpi ne, %convert_element_type3A_381, %cond3A_382 : i32
        scf.if %cond3A_383 {
          %add3A_384 = arith.constant 1 : i32
          %add3A_385 = arith.addi %scan3A_369, %add3A_384 : i32
          %sub3A = arith.constant 1 : i32
          %sub3A_386 = arith.subi %sub3A, %rem3A_370 : i32
          %dma_start3A_387 = arith.constant 0 : i32
          %dma_start3A_388 = arith.constant 0 : i32
          %dma_start3A_389 = tpu.memref_slice %arg8[%sub3A_386, %dma_start3A_387, %dma_start3A_388] : memref<2x128x128xf32, #tpu.memory_space<vmem>> -> memref<1x128x128xf32, #tpu.memory_space<vmem>>
          %dma_start3A_390 = tpu.memref_squeeze %dma_start3A_389 : memref<1x128x128xf32, #tpu.memory_space<vmem>> -> memref<128x128xf32, #tpu.memory_space<vmem>>
          %dma_start3A_391 = arith.constant 0 : i32
          %dma_start3A_392 = tpu.memref_slice %arg6[%add3A_385, %dma_start3A_391] : memref<16x128xi32, #tpu.memory_space<vmem>> -> memref<1x128xi32, #tpu.memory_space<vmem>>
          %dma_start3A_393 = tpu.memref_squeeze %dma_start3A_392 : memref<1x128xi32, #tpu.memory_space<vmem>> -> memref<128xi32, #tpu.memory_space<vmem>>
          %dma_start3A_394 = arith.constant 0 : i32
          %dma_start3A_395 = arith.constant 0 : i32
          %dma_start3A_396 = tpu.memref_slice %arg2[%dma_start3A_394, %dma_start3A_395] : memref<10000x128xf32, #tpu.memory_space<hbm>> -> memref<10000x128xf32, #tpu.memory_space<hbm>>
          tpu.enqueue_indirect_dma source(%dma_start3A_396 : memref<10000x128xf32, #tpu.memory_space<hbm>>) target(%dma_start3A_390 : memref<128x128xf32, #tpu.memory_space<vmem>>) offsets(%dma_start3A_393 : memref<128xi32, #tpu.memory_space<vmem>>) semaphore(%arg9 : memref<!tpu.dma_semaphore, #tpu.memory_space<semaphore_mem>>)
        } else {
        }
        "tpu.region"() ({
          %run_scoped3A_384 = tpu.sem_alloc : memref<!tpu.dma_semaphore, #tpu.memory_space<semaphore_mem>>
          %dma_start3A_385 = arith.constant 0 : i32
          %dma_start3A_386 = arith.constant 0 : i32
          %dma_start3A_387 = tpu.memref_slice %arg8[%rem3A_370, %dma_start3A_385, %dma_start3A_386] : memref<2x128x128xf32, #tpu.memory_space<vmem>> -> memref<1x128x128xf32, #tpu.memory_space<vmem>>
          %dma_start3A_388 = tpu.memref_squeeze %dma_start3A_387 : memref<1x128x128xf32, #tpu.memory_space<vmem>> -> memref<128x128xf32, #tpu.memory_space<vmem>>
          %dma_start3A_389 = arith.constant 0 : i32
          %dma_start3A_390 = tpu.memref_slice %arg7[%scan3A_369, %dma_start3A_389] : memref<16x128xi32, #tpu.memory_space<vmem>> -> memref<1x128xi32, #tpu.memory_space<vmem>>
          %dma_start3A_391 = tpu.memref_squeeze %dma_start3A_390 : memref<1x128xi32, #tpu.memory_space<vmem>> -> memref<128xi32, #tpu.memory_space<vmem>>
          %dma_start3A_392 = arith.constant 0 : i32
          %dma_start3A_393 = arith.constant 0 : i32
          %dma_start3A_394 = tpu.memref_slice %arg11[%dma_start3A_392, %dma_start3A_393] : memref<10240x128xf32, #tpu.memory_space<vmem_shared>> -> memref<10240x128xf32, #tpu.memory_space<vmem_shared>>
          tpu.enqueue_indirect_dma source(%dma_start3A_388 : memref<128x128xf32, #tpu.memory_space<vmem>>) target(%dma_start3A_394 : memref<10240x128xf32, #tpu.memory_space<vmem_shared>>) offsets(%dma_start3A_391 : memref<128xi32, #tpu.memory_space<vmem>>) semaphore(%run_scoped3A_384 : memref<!tpu.dma_semaphore, #tpu.memory_space<semaphore_mem>>) {add = true}
          %dma_wait3A_395 = arith.constant 0 : i32
          %dma_wait3A_396 = arith.constant 0 : i32
          %dma_wait3A_397 = tpu.memref_slice %arg8[%rem3A_370, %dma_wait3A_395, %dma_wait3A_396] : memref<2x128x128xf32, #tpu.memory_space<vmem>> -> memref<1x128x128xf32, #tpu.memory_space<vmem>>
          %dma_wait3A_398 = tpu.memref_squeeze %dma_wait3A_397 : memref<1x128x128xf32, #tpu.memory_space<vmem>> -> memref<128x128xf32, #tpu.memory_space<vmem>>
          %dma_wait3A_399 = arith.constant 0 : i32
          %dma_wait3A_400 = tpu.memref_slice %arg7[%scan3A_369, %dma_wait3A_399] : memref<16x128xi32, #tpu.memory_space<vmem>> -> memref<1x128xi32, #tpu.memory_space<vmem>>
          %dma_wait3A_401 = tpu.memref_squeeze %dma_wait3A_400 : memref<1x128xi32, #tpu.memory_space<vmem>> -> memref<128xi32, #tpu.memory_space<vmem>>
          %dma_wait3A_402 = arith.constant 0 : i32
          %dma_wait3A_403 = arith.constant 0 : i32
          %dma_wait3A_404 = tpu.memref_slice %arg11[%dma_wait3A_402, %dma_wait3A_403] : memref<10240x128xf32, #tpu.memory_space<vmem_shared>> -> memref<10240x128xf32, #tpu.memory_space<vmem_shared>>
          tpu.wait_indirect_dma semaphore(%run_scoped3A_384 : memref<!tpu.dma_semaphore, #tpu.memory_space<semaphore_mem>>) src(%dma_wait3A_398 : memref<128x128xf32, #tpu.memory_space<vmem>>) dst(%dma_wait3A_404 : memref<10240x128xf32, #tpu.memory_space<vmem_shared>>)
          tpu.yield
        }) : () -> ()
      }
      %scan3A_346 = arith.constant 16 : i32
      %mul3A_347 = arith.constant 128 : i32
      %mul3A_348 = arith.muli %arg1, %mul3A_347 : i32
      %add3A_349 = arith.constant 112 : i32
      %add3A_350 = arith.addi %mul3A_348, %add3A_349 : i32
      "tpu.region"() ({
        %run_scoped3A_369 = tpu.sem_alloc : memref<!tpu.dma_semaphore, #tpu.memory_space<semaphore_mem>>
        %dma_start3A_370 = arith.constant 0 : i32
        %dma_start3A_371 = tpu.memref_slice %arg3[%add3A_350, %dma_start3A_370] : memref<2560x128xi32, #tpu.memory_space<hbm>> -> memref<16x128xi32, #tpu.memory_space<hbm>>
        %dma_start3A_372 = arith.constant 0 : i32
        %dma_start3A_373 = tpu.memref_slice %arg3[%add3A_350, %dma_start3A_372] : memref<2560x128xi32, #tpu.memory_space<hbm>> -> memref<16x128xi32, #tpu.memory_space<hbm>>
        tpu.enqueue_dma source(%dma_start3A_373 : memref<16x128xi32, #tpu.memory_space<hbm>>) target(%arg6 : memref<16x128xi32, #tpu.memory_space<vmem>>) target_semaphore(%run_scoped3A_369 : memref<!tpu.dma_semaphore, #tpu.memory_space<semaphore_mem>>)
        %dma_wait3A = arith.constant 0 : i32
        %dma_wait3A_374 = tpu.memref_slice %arg3[%add3A_350, %dma_wait3A] : memref<2560x128xi32, #tpu.memory_space<hbm>> -> memref<16x128xi32, #tpu.memory_space<hbm>>
        %dma_wait3A_375 = arith.constant 0 : i32
        %dma_wait3A_376 = tpu.memref_slice %arg3[%add3A_350, %dma_wait3A_375] : memref<2560x128xi32, #tpu.memory_space<hbm>> -> memref<16x128xi32, #tpu.memory_space<hbm>>
        tpu.wait_dma2 semaphore(%run_scoped3A_369 : memref<!tpu.dma_semaphore, #tpu.memory_space<semaphore_mem>>) src(%dma_wait3A_376 : memref<16x128xi32, #tpu.memory_space<hbm>>) dst(%arg6 : memref<16x128xi32, #tpu.memory_space<vmem>>)
        tpu.yield
      }) : () -> ()
      "tpu.region"() ({
        %run_scoped3A_369 = tpu.sem_alloc : memref<!tpu.dma_semaphore, #tpu.memory_space<semaphore_mem>>
        %dma_start3A_370 = arith.constant 0 : i32
        %dma_start3A_371 = tpu.memref_slice %arg4[%add3A_350, %dma_start3A_370] : memref<2560x128xi32, #tpu.memory_space<hbm>> -> memref<16x128xi32, #tpu.memory_space<hbm>>
        %dma_start3A_372 = arith.constant 0 : i32
        %dma_start3A_373 = tpu.memref_slice %arg4[%add3A_350, %dma_start3A_372] : memref<2560x128xi32, #tpu.memory_space<hbm>> -> memref<16x128xi32, #tpu.memory_space<hbm>>
        tpu.enqueue_dma source(%dma_start3A_373 : memref<16x128xi32, #tpu.memory_space<hbm>>) target(%arg7 : memref<16x128xi32, #tpu.memory_space<vmem>>) target_semaphore(%run_scoped3A_369 : memref<!tpu.dma_semaphore, #tpu.memory_space<semaphore_mem>>)
        %dma_wait3A = arith.constant 0 : i32
        %dma_wait3A_374 = tpu.memref_slice %arg4[%add3A_350, %dma_wait3A] : memref<2560x128xi32, #tpu.memory_space<hbm>> -> memref<16x128xi32, #tpu.memory_space<hbm>>
        %dma_wait3A_375 = arith.constant 0 : i32
        %dma_wait3A_376 = tpu.memref_slice %arg4[%add3A_350, %dma_wait3A_375] : memref<2560x128xi32, #tpu.memory_space<hbm>> -> memref<16x128xi32, #tpu.memory_space<hbm>>
        tpu.wait_dma2 semaphore(%run_scoped3A_369 : memref<!tpu.dma_semaphore, #tpu.memory_space<semaphore_mem>>) src(%dma_wait3A_376 : memref<16x128xi32, #tpu.memory_space<hbm>>) dst(%arg7 : memref<16x128xi32, #tpu.memory_space<vmem>>)
        tpu.yield
      }) : () -> ()
      %dma_start3A_351 = arith.constant 0 : i32
      %dma_start3A_352 = arith.constant 0 : i32
      %dma_start3A_353 = arith.constant 0 : i32
      %dma_start3A_354 = arith.constant 0 : i32
      %dma_start3A_355 = tpu.memref_slice %arg8[%dma_start3A_352, %dma_start3A_353, %dma_start3A_354] : memref<2x128x128xf32, #tpu.memory_space<vmem>> -> memref<1x128x128xf32, #tpu.memory_space<vmem>>
      %dma_start3A_356 = tpu.memref_squeeze %dma_start3A_355 : memref<1x128x128xf32, #tpu.memory_space<vmem>> -> memref<128x128xf32, #tpu.memory_space<vmem>>
      %dma_start3A_357 = arith.constant 0 : i32
      %dma_start3A_358 = tpu.memref_slice %arg6[%dma_start3A_351, %dma_start3A_357] : memref<16x128xi32, #tpu.memory_space<vmem>> -> memref<1x128xi32, #tpu.memory_space<vmem>>
      %dma_start3A_359 = tpu.memref_squeeze %dma_start3A_358 : memref<1x128xi32, #tpu.memory_space<vmem>> -> memref<128xi32, #tpu.memory_space<vmem>>
      %dma_start3A_360 = arith.constant 0 : i32
      %dma_start3A_361 = arith.constant 0 : i32
      %dma_start3A_362 = tpu.memref_slice %arg2[%dma_start3A_360, %dma_start3A_361] : memref<10000x128xf32, #tpu.memory_space<hbm>> -> memref<10000x128xf32, #tpu.memory_space<hbm>>
      tpu.enqueue_indirect_dma source(%dma_start3A_362 : memref<10000x128xf32, #tpu.memory_space<hbm>>) target(%dma_start3A_356 : memref<128x128xf32, #tpu.memory_space<vmem>>) offsets(%dma_start3A_359 : memref<128xi32, #tpu.memory_space<vmem>>) semaphore(%arg9 : memref<!tpu.dma_semaphore, #tpu.memory_space<semaphore_mem>>)
      %scan3A_363 = arith.constant 0 : i32
      %scan3A_364 = arith.constant 0 : i32
      %scan3A_365 = arith.constant 16 : i32
      %scan3A_366 = arith.addi %scan3A_364, %scan3A_365 : i32
      %scan3A_367 = arith.constant 1 : i32
      scf.for %scan3A_369 = %scan3A_364 to %scan3A_366 step %scan3A_367  : i32 {
        %rem3A = arith.constant 2 : i32
        %rem3A_370 = arith.remsi %scan3A_369, %rem3A : i32
        %dma_wait3A = arith.constant 0 : i32
        %dma_wait3A_371 = arith.constant 0 : i32
        %dma_wait3A_372 = tpu.memref_slice %arg8[%rem3A_370, %dma_wait3A, %dma_wait3A_371] : memref<2x128x128xf32, #tpu.memory_space<vmem>> -> memref<1x128x128xf32, #tpu.memory_space<vmem>>
        %dma_wait3A_373 = tpu.memref_squeeze %dma_wait3A_372 : memref<1x128x128xf32, #tpu.memory_space<vmem>> -> memref<128x128xf32, #tpu.memory_space<vmem>>
        %dma_wait3A_374 = arith.constant 0 : i32
        %dma_wait3A_375 = tpu.memref_slice %arg6[%scan3A_369, %dma_wait3A_374] : memref<16x128xi32, #tpu.memory_space<vmem>> -> memref<1x128xi32, #tpu.memory_space<vmem>>
        %dma_wait3A_376 = tpu.memref_squeeze %dma_wait3A_375 : memref<1x128xi32, #tpu.memory_space<vmem>> -> memref<128xi32, #tpu.memory_space<vmem>>
        %dma_wait3A_377 = arith.constant 0 : i32
        %dma_wait3A_378 = arith.constant 0 : i32
        %dma_wait3A_379 = tpu.memref_slice %arg2[%dma_wait3A_377, %dma_wait3A_378] : memref<10000x128xf32, #tpu.memory_space<hbm>> -> memref<10000x128xf32, #tpu.memory_space<hbm>>
        tpu.wait_indirect_dma semaphore(%arg9 : memref<!tpu.dma_semaphore, #tpu.memory_space<semaphore_mem>>) src(%dma_wait3A_379 : memref<10000x128xf32, #tpu.memory_space<hbm>>) dst(%dma_wait3A_373 : memref<128x128xf32, #tpu.memory_space<vmem>>)
        %lt3A = arith.constant 15 : i32
        %lt3A_380 = arith.cmpi slt, %scan3A_369, %lt3A : i32
        %convert_element_type3A_381 = arith.extui %lt3A_380 : i1 to i32
        %cond3A_382 = arith.constant 0 : i32
        %cond3A_383 = arith.cmpi ne, %convert_element_type3A_381, %cond3A_382 : i32
        scf.if %cond3A_383 {
          %add3A_384 = arith.constant 1 : i32
          %add3A_385 = arith.addi %scan3A_369, %add3A_384 : i32
          %sub3A = arith.constant 1 : i32
          %sub3A_386 = arith.subi %sub3A, %rem3A_370 : i32
          %dma_start3A_387 = arith.constant 0 : i32
          %dma_start3A_388 = arith.constant 0 : i32
          %dma_start3A_389 = tpu.memref_slice %arg8[%sub3A_386, %dma_start3A_387, %dma_start3A_388] : memref<2x128x128xf32, #tpu.memory_space<vmem>> -> memref<1x128x128xf32, #tpu.memory_space<vmem>>
          %dma_start3A_390 = tpu.memref_squeeze %dma_start3A_389 : memref<1x128x128xf32, #tpu.memory_space<vmem>> -> memref<128x128xf32, #tpu.memory_space<vmem>>
          %dma_start3A_391 = arith.constant 0 : i32
          %dma_start3A_392 = tpu.memref_slice %arg6[%add3A_385, %dma_start3A_391] : memref<16x128xi32, #tpu.memory_space<vmem>> -> memref<1x128xi32, #tpu.memory_space<vmem>>
          %dma_start3A_393 = tpu.memref_squeeze %dma_start3A_392 : memref<1x128xi32, #tpu.memory_space<vmem>> -> memref<128xi32, #tpu.memory_space<vmem>>
          %dma_start3A_394 = arith.constant 0 : i32
          %dma_start3A_395 = arith.constant 0 : i32
          %dma_start3A_396 = tpu.memref_slice %arg2[%dma_start3A_394, %dma_start3A_395] : memref<10000x128xf32, #tpu.memory_space<hbm>> -> memref<10000x128xf32, #tpu.memory_space<hbm>>
          tpu.enqueue_indirect_dma source(%dma_start3A_396 : memref<10000x128xf32, #tpu.memory_space<hbm>>) target(%dma_start3A_390 : memref<128x128xf32, #tpu.memory_space<vmem>>) offsets(%dma_start3A_393 : memref<128xi32, #tpu.memory_space<vmem>>) semaphore(%arg9 : memref<!tpu.dma_semaphore, #tpu.memory_space<semaphore_mem>>)
        } else {
        }
        "tpu.region"() ({
          %run_scoped3A_384 = tpu.sem_alloc : memref<!tpu.dma_semaphore, #tpu.memory_space<semaphore_mem>>
          %dma_start3A_385 = arith.constant 0 : i32
          %dma_start3A_386 = arith.constant 0 : i32
          %dma_start3A_387 = tpu.memref_slice %arg8[%rem3A_370, %dma_start3A_385, %dma_start3A_386] : memref<2x128x128xf32, #tpu.memory_space<vmem>> -> memref<1x128x128xf32, #tpu.memory_space<vmem>>
          %dma_start3A_388 = tpu.memref_squeeze %dma_start3A_387 : memref<1x128x128xf32, #tpu.memory_space<vmem>> -> memref<128x128xf32, #tpu.memory_space<vmem>>
          %dma_start3A_389 = arith.constant 0 : i32
          %dma_start3A_390 = tpu.memref_slice %arg7[%scan3A_369, %dma_start3A_389] : memref<16x128xi32, #tpu.memory_space<vmem>> -> memref<1x128xi32, #tpu.memory_space<vmem>>
          %dma_start3A_391 = tpu.memref_squeeze %dma_start3A_390 : memref<1x128xi32, #tpu.memory_space<vmem>> -> memref<128xi32, #tpu.memory_space<vmem>>
          %dma_start3A_392 = arith.constant 0 : i32
          %dma_start3A_393 = arith.constant 0 : i32
          %dma_start3A_394 = tpu.memref_slice %arg11[%dma_start3A_392, %dma_start3A_393] : memref<10240x128xf32, #tpu.memory_space<vmem_shared>> -> memref<10240x128xf32, #tpu.memory_space<vmem_shared>>
          tpu.enqueue_indirect_dma source(%dma_start3A_388 : memref<128x128xf32, #tpu.memory_space<vmem>>) target(%dma_start3A_394 : memref<10240x128xf32, #tpu.memory_space<vmem_shared>>) offsets(%dma_start3A_391 : memref<128xi32, #tpu.memory_space<vmem>>) semaphore(%run_scoped3A_384 : memref<!tpu.dma_semaphore, #tpu.memory_space<semaphore_mem>>) {add = true}
          %dma_wait3A_395 = arith.constant 0 : i32
          %dma_wait3A_396 = arith.constant 0 : i32
          %dma_wait3A_397 = tpu.memref_slice %arg8[%rem3A_370, %dma_wait3A_395, %dma_wait3A_396] : memref<2x128x128xf32, #tpu.memory_space<vmem>> -> memref<1x128x128xf32, #tpu.memory_space<vmem>>
          %dma_wait3A_398 = tpu.memref_squeeze %dma_wait3A_397 : memref<1x128x128xf32, #tpu.memory_space<vmem>> -> memref<128x128xf32, #tpu.memory_space<vmem>>
          %dma_wait3A_399 = arith.constant 0 : i32
          %dma_wait3A_400 = tpu.memref_slice %arg7[%scan3A_369, %dma_wait3A_399] : memref<16x128xi32, #tpu.memory_space<vmem>> -> memref<1x128xi32, #tpu.memory_space<vmem>>
          %dma_wait3A_401 = tpu.memref_squeeze %dma_wait3A_400 : memref<1x128xi32, #tpu.memory_space<vmem>> -> memref<128xi32, #tpu.memory_space<vmem>>
          %dma_wait3A_402 = arith.constant 0 : i32
          %dma_wait3A_403 = arith.constant 0 : i32
          %dma_wait3A_404 = tpu.memref_slice %arg11[%dma_wait3A_402, %dma_wait3A_403] : memref<10240x128xf32, #tpu.memory_space<vmem_shared>> -> memref<10240x128xf32, #tpu.memory_space<vmem_shared>>
          tpu.wait_indirect_dma semaphore(%run_scoped3A_384 : memref<!tpu.dma_semaphore, #tpu.memory_space<semaphore_mem>>) src(%dma_wait3A_398 : memref<128x128xf32, #tpu.memory_space<vmem>>) dst(%dma_wait3A_404 : memref<10240x128xf32, #tpu.memory_space<vmem_shared>>)
          tpu.yield
        }) : () -> ()
      }
      %scan3A_368 = arith.constant 16 : i32
    } else {
    }
    %eq3A_58 = arith.constant 1 : i32
    %eq3A_59 = arith.cmpi eq, %arg0, %eq3A_58 : i32
    %convert_element_type3A_60 = arith.extui %eq3A_59 : i1 to i32
    %cond3A_61 = arith.constant 0 : i32
    %cond3A_62 = arith.cmpi ne, %convert_element_type3A_60, %cond3A_61 : i32
    scf.if %cond3A_62 {
      %mul3A_194 = arith.constant 32 : i32
      %mul3A_195 = arith.muli %arg1, %mul3A_194 : i32
      %add3A_196 = arith.constant 2048 : i32
      %add3A_197 = arith.addi %add3A_196, %mul3A_195 : i32
      %add3A_198 = arith.constant 0 : i32
      %add3A_199 = arith.addi %add3A_197, %add3A_198 : i32
      "tpu.region"() ({
        %run_scoped3A_241 = tpu.sem_alloc : memref<!tpu.dma_semaphore, #tpu.memory_space<semaphore_mem>>
        %dma_start3A_242 = arith.constant 0 : i32
        %dma_start3A_243 = tpu.memref_slice %arg3[%add3A_199, %dma_start3A_242] : memref<2560x128xi32, #tpu.memory_space<hbm>> -> memref<16x128xi32, #tpu.memory_space<hbm>>
        %dma_start3A_244 = arith.constant 0 : i32
        %dma_start3A_245 = tpu.memref_slice %arg3[%add3A_199, %dma_start3A_244] : memref<2560x128xi32, #tpu.memory_space<hbm>> -> memref<16x128xi32, #tpu.memory_space<hbm>>
        tpu.enqueue_dma source(%dma_start3A_245 : memref<16x128xi32, #tpu.memory_space<hbm>>) target(%arg6 : memref<16x128xi32, #tpu.memory_space<vmem>>) target_semaphore(%run_scoped3A_241 : memref<!tpu.dma_semaphore, #tpu.memory_space<semaphore_mem>>)
        %dma_wait3A = arith.constant 0 : i32
        %dma_wait3A_246 = tpu.memref_slice %arg3[%add3A_199, %dma_wait3A] : memref<2560x128xi32, #tpu.memory_space<hbm>> -> memref<16x128xi32, #tpu.memory_space<hbm>>
        %dma_wait3A_247 = arith.constant 0 : i32
        %dma_wait3A_248 = tpu.memref_slice %arg3[%add3A_199, %dma_wait3A_247] : memref<2560x128xi32, #tpu.memory_space<hbm>> -> memref<16x128xi32, #tpu.memory_space<hbm>>
        tpu.wait_dma2 semaphore(%run_scoped3A_241 : memref<!tpu.dma_semaphore, #tpu.memory_space<semaphore_mem>>) src(%dma_wait3A_248 : memref<16x128xi32, #tpu.memory_space<hbm>>) dst(%arg6 : memref<16x128xi32, #tpu.memory_space<vmem>>)
        tpu.yield
      }) : () -> ()
      "tpu.region"() ({
        %run_scoped3A_241 = tpu.sem_alloc : memref<!tpu.dma_semaphore, #tpu.memory_space<semaphore_mem>>
        %dma_start3A_242 = arith.constant 0 : i32
        %dma_start3A_243 = tpu.memref_slice %arg4[%add3A_199, %dma_start3A_242] : memref<2560x128xi32, #tpu.memory_space<hbm>> -> memref<16x128xi32, #tpu.memory_space<hbm>>
        %dma_start3A_244 = arith.constant 0 : i32
        %dma_start3A_245 = tpu.memref_slice %arg4[%add3A_199, %dma_start3A_244] : memref<2560x128xi32, #tpu.memory_space<hbm>> -> memref<16x128xi32, #tpu.memory_space<hbm>>
        tpu.enqueue_dma source(%dma_start3A_245 : memref<16x128xi32, #tpu.memory_space<hbm>>) target(%arg7 : memref<16x128xi32, #tpu.memory_space<vmem>>) target_semaphore(%run_scoped3A_241 : memref<!tpu.dma_semaphore, #tpu.memory_space<semaphore_mem>>)
        %dma_wait3A = arith.constant 0 : i32
        %dma_wait3A_246 = tpu.memref_slice %arg4[%add3A_199, %dma_wait3A] : memref<2560x128xi32, #tpu.memory_space<hbm>> -> memref<16x128xi32, #tpu.memory_space<hbm>>
        %dma_wait3A_247 = arith.constant 0 : i32
        %dma_wait3A_248 = tpu.memref_slice %arg4[%add3A_199, %dma_wait3A_247] : memref<2560x128xi32, #tpu.memory_space<hbm>> -> memref<16x128xi32, #tpu.memory_space<hbm>>
        tpu.wait_dma2 semaphore(%run_scoped3A_241 : memref<!tpu.dma_semaphore, #tpu.memory_space<semaphore_mem>>) src(%dma_wait3A_248 : memref<16x128xi32, #tpu.memory_space<hbm>>) dst(%arg7 : memref<16x128xi32, #tpu.memory_space<vmem>>)
        tpu.yield
      }) : () -> ()
      %dma_start3A = arith.constant 0 : i32
      %dma_start3A_200 = arith.constant 0 : i32
      %dma_start3A_201 = arith.constant 0 : i32
      %dma_start3A_202 = arith.constant 0 : i32
      %dma_start3A_203 = tpu.memref_slice %arg8[%dma_start3A_200, %dma_start3A_201, %dma_start3A_202] : memref<2x128x128xf32, #tpu.memory_space<vmem>> -> memref<1x128x128xf32, #tpu.memory_space<vmem>>
      %dma_start3A_204 = tpu.memref_squeeze %dma_start3A_203 : memref<1x128x128xf32, #tpu.memory_space<vmem>> -> memref<128x128xf32, #tpu.memory_space<vmem>>
      %dma_start3A_205 = arith.constant 0 : i32
      %dma_start3A_206 = tpu.memref_slice %arg6[%dma_start3A, %dma_start3A_205] : memref<16x128xi32, #tpu.memory_space<vmem>> -> memref<1x128xi32, #tpu.memory_space<vmem>>
      %dma_start3A_207 = tpu.memref_squeeze %dma_start3A_206 : memref<1x128xi32, #tpu.memory_space<vmem>> -> memref<128xi32, #tpu.memory_space<vmem>>
      %dma_start3A_208 = arith.constant 0 : i32
      %dma_start3A_209 = arith.constant 0 : i32
      %dma_start3A_210 = tpu.memref_slice %arg2[%dma_start3A_208, %dma_start3A_209] : memref<10000x128xf32, #tpu.memory_space<hbm>> -> memref<10000x128xf32, #tpu.memory_space<hbm>>
      tpu.enqueue_indirect_dma source(%dma_start3A_210 : memref<10000x128xf32, #tpu.memory_space<hbm>>) target(%dma_start3A_204 : memref<128x128xf32, #tpu.memory_space<vmem>>) offsets(%dma_start3A_207 : memref<128xi32, #tpu.memory_space<vmem>>) semaphore(%arg9 : memref<!tpu.dma_semaphore, #tpu.memory_space<semaphore_mem>>)
      %scan3A_211 = arith.constant 0 : i32
      %scan3A_212 = arith.constant 0 : i32
      %scan3A_213 = arith.constant 16 : i32
      %scan3A_214 = arith.addi %scan3A_212, %scan3A_213 : i32
      %scan3A_215 = arith.constant 1 : i32
      scf.for %scan3A_241 = %scan3A_212 to %scan3A_214 step %scan3A_215  : i32 {
        %rem3A = arith.constant 2 : i32
        %rem3A_242 = arith.remsi %scan3A_241, %rem3A : i32
        %dma_wait3A = arith.constant 0 : i32
        %dma_wait3A_243 = arith.constant 0 : i32
        %dma_wait3A_244 = tpu.memref_slice %arg8[%rem3A_242, %dma_wait3A, %dma_wait3A_243] : memref<2x128x128xf32, #tpu.memory_space<vmem>> -> memref<1x128x128xf32, #tpu.memory_space<vmem>>
        %dma_wait3A_245 = tpu.memref_squeeze %dma_wait3A_244 : memref<1x128x128xf32, #tpu.memory_space<vmem>> -> memref<128x128xf32, #tpu.memory_space<vmem>>
        %dma_wait3A_246 = arith.constant 0 : i32
        %dma_wait3A_247 = tpu.memref_slice %arg6[%scan3A_241, %dma_wait3A_246] : memref<16x128xi32, #tpu.memory_space<vmem>> -> memref<1x128xi32, #tpu.memory_space<vmem>>
        %dma_wait3A_248 = tpu.memref_squeeze %dma_wait3A_247 : memref<1x128xi32, #tpu.memory_space<vmem>> -> memref<128xi32, #tpu.memory_space<vmem>>
        %dma_wait3A_249 = arith.constant 0 : i32
        %dma_wait3A_250 = arith.constant 0 : i32
        %dma_wait3A_251 = tpu.memref_slice %arg2[%dma_wait3A_249, %dma_wait3A_250] : memref<10000x128xf32, #tpu.memory_space<hbm>> -> memref<10000x128xf32, #tpu.memory_space<hbm>>
        tpu.wait_indirect_dma semaphore(%arg9 : memref<!tpu.dma_semaphore, #tpu.memory_space<semaphore_mem>>) src(%dma_wait3A_251 : memref<10000x128xf32, #tpu.memory_space<hbm>>) dst(%dma_wait3A_245 : memref<128x128xf32, #tpu.memory_space<vmem>>)
        %lt3A = arith.constant 15 : i32
        %lt3A_252 = arith.cmpi slt, %scan3A_241, %lt3A : i32
        %convert_element_type3A_253 = arith.extui %lt3A_252 : i1 to i32
        %cond3A_254 = arith.constant 0 : i32
        %cond3A_255 = arith.cmpi ne, %convert_element_type3A_253, %cond3A_254 : i32
        scf.if %cond3A_255 {
          %add3A_256 = arith.constant 1 : i32
          %add3A_257 = arith.addi %scan3A_241, %add3A_256 : i32
          %sub3A = arith.constant 1 : i32
          %sub3A_258 = arith.subi %sub3A, %rem3A_242 : i32
          %dma_start3A_259 = arith.constant 0 : i32
          %dma_start3A_260 = arith.constant 0 : i32
          %dma_start3A_261 = tpu.memref_slice %arg8[%sub3A_258, %dma_start3A_259, %dma_start3A_260] : memref<2x128x128xf32, #tpu.memory_space<vmem>> -> memref<1x128x128xf32, #tpu.memory_space<vmem>>
          %dma_start3A_262 = tpu.memref_squeeze %dma_start3A_261 : memref<1x128x128xf32, #tpu.memory_space<vmem>> -> memref<128x128xf32, #tpu.memory_space<vmem>>
          %dma_start3A_263 = arith.constant 0 : i32
          %dma_start3A_264 = tpu.memref_slice %arg6[%add3A_257, %dma_start3A_263] : memref<16x128xi32, #tpu.memory_space<vmem>> -> memref<1x128xi32, #tpu.memory_space<vmem>>
          %dma_start3A_265 = tpu.memref_squeeze %dma_start3A_264 : memref<1x128xi32, #tpu.memory_space<vmem>> -> memref<128xi32, #tpu.memory_space<vmem>>
          %dma_start3A_266 = arith.constant 0 : i32
          %dma_start3A_267 = arith.constant 0 : i32
          %dma_start3A_268 = tpu.memref_slice %arg2[%dma_start3A_266, %dma_start3A_267] : memref<10000x128xf32, #tpu.memory_space<hbm>> -> memref<10000x128xf32, #tpu.memory_space<hbm>>
          tpu.enqueue_indirect_dma source(%dma_start3A_268 : memref<10000x128xf32, #tpu.memory_space<hbm>>) target(%dma_start3A_262 : memref<128x128xf32, #tpu.memory_space<vmem>>) offsets(%dma_start3A_265 : memref<128xi32, #tpu.memory_space<vmem>>) semaphore(%arg9 : memref<!tpu.dma_semaphore, #tpu.memory_space<semaphore_mem>>)
        } else {
        }
        "tpu.region"() ({
          %run_scoped3A_256 = tpu.sem_alloc : memref<!tpu.dma_semaphore, #tpu.memory_space<semaphore_mem>>
          %dma_start3A_257 = arith.constant 0 : i32
          %dma_start3A_258 = arith.constant 0 : i32
          %dma_start3A_259 = tpu.memref_slice %arg8[%rem3A_242, %dma_start3A_257, %dma_start3A_258] : memref<2x128x128xf32, #tpu.memory_space<vmem>> -> memref<1x128x128xf32, #tpu.memory_space<vmem>>
          %dma_start3A_260 = tpu.memref_squeeze %dma_start3A_259 : memref<1x128x128xf32, #tpu.memory_space<vmem>> -> memref<128x128xf32, #tpu.memory_space<vmem>>
          %dma_start3A_261 = arith.constant 0 : i32
          %dma_start3A_262 = tpu.memref_slice %arg7[%scan3A_241, %dma_start3A_261] : memref<16x128xi32, #tpu.memory_space<vmem>> -> memref<1x128xi32, #tpu.memory_space<vmem>>
          %dma_start3A_263 = tpu.memref_squeeze %dma_start3A_262 : memref<1x128xi32, #tpu.memory_space<vmem>> -> memref<128xi32, #tpu.memory_space<vmem>>
          %dma_start3A_264 = arith.constant 0 : i32
          %dma_start3A_265 = arith.constant 0 : i32
          %dma_start3A_266 = tpu.memref_slice %arg11[%dma_start3A_264, %dma_start3A_265] : memref<10240x128xf32, #tpu.memory_space<vmem_shared>> -> memref<10240x128xf32, #tpu.memory_space<vmem_shared>>
          tpu.enqueue_indirect_dma source(%dma_start3A_260 : memref<128x128xf32, #tpu.memory_space<vmem>>) target(%dma_start3A_266 : memref<10240x128xf32, #tpu.memory_space<vmem_shared>>) offsets(%dma_start3A_263 : memref<128xi32, #tpu.memory_space<vmem>>) semaphore(%run_scoped3A_256 : memref<!tpu.dma_semaphore, #tpu.memory_space<semaphore_mem>>) {add = true}
          %dma_wait3A_267 = arith.constant 0 : i32
          %dma_wait3A_268 = arith.constant 0 : i32
          %dma_wait3A_269 = tpu.memref_slice %arg8[%rem3A_242, %dma_wait3A_267, %dma_wait3A_268] : memref<2x128x128xf32, #tpu.memory_space<vmem>> -> memref<1x128x128xf32, #tpu.memory_space<vmem>>
          %dma_wait3A_270 = tpu.memref_squeeze %dma_wait3A_269 : memref<1x128x128xf32, #tpu.memory_space<vmem>> -> memref<128x128xf32, #tpu.memory_space<vmem>>
          %dma_wait3A_271 = arith.constant 0 : i32
          %dma_wait3A_272 = tpu.memref_slice %arg7[%scan3A_241, %dma_wait3A_271] : memref<16x128xi32, #tpu.memory_space<vmem>> -> memref<1x128xi32, #tpu.memory_space<vmem>>
          %dma_wait3A_273 = tpu.memref_squeeze %dma_wait3A_272 : memref<1x128xi32, #tpu.memory_space<vmem>> -> memref<128xi32, #tpu.memory_space<vmem>>
          %dma_wait3A_274 = arith.constant 0 : i32
          %dma_wait3A_275 = arith.constant 0 : i32
          %dma_wait3A_276 = tpu.memref_slice %arg11[%dma_wait3A_274, %dma_wait3A_275] : memref<10240x128xf32, #tpu.memory_space<vmem_shared>> -> memref<10240x128xf32, #tpu.memory_space<vmem_shared>>
          tpu.wait_indirect_dma semaphore(%run_scoped3A_256 : memref<!tpu.dma_semaphore, #tpu.memory_space<semaphore_mem>>) src(%dma_wait3A_270 : memref<128x128xf32, #tpu.memory_space<vmem>>) dst(%dma_wait3A_276 : memref<10240x128xf32, #tpu.memory_space<vmem_shared>>)
          tpu.yield
        }) : () -> ()
      }
      %scan3A_216 = arith.constant 16 : i32
      %mul3A_217 = arith.constant 32 : i32
      %mul3A_218 = arith.muli %arg1, %mul3A_217 : i32
      %add3A_219 = arith.constant 2048 : i32
      %add3A_220 = arith.addi %add3A_219, %mul3A_218 : i32
      %add3A_221 = arith.constant 16 : i32
      %add3A_222 = arith.addi %add3A_220, %add3A_221 : i32
      "tpu.region"() ({
        %run_scoped3A_241 = tpu.sem_alloc : memref<!tpu.dma_semaphore, #tpu.memory_space<semaphore_mem>>
        %dma_start3A_242 = arith.constant 0 : i32
        %dma_start3A_243 = tpu.memref_slice %arg3[%add3A_222, %dma_start3A_242] : memref<2560x128xi32, #tpu.memory_space<hbm>> -> memref<16x128xi32, #tpu.memory_space<hbm>>
        %dma_start3A_244 = arith.constant 0 : i32
        %dma_start3A_245 = tpu.memref_slice %arg3[%add3A_222, %dma_start3A_244] : memref<2560x128xi32, #tpu.memory_space<hbm>> -> memref<16x128xi32, #tpu.memory_space<hbm>>
        tpu.enqueue_dma source(%dma_start3A_245 : memref<16x128xi32, #tpu.memory_space<hbm>>) target(%arg6 : memref<16x128xi32, #tpu.memory_space<vmem>>) target_semaphore(%run_scoped3A_241 : memref<!tpu.dma_semaphore, #tpu.memory_space<semaphore_mem>>)
        %dma_wait3A = arith.constant 0 : i32
        %dma_wait3A_246 = tpu.memref_slice %arg3[%add3A_222, %dma_wait3A] : memref<2560x128xi32, #tpu.memory_space<hbm>> -> memref<16x128xi32, #tpu.memory_space<hbm>>
        %dma_wait3A_247 = arith.constant 0 : i32
        %dma_wait3A_248 = tpu.memref_slice %arg3[%add3A_222, %dma_wait3A_247] : memref<2560x128xi32, #tpu.memory_space<hbm>> -> memref<16x128xi32, #tpu.memory_space<hbm>>
        tpu.wait_dma2 semaphore(%run_scoped3A_241 : memref<!tpu.dma_semaphore, #tpu.memory_space<semaphore_mem>>) src(%dma_wait3A_248 : memref<16x128xi32, #tpu.memory_space<hbm>>) dst(%arg6 : memref<16x128xi32, #tpu.memory_space<vmem>>)
        tpu.yield
      }) : () -> ()
      "tpu.region"() ({
        %run_scoped3A_241 = tpu.sem_alloc : memref<!tpu.dma_semaphore, #tpu.memory_space<semaphore_mem>>
        %dma_start3A_242 = arith.constant 0 : i32
        %dma_start3A_243 = tpu.memref_slice %arg4[%add3A_222, %dma_start3A_242] : memref<2560x128xi32, #tpu.memory_space<hbm>> -> memref<16x128xi32, #tpu.memory_space<hbm>>
        %dma_start3A_244 = arith.constant 0 : i32
        %dma_start3A_245 = tpu.memref_slice %arg4[%add3A_222, %dma_start3A_244] : memref<2560x128xi32, #tpu.memory_space<hbm>> -> memref<16x128xi32, #tpu.memory_space<hbm>>
        tpu.enqueue_dma source(%dma_start3A_245 : memref<16x128xi32, #tpu.memory_space<hbm>>) target(%arg7 : memref<16x128xi32, #tpu.memory_space<vmem>>) target_semaphore(%run_scoped3A_241 : memref<!tpu.dma_semaphore, #tpu.memory_space<semaphore_mem>>)
        %dma_wait3A = arith.constant 0 : i32
        %dma_wait3A_246 = tpu.memref_slice %arg4[%add3A_222, %dma_wait3A] : memref<2560x128xi32, #tpu.memory_space<hbm>> -> memref<16x128xi32, #tpu.memory_space<hbm>>
        %dma_wait3A_247 = arith.constant 0 : i32
        %dma_wait3A_248 = tpu.memref_slice %arg4[%add3A_222, %dma_wait3A_247] : memref<2560x128xi32, #tpu.memory_space<hbm>> -> memref<16x128xi32, #tpu.memory_space<hbm>>
        tpu.wait_dma2 semaphore(%run_scoped3A_241 : memref<!tpu.dma_semaphore, #tpu.memory_space<semaphore_mem>>) src(%dma_wait3A_248 : memref<16x128xi32, #tpu.memory_space<hbm>>) dst(%arg7 : memref<16x128xi32, #tpu.memory_space<vmem>>)
        tpu.yield
      }) : () -> ()
      %dma_start3A_223 = arith.constant 0 : i32
      %dma_start3A_224 = arith.constant 0 : i32
      %dma_start3A_225 = arith.constant 0 : i32
      %dma_start3A_226 = arith.constant 0 : i32
      %dma_start3A_227 = tpu.memref_slice %arg8[%dma_start3A_224, %dma_start3A_225, %dma_start3A_226] : memref<2x128x128xf32, #tpu.memory_space<vmem>> -> memref<1x128x128xf32, #tpu.memory_space<vmem>>
      %dma_start3A_228 = tpu.memref_squeeze %dma_start3A_227 : memref<1x128x128xf32, #tpu.memory_space<vmem>> -> memref<128x128xf32, #tpu.memory_space<vmem>>
      %dma_start3A_229 = arith.constant 0 : i32
      %dma_start3A_230 = tpu.memref_slice %arg6[%dma_start3A_223, %dma_start3A_229] : memref<16x128xi32, #tpu.memory_space<vmem>> -> memref<1x128xi32, #tpu.memory_space<vmem>>
      %dma_start3A_231 = tpu.memref_squeeze %dma_start3A_230 : memref<1x128xi32, #tpu.memory_space<vmem>> -> memref<128xi32, #tpu.memory_space<vmem>>
      %dma_start3A_232 = arith.constant 0 : i32
      %dma_start3A_233 = arith.constant 0 : i32
      %dma_start3A_234 = tpu.memref_slice %arg2[%dma_start3A_232, %dma_start3A_233] : memref<10000x128xf32, #tpu.memory_space<hbm>> -> memref<10000x128xf32, #tpu.memory_space<hbm>>
      tpu.enqueue_indirect_dma source(%dma_start3A_234 : memref<10000x128xf32, #tpu.memory_space<hbm>>) target(%dma_start3A_228 : memref<128x128xf32, #tpu.memory_space<vmem>>) offsets(%dma_start3A_231 : memref<128xi32, #tpu.memory_space<vmem>>) semaphore(%arg9 : memref<!tpu.dma_semaphore, #tpu.memory_space<semaphore_mem>>)
      %scan3A_235 = arith.constant 0 : i32
      %scan3A_236 = arith.constant 0 : i32
      %scan3A_237 = arith.constant 16 : i32
      %scan3A_238 = arith.addi %scan3A_236, %scan3A_237 : i32
      %scan3A_239 = arith.constant 1 : i32
      scf.for %scan3A_241 = %scan3A_236 to %scan3A_238 step %scan3A_239  : i32 {
        %rem3A = arith.constant 2 : i32
        %rem3A_242 = arith.remsi %scan3A_241, %rem3A : i32
        %dma_wait3A = arith.constant 0 : i32
        %dma_wait3A_243 = arith.constant 0 : i32
        %dma_wait3A_244 = tpu.memref_slice %arg8[%rem3A_242, %dma_wait3A, %dma_wait3A_243] : memref<2x128x128xf32, #tpu.memory_space<vmem>> -> memref<1x128x128xf32, #tpu.memory_space<vmem>>
        %dma_wait3A_245 = tpu.memref_squeeze %dma_wait3A_244 : memref<1x128x128xf32, #tpu.memory_space<vmem>> -> memref<128x128xf32, #tpu.memory_space<vmem>>
        %dma_wait3A_246 = arith.constant 0 : i32
        %dma_wait3A_247 = tpu.memref_slice %arg6[%scan3A_241, %dma_wait3A_246] : memref<16x128xi32, #tpu.memory_space<vmem>> -> memref<1x128xi32, #tpu.memory_space<vmem>>
        %dma_wait3A_248 = tpu.memref_squeeze %dma_wait3A_247 : memref<1x128xi32, #tpu.memory_space<vmem>> -> memref<128xi32, #tpu.memory_space<vmem>>
        %dma_wait3A_249 = arith.constant 0 : i32
        %dma_wait3A_250 = arith.constant 0 : i32
        %dma_wait3A_251 = tpu.memref_slice %arg2[%dma_wait3A_249, %dma_wait3A_250] : memref<10000x128xf32, #tpu.memory_space<hbm>> -> memref<10000x128xf32, #tpu.memory_space<hbm>>
        tpu.wait_indirect_dma semaphore(%arg9 : memref<!tpu.dma_semaphore, #tpu.memory_space<semaphore_mem>>) src(%dma_wait3A_251 : memref<10000x128xf32, #tpu.memory_space<hbm>>) dst(%dma_wait3A_245 : memref<128x128xf32, #tpu.memory_space<vmem>>)
        %lt3A = arith.constant 15 : i32
        %lt3A_252 = arith.cmpi slt, %scan3A_241, %lt3A : i32
        %convert_element_type3A_253 = arith.extui %lt3A_252 : i1 to i32
        %cond3A_254 = arith.constant 0 : i32
        %cond3A_255 = arith.cmpi ne, %convert_element_type3A_253, %cond3A_254 : i32
        scf.if %cond3A_255 {
          %add3A_256 = arith.constant 1 : i32
          %add3A_257 = arith.addi %scan3A_241, %add3A_256 : i32
          %sub3A = arith.constant 1 : i32
          %sub3A_258 = arith.subi %sub3A, %rem3A_242 : i32
          %dma_start3A_259 = arith.constant 0 : i32
          %dma_start3A_260 = arith.constant 0 : i32
          %dma_start3A_261 = tpu.memref_slice %arg8[%sub3A_258, %dma_start3A_259, %dma_start3A_260] : memref<2x128x128xf32, #tpu.memory_space<vmem>> -> memref<1x128x128xf32, #tpu.memory_space<vmem>>
          %dma_start3A_262 = tpu.memref_squeeze %dma_start3A_261 : memref<1x128x128xf32, #tpu.memory_space<vmem>> -> memref<128x128xf32, #tpu.memory_space<vmem>>
          %dma_start3A_263 = arith.constant 0 : i32
          %dma_start3A_264 = tpu.memref_slice %arg6[%add3A_257, %dma_start3A_263] : memref<16x128xi32, #tpu.memory_space<vmem>> -> memref<1x128xi32, #tpu.memory_space<vmem>>
          %dma_start3A_265 = tpu.memref_squeeze %dma_start3A_264 : memref<1x128xi32, #tpu.memory_space<vmem>> -> memref<128xi32, #tpu.memory_space<vmem>>
          %dma_start3A_266 = arith.constant 0 : i32
          %dma_start3A_267 = arith.constant 0 : i32
          %dma_start3A_268 = tpu.memref_slice %arg2[%dma_start3A_266, %dma_start3A_267] : memref<10000x128xf32, #tpu.memory_space<hbm>> -> memref<10000x128xf32, #tpu.memory_space<hbm>>
          tpu.enqueue_indirect_dma source(%dma_start3A_268 : memref<10000x128xf32, #tpu.memory_space<hbm>>) target(%dma_start3A_262 : memref<128x128xf32, #tpu.memory_space<vmem>>) offsets(%dma_start3A_265 : memref<128xi32, #tpu.memory_space<vmem>>) semaphore(%arg9 : memref<!tpu.dma_semaphore, #tpu.memory_space<semaphore_mem>>)
        } else {
        }
        "tpu.region"() ({
          %run_scoped3A_256 = tpu.sem_alloc : memref<!tpu.dma_semaphore, #tpu.memory_space<semaphore_mem>>
          %dma_start3A_257 = arith.constant 0 : i32
          %dma_start3A_258 = arith.constant 0 : i32
          %dma_start3A_259 = tpu.memref_slice %arg8[%rem3A_242, %dma_start3A_257, %dma_start3A_258] : memref<2x128x128xf32, #tpu.memory_space<vmem>> -> memref<1x128x128xf32, #tpu.memory_space<vmem>>
          %dma_start3A_260 = tpu.memref_squeeze %dma_start3A_259 : memref<1x128x128xf32, #tpu.memory_space<vmem>> -> memref<128x128xf32, #tpu.memory_space<vmem>>
          %dma_start3A_261 = arith.constant 0 : i32
          %dma_start3A_262 = tpu.memref_slice %arg7[%scan3A_241, %dma_start3A_261] : memref<16x128xi32, #tpu.memory_space<vmem>> -> memref<1x128xi32, #tpu.memory_space<vmem>>
          %dma_start3A_263 = tpu.memref_squeeze %dma_start3A_262 : memref<1x128xi32, #tpu.memory_space<vmem>> -> memref<128xi32, #tpu.memory_space<vmem>>
          %dma_start3A_264 = arith.constant 0 : i32
          %dma_start3A_265 = arith.constant 0 : i32
          %dma_start3A_266 = tpu.memref_slice %arg11[%dma_start3A_264, %dma_start3A_265] : memref<10240x128xf32, #tpu.memory_space<vmem_shared>> -> memref<10240x128xf32, #tpu.memory_space<vmem_shared>>
          tpu.enqueue_indirect_dma source(%dma_start3A_260 : memref<128x128xf32, #tpu.memory_space<vmem>>) target(%dma_start3A_266 : memref<10240x128xf32, #tpu.memory_space<vmem_shared>>) offsets(%dma_start3A_263 : memref<128xi32, #tpu.memory_space<vmem>>) semaphore(%run_scoped3A_256 : memref<!tpu.dma_semaphore, #tpu.memory_space<semaphore_mem>>) {add = true}
          %dma_wait3A_267 = arith.constant 0 : i32
          %dma_wait3A_268 = arith.constant 0 : i32
          %dma_wait3A_269 = tpu.memref_slice %arg8[%rem3A_242, %dma_wait3A_267, %dma_wait3A_268] : memref<2x128x128xf32, #tpu.memory_space<vmem>> -> memref<1x128x128xf32, #tpu.memory_space<vmem>>
          %dma_wait3A_270 = tpu.memref_squeeze %dma_wait3A_269 : memref<1x128x128xf32, #tpu.memory_space<vmem>> -> memref<128x128xf32, #tpu.memory_space<vmem>>
          %dma_wait3A_271 = arith.constant 0 : i32
          %dma_wait3A_272 = tpu.memref_slice %arg7[%scan3A_241, %dma_wait3A_271] : memref<16x128xi32, #tpu.memory_space<vmem>> -> memref<1x128xi32, #tpu.memory_space<vmem>>
          %dma_wait3A_273 = tpu.memref_squeeze %dma_wait3A_272 : memref<1x128xi32, #tpu.memory_space<vmem>> -> memref<128xi32, #tpu.memory_space<vmem>>
          %dma_wait3A_274 = arith.constant 0 : i32
          %dma_wait3A_275 = arith.constant 0 : i32
          %dma_wait3A_276 = tpu.memref_slice %arg11[%dma_wait3A_274, %dma_wait3A_275] : memref<10240x128xf32, #tpu.memory_space<vmem_shared>> -> memref<10240x128xf32, #tpu.memory_space<vmem_shared>>
          tpu.wait_indirect_dma semaphore(%run_scoped3A_256 : memref<!tpu.dma_semaphore, #tpu.memory_space<semaphore_mem>>) src(%dma_wait3A_270 : memref<128x128xf32, #tpu.memory_space<vmem>>) dst(%dma_wait3A_276 : memref<10240x128xf32, #tpu.memory_space<vmem_shared>>)
          tpu.yield
        }) : () -> ()
      }
      %scan3A_240 = arith.constant 16 : i32
    } else {
    }
    %barrier3A_63 = arith.constant 0 : index
    tpu.barrier barrier_id(%barrier3A_63)
    %mul3A_64 = arith.constant 640 : i32
    %mul3A_65 = arith.muli %arg1, %mul3A_64 : i32
    %add3A_66 = arith.constant 0 : i32
    %add3A_67 = arith.addi %mul3A_65, %add3A_66 : i32
    %run_scoped3A_68 = arith.constant 0 : i32
    "tpu.region"() ({
      %run_scoped3A_194 = tpu.sem_alloc : memref<!tpu.dma_semaphore, #tpu.memory_space<semaphore_mem>>
      %dma_start3A = arith.constant 0 : i32
      %dma_start3A_195 = arith.constant 0 : i32
      %dma_start3A_196 = tpu.memref_slice %arg8[%run_scoped3A_68, %dma_start3A, %dma_start3A_195] : memref<2x128x128xf32, #tpu.memory_space<vmem>> -> memref<1x64x128xf32, #tpu.memory_space<vmem>>
      %dma_start3A_197 = tpu.memref_squeeze %dma_start3A_196 : memref<1x64x128xf32, #tpu.memory_space<vmem>> -> memref<64x128xf32, #tpu.memory_space<vmem>>
      %dma_start3A_198 = arith.constant 0 : i32
      %dma_start3A_199 = tpu.memref_slice %arg11[%add3A_67, %dma_start3A_198] : memref<10240x128xf32, #tpu.memory_space<vmem_shared>> -> memref<64x128xf32, #tpu.memory_space<vmem_shared>>
      %dma_start3A_200 = arith.constant 0 : i32
      %dma_start3A_201 = arith.constant 0 : i32
      %dma_start3A_202 = tpu.memref_slice %arg8[%run_scoped3A_68, %dma_start3A_200, %dma_start3A_201] : memref<2x128x128xf32, #tpu.memory_space<vmem>> -> memref<1x64x128xf32, #tpu.memory_space<vmem>>
      %dma_start3A_203 = tpu.memref_squeeze %dma_start3A_202 : memref<1x64x128xf32, #tpu.memory_space<vmem>> -> memref<64x128xf32, #tpu.memory_space<vmem>>
      %dma_start3A_204 = arith.constant 0 : i32
      %dma_start3A_205 = tpu.memref_slice %arg11[%add3A_67, %dma_start3A_204] : memref<10240x128xf32, #tpu.memory_space<vmem_shared>> -> memref<64x128xf32, #tpu.memory_space<vmem_shared>>
      tpu.enqueue_dma source(%dma_start3A_205 : memref<64x128xf32, #tpu.memory_space<vmem_shared>>) target(%dma_start3A_203 : memref<64x128xf32, #tpu.memory_space<vmem>>) target_semaphore(%run_scoped3A_194 : memref<!tpu.dma_semaphore, #tpu.memory_space<semaphore_mem>>)
      %dma_wait3A = arith.constant 0 : i32
      %dma_wait3A_206 = arith.constant 0 : i32
      %dma_wait3A_207 = tpu.memref_slice %arg8[%run_scoped3A_68, %dma_wait3A, %dma_wait3A_206] : memref<2x128x128xf32, #tpu.memory_space<vmem>> -> memref<1x64x128xf32, #tpu.memory_space<vmem>>
      %dma_wait3A_208 = tpu.memref_squeeze %dma_wait3A_207 : memref<1x64x128xf32, #tpu.memory_space<vmem>> -> memref<64x128xf32, #tpu.memory_space<vmem>>
      %dma_wait3A_209 = arith.constant 0 : i32
      %dma_wait3A_210 = tpu.memref_slice %arg11[%add3A_67, %dma_wait3A_209] : memref<10240x128xf32, #tpu.memory_space<vmem_shared>> -> memref<64x128xf32, #tpu.memory_space<vmem_shared>>
      %dma_wait3A_211 = arith.constant 0 : i32
      %dma_wait3A_212 = arith.constant 0 : i32
      %dma_wait3A_213 = tpu.memref_slice %arg8[%run_scoped3A_68, %dma_wait3A_211, %dma_wait3A_212] : memref<2x128x128xf32, #tpu.memory_space<vmem>> -> memref<1x64x128xf32, #tpu.memory_space<vmem>>
      %dma_wait3A_214 = tpu.memref_squeeze %dma_wait3A_213 : memref<1x64x128xf32, #tpu.memory_space<vmem>> -> memref<64x128xf32, #tpu.memory_space<vmem>>
      %dma_wait3A_215 = arith.constant 0 : i32
      %dma_wait3A_216 = tpu.memref_slice %arg11[%add3A_67, %dma_wait3A_215] : memref<10240x128xf32, #tpu.memory_space<vmem_shared>> -> memref<64x128xf32, #tpu.memory_space<vmem_shared>>
      tpu.wait_dma2 semaphore(%run_scoped3A_194 : memref<!tpu.dma_semaphore, #tpu.memory_space<semaphore_mem>>) src(%dma_wait3A_216 : memref<64x128xf32, #tpu.memory_space<vmem_shared>>) dst(%dma_wait3A_214 : memref<64x128xf32, #tpu.memory_space<vmem>>)
      tpu.yield
    }) : () -> ()
    %mul3A_69 = arith.constant 10240 : i32
    %mul3A_70 = arith.muli %arg0, %mul3A_69 : i32
    %mul3A_71 = arith.constant 640 : i32
    %mul3A_72 = arith.muli %arg1, %mul3A_71 : i32
    %add3A_73 = arith.addi %mul3A_70, %mul3A_72 : i32
    %add3A_74 = arith.constant 0 : i32
    %add3A_75 = arith.addi %add3A_73, %add3A_74 : i32
    %run_scoped3A_76 = arith.constant 0 : i32
    "tpu.region"() ({
      %run_scoped3A_194 = tpu.sem_alloc : memref<!tpu.dma_semaphore, #tpu.memory_space<semaphore_mem>>
      %dma_start3A = arith.constant 0 : i32
      %dma_start3A_195 = arith.constant 0 : i32
      %dma_start3A_196 = tpu.memref_slice %arg8[%run_scoped3A_76, %dma_start3A, %dma_start3A_195] : memref<2x128x128xf32, #tpu.memory_space<vmem>> -> memref<1x64x128xf32, #tpu.memory_space<vmem>>
      %dma_start3A_197 = tpu.memref_squeeze %dma_start3A_196 : memref<1x64x128xf32, #tpu.memory_space<vmem>> -> memref<64x128xf32, #tpu.memory_space<vmem>>
      %dma_start3A_198 = arith.constant 0 : i32
      %dma_start3A_199 = tpu.memref_slice %arg5[%add3A_75, %dma_start3A_198] : memref<20480x128xf32, #tpu.memory_space<hbm>> -> memref<64x128xf32, #tpu.memory_space<hbm>>
      %dma_start3A_200 = arith.constant 0 : i32
      %dma_start3A_201 = tpu.memref_slice %arg5[%add3A_75, %dma_start3A_200] : memref<20480x128xf32, #tpu.memory_space<hbm>> -> memref<64x128xf32, #tpu.memory_space<hbm>>
      %dma_start3A_202 = arith.constant 0 : i32
      %dma_start3A_203 = arith.constant 0 : i32
      %dma_start3A_204 = tpu.memref_slice %arg8[%run_scoped3A_76, %dma_start3A_202, %dma_start3A_203] : memref<2x128x128xf32, #tpu.memory_space<vmem>> -> memref<1x64x128xf32, #tpu.memory_space<vmem>>
      %dma_start3A_205 = tpu.memref_squeeze %dma_start3A_204 : memref<1x64x128xf32, #tpu.memory_space<vmem>> -> memref<64x128xf32, #tpu.memory_space<vmem>>
      tpu.enqueue_dma source(%dma_start3A_205 : memref<64x128xf32, #tpu.memory_space<vmem>>) target(%dma_start3A_201 : memref<64x128xf32, #tpu.memory_space<hbm>>) target_semaphore(%run_scoped3A_194 : memref<!tpu.dma_semaphore, #tpu.memory_space<semaphore_mem>>)
      %dma_wait3A = arith.constant 0 : i32
      %dma_wait3A_206 = arith.constant 0 : i32
      %dma_wait3A_207 = tpu.memref_slice %arg8[%run_scoped3A_76, %dma_wait3A, %dma_wait3A_206] : memref<2x128x128xf32, #tpu.memory_space<vmem>> -> memref<1x64x128xf32, #tpu.memory_space<vmem>>
      %dma_wait3A_208 = tpu.memref_squeeze %dma_wait3A_207 : memref<1x64x128xf32, #tpu.memory_space<vmem>> -> memref<64x128xf32, #tpu.memory_space<vmem>>
      %dma_wait3A_209 = arith.constant 0 : i32
      %dma_wait3A_210 = tpu.memref_slice %arg5[%add3A_75, %dma_wait3A_209] : memref<20480x128xf32, #tpu.memory_space<hbm>> -> memref<64x128xf32, #tpu.memory_space<hbm>>
      %dma_wait3A_211 = arith.constant 0 : i32
      %dma_wait3A_212 = tpu.memref_slice %arg5[%add3A_75, %dma_wait3A_211] : memref<20480x128xf32, #tpu.memory_space<hbm>> -> memref<64x128xf32, #tpu.memory_space<hbm>>
      %dma_wait3A_213 = arith.constant 0 : i32
      %dma_wait3A_214 = arith.constant 0 : i32
      %dma_wait3A_215 = tpu.memref_slice %arg8[%run_scoped3A_76, %dma_wait3A_213, %dma_wait3A_214] : memref<2x128x128xf32, #tpu.memory_space<vmem>> -> memref<1x64x128xf32, #tpu.memory_space<vmem>>
      %dma_wait3A_216 = tpu.memref_squeeze %dma_wait3A_215 : memref<1x64x128xf32, #tpu.memory_space<vmem>> -> memref<64x128xf32, #tpu.memory_space<vmem>>
      tpu.wait_dma2 semaphore(%run_scoped3A_194 : memref<!tpu.dma_semaphore, #tpu.memory_space<semaphore_mem>>) src(%dma_wait3A_216 : memref<64x128xf32, #tpu.memory_space<vmem>>) dst(%dma_wait3A_212 : memref<64x128xf32, #tpu.memory_space<hbm>>)
      tpu.yield
    }) : () -> ()
    %mul3A_77 = arith.constant 640 : i32
    %mul3A_78 = arith.muli %arg1, %mul3A_77 : i32
    %add3A_79 = arith.constant 64 : i32
    %add3A_80 = arith.addi %mul3A_78, %add3A_79 : i32
    %run_scoped3A_81 = arith.constant 0 : i32
    "tpu.region"() ({
      %run_scoped3A_194 = tpu.sem_alloc : memref<!tpu.dma_semaphore, #tpu.memory_space<semaphore_mem>>
      %dma_start3A = arith.constant 0 : i32
      %dma_start3A_195 = arith.constant 0 : i32
      %dma_start3A_196 = tpu.memref_slice %arg8[%run_scoped3A_81, %dma_start3A, %dma_start3A_195] : memref<2x128x128xf32, #tpu.memory_space<vmem>> -> memref<1x64x128xf32, #tpu.memory_space<vmem>>
      %dma_start3A_197 = tpu.memref_squeeze %dma_start3A_196 : memref<1x64x128xf32, #tpu.memory_space<vmem>> -> memref<64x128xf32, #tpu.memory_space<vmem>>
      %dma_start3A_198 = arith.constant 0 : i32
      %dma_start3A_199 = tpu.memref_slice %arg11[%add3A_80, %dma_start3A_198] : memref<10240x128xf32, #tpu.memory_space<vmem_shared>> -> memref<64x128xf32, #tpu.memory_space<vmem_shared>>
      %dma_start3A_200 = arith.constant 0 : i32
      %dma_start3A_201 = arith.constant 0 : i32
      %dma_start3A_202 = tpu.memref_slice %arg8[%run_scoped3A_81, %dma_start3A_200, %dma_start3A_201] : memref<2x128x128xf32, #tpu.memory_space<vmem>> -> memref<1x64x128xf32, #tpu.memory_space<vmem>>
      %dma_start3A_203 = tpu.memref_squeeze %dma_start3A_202 : memref<1x64x128xf32, #tpu.memory_space<vmem>> -> memref<64x128xf32, #tpu.memory_space<vmem>>
      %dma_start3A_204 = arith.constant 0 : i32
      %dma_start3A_205 = tpu.memref_slice %arg11[%add3A_80, %dma_start3A_204] : memref<10240x128xf32, #tpu.memory_space<vmem_shared>> -> memref<64x128xf32, #tpu.memory_space<vmem_shared>>
      tpu.enqueue_dma source(%dma_start3A_205 : memref<64x128xf32, #tpu.memory_space<vmem_shared>>) target(%dma_start3A_203 : memref<64x128xf32, #tpu.memory_space<vmem>>) target_semaphore(%run_scoped3A_194 : memref<!tpu.dma_semaphore, #tpu.memory_space<semaphore_mem>>)
      %dma_wait3A = arith.constant 0 : i32
      %dma_wait3A_206 = arith.constant 0 : i32
      %dma_wait3A_207 = tpu.memref_slice %arg8[%run_scoped3A_81, %dma_wait3A, %dma_wait3A_206] : memref<2x128x128xf32, #tpu.memory_space<vmem>> -> memref<1x64x128xf32, #tpu.memory_space<vmem>>
      %dma_wait3A_208 = tpu.memref_squeeze %dma_wait3A_207 : memref<1x64x128xf32, #tpu.memory_space<vmem>> -> memref<64x128xf32, #tpu.memory_space<vmem>>
      %dma_wait3A_209 = arith.constant 0 : i32
      %dma_wait3A_210 = tpu.memref_slice %arg11[%add3A_80, %dma_wait3A_209] : memref<10240x128xf32, #tpu.memory_space<vmem_shared>> -> memref<64x128xf32, #tpu.memory_space<vmem_shared>>
      %dma_wait3A_211 = arith.constant 0 : i32
      %dma_wait3A_212 = arith.constant 0 : i32
      %dma_wait3A_213 = tpu.memref_slice %arg8[%run_scoped3A_81, %dma_wait3A_211, %dma_wait3A_212] : memref<2x128x128xf32, #tpu.memory_space<vmem>> -> memref<1x64x128xf32, #tpu.memory_space<vmem>>
      %dma_wait3A_214 = tpu.memref_squeeze %dma_wait3A_213 : memref<1x64x128xf32, #tpu.memory_space<vmem>> -> memref<64x128xf32, #tpu.memory_space<vmem>>
      %dma_wait3A_215 = arith.constant 0 : i32
      %dma_wait3A_216 = tpu.memref_slice %arg11[%add3A_80, %dma_wait3A_215] : memref<10240x128xf32, #tpu.memory_space<vmem_shared>> -> memref<64x128xf32, #tpu.memory_space<vmem_shared>>
      tpu.wait_dma2 semaphore(%run_scoped3A_194 : memref<!tpu.dma_semaphore, #tpu.memory_space<semaphore_mem>>) src(%dma_wait3A_216 : memref<64x128xf32, #tpu.memory_space<vmem_shared>>) dst(%dma_wait3A_214 : memref<64x128xf32, #tpu.memory_space<vmem>>)
      tpu.yield
    }) : () -> ()
    %mul3A_82 = arith.constant 10240 : i32
    %mul3A_83 = arith.muli %arg0, %mul3A_82 : i32
    %mul3A_84 = arith.constant 640 : i32
    %mul3A_85 = arith.muli %arg1, %mul3A_84 : i32
    %add3A_86 = arith.addi %mul3A_83, %mul3A_85 : i32
    %add3A_87 = arith.constant 64 : i32
    %add3A_88 = arith.addi %add3A_86, %add3A_87 : i32
    %run_scoped3A_89 = arith.constant 0 : i32
    "tpu.region"() ({
      %run_scoped3A_194 = tpu.sem_alloc : memref<!tpu.dma_semaphore, #tpu.memory_space<semaphore_mem>>
      %dma_start3A = arith.constant 0 : i32
      %dma_start3A_195 = arith.constant 0 : i32
      %dma_start3A_196 = tpu.memref_slice %arg8[%run_scoped3A_89, %dma_start3A, %dma_start3A_195] : memref<2x128x128xf32, #tpu.memory_space<vmem>> -> memref<1x64x128xf32, #tpu.memory_space<vmem>>
      %dma_start3A_197 = tpu.memref_squeeze %dma_start3A_196 : memref<1x64x128xf32, #tpu.memory_space<vmem>> -> memref<64x128xf32, #tpu.memory_space<vmem>>
      %dma_start3A_198 = arith.constant 0 : i32
      %dma_start3A_199 = tpu.memref_slice %arg5[%add3A_88, %dma_start3A_198] : memref<20480x128xf32, #tpu.memory_space<hbm>> -> memref<64x128xf32, #tpu.memory_space<hbm>>
      %dma_start3A_200 = arith.constant 0 : i32
      %dma_start3A_201 = tpu.memref_slice %arg5[%add3A_88, %dma_start3A_200] : memref<20480x128xf32, #tpu.memory_space<hbm>> -> memref<64x128xf32, #tpu.memory_space<hbm>>
      %dma_start3A_202 = arith.constant 0 : i32
      %dma_start3A_203 = arith.constant 0 : i32
      %dma_start3A_204 = tpu.memref_slice %arg8[%run_scoped3A_89, %dma_start3A_202, %dma_start3A_203] : memref<2x128x128xf32, #tpu.memory_space<vmem>> -> memref<1x64x128xf32, #tpu.memory_space<vmem>>
      %dma_start3A_205 = tpu.memref_squeeze %dma_start3A_204 : memref<1x64x128xf32, #tpu.memory_space<vmem>> -> memref<64x128xf32, #tpu.memory_space<vmem>>
      tpu.enqueue_dma source(%dma_start3A_205 : memref<64x128xf32, #tpu.memory_space<vmem>>) target(%dma_start3A_201 : memref<64x128xf32, #tpu.memory_space<hbm>>) target_semaphore(%run_scoped3A_194 : memref<!tpu.dma_semaphore, #tpu.memory_space<semaphore_mem>>)
      %dma_wait3A = arith.constant 0 : i32
      %dma_wait3A_206 = arith.constant 0 : i32
      %dma_wait3A_207 = tpu.memref_slice %arg8[%run_scoped3A_89, %dma_wait3A, %dma_wait3A_206] : memref<2x128x128xf32, #tpu.memory_space<vmem>> -> memref<1x64x128xf32, #tpu.memory_space<vmem>>
      %dma_wait3A_208 = tpu.memref_squeeze %dma_wait3A_207 : memref<1x64x128xf32, #tpu.memory_space<vmem>> -> memref<64x128xf32, #tpu.memory_space<vmem>>
      %dma_wait3A_209 = arith.constant 0 : i32
      %dma_wait3A_210 = tpu.memref_slice %arg5[%add3A_88, %dma_wait3A_209] : memref<20480x128xf32, #tpu.memory_space<hbm>> -> memref<64x128xf32, #tpu.memory_space<hbm>>
      %dma_wait3A_211 = arith.constant 0 : i32
      %dma_wait3A_212 = tpu.memref_slice %arg5[%add3A_88, %dma_wait3A_211] : memref<20480x128xf32, #tpu.memory_space<hbm>> -> memref<64x128xf32, #tpu.memory_space<hbm>>
      %dma_wait3A_213 = arith.constant 0 : i32
      %dma_wait3A_214 = arith.constant 0 : i32
      %dma_wait3A_215 = tpu.memref_slice %arg8[%run_scoped3A_89, %dma_wait3A_213, %dma_wait3A_214] : memref<2x128x128xf32, #tpu.memory_space<vmem>> -> memref<1x64x128xf32, #tpu.memory_space<vmem>>
      %dma_wait3A_216 = tpu.memref_squeeze %dma_wait3A_215 : memref<1x64x128xf32, #tpu.memory_space<vmem>> -> memref<64x128xf32, #tpu.memory_space<vmem>>
      tpu.wait_dma2 semaphore(%run_scoped3A_194 : memref<!tpu.dma_semaphore, #tpu.memory_space<semaphore_mem>>) src(%dma_wait3A_216 : memref<64x128xf32, #tpu.memory_space<vmem>>) dst(%dma_wait3A_212 : memref<64x128xf32, #tpu.memory_space<hbm>>)
      tpu.yield
    }) : () -> ()
    %mul3A_90 = arith.constant 640 : i32
    %mul3A_91 = arith.muli %arg1, %mul3A_90 : i32
    %add3A_92 = arith.constant 128 : i32
    %add3A_93 = arith.addi %mul3A_91, %add3A_92 : i32
    %run_scoped3A_94 = arith.constant 0 : i32
    "tpu.region"() ({
      %run_scoped3A_194 = tpu.sem_alloc : memref<!tpu.dma_semaphore, #tpu.memory_space<semaphore_mem>>
      %dma_start3A = arith.constant 0 : i32
      %dma_start3A_195 = arith.constant 0 : i32
      %dma_start3A_196 = tpu.memref_slice %arg8[%run_scoped3A_94, %dma_start3A, %dma_start3A_195] : memref<2x128x128xf32, #tpu.memory_space<vmem>> -> memref<1x64x128xf32, #tpu.memory_space<vmem>>
      %dma_start3A_197 = tpu.memref_squeeze %dma_start3A_196 : memref<1x64x128xf32, #tpu.memory_space<vmem>> -> memref<64x128xf32, #tpu.memory_space<vmem>>
      %dma_start3A_198 = arith.constant 0 : i32
      %dma_start3A_199 = tpu.memref_slice %arg11[%add3A_93, %dma_start3A_198] : memref<10240x128xf32, #tpu.memory_space<vmem_shared>> -> memref<64x128xf32, #tpu.memory_space<vmem_shared>>
      %dma_start3A_200 = arith.constant 0 : i32
      %dma_start3A_201 = arith.constant 0 : i32
      %dma_start3A_202 = tpu.memref_slice %arg8[%run_scoped3A_94, %dma_start3A_200, %dma_start3A_201] : memref<2x128x128xf32, #tpu.memory_space<vmem>> -> memref<1x64x128xf32, #tpu.memory_space<vmem>>
      %dma_start3A_203 = tpu.memref_squeeze %dma_start3A_202 : memref<1x64x128xf32, #tpu.memory_space<vmem>> -> memref<64x128xf32, #tpu.memory_space<vmem>>
      %dma_start3A_204 = arith.constant 0 : i32
      %dma_start3A_205 = tpu.memref_slice %arg11[%add3A_93, %dma_start3A_204] : memref<10240x128xf32, #tpu.memory_space<vmem_shared>> -> memref<64x128xf32, #tpu.memory_space<vmem_shared>>
      tpu.enqueue_dma source(%dma_start3A_205 : memref<64x128xf32, #tpu.memory_space<vmem_shared>>) target(%dma_start3A_203 : memref<64x128xf32, #tpu.memory_space<vmem>>) target_semaphore(%run_scoped3A_194 : memref<!tpu.dma_semaphore, #tpu.memory_space<semaphore_mem>>)
      %dma_wait3A = arith.constant 0 : i32
      %dma_wait3A_206 = arith.constant 0 : i32
      %dma_wait3A_207 = tpu.memref_slice %arg8[%run_scoped3A_94, %dma_wait3A, %dma_wait3A_206] : memref<2x128x128xf32, #tpu.memory_space<vmem>> -> memref<1x64x128xf32, #tpu.memory_space<vmem>>
      %dma_wait3A_208 = tpu.memref_squeeze %dma_wait3A_207 : memref<1x64x128xf32, #tpu.memory_space<vmem>> -> memref<64x128xf32, #tpu.memory_space<vmem>>
      %dma_wait3A_209 = arith.constant 0 : i32
      %dma_wait3A_210 = tpu.memref_slice %arg11[%add3A_93, %dma_wait3A_209] : memref<10240x128xf32, #tpu.memory_space<vmem_shared>> -> memref<64x128xf32, #tpu.memory_space<vmem_shared>>
      %dma_wait3A_211 = arith.constant 0 : i32
      %dma_wait3A_212 = arith.constant 0 : i32
      %dma_wait3A_213 = tpu.memref_slice %arg8[%run_scoped3A_94, %dma_wait3A_211, %dma_wait3A_212] : memref<2x128x128xf32, #tpu.memory_space<vmem>> -> memref<1x64x128xf32, #tpu.memory_space<vmem>>
      %dma_wait3A_214 = tpu.memref_squeeze %dma_wait3A_213 : memref<1x64x128xf32, #tpu.memory_space<vmem>> -> memref<64x128xf32, #tpu.memory_space<vmem>>
      %dma_wait3A_215 = arith.constant 0 : i32
      %dma_wait3A_216 = tpu.memref_slice %arg11[%add3A_93, %dma_wait3A_215] : memref<10240x128xf32, #tpu.memory_space<vmem_shared>> -> memref<64x128xf32, #tpu.memory_space<vmem_shared>>
      tpu.wait_dma2 semaphore(%run_scoped3A_194 : memref<!tpu.dma_semaphore, #tpu.memory_space<semaphore_mem>>) src(%dma_wait3A_216 : memref<64x128xf32, #tpu.memory_space<vmem_shared>>) dst(%dma_wait3A_214 : memref<64x128xf32, #tpu.memory_space<vmem>>)
      tpu.yield
    }) : () -> ()
    %mul3A_95 = arith.constant 10240 : i32
    %mul3A_96 = arith.muli %arg0, %mul3A_95 : i32
    %mul3A_97 = arith.constant 640 : i32
    %mul3A_98 = arith.muli %arg1, %mul3A_97 : i32
    %add3A_99 = arith.addi %mul3A_96, %mul3A_98 : i32
    %add3A_100 = arith.constant 128 : i32
    %add3A_101 = arith.addi %add3A_99, %add3A_100 : i32
    %run_scoped3A_102 = arith.constant 0 : i32
    "tpu.region"() ({
      %run_scoped3A_194 = tpu.sem_alloc : memref<!tpu.dma_semaphore, #tpu.memory_space<semaphore_mem>>
      %dma_start3A = arith.constant 0 : i32
      %dma_start3A_195 = arith.constant 0 : i32
      %dma_start3A_196 = tpu.memref_slice %arg8[%run_scoped3A_102, %dma_start3A, %dma_start3A_195] : memref<2x128x128xf32, #tpu.memory_space<vmem>> -> memref<1x64x128xf32, #tpu.memory_space<vmem>>
      %dma_start3A_197 = tpu.memref_squeeze %dma_start3A_196 : memref<1x64x128xf32, #tpu.memory_space<vmem>> -> memref<64x128xf32, #tpu.memory_space<vmem>>
      %dma_start3A_198 = arith.constant 0 : i32
      %dma_start3A_199 = tpu.memref_slice %arg5[%add3A_101, %dma_start3A_198] : memref<20480x128xf32, #tpu.memory_space<hbm>> -> memref<64x128xf32, #tpu.memory_space<hbm>>
      %dma_start3A_200 = arith.constant 0 : i32
      %dma_start3A_201 = tpu.memref_slice %arg5[%add3A_101, %dma_start3A_200] : memref<20480x128xf32, #tpu.memory_space<hbm>> -> memref<64x128xf32, #tpu.memory_space<hbm>>
      %dma_start3A_202 = arith.constant 0 : i32
      %dma_start3A_203 = arith.constant 0 : i32
      %dma_start3A_204 = tpu.memref_slice %arg8[%run_scoped3A_102, %dma_start3A_202, %dma_start3A_203] : memref<2x128x128xf32, #tpu.memory_space<vmem>> -> memref<1x64x128xf32, #tpu.memory_space<vmem>>
      %dma_start3A_205 = tpu.memref_squeeze %dma_start3A_204 : memref<1x64x128xf32, #tpu.memory_space<vmem>> -> memref<64x128xf32, #tpu.memory_space<vmem>>
      tpu.enqueue_dma source(%dma_start3A_205 : memref<64x128xf32, #tpu.memory_space<vmem>>) target(%dma_start3A_201 : memref<64x128xf32, #tpu.memory_space<hbm>>) target_semaphore(%run_scoped3A_194 : memref<!tpu.dma_semaphore, #tpu.memory_space<semaphore_mem>>)
      %dma_wait3A = arith.constant 0 : i32
      %dma_wait3A_206 = arith.constant 0 : i32
      %dma_wait3A_207 = tpu.memref_slice %arg8[%run_scoped3A_102, %dma_wait3A, %dma_wait3A_206] : memref<2x128x128xf32, #tpu.memory_space<vmem>> -> memref<1x64x128xf32, #tpu.memory_space<vmem>>
      %dma_wait3A_208 = tpu.memref_squeeze %dma_wait3A_207 : memref<1x64x128xf32, #tpu.memory_space<vmem>> -> memref<64x128xf32, #tpu.memory_space<vmem>>
      %dma_wait3A_209 = arith.constant 0 : i32
      %dma_wait3A_210 = tpu.memref_slice %arg5[%add3A_101, %dma_wait3A_209] : memref<20480x128xf32, #tpu.memory_space<hbm>> -> memref<64x128xf32, #tpu.memory_space<hbm>>
      %dma_wait3A_211 = arith.constant 0 : i32
      %dma_wait3A_212 = tpu.memref_slice %arg5[%add3A_101, %dma_wait3A_211] : memref<20480x128xf32, #tpu.memory_space<hbm>> -> memref<64x128xf32, #tpu.memory_space<hbm>>
      %dma_wait3A_213 = arith.constant 0 : i32
      %dma_wait3A_214 = arith.constant 0 : i32
      %dma_wait3A_215 = tpu.memref_slice %arg8[%run_scoped3A_102, %dma_wait3A_213, %dma_wait3A_214] : memref<2x128x128xf32, #tpu.memory_space<vmem>> -> memref<1x64x128xf32, #tpu.memory_space<vmem>>
      %dma_wait3A_216 = tpu.memref_squeeze %dma_wait3A_215 : memref<1x64x128xf32, #tpu.memory_space<vmem>> -> memref<64x128xf32, #tpu.memory_space<vmem>>
      tpu.wait_dma2 semaphore(%run_scoped3A_194 : memref<!tpu.dma_semaphore, #tpu.memory_space<semaphore_mem>>) src(%dma_wait3A_216 : memref<64x128xf32, #tpu.memory_space<vmem>>) dst(%dma_wait3A_212 : memref<64x128xf32, #tpu.memory_space<hbm>>)
      tpu.yield
    }) : () -> ()
    %mul3A_103 = arith.constant 640 : i32
    %mul3A_104 = arith.muli %arg1, %mul3A_103 : i32
    %add3A_105 = arith.constant 192 : i32
    %add3A_106 = arith.addi %mul3A_104, %add3A_105 : i32
    %run_scoped3A_107 = arith.constant 0 : i32
    "tpu.region"() ({
      %run_scoped3A_194 = tpu.sem_alloc : memref<!tpu.dma_semaphore, #tpu.memory_space<semaphore_mem>>
      %dma_start3A = arith.constant 0 : i32
      %dma_start3A_195 = arith.constant 0 : i32
      %dma_start3A_196 = tpu.memref_slice %arg8[%run_scoped3A_107, %dma_start3A, %dma_start3A_195] : memref<2x128x128xf32, #tpu.memory_space<vmem>> -> memref<1x64x128xf32, #tpu.memory_space<vmem>>
      %dma_start3A_197 = tpu.memref_squeeze %dma_start3A_196 : memref<1x64x128xf32, #tpu.memory_space<vmem>> -> memref<64x128xf32, #tpu.memory_space<vmem>>
      %dma_start3A_198 = arith.constant 0 : i32
      %dma_start3A_199 = tpu.memref_slice %arg11[%add3A_106, %dma_start3A_198] : memref<10240x128xf32, #tpu.memory_space<vmem_shared>> -> memref<64x128xf32, #tpu.memory_space<vmem_shared>>
      %dma_start3A_200 = arith.constant 0 : i32
      %dma_start3A_201 = arith.constant 0 : i32
      %dma_start3A_202 = tpu.memref_slice %arg8[%run_scoped3A_107, %dma_start3A_200, %dma_start3A_201] : memref<2x128x128xf32, #tpu.memory_space<vmem>> -> memref<1x64x128xf32, #tpu.memory_space<vmem>>
      %dma_start3A_203 = tpu.memref_squeeze %dma_start3A_202 : memref<1x64x128xf32, #tpu.memory_space<vmem>> -> memref<64x128xf32, #tpu.memory_space<vmem>>
      %dma_start3A_204 = arith.constant 0 : i32
      %dma_start3A_205 = tpu.memref_slice %arg11[%add3A_106, %dma_start3A_204] : memref<10240x128xf32, #tpu.memory_space<vmem_shared>> -> memref<64x128xf32, #tpu.memory_space<vmem_shared>>
      tpu.enqueue_dma source(%dma_start3A_205 : memref<64x128xf32, #tpu.memory_space<vmem_shared>>) target(%dma_start3A_203 : memref<64x128xf32, #tpu.memory_space<vmem>>) target_semaphore(%run_scoped3A_194 : memref<!tpu.dma_semaphore, #tpu.memory_space<semaphore_mem>>)
      %dma_wait3A = arith.constant 0 : i32
      %dma_wait3A_206 = arith.constant 0 : i32
      %dma_wait3A_207 = tpu.memref_slice %arg8[%run_scoped3A_107, %dma_wait3A, %dma_wait3A_206] : memref<2x128x128xf32, #tpu.memory_space<vmem>> -> memref<1x64x128xf32, #tpu.memory_space<vmem>>
      %dma_wait3A_208 = tpu.memref_squeeze %dma_wait3A_207 : memref<1x64x128xf32, #tpu.memory_space<vmem>> -> memref<64x128xf32, #tpu.memory_space<vmem>>
      %dma_wait3A_209 = arith.constant 0 : i32
      %dma_wait3A_210 = tpu.memref_slice %arg11[%add3A_106, %dma_wait3A_209] : memref<10240x128xf32, #tpu.memory_space<vmem_shared>> -> memref<64x128xf32, #tpu.memory_space<vmem_shared>>
      %dma_wait3A_211 = arith.constant 0 : i32
      %dma_wait3A_212 = arith.constant 0 : i32
      %dma_wait3A_213 = tpu.memref_slice %arg8[%run_scoped3A_107, %dma_wait3A_211, %dma_wait3A_212] : memref<2x128x128xf32, #tpu.memory_space<vmem>> -> memref<1x64x128xf32, #tpu.memory_space<vmem>>
      %dma_wait3A_214 = tpu.memref_squeeze %dma_wait3A_213 : memref<1x64x128xf32, #tpu.memory_space<vmem>> -> memref<64x128xf32, #tpu.memory_space<vmem>>
      %dma_wait3A_215 = arith.constant 0 : i32
      %dma_wait3A_216 = tpu.memref_slice %arg11[%add3A_106, %dma_wait3A_215] : memref<10240x128xf32, #tpu.memory_space<vmem_shared>> -> memref<64x128xf32, #tpu.memory_space<vmem_shared>>
      tpu.wait_dma2 semaphore(%run_scoped3A_194 : memref<!tpu.dma_semaphore, #tpu.memory_space<semaphore_mem>>) src(%dma_wait3A_216 : memref<64x128xf32, #tpu.memory_space<vmem_shared>>) dst(%dma_wait3A_214 : memref<64x128xf32, #tpu.memory_space<vmem>>)
      tpu.yield
    }) : () -> ()
    %mul3A_108 = arith.constant 10240 : i32
    %mul3A_109 = arith.muli %arg0, %mul3A_108 : i32
    %mul3A_110 = arith.constant 640 : i32
    %mul3A_111 = arith.muli %arg1, %mul3A_110 : i32
    %add3A_112 = arith.addi %mul3A_109, %mul3A_111 : i32
    %add3A_113 = arith.constant 192 : i32
    %add3A_114 = arith.addi %add3A_112, %add3A_113 : i32
    %run_scoped3A_115 = arith.constant 0 : i32
    "tpu.region"() ({
      %run_scoped3A_194 = tpu.sem_alloc : memref<!tpu.dma_semaphore, #tpu.memory_space<semaphore_mem>>
      %dma_start3A = arith.constant 0 : i32
      %dma_start3A_195 = arith.constant 0 : i32
      %dma_start3A_196 = tpu.memref_slice %arg8[%run_scoped3A_115, %dma_start3A, %dma_start3A_195] : memref<2x128x128xf32, #tpu.memory_space<vmem>> -> memref<1x64x128xf32, #tpu.memory_space<vmem>>
      %dma_start3A_197 = tpu.memref_squeeze %dma_start3A_196 : memref<1x64x128xf32, #tpu.memory_space<vmem>> -> memref<64x128xf32, #tpu.memory_space<vmem>>
      %dma_start3A_198 = arith.constant 0 : i32
      %dma_start3A_199 = tpu.memref_slice %arg5[%add3A_114, %dma_start3A_198] : memref<20480x128xf32, #tpu.memory_space<hbm>> -> memref<64x128xf32, #tpu.memory_space<hbm>>
      %dma_start3A_200 = arith.constant 0 : i32
      %dma_start3A_201 = tpu.memref_slice %arg5[%add3A_114, %dma_start3A_200] : memref<20480x128xf32, #tpu.memory_space<hbm>> -> memref<64x128xf32, #tpu.memory_space<hbm>>
      %dma_start3A_202 = arith.constant 0 : i32
      %dma_start3A_203 = arith.constant 0 : i32
      %dma_start3A_204 = tpu.memref_slice %arg8[%run_scoped3A_115, %dma_start3A_202, %dma_start3A_203] : memref<2x128x128xf32, #tpu.memory_space<vmem>> -> memref<1x64x128xf32, #tpu.memory_space<vmem>>
      %dma_start3A_205 = tpu.memref_squeeze %dma_start3A_204 : memref<1x64x128xf32, #tpu.memory_space<vmem>> -> memref<64x128xf32, #tpu.memory_space<vmem>>
      tpu.enqueue_dma source(%dma_start3A_205 : memref<64x128xf32, #tpu.memory_space<vmem>>) target(%dma_start3A_201 : memref<64x128xf32, #tpu.memory_space<hbm>>) target_semaphore(%run_scoped3A_194 : memref<!tpu.dma_semaphore, #tpu.memory_space<semaphore_mem>>)
      %dma_wait3A = arith.constant 0 : i32
      %dma_wait3A_206 = arith.constant 0 : i32
      %dma_wait3A_207 = tpu.memref_slice %arg8[%run_scoped3A_115, %dma_wait3A, %dma_wait3A_206] : memref<2x128x128xf32, #tpu.memory_space<vmem>> -> memref<1x64x128xf32, #tpu.memory_space<vmem>>
      %dma_wait3A_208 = tpu.memref_squeeze %dma_wait3A_207 : memref<1x64x128xf32, #tpu.memory_space<vmem>> -> memref<64x128xf32, #tpu.memory_space<vmem>>
      %dma_wait3A_209 = arith.constant 0 : i32
      %dma_wait3A_210 = tpu.memref_slice %arg5[%add3A_114, %dma_wait3A_209] : memref<20480x128xf32, #tpu.memory_space<hbm>> -> memref<64x128xf32, #tpu.memory_space<hbm>>
      %dma_wait3A_211 = arith.constant 0 : i32
      %dma_wait3A_212 = tpu.memref_slice %arg5[%add3A_114, %dma_wait3A_211] : memref<20480x128xf32, #tpu.memory_space<hbm>> -> memref<64x128xf32, #tpu.memory_space<hbm>>
      %dma_wait3A_213 = arith.constant 0 : i32
      %dma_wait3A_214 = arith.constant 0 : i32
      %dma_wait3A_215 = tpu.memref_slice %arg8[%run_scoped3A_115, %dma_wait3A_213, %dma_wait3A_214] : memref<2x128x128xf32, #tpu.memory_space<vmem>> -> memref<1x64x128xf32, #tpu.memory_space<vmem>>
      %dma_wait3A_216 = tpu.memref_squeeze %dma_wait3A_215 : memref<1x64x128xf32, #tpu.memory_space<vmem>> -> memref<64x128xf32, #tpu.memory_space<vmem>>
      tpu.wait_dma2 semaphore(%run_scoped3A_194 : memref<!tpu.dma_semaphore, #tpu.memory_space<semaphore_mem>>) src(%dma_wait3A_216 : memref<64x128xf32, #tpu.memory_space<vmem>>) dst(%dma_wait3A_212 : memref<64x128xf32, #tpu.memory_space<hbm>>)
      tpu.yield
    }) : () -> ()
    %mul3A_116 = arith.constant 640 : i32
    %mul3A_117 = arith.muli %arg1, %mul3A_116 : i32
    %add3A_118 = arith.constant 256 : i32
    %add3A_119 = arith.addi %mul3A_117, %add3A_118 : i32
    %run_scoped3A_120 = arith.constant 0 : i32
    "tpu.region"() ({
      %run_scoped3A_194 = tpu.sem_alloc : memref<!tpu.dma_semaphore, #tpu.memory_space<semaphore_mem>>
      %dma_start3A = arith.constant 0 : i32
      %dma_start3A_195 = arith.constant 0 : i32
      %dma_start3A_196 = tpu.memref_slice %arg8[%run_scoped3A_120, %dma_start3A, %dma_start3A_195] : memref<2x128x128xf32, #tpu.memory_space<vmem>> -> memref<1x64x128xf32, #tpu.memory_space<vmem>>
      %dma_start3A_197 = tpu.memref_squeeze %dma_start3A_196 : memref<1x64x128xf32, #tpu.memory_space<vmem>> -> memref<64x128xf32, #tpu.memory_space<vmem>>
      %dma_start3A_198 = arith.constant 0 : i32
      %dma_start3A_199 = tpu.memref_slice %arg11[%add3A_119, %dma_start3A_198] : memref<10240x128xf32, #tpu.memory_space<vmem_shared>> -> memref<64x128xf32, #tpu.memory_space<vmem_shared>>
      %dma_start3A_200 = arith.constant 0 : i32
      %dma_start3A_201 = arith.constant 0 : i32
      %dma_start3A_202 = tpu.memref_slice %arg8[%run_scoped3A_120, %dma_start3A_200, %dma_start3A_201] : memref<2x128x128xf32, #tpu.memory_space<vmem>> -> memref<1x64x128xf32, #tpu.memory_space<vmem>>
      %dma_start3A_203 = tpu.memref_squeeze %dma_start3A_202 : memref<1x64x128xf32, #tpu.memory_space<vmem>> -> memref<64x128xf32, #tpu.memory_space<vmem>>
      %dma_start3A_204 = arith.constant 0 : i32
      %dma_start3A_205 = tpu.memref_slice %arg11[%add3A_119, %dma_start3A_204] : memref<10240x128xf32, #tpu.memory_space<vmem_shared>> -> memref<64x128xf32, #tpu.memory_space<vmem_shared>>
      tpu.enqueue_dma source(%dma_start3A_205 : memref<64x128xf32, #tpu.memory_space<vmem_shared>>) target(%dma_start3A_203 : memref<64x128xf32, #tpu.memory_space<vmem>>) target_semaphore(%run_scoped3A_194 : memref<!tpu.dma_semaphore, #tpu.memory_space<semaphore_mem>>)
      %dma_wait3A = arith.constant 0 : i32
      %dma_wait3A_206 = arith.constant 0 : i32
      %dma_wait3A_207 = tpu.memref_slice %arg8[%run_scoped3A_120, %dma_wait3A, %dma_wait3A_206] : memref<2x128x128xf32, #tpu.memory_space<vmem>> -> memref<1x64x128xf32, #tpu.memory_space<vmem>>
      %dma_wait3A_208 = tpu.memref_squeeze %dma_wait3A_207 : memref<1x64x128xf32, #tpu.memory_space<vmem>> -> memref<64x128xf32, #tpu.memory_space<vmem>>
      %dma_wait3A_209 = arith.constant 0 : i32
      %dma_wait3A_210 = tpu.memref_slice %arg11[%add3A_119, %dma_wait3A_209] : memref<10240x128xf32, #tpu.memory_space<vmem_shared>> -> memref<64x128xf32, #tpu.memory_space<vmem_shared>>
      %dma_wait3A_211 = arith.constant 0 : i32
      %dma_wait3A_212 = arith.constant 0 : i32
      %dma_wait3A_213 = tpu.memref_slice %arg8[%run_scoped3A_120, %dma_wait3A_211, %dma_wait3A_212] : memref<2x128x128xf32, #tpu.memory_space<vmem>> -> memref<1x64x128xf32, #tpu.memory_space<vmem>>
      %dma_wait3A_214 = tpu.memref_squeeze %dma_wait3A_213 : memref<1x64x128xf32, #tpu.memory_space<vmem>> -> memref<64x128xf32, #tpu.memory_space<vmem>>
      %dma_wait3A_215 = arith.constant 0 : i32
      %dma_wait3A_216 = tpu.memref_slice %arg11[%add3A_119, %dma_wait3A_215] : memref<10240x128xf32, #tpu.memory_space<vmem_shared>> -> memref<64x128xf32, #tpu.memory_space<vmem_shared>>
      tpu.wait_dma2 semaphore(%run_scoped3A_194 : memref<!tpu.dma_semaphore, #tpu.memory_space<semaphore_mem>>) src(%dma_wait3A_216 : memref<64x128xf32, #tpu.memory_space<vmem_shared>>) dst(%dma_wait3A_214 : memref<64x128xf32, #tpu.memory_space<vmem>>)
      tpu.yield
    }) : () -> ()
    %mul3A_121 = arith.constant 10240 : i32
    %mul3A_122 = arith.muli %arg0, %mul3A_121 : i32
    %mul3A_123 = arith.constant 640 : i32
    %mul3A_124 = arith.muli %arg1, %mul3A_123 : i32
    %add3A_125 = arith.addi %mul3A_122, %mul3A_124 : i32
    %add3A_126 = arith.constant 256 : i32
    %add3A_127 = arith.addi %add3A_125, %add3A_126 : i32
    %run_scoped3A_128 = arith.constant 0 : i32
    "tpu.region"() ({
      %run_scoped3A_194 = tpu.sem_alloc : memref<!tpu.dma_semaphore, #tpu.memory_space<semaphore_mem>>
      %dma_start3A = arith.constant 0 : i32
      %dma_start3A_195 = arith.constant 0 : i32
      %dma_start3A_196 = tpu.memref_slice %arg8[%run_scoped3A_128, %dma_start3A, %dma_start3A_195] : memref<2x128x128xf32, #tpu.memory_space<vmem>> -> memref<1x64x128xf32, #tpu.memory_space<vmem>>
      %dma_start3A_197 = tpu.memref_squeeze %dma_start3A_196 : memref<1x64x128xf32, #tpu.memory_space<vmem>> -> memref<64x128xf32, #tpu.memory_space<vmem>>
      %dma_start3A_198 = arith.constant 0 : i32
      %dma_start3A_199 = tpu.memref_slice %arg5[%add3A_127, %dma_start3A_198] : memref<20480x128xf32, #tpu.memory_space<hbm>> -> memref<64x128xf32, #tpu.memory_space<hbm>>
      %dma_start3A_200 = arith.constant 0 : i32
      %dma_start3A_201 = tpu.memref_slice %arg5[%add3A_127, %dma_start3A_200] : memref<20480x128xf32, #tpu.memory_space<hbm>> -> memref<64x128xf32, #tpu.memory_space<hbm>>
      %dma_start3A_202 = arith.constant 0 : i32
      %dma_start3A_203 = arith.constant 0 : i32
      %dma_start3A_204 = tpu.memref_slice %arg8[%run_scoped3A_128, %dma_start3A_202, %dma_start3A_203] : memref<2x128x128xf32, #tpu.memory_space<vmem>> -> memref<1x64x128xf32, #tpu.memory_space<vmem>>
      %dma_start3A_205 = tpu.memref_squeeze %dma_start3A_204 : memref<1x64x128xf32, #tpu.memory_space<vmem>> -> memref<64x128xf32, #tpu.memory_space<vmem>>
      tpu.enqueue_dma source(%dma_start3A_205 : memref<64x128xf32, #tpu.memory_space<vmem>>) target(%dma_start3A_201 : memref<64x128xf32, #tpu.memory_space<hbm>>) target_semaphore(%run_scoped3A_194 : memref<!tpu.dma_semaphore, #tpu.memory_space<semaphore_mem>>)
      %dma_wait3A = arith.constant 0 : i32
      %dma_wait3A_206 = arith.constant 0 : i32
      %dma_wait3A_207 = tpu.memref_slice %arg8[%run_scoped3A_128, %dma_wait3A, %dma_wait3A_206] : memref<2x128x128xf32, #tpu.memory_space<vmem>> -> memref<1x64x128xf32, #tpu.memory_space<vmem>>
      %dma_wait3A_208 = tpu.memref_squeeze %dma_wait3A_207 : memref<1x64x128xf32, #tpu.memory_space<vmem>> -> memref<64x128xf32, #tpu.memory_space<vmem>>
      %dma_wait3A_209 = arith.constant 0 : i32
      %dma_wait3A_210 = tpu.memref_slice %arg5[%add3A_127, %dma_wait3A_209] : memref<20480x128xf32, #tpu.memory_space<hbm>> -> memref<64x128xf32, #tpu.memory_space<hbm>>
      %dma_wait3A_211 = arith.constant 0 : i32
      %dma_wait3A_212 = tpu.memref_slice %arg5[%add3A_127, %dma_wait3A_211] : memref<20480x128xf32, #tpu.memory_space<hbm>> -> memref<64x128xf32, #tpu.memory_space<hbm>>
      %dma_wait3A_213 = arith.constant 0 : i32
      %dma_wait3A_214 = arith.constant 0 : i32
      %dma_wait3A_215 = tpu.memref_slice %arg8[%run_scoped3A_128, %dma_wait3A_213, %dma_wait3A_214] : memref<2x128x128xf32, #tpu.memory_space<vmem>> -> memref<1x64x128xf32, #tpu.memory_space<vmem>>
      %dma_wait3A_216 = tpu.memref_squeeze %dma_wait3A_215 : memref<1x64x128xf32, #tpu.memory_space<vmem>> -> memref<64x128xf32, #tpu.memory_space<vmem>>
      tpu.wait_dma2 semaphore(%run_scoped3A_194 : memref<!tpu.dma_semaphore, #tpu.memory_space<semaphore_mem>>) src(%dma_wait3A_216 : memref<64x128xf32, #tpu.memory_space<vmem>>) dst(%dma_wait3A_212 : memref<64x128xf32, #tpu.memory_space<hbm>>)
      tpu.yield
    }) : () -> ()
    %mul3A_129 = arith.constant 640 : i32
    %mul3A_130 = arith.muli %arg1, %mul3A_129 : i32
    %add3A_131 = arith.constant 320 : i32
    %add3A_132 = arith.addi %mul3A_130, %add3A_131 : i32
    %run_scoped3A_133 = arith.constant 0 : i32
    "tpu.region"() ({
      %run_scoped3A_194 = tpu.sem_alloc : memref<!tpu.dma_semaphore, #tpu.memory_space<semaphore_mem>>
      %dma_start3A = arith.constant 0 : i32
      %dma_start3A_195 = arith.constant 0 : i32
      %dma_start3A_196 = tpu.memref_slice %arg8[%run_scoped3A_133, %dma_start3A, %dma_start3A_195] : memref<2x128x128xf32, #tpu.memory_space<vmem>> -> memref<1x64x128xf32, #tpu.memory_space<vmem>>
      %dma_start3A_197 = tpu.memref_squeeze %dma_start3A_196 : memref<1x64x128xf32, #tpu.memory_space<vmem>> -> memref<64x128xf32, #tpu.memory_space<vmem>>
      %dma_start3A_198 = arith.constant 0 : i32
      %dma_start3A_199 = tpu.memref_slice %arg11[%add3A_132, %dma_start3A_198] : memref<10240x128xf32, #tpu.memory_space<vmem_shared>> -> memref<64x128xf32, #tpu.memory_space<vmem_shared>>
      %dma_start3A_200 = arith.constant 0 : i32
      %dma_start3A_201 = arith.constant 0 : i32
      %dma_start3A_202 = tpu.memref_slice %arg8[%run_scoped3A_133, %dma_start3A_200, %dma_start3A_201] : memref<2x128x128xf32, #tpu.memory_space<vmem>> -> memref<1x64x128xf32, #tpu.memory_space<vmem>>
      %dma_start3A_203 = tpu.memref_squeeze %dma_start3A_202 : memref<1x64x128xf32, #tpu.memory_space<vmem>> -> memref<64x128xf32, #tpu.memory_space<vmem>>
      %dma_start3A_204 = arith.constant 0 : i32
      %dma_start3A_205 = tpu.memref_slice %arg11[%add3A_132, %dma_start3A_204] : memref<10240x128xf32, #tpu.memory_space<vmem_shared>> -> memref<64x128xf32, #tpu.memory_space<vmem_shared>>
      tpu.enqueue_dma source(%dma_start3A_205 : memref<64x128xf32, #tpu.memory_space<vmem_shared>>) target(%dma_start3A_203 : memref<64x128xf32, #tpu.memory_space<vmem>>) target_semaphore(%run_scoped3A_194 : memref<!tpu.dma_semaphore, #tpu.memory_space<semaphore_mem>>)
      %dma_wait3A = arith.constant 0 : i32
      %dma_wait3A_206 = arith.constant 0 : i32
      %dma_wait3A_207 = tpu.memref_slice %arg8[%run_scoped3A_133, %dma_wait3A, %dma_wait3A_206] : memref<2x128x128xf32, #tpu.memory_space<vmem>> -> memref<1x64x128xf32, #tpu.memory_space<vmem>>
      %dma_wait3A_208 = tpu.memref_squeeze %dma_wait3A_207 : memref<1x64x128xf32, #tpu.memory_space<vmem>> -> memref<64x128xf32, #tpu.memory_space<vmem>>
      %dma_wait3A_209 = arith.constant 0 : i32
      %dma_wait3A_210 = tpu.memref_slice %arg11[%add3A_132, %dma_wait3A_209] : memref<10240x128xf32, #tpu.memory_space<vmem_shared>> -> memref<64x128xf32, #tpu.memory_space<vmem_shared>>
      %dma_wait3A_211 = arith.constant 0 : i32
      %dma_wait3A_212 = arith.constant 0 : i32
      %dma_wait3A_213 = tpu.memref_slice %arg8[%run_scoped3A_133, %dma_wait3A_211, %dma_wait3A_212] : memref<2x128x128xf32, #tpu.memory_space<vmem>> -> memref<1x64x128xf32, #tpu.memory_space<vmem>>
      %dma_wait3A_214 = tpu.memref_squeeze %dma_wait3A_213 : memref<1x64x128xf32, #tpu.memory_space<vmem>> -> memref<64x128xf32, #tpu.memory_space<vmem>>
      %dma_wait3A_215 = arith.constant 0 : i32
      %dma_wait3A_216 = tpu.memref_slice %arg11[%add3A_132, %dma_wait3A_215] : memref<10240x128xf32, #tpu.memory_space<vmem_shared>> -> memref<64x128xf32, #tpu.memory_space<vmem_shared>>
      tpu.wait_dma2 semaphore(%run_scoped3A_194 : memref<!tpu.dma_semaphore, #tpu.memory_space<semaphore_mem>>) src(%dma_wait3A_216 : memref<64x128xf32, #tpu.memory_space<vmem_shared>>) dst(%dma_wait3A_214 : memref<64x128xf32, #tpu.memory_space<vmem>>)
      tpu.yield
    }) : () -> ()
    %mul3A_134 = arith.constant 10240 : i32
    %mul3A_135 = arith.muli %arg0, %mul3A_134 : i32
    %mul3A_136 = arith.constant 640 : i32
    %mul3A_137 = arith.muli %arg1, %mul3A_136 : i32
    %add3A_138 = arith.addi %mul3A_135, %mul3A_137 : i32
    %add3A_139 = arith.constant 320 : i32
    %add3A_140 = arith.addi %add3A_138, %add3A_139 : i32
    %run_scoped3A_141 = arith.constant 0 : i32
    "tpu.region"() ({
      %run_scoped3A_194 = tpu.sem_alloc : memref<!tpu.dma_semaphore, #tpu.memory_space<semaphore_mem>>
      %dma_start3A = arith.constant 0 : i32
      %dma_start3A_195 = arith.constant 0 : i32
      %dma_start3A_196 = tpu.memref_slice %arg8[%run_scoped3A_141, %dma_start3A, %dma_start3A_195] : memref<2x128x128xf32, #tpu.memory_space<vmem>> -> memref<1x64x128xf32, #tpu.memory_space<vmem>>
      %dma_start3A_197 = tpu.memref_squeeze %dma_start3A_196 : memref<1x64x128xf32, #tpu.memory_space<vmem>> -> memref<64x128xf32, #tpu.memory_space<vmem>>
      %dma_start3A_198 = arith.constant 0 : i32
      %dma_start3A_199 = tpu.memref_slice %arg5[%add3A_140, %dma_start3A_198] : memref<20480x128xf32, #tpu.memory_space<hbm>> -> memref<64x128xf32, #tpu.memory_space<hbm>>
      %dma_start3A_200 = arith.constant 0 : i32
      %dma_start3A_201 = tpu.memref_slice %arg5[%add3A_140, %dma_start3A_200] : memref<20480x128xf32, #tpu.memory_space<hbm>> -> memref<64x128xf32, #tpu.memory_space<hbm>>
      %dma_start3A_202 = arith.constant 0 : i32
      %dma_start3A_203 = arith.constant 0 : i32
      %dma_start3A_204 = tpu.memref_slice %arg8[%run_scoped3A_141, %dma_start3A_202, %dma_start3A_203] : memref<2x128x128xf32, #tpu.memory_space<vmem>> -> memref<1x64x128xf32, #tpu.memory_space<vmem>>
      %dma_start3A_205 = tpu.memref_squeeze %dma_start3A_204 : memref<1x64x128xf32, #tpu.memory_space<vmem>> -> memref<64x128xf32, #tpu.memory_space<vmem>>
      tpu.enqueue_dma source(%dma_start3A_205 : memref<64x128xf32, #tpu.memory_space<vmem>>) target(%dma_start3A_201 : memref<64x128xf32, #tpu.memory_space<hbm>>) target_semaphore(%run_scoped3A_194 : memref<!tpu.dma_semaphore, #tpu.memory_space<semaphore_mem>>)
      %dma_wait3A = arith.constant 0 : i32
      %dma_wait3A_206 = arith.constant 0 : i32
      %dma_wait3A_207 = tpu.memref_slice %arg8[%run_scoped3A_141, %dma_wait3A, %dma_wait3A_206] : memref<2x128x128xf32, #tpu.memory_space<vmem>> -> memref<1x64x128xf32, #tpu.memory_space<vmem>>
      %dma_wait3A_208 = tpu.memref_squeeze %dma_wait3A_207 : memref<1x64x128xf32, #tpu.memory_space<vmem>> -> memref<64x128xf32, #tpu.memory_space<vmem>>
      %dma_wait3A_209 = arith.constant 0 : i32
      %dma_wait3A_210 = tpu.memref_slice %arg5[%add3A_140, %dma_wait3A_209] : memref<20480x128xf32, #tpu.memory_space<hbm>> -> memref<64x128xf32, #tpu.memory_space<hbm>>
      %dma_wait3A_211 = arith.constant 0 : i32
      %dma_wait3A_212 = tpu.memref_slice %arg5[%add3A_140, %dma_wait3A_211] : memref<20480x128xf32, #tpu.memory_space<hbm>> -> memref<64x128xf32, #tpu.memory_space<hbm>>
      %dma_wait3A_213 = arith.constant 0 : i32
      %dma_wait3A_214 = arith.constant 0 : i32
      %dma_wait3A_215 = tpu.memref_slice %arg8[%run_scoped3A_141, %dma_wait3A_213, %dma_wait3A_214] : memref<2x128x128xf32, #tpu.memory_space<vmem>> -> memref<1x64x128xf32, #tpu.memory_space<vmem>>
      %dma_wait3A_216 = tpu.memref_squeeze %dma_wait3A_215 : memref<1x64x128xf32, #tpu.memory_space<vmem>> -> memref<64x128xf32, #tpu.memory_space<vmem>>
      tpu.wait_dma2 semaphore(%run_scoped3A_194 : memref<!tpu.dma_semaphore, #tpu.memory_space<semaphore_mem>>) src(%dma_wait3A_216 : memref<64x128xf32, #tpu.memory_space<vmem>>) dst(%dma_wait3A_212 : memref<64x128xf32, #tpu.memory_space<hbm>>)
      tpu.yield
    }) : () -> ()
    %mul3A_142 = arith.constant 640 : i32
    %mul3A_143 = arith.muli %arg1, %mul3A_142 : i32
    %add3A_144 = arith.constant 384 : i32
    %add3A_145 = arith.addi %mul3A_143, %add3A_144 : i32
    %run_scoped3A_146 = arith.constant 0 : i32
    "tpu.region"() ({
      %run_scoped3A_194 = tpu.sem_alloc : memref<!tpu.dma_semaphore, #tpu.memory_space<semaphore_mem>>
      %dma_start3A = arith.constant 0 : i32
      %dma_start3A_195 = arith.constant 0 : i32
      %dma_start3A_196 = tpu.memref_slice %arg8[%run_scoped3A_146, %dma_start3A, %dma_start3A_195] : memref<2x128x128xf32, #tpu.memory_space<vmem>> -> memref<1x64x128xf32, #tpu.memory_space<vmem>>
      %dma_start3A_197 = tpu.memref_squeeze %dma_start3A_196 : memref<1x64x128xf32, #tpu.memory_space<vmem>> -> memref<64x128xf32, #tpu.memory_space<vmem>>
      %dma_start3A_198 = arith.constant 0 : i32
      %dma_start3A_199 = tpu.memref_slice %arg11[%add3A_145, %dma_start3A_198] : memref<10240x128xf32, #tpu.memory_space<vmem_shared>> -> memref<64x128xf32, #tpu.memory_space<vmem_shared>>
      %dma_start3A_200 = arith.constant 0 : i32
      %dma_start3A_201 = arith.constant 0 : i32
      %dma_start3A_202 = tpu.memref_slice %arg8[%run_scoped3A_146, %dma_start3A_200, %dma_start3A_201] : memref<2x128x128xf32, #tpu.memory_space<vmem>> -> memref<1x64x128xf32, #tpu.memory_space<vmem>>
      %dma_start3A_203 = tpu.memref_squeeze %dma_start3A_202 : memref<1x64x128xf32, #tpu.memory_space<vmem>> -> memref<64x128xf32, #tpu.memory_space<vmem>>
      %dma_start3A_204 = arith.constant 0 : i32
      %dma_start3A_205 = tpu.memref_slice %arg11[%add3A_145, %dma_start3A_204] : memref<10240x128xf32, #tpu.memory_space<vmem_shared>> -> memref<64x128xf32, #tpu.memory_space<vmem_shared>>
      tpu.enqueue_dma source(%dma_start3A_205 : memref<64x128xf32, #tpu.memory_space<vmem_shared>>) target(%dma_start3A_203 : memref<64x128xf32, #tpu.memory_space<vmem>>) target_semaphore(%run_scoped3A_194 : memref<!tpu.dma_semaphore, #tpu.memory_space<semaphore_mem>>)
      %dma_wait3A = arith.constant 0 : i32
      %dma_wait3A_206 = arith.constant 0 : i32
      %dma_wait3A_207 = tpu.memref_slice %arg8[%run_scoped3A_146, %dma_wait3A, %dma_wait3A_206] : memref<2x128x128xf32, #tpu.memory_space<vmem>> -> memref<1x64x128xf32, #tpu.memory_space<vmem>>
      %dma_wait3A_208 = tpu.memref_squeeze %dma_wait3A_207 : memref<1x64x128xf32, #tpu.memory_space<vmem>> -> memref<64x128xf32, #tpu.memory_space<vmem>>
      %dma_wait3A_209 = arith.constant 0 : i32
      %dma_wait3A_210 = tpu.memref_slice %arg11[%add3A_145, %dma_wait3A_209] : memref<10240x128xf32, #tpu.memory_space<vmem_shared>> -> memref<64x128xf32, #tpu.memory_space<vmem_shared>>
      %dma_wait3A_211 = arith.constant 0 : i32
      %dma_wait3A_212 = arith.constant 0 : i32
      %dma_wait3A_213 = tpu.memref_slice %arg8[%run_scoped3A_146, %dma_wait3A_211, %dma_wait3A_212] : memref<2x128x128xf32, #tpu.memory_space<vmem>> -> memref<1x64x128xf32, #tpu.memory_space<vmem>>
      %dma_wait3A_214 = tpu.memref_squeeze %dma_wait3A_213 : memref<1x64x128xf32, #tpu.memory_space<vmem>> -> memref<64x128xf32, #tpu.memory_space<vmem>>
      %dma_wait3A_215 = arith.constant 0 : i32
      %dma_wait3A_216 = tpu.memref_slice %arg11[%add3A_145, %dma_wait3A_215] : memref<10240x128xf32, #tpu.memory_space<vmem_shared>> -> memref<64x128xf32, #tpu.memory_space<vmem_shared>>
      tpu.wait_dma2 semaphore(%run_scoped3A_194 : memref<!tpu.dma_semaphore, #tpu.memory_space<semaphore_mem>>) src(%dma_wait3A_216 : memref<64x128xf32, #tpu.memory_space<vmem_shared>>) dst(%dma_wait3A_214 : memref<64x128xf32, #tpu.memory_space<vmem>>)
      tpu.yield
    }) : () -> ()
    %mul3A_147 = arith.constant 10240 : i32
    %mul3A_148 = arith.muli %arg0, %mul3A_147 : i32
    %mul3A_149 = arith.constant 640 : i32
    %mul3A_150 = arith.muli %arg1, %mul3A_149 : i32
    %add3A_151 = arith.addi %mul3A_148, %mul3A_150 : i32
    %add3A_152 = arith.constant 384 : i32
    %add3A_153 = arith.addi %add3A_151, %add3A_152 : i32
    %run_scoped3A_154 = arith.constant 0 : i32
    "tpu.region"() ({
      %run_scoped3A_194 = tpu.sem_alloc : memref<!tpu.dma_semaphore, #tpu.memory_space<semaphore_mem>>
      %dma_start3A = arith.constant 0 : i32
      %dma_start3A_195 = arith.constant 0 : i32
      %dma_start3A_196 = tpu.memref_slice %arg8[%run_scoped3A_154, %dma_start3A, %dma_start3A_195] : memref<2x128x128xf32, #tpu.memory_space<vmem>> -> memref<1x64x128xf32, #tpu.memory_space<vmem>>
      %dma_start3A_197 = tpu.memref_squeeze %dma_start3A_196 : memref<1x64x128xf32, #tpu.memory_space<vmem>> -> memref<64x128xf32, #tpu.memory_space<vmem>>
      %dma_start3A_198 = arith.constant 0 : i32
      %dma_start3A_199 = tpu.memref_slice %arg5[%add3A_153, %dma_start3A_198] : memref<20480x128xf32, #tpu.memory_space<hbm>> -> memref<64x128xf32, #tpu.memory_space<hbm>>
      %dma_start3A_200 = arith.constant 0 : i32
      %dma_start3A_201 = tpu.memref_slice %arg5[%add3A_153, %dma_start3A_200] : memref<20480x128xf32, #tpu.memory_space<hbm>> -> memref<64x128xf32, #tpu.memory_space<hbm>>
      %dma_start3A_202 = arith.constant 0 : i32
      %dma_start3A_203 = arith.constant 0 : i32
      %dma_start3A_204 = tpu.memref_slice %arg8[%run_scoped3A_154, %dma_start3A_202, %dma_start3A_203] : memref<2x128x128xf32, #tpu.memory_space<vmem>> -> memref<1x64x128xf32, #tpu.memory_space<vmem>>
      %dma_start3A_205 = tpu.memref_squeeze %dma_start3A_204 : memref<1x64x128xf32, #tpu.memory_space<vmem>> -> memref<64x128xf32, #tpu.memory_space<vmem>>
      tpu.enqueue_dma source(%dma_start3A_205 : memref<64x128xf32, #tpu.memory_space<vmem>>) target(%dma_start3A_201 : memref<64x128xf32, #tpu.memory_space<hbm>>) target_semaphore(%run_scoped3A_194 : memref<!tpu.dma_semaphore, #tpu.memory_space<semaphore_mem>>)
      %dma_wait3A = arith.constant 0 : i32
      %dma_wait3A_206 = arith.constant 0 : i32
      %dma_wait3A_207 = tpu.memref_slice %arg8[%run_scoped3A_154, %dma_wait3A, %dma_wait3A_206] : memref<2x128x128xf32, #tpu.memory_space<vmem>> -> memref<1x64x128xf32, #tpu.memory_space<vmem>>
      %dma_wait3A_208 = tpu.memref_squeeze %dma_wait3A_207 : memref<1x64x128xf32, #tpu.memory_space<vmem>> -> memref<64x128xf32, #tpu.memory_space<vmem>>
      %dma_wait3A_209 = arith.constant 0 : i32
      %dma_wait3A_210 = tpu.memref_slice %arg5[%add3A_153, %dma_wait3A_209] : memref<20480x128xf32, #tpu.memory_space<hbm>> -> memref<64x128xf32, #tpu.memory_space<hbm>>
      %dma_wait3A_211 = arith.constant 0 : i32
      %dma_wait3A_212 = tpu.memref_slice %arg5[%add3A_153, %dma_wait3A_211] : memref<20480x128xf32, #tpu.memory_space<hbm>> -> memref<64x128xf32, #tpu.memory_space<hbm>>
      %dma_wait3A_213 = arith.constant 0 : i32
      %dma_wait3A_214 = arith.constant 0 : i32
      %dma_wait3A_215 = tpu.memref_slice %arg8[%run_scoped3A_154, %dma_wait3A_213, %dma_wait3A_214] : memref<2x128x128xf32, #tpu.memory_space<vmem>> -> memref<1x64x128xf32, #tpu.memory_space<vmem>>
      %dma_wait3A_216 = tpu.memref_squeeze %dma_wait3A_215 : memref<1x64x128xf32, #tpu.memory_space<vmem>> -> memref<64x128xf32, #tpu.memory_space<vmem>>
      tpu.wait_dma2 semaphore(%run_scoped3A_194 : memref<!tpu.dma_semaphore, #tpu.memory_space<semaphore_mem>>) src(%dma_wait3A_216 : memref<64x128xf32, #tpu.memory_space<vmem>>) dst(%dma_wait3A_212 : memref<64x128xf32, #tpu.memory_space<hbm>>)
      tpu.yield
    }) : () -> ()
    %mul3A_155 = arith.constant 640 : i32
    %mul3A_156 = arith.muli %arg1, %mul3A_155 : i32
    %add3A_157 = arith.constant 448 : i32
    %add3A_158 = arith.addi %mul3A_156, %add3A_157 : i32
    %run_scoped3A_159 = arith.constant 0 : i32
    "tpu.region"() ({
      %run_scoped3A_194 = tpu.sem_alloc : memref<!tpu.dma_semaphore, #tpu.memory_space<semaphore_mem>>
      %dma_start3A = arith.constant 0 : i32
      %dma_start3A_195 = arith.constant 0 : i32
      %dma_start3A_196 = tpu.memref_slice %arg8[%run_scoped3A_159, %dma_start3A, %dma_start3A_195] : memref<2x128x128xf32, #tpu.memory_space<vmem>> -> memref<1x64x128xf32, #tpu.memory_space<vmem>>
      %dma_start3A_197 = tpu.memref_squeeze %dma_start3A_196 : memref<1x64x128xf32, #tpu.memory_space<vmem>> -> memref<64x128xf32, #tpu.memory_space<vmem>>
      %dma_start3A_198 = arith.constant 0 : i32
      %dma_start3A_199 = tpu.memref_slice %arg11[%add3A_158, %dma_start3A_198] : memref<10240x128xf32, #tpu.memory_space<vmem_shared>> -> memref<64x128xf32, #tpu.memory_space<vmem_shared>>
      %dma_start3A_200 = arith.constant 0 : i32
      %dma_start3A_201 = arith.constant 0 : i32
      %dma_start3A_202 = tpu.memref_slice %arg8[%run_scoped3A_159, %dma_start3A_200, %dma_start3A_201] : memref<2x128x128xf32, #tpu.memory_space<vmem>> -> memref<1x64x128xf32, #tpu.memory_space<vmem>>
      %dma_start3A_203 = tpu.memref_squeeze %dma_start3A_202 : memref<1x64x128xf32, #tpu.memory_space<vmem>> -> memref<64x128xf32, #tpu.memory_space<vmem>>
      %dma_start3A_204 = arith.constant 0 : i32
      %dma_start3A_205 = tpu.memref_slice %arg11[%add3A_158, %dma_start3A_204] : memref<10240x128xf32, #tpu.memory_space<vmem_shared>> -> memref<64x128xf32, #tpu.memory_space<vmem_shared>>
      tpu.enqueue_dma source(%dma_start3A_205 : memref<64x128xf32, #tpu.memory_space<vmem_shared>>) target(%dma_start3A_203 : memref<64x128xf32, #tpu.memory_space<vmem>>) target_semaphore(%run_scoped3A_194 : memref<!tpu.dma_semaphore, #tpu.memory_space<semaphore_mem>>)
      %dma_wait3A = arith.constant 0 : i32
      %dma_wait3A_206 = arith.constant 0 : i32
      %dma_wait3A_207 = tpu.memref_slice %arg8[%run_scoped3A_159, %dma_wait3A, %dma_wait3A_206] : memref<2x128x128xf32, #tpu.memory_space<vmem>> -> memref<1x64x128xf32, #tpu.memory_space<vmem>>
      %dma_wait3A_208 = tpu.memref_squeeze %dma_wait3A_207 : memref<1x64x128xf32, #tpu.memory_space<vmem>> -> memref<64x128xf32, #tpu.memory_space<vmem>>
      %dma_wait3A_209 = arith.constant 0 : i32
      %dma_wait3A_210 = tpu.memref_slice %arg11[%add3A_158, %dma_wait3A_209] : memref<10240x128xf32, #tpu.memory_space<vmem_shared>> -> memref<64x128xf32, #tpu.memory_space<vmem_shared>>
      %dma_wait3A_211 = arith.constant 0 : i32
      %dma_wait3A_212 = arith.constant 0 : i32
      %dma_wait3A_213 = tpu.memref_slice %arg8[%run_scoped3A_159, %dma_wait3A_211, %dma_wait3A_212] : memref<2x128x128xf32, #tpu.memory_space<vmem>> -> memref<1x64x128xf32, #tpu.memory_space<vmem>>
      %dma_wait3A_214 = tpu.memref_squeeze %dma_wait3A_213 : memref<1x64x128xf32, #tpu.memory_space<vmem>> -> memref<64x128xf32, #tpu.memory_space<vmem>>
      %dma_wait3A_215 = arith.constant 0 : i32
      %dma_wait3A_216 = tpu.memref_slice %arg11[%add3A_158, %dma_wait3A_215] : memref<10240x128xf32, #tpu.memory_space<vmem_shared>> -> memref<64x128xf32, #tpu.memory_space<vmem_shared>>
      tpu.wait_dma2 semaphore(%run_scoped3A_194 : memref<!tpu.dma_semaphore, #tpu.memory_space<semaphore_mem>>) src(%dma_wait3A_216 : memref<64x128xf32, #tpu.memory_space<vmem_shared>>) dst(%dma_wait3A_214 : memref<64x128xf32, #tpu.memory_space<vmem>>)
      tpu.yield
    }) : () -> ()
    %mul3A_160 = arith.constant 10240 : i32
    %mul3A_161 = arith.muli %arg0, %mul3A_160 : i32
    %mul3A_162 = arith.constant 640 : i32
    %mul3A_163 = arith.muli %arg1, %mul3A_162 : i32
    %add3A_164 = arith.addi %mul3A_161, %mul3A_163 : i32
    %add3A_165 = arith.constant 448 : i32
    %add3A_166 = arith.addi %add3A_164, %add3A_165 : i32
    %run_scoped3A_167 = arith.constant 0 : i32
    "tpu.region"() ({
      %run_scoped3A_194 = tpu.sem_alloc : memref<!tpu.dma_semaphore, #tpu.memory_space<semaphore_mem>>
      %dma_start3A = arith.constant 0 : i32
      %dma_start3A_195 = arith.constant 0 : i32
      %dma_start3A_196 = tpu.memref_slice %arg8[%run_scoped3A_167, %dma_start3A, %dma_start3A_195] : memref<2x128x128xf32, #tpu.memory_space<vmem>> -> memref<1x64x128xf32, #tpu.memory_space<vmem>>
      %dma_start3A_197 = tpu.memref_squeeze %dma_start3A_196 : memref<1x64x128xf32, #tpu.memory_space<vmem>> -> memref<64x128xf32, #tpu.memory_space<vmem>>
      %dma_start3A_198 = arith.constant 0 : i32
      %dma_start3A_199 = tpu.memref_slice %arg5[%add3A_166, %dma_start3A_198] : memref<20480x128xf32, #tpu.memory_space<hbm>> -> memref<64x128xf32, #tpu.memory_space<hbm>>
      %dma_start3A_200 = arith.constant 0 : i32
      %dma_start3A_201 = tpu.memref_slice %arg5[%add3A_166, %dma_start3A_200] : memref<20480x128xf32, #tpu.memory_space<hbm>> -> memref<64x128xf32, #tpu.memory_space<hbm>>
      %dma_start3A_202 = arith.constant 0 : i32
      %dma_start3A_203 = arith.constant 0 : i32
      %dma_start3A_204 = tpu.memref_slice %arg8[%run_scoped3A_167, %dma_start3A_202, %dma_start3A_203] : memref<2x128x128xf32, #tpu.memory_space<vmem>> -> memref<1x64x128xf32, #tpu.memory_space<vmem>>
      %dma_start3A_205 = tpu.memref_squeeze %dma_start3A_204 : memref<1x64x128xf32, #tpu.memory_space<vmem>> -> memref<64x128xf32, #tpu.memory_space<vmem>>
      tpu.enqueue_dma source(%dma_start3A_205 : memref<64x128xf32, #tpu.memory_space<vmem>>) target(%dma_start3A_201 : memref<64x128xf32, #tpu.memory_space<hbm>>) target_semaphore(%run_scoped3A_194 : memref<!tpu.dma_semaphore, #tpu.memory_space<semaphore_mem>>)
      %dma_wait3A = arith.constant 0 : i32
      %dma_wait3A_206 = arith.constant 0 : i32
      %dma_wait3A_207 = tpu.memref_slice %arg8[%run_scoped3A_167, %dma_wait3A, %dma_wait3A_206] : memref<2x128x128xf32, #tpu.memory_space<vmem>> -> memref<1x64x128xf32, #tpu.memory_space<vmem>>
      %dma_wait3A_208 = tpu.memref_squeeze %dma_wait3A_207 : memref<1x64x128xf32, #tpu.memory_space<vmem>> -> memref<64x128xf32, #tpu.memory_space<vmem>>
      %dma_wait3A_209 = arith.constant 0 : i32
      %dma_wait3A_210 = tpu.memref_slice %arg5[%add3A_166, %dma_wait3A_209] : memref<20480x128xf32, #tpu.memory_space<hbm>> -> memref<64x128xf32, #tpu.memory_space<hbm>>
      %dma_wait3A_211 = arith.constant 0 : i32
      %dma_wait3A_212 = tpu.memref_slice %arg5[%add3A_166, %dma_wait3A_211] : memref<20480x128xf32, #tpu.memory_space<hbm>> -> memref<64x128xf32, #tpu.memory_space<hbm>>
      %dma_wait3A_213 = arith.constant 0 : i32
      %dma_wait3A_214 = arith.constant 0 : i32
      %dma_wait3A_215 = tpu.memref_slice %arg8[%run_scoped3A_167, %dma_wait3A_213, %dma_wait3A_214] : memref<2x128x128xf32, #tpu.memory_space<vmem>> -> memref<1x64x128xf32, #tpu.memory_space<vmem>>
      %dma_wait3A_216 = tpu.memref_squeeze %dma_wait3A_215 : memref<1x64x128xf32, #tpu.memory_space<vmem>> -> memref<64x128xf32, #tpu.memory_space<vmem>>
      tpu.wait_dma2 semaphore(%run_scoped3A_194 : memref<!tpu.dma_semaphore, #tpu.memory_space<semaphore_mem>>) src(%dma_wait3A_216 : memref<64x128xf32, #tpu.memory_space<vmem>>) dst(%dma_wait3A_212 : memref<64x128xf32, #tpu.memory_space<hbm>>)
      tpu.yield
    }) : () -> ()
    %mul3A_168 = arith.constant 640 : i32
    %mul3A_169 = arith.muli %arg1, %mul3A_168 : i32
    %add3A_170 = arith.constant 512 : i32
    %add3A_171 = arith.addi %mul3A_169, %add3A_170 : i32
    %run_scoped3A_172 = arith.constant 0 : i32
    "tpu.region"() ({
      %run_scoped3A_194 = tpu.sem_alloc : memref<!tpu.dma_semaphore, #tpu.memory_space<semaphore_mem>>
      %dma_start3A = arith.constant 0 : i32
      %dma_start3A_195 = arith.constant 0 : i32
      %dma_start3A_196 = tpu.memref_slice %arg8[%run_scoped3A_172, %dma_start3A, %dma_start3A_195] : memref<2x128x128xf32, #tpu.memory_space<vmem>> -> memref<1x64x128xf32, #tpu.memory_space<vmem>>
      %dma_start3A_197 = tpu.memref_squeeze %dma_start3A_196 : memref<1x64x128xf32, #tpu.memory_space<vmem>> -> memref<64x128xf32, #tpu.memory_space<vmem>>
      %dma_start3A_198 = arith.constant 0 : i32
      %dma_start3A_199 = tpu.memref_slice %arg11[%add3A_171, %dma_start3A_198] : memref<10240x128xf32, #tpu.memory_space<vmem_shared>> -> memref<64x128xf32, #tpu.memory_space<vmem_shared>>
      %dma_start3A_200 = arith.constant 0 : i32
      %dma_start3A_201 = arith.constant 0 : i32
      %dma_start3A_202 = tpu.memref_slice %arg8[%run_scoped3A_172, %dma_start3A_200, %dma_start3A_201] : memref<2x128x128xf32, #tpu.memory_space<vmem>> -> memref<1x64x128xf32, #tpu.memory_space<vmem>>
      %dma_start3A_203 = tpu.memref_squeeze %dma_start3A_202 : memref<1x64x128xf32, #tpu.memory_space<vmem>> -> memref<64x128xf32, #tpu.memory_space<vmem>>
      %dma_start3A_204 = arith.constant 0 : i32
      %dma_start3A_205 = tpu.memref_slice %arg11[%add3A_171, %dma_start3A_204] : memref<10240x128xf32, #tpu.memory_space<vmem_shared>> -> memref<64x128xf32, #tpu.memory_space<vmem_shared>>
      tpu.enqueue_dma source(%dma_start3A_205 : memref<64x128xf32, #tpu.memory_space<vmem_shared>>) target(%dma_start3A_203 : memref<64x128xf32, #tpu.memory_space<vmem>>) target_semaphore(%run_scoped3A_194 : memref<!tpu.dma_semaphore, #tpu.memory_space<semaphore_mem>>)
      %dma_wait3A = arith.constant 0 : i32
      %dma_wait3A_206 = arith.constant 0 : i32
      %dma_wait3A_207 = tpu.memref_slice %arg8[%run_scoped3A_172, %dma_wait3A, %dma_wait3A_206] : memref<2x128x128xf32, #tpu.memory_space<vmem>> -> memref<1x64x128xf32, #tpu.memory_space<vmem>>
      %dma_wait3A_208 = tpu.memref_squeeze %dma_wait3A_207 : memref<1x64x128xf32, #tpu.memory_space<vmem>> -> memref<64x128xf32, #tpu.memory_space<vmem>>
      %dma_wait3A_209 = arith.constant 0 : i32
      %dma_wait3A_210 = tpu.memref_slice %arg11[%add3A_171, %dma_wait3A_209] : memref<10240x128xf32, #tpu.memory_space<vmem_shared>> -> memref<64x128xf32, #tpu.memory_space<vmem_shared>>
      %dma_wait3A_211 = arith.constant 0 : i32
      %dma_wait3A_212 = arith.constant 0 : i32
      %dma_wait3A_213 = tpu.memref_slice %arg8[%run_scoped3A_172, %dma_wait3A_211, %dma_wait3A_212] : memref<2x128x128xf32, #tpu.memory_space<vmem>> -> memref<1x64x128xf32, #tpu.memory_space<vmem>>
      %dma_wait3A_214 = tpu.memref_squeeze %dma_wait3A_213 : memref<1x64x128xf32, #tpu.memory_space<vmem>> -> memref<64x128xf32, #tpu.memory_space<vmem>>
      %dma_wait3A_215 = arith.constant 0 : i32
      %dma_wait3A_216 = tpu.memref_slice %arg11[%add3A_171, %dma_wait3A_215] : memref<10240x128xf32, #tpu.memory_space<vmem_shared>> -> memref<64x128xf32, #tpu.memory_space<vmem_shared>>
      tpu.wait_dma2 semaphore(%run_scoped3A_194 : memref<!tpu.dma_semaphore, #tpu.memory_space<semaphore_mem>>) src(%dma_wait3A_216 : memref<64x128xf32, #tpu.memory_space<vmem_shared>>) dst(%dma_wait3A_214 : memref<64x128xf32, #tpu.memory_space<vmem>>)
      tpu.yield
    }) : () -> ()
    %mul3A_173 = arith.constant 10240 : i32
    %mul3A_174 = arith.muli %arg0, %mul3A_173 : i32
    %mul3A_175 = arith.constant 640 : i32
    %mul3A_176 = arith.muli %arg1, %mul3A_175 : i32
    %add3A_177 = arith.addi %mul3A_174, %mul3A_176 : i32
    %add3A_178 = arith.constant 512 : i32
    %add3A_179 = arith.addi %add3A_177, %add3A_178 : i32
    %run_scoped3A_180 = arith.constant 0 : i32
    "tpu.region"() ({
      %run_scoped3A_194 = tpu.sem_alloc : memref<!tpu.dma_semaphore, #tpu.memory_space<semaphore_mem>>
      %dma_start3A = arith.constant 0 : i32
      %dma_start3A_195 = arith.constant 0 : i32
      %dma_start3A_196 = tpu.memref_slice %arg8[%run_scoped3A_180, %dma_start3A, %dma_start3A_195] : memref<2x128x128xf32, #tpu.memory_space<vmem>> -> memref<1x64x128xf32, #tpu.memory_space<vmem>>
      %dma_start3A_197 = tpu.memref_squeeze %dma_start3A_196 : memref<1x64x128xf32, #tpu.memory_space<vmem>> -> memref<64x128xf32, #tpu.memory_space<vmem>>
      %dma_start3A_198 = arith.constant 0 : i32
      %dma_start3A_199 = tpu.memref_slice %arg5[%add3A_179, %dma_start3A_198] : memref<20480x128xf32, #tpu.memory_space<hbm>> -> memref<64x128xf32, #tpu.memory_space<hbm>>
      %dma_start3A_200 = arith.constant 0 : i32
      %dma_start3A_201 = tpu.memref_slice %arg5[%add3A_179, %dma_start3A_200] : memref<20480x128xf32, #tpu.memory_space<hbm>> -> memref<64x128xf32, #tpu.memory_space<hbm>>
      %dma_start3A_202 = arith.constant 0 : i32
      %dma_start3A_203 = arith.constant 0 : i32
      %dma_start3A_204 = tpu.memref_slice %arg8[%run_scoped3A_180, %dma_start3A_202, %dma_start3A_203] : memref<2x128x128xf32, #tpu.memory_space<vmem>> -> memref<1x64x128xf32, #tpu.memory_space<vmem>>
      %dma_start3A_205 = tpu.memref_squeeze %dma_start3A_204 : memref<1x64x128xf32, #tpu.memory_space<vmem>> -> memref<64x128xf32, #tpu.memory_space<vmem>>
      tpu.enqueue_dma source(%dma_start3A_205 : memref<64x128xf32, #tpu.memory_space<vmem>>) target(%dma_start3A_201 : memref<64x128xf32, #tpu.memory_space<hbm>>) target_semaphore(%run_scoped3A_194 : memref<!tpu.dma_semaphore, #tpu.memory_space<semaphore_mem>>)
      %dma_wait3A = arith.constant 0 : i32
      %dma_wait3A_206 = arith.constant 0 : i32
      %dma_wait3A_207 = tpu.memref_slice %arg8[%run_scoped3A_180, %dma_wait3A, %dma_wait3A_206] : memref<2x128x128xf32, #tpu.memory_space<vmem>> -> memref<1x64x128xf32, #tpu.memory_space<vmem>>
      %dma_wait3A_208 = tpu.memref_squeeze %dma_wait3A_207 : memref<1x64x128xf32, #tpu.memory_space<vmem>> -> memref<64x128xf32, #tpu.memory_space<vmem>>
      %dma_wait3A_209 = arith.constant 0 : i32
      %dma_wait3A_210 = tpu.memref_slice %arg5[%add3A_179, %dma_wait3A_209] : memref<20480x128xf32, #tpu.memory_space<hbm>> -> memref<64x128xf32, #tpu.memory_space<hbm>>
      %dma_wait3A_211 = arith.constant 0 : i32
      %dma_wait3A_212 = tpu.memref_slice %arg5[%add3A_179, %dma_wait3A_211] : memref<20480x128xf32, #tpu.memory_space<hbm>> -> memref<64x128xf32, #tpu.memory_space<hbm>>
      %dma_wait3A_213 = arith.constant 0 : i32
      %dma_wait3A_214 = arith.constant 0 : i32
      %dma_wait3A_215 = tpu.memref_slice %arg8[%run_scoped3A_180, %dma_wait3A_213, %dma_wait3A_214] : memref<2x128x128xf32, #tpu.memory_space<vmem>> -> memref<1x64x128xf32, #tpu.memory_space<vmem>>
      %dma_wait3A_216 = tpu.memref_squeeze %dma_wait3A_215 : memref<1x64x128xf32, #tpu.memory_space<vmem>> -> memref<64x128xf32, #tpu.memory_space<vmem>>
      tpu.wait_dma2 semaphore(%run_scoped3A_194 : memref<!tpu.dma_semaphore, #tpu.memory_space<semaphore_mem>>) src(%dma_wait3A_216 : memref<64x128xf32, #tpu.memory_space<vmem>>) dst(%dma_wait3A_212 : memref<64x128xf32, #tpu.memory_space<hbm>>)
      tpu.yield
    }) : () -> ()
    %mul3A_181 = arith.constant 640 : i32
    %mul3A_182 = arith.muli %arg1, %mul3A_181 : i32
    %add3A_183 = arith.constant 576 : i32
    %add3A_184 = arith.addi %mul3A_182, %add3A_183 : i32
    %run_scoped3A_185 = arith.constant 0 : i32
    "tpu.region"() ({
      %run_scoped3A_194 = tpu.sem_alloc : memref<!tpu.dma_semaphore, #tpu.memory_space<semaphore_mem>>
      %dma_start3A = arith.constant 0 : i32
      %dma_start3A_195 = arith.constant 0 : i32
      %dma_start3A_196 = tpu.memref_slice %arg8[%run_scoped3A_185, %dma_start3A, %dma_start3A_195] : memref<2x128x128xf32, #tpu.memory_space<vmem>> -> memref<1x64x128xf32, #tpu.memory_space<vmem>>
      %dma_start3A_197 = tpu.memref_squeeze %dma_start3A_196 : memref<1x64x128xf32, #tpu.memory_space<vmem>> -> memref<64x128xf32, #tpu.memory_space<vmem>>
      %dma_start3A_198 = arith.constant 0 : i32
      %dma_start3A_199 = tpu.memref_slice %arg11[%add3A_184, %dma_start3A_198] : memref<10240x128xf32, #tpu.memory_space<vmem_shared>> -> memref<64x128xf32, #tpu.memory_space<vmem_shared>>
      %dma_start3A_200 = arith.constant 0 : i32
      %dma_start3A_201 = arith.constant 0 : i32
      %dma_start3A_202 = tpu.memref_slice %arg8[%run_scoped3A_185, %dma_start3A_200, %dma_start3A_201] : memref<2x128x128xf32, #tpu.memory_space<vmem>> -> memref<1x64x128xf32, #tpu.memory_space<vmem>>
      %dma_start3A_203 = tpu.memref_squeeze %dma_start3A_202 : memref<1x64x128xf32, #tpu.memory_space<vmem>> -> memref<64x128xf32, #tpu.memory_space<vmem>>
      %dma_start3A_204 = arith.constant 0 : i32
      %dma_start3A_205 = tpu.memref_slice %arg11[%add3A_184, %dma_start3A_204] : memref<10240x128xf32, #tpu.memory_space<vmem_shared>> -> memref<64x128xf32, #tpu.memory_space<vmem_shared>>
      tpu.enqueue_dma source(%dma_start3A_205 : memref<64x128xf32, #tpu.memory_space<vmem_shared>>) target(%dma_start3A_203 : memref<64x128xf32, #tpu.memory_space<vmem>>) target_semaphore(%run_scoped3A_194 : memref<!tpu.dma_semaphore, #tpu.memory_space<semaphore_mem>>)
      %dma_wait3A = arith.constant 0 : i32
      %dma_wait3A_206 = arith.constant 0 : i32
      %dma_wait3A_207 = tpu.memref_slice %arg8[%run_scoped3A_185, %dma_wait3A, %dma_wait3A_206] : memref<2x128x128xf32, #tpu.memory_space<vmem>> -> memref<1x64x128xf32, #tpu.memory_space<vmem>>
      %dma_wait3A_208 = tpu.memref_squeeze %dma_wait3A_207 : memref<1x64x128xf32, #tpu.memory_space<vmem>> -> memref<64x128xf32, #tpu.memory_space<vmem>>
      %dma_wait3A_209 = arith.constant 0 : i32
      %dma_wait3A_210 = tpu.memref_slice %arg11[%add3A_184, %dma_wait3A_209] : memref<10240x128xf32, #tpu.memory_space<vmem_shared>> -> memref<64x128xf32, #tpu.memory_space<vmem_shared>>
      %dma_wait3A_211 = arith.constant 0 : i32
      %dma_wait3A_212 = arith.constant 0 : i32
      %dma_wait3A_213 = tpu.memref_slice %arg8[%run_scoped3A_185, %dma_wait3A_211, %dma_wait3A_212] : memref<2x128x128xf32, #tpu.memory_space<vmem>> -> memref<1x64x128xf32, #tpu.memory_space<vmem>>
      %dma_wait3A_214 = tpu.memref_squeeze %dma_wait3A_213 : memref<1x64x128xf32, #tpu.memory_space<vmem>> -> memref<64x128xf32, #tpu.memory_space<vmem>>
      %dma_wait3A_215 = arith.constant 0 : i32
      %dma_wait3A_216 = tpu.memref_slice %arg11[%add3A_184, %dma_wait3A_215] : memref<10240x128xf32, #tpu.memory_space<vmem_shared>> -> memref<64x128xf32, #tpu.memory_space<vmem_shared>>
      tpu.wait_dma2 semaphore(%run_scoped3A_194 : memref<!tpu.dma_semaphore, #tpu.memory_space<semaphore_mem>>) src(%dma_wait3A_216 : memref<64x128xf32, #tpu.memory_space<vmem_shared>>) dst(%dma_wait3A_214 : memref<64x128xf32, #tpu.memory_space<vmem>>)
      tpu.yield
    }) : () -> ()
    %mul3A_186 = arith.constant 10240 : i32
    %mul3A_187 = arith.muli %arg0, %mul3A_186 : i32
    %mul3A_188 = arith.constant 640 : i32
    %mul3A_189 = arith.muli %arg1, %mul3A_188 : i32
    %add3A_190 = arith.addi %mul3A_187, %mul3A_189 : i32
    %add3A_191 = arith.constant 576 : i32
    %add3A_192 = arith.addi %add3A_190, %add3A_191 : i32
    %run_scoped3A_193 = arith.constant 0 : i32
    "tpu.region"() ({
      %run_scoped3A_194 = tpu.sem_alloc : memref<!tpu.dma_semaphore, #tpu.memory_space<semaphore_mem>>
      %dma_start3A = arith.constant 0 : i32
      %dma_start3A_195 = arith.constant 0 : i32
      %dma_start3A_196 = tpu.memref_slice %arg8[%run_scoped3A_193, %dma_start3A, %dma_start3A_195] : memref<2x128x128xf32, #tpu.memory_space<vmem>> -> memref<1x64x128xf32, #tpu.memory_space<vmem>>
      %dma_start3A_197 = tpu.memref_squeeze %dma_start3A_196 : memref<1x64x128xf32, #tpu.memory_space<vmem>> -> memref<64x128xf32, #tpu.memory_space<vmem>>
      %dma_start3A_198 = arith.constant 0 : i32
      %dma_start3A_199 = tpu.memref_slice %arg5[%add3A_192, %dma_start3A_198] : memref<20480x128xf32, #tpu.memory_space<hbm>> -> memref<64x128xf32, #tpu.memory_space<hbm>>
      %dma_start3A_200 = arith.constant 0 : i32
      %dma_start3A_201 = tpu.memref_slice %arg5[%add3A_192, %dma_start3A_200] : memref<20480x128xf32, #tpu.memory_space<hbm>> -> memref<64x128xf32, #tpu.memory_space<hbm>>
      %dma_start3A_202 = arith.constant 0 : i32
      %dma_start3A_203 = arith.constant 0 : i32
      %dma_start3A_204 = tpu.memref_slice %arg8[%run_scoped3A_193, %dma_start3A_202, %dma_start3A_203] : memref<2x128x128xf32, #tpu.memory_space<vmem>> -> memref<1x64x128xf32, #tpu.memory_space<vmem>>
      %dma_start3A_205 = tpu.memref_squeeze %dma_start3A_204 : memref<1x64x128xf32, #tpu.memory_space<vmem>> -> memref<64x128xf32, #tpu.memory_space<vmem>>
      tpu.enqueue_dma source(%dma_start3A_205 : memref<64x128xf32, #tpu.memory_space<vmem>>) target(%dma_start3A_201 : memref<64x128xf32, #tpu.memory_space<hbm>>) target_semaphore(%run_scoped3A_194 : memref<!tpu.dma_semaphore, #tpu.memory_space<semaphore_mem>>)
      %dma_wait3A = arith.constant 0 : i32
      %dma_wait3A_206 = arith.constant 0 : i32
      %dma_wait3A_207 = tpu.memref_slice %arg8[%run_scoped3A_193, %dma_wait3A, %dma_wait3A_206] : memref<2x128x128xf32, #tpu.memory_space<vmem>> -> memref<1x64x128xf32, #tpu.memory_space<vmem>>
      %dma_wait3A_208 = tpu.memref_squeeze %dma_wait3A_207 : memref<1x64x128xf32, #tpu.memory_space<vmem>> -> memref<64x128xf32, #tpu.memory_space<vmem>>
      %dma_wait3A_209 = arith.constant 0 : i32
      %dma_wait3A_210 = tpu.memref_slice %arg5[%add3A_192, %dma_wait3A_209] : memref<20480x128xf32, #tpu.memory_space<hbm>> -> memref<64x128xf32, #tpu.memory_space<hbm>>
      %dma_wait3A_211 = arith.constant 0 : i32
      %dma_wait3A_212 = tpu.memref_slice %arg5[%add3A_192, %dma_wait3A_211] : memref<20480x128xf32, #tpu.memory_space<hbm>> -> memref<64x128xf32, #tpu.memory_space<hbm>>
      %dma_wait3A_213 = arith.constant 0 : i32
      %dma_wait3A_214 = arith.constant 0 : i32
      %dma_wait3A_215 = tpu.memref_slice %arg8[%run_scoped3A_193, %dma_wait3A_213, %dma_wait3A_214] : memref<2x128x128xf32, #tpu.memory_space<vmem>> -> memref<1x64x128xf32, #tpu.memory_space<vmem>>
      %dma_wait3A_216 = tpu.memref_squeeze %dma_wait3A_215 : memref<1x64x128xf32, #tpu.memory_space<vmem>> -> memref<64x128xf32, #tpu.memory_space<vmem>>
      tpu.wait_dma2 semaphore(%run_scoped3A_194 : memref<!tpu.dma_semaphore, #tpu.memory_space<semaphore_mem>>) src(%dma_wait3A_216 : memref<64x128xf32, #tpu.memory_space<vmem>>) dst(%dma_wait3A_212 : memref<64x128xf32, #tpu.memory_space<hbm>>)
      tpu.yield
    }) : () -> ()
    return
  }
}

#map = affine_map<(d0, d1) -> (0, 0)>
#map1 = affine_map<(d0, d1) -> (0)>
module attributes {stable_mosaic.version = 14 : i64} {
  func.func @_deg_body(%arg0: i32, %arg1: i32, %arg2: memref<2560x128xi32, #tpu.memory_space<hbm>>, %arg3: memref<20480xf32, #tpu.memory_space<hbm>>, %arg4: memref<80x128xi32, #tpu.memory_space<vmem>>, %arg5: memref<640xf32, #tpu.memory_space<vmem>>, %arg6: memref<128xf32, #tpu.memory_space<vmem>>, %arg7: memref<10240xf32, #tpu.memory_space<vmem_shared>>) attributes {dimension_semantics = [#tpu.dimension_semantics<core_parallel>, #tpu.dimension_semantics<subcore_parallel>], iteration_bounds = array<i64: 2, 16>, scalar_prefetch = 0 : i64, scratch_operands = 4 : i64, tpu.core_type = #tpu.core_type<sc_vector_subcore>, window_params = [{transform_indices = #map}, {transform_indices = #map1}]} {
    %mul3A = arith.constant 2 : i32
    %mul3A_0 = arith.muli %arg1, %mul3A : i32
    %add3A = arith.addi %mul3A_0, %arg0 : i32
    %broadcast_in_dim3A = arith.constant 0.000000e+00 : f32
    %broadcast_in_dim3A_1 = vector.broadcast %broadcast_in_dim3A : f32 to vector<16xf32>
    %scan3A = arith.constant 0 : i32
    %scan3A_2 = arith.constant 0 : i32
    %scan3A_3 = arith.constant 40 : i32
    %scan3A_4 = arith.addi %scan3A_2, %scan3A_3 : i32
    %scan3A_5 = arith.constant 1 : i32
    scf.for %scan3A_33 = %scan3A_2 to %scan3A_4 step %scan3A_5  : i32 {
      %mul3A_34 = arith.constant 16 : i32
      %mul3A_35 = arith.muli %scan3A_33, %mul3A_34 : i32
      %swap3A = arith.index_cast %mul3A_35 : i32 to index
      %swap3A_36 = tpu.vector_load %arg5[%swap3A] {strides = array<i32>} : memref<640xf32, #tpu.memory_space<vmem>>, vector<16xf32>,
      %swap3A_37 = vector.shape_cast %swap3A_36 : vector<16xf32> to vector<16xf32>
      %swap3A_38 = vector.shape_cast %broadcast_in_dim3A_1 : vector<16xf32> to vector<16xf32>
      tpu.vector_store %arg5[%swap3A], %swap3A_38 {strides = array<i32>} : memref<640xf32, #tpu.memory_space<vmem>>, vector<16xf32>,
    }
    %scan3A_6 = arith.constant 40 : i32
    %mul3A_7 = arith.constant 640 : i32
    %mul3A_8 = arith.muli %arg1, %mul3A_7 : i32
    "tpu.region"() ({
      %run_scoped3A = tpu.sem_alloc : memref<!tpu.dma_semaphore, #tpu.memory_space<semaphore_mem>>
      %dma_start3A = tpu.memref_slice %arg7[%mul3A_8] : memref<10240xf32, #tpu.memory_space<vmem_shared>> -> memref<640xf32, #tpu.memory_space<vmem_shared>>
      %dma_start3A_33 = tpu.memref_slice %arg7[%mul3A_8] : memref<10240xf32, #tpu.memory_space<vmem_shared>> -> memref<640xf32, #tpu.memory_space<vmem_shared>>
      tpu.enqueue_dma source(%arg5 : memref<640xf32, #tpu.memory_space<vmem>>) target(%dma_start3A_33 : memref<640xf32, #tpu.memory_space<vmem_shared>>) target_semaphore(%run_scoped3A : memref<!tpu.dma_semaphore, #tpu.memory_space<semaphore_mem>>)
      %dma_wait3A = tpu.memref_slice %arg7[%mul3A_8] : memref<10240xf32, #tpu.memory_space<vmem_shared>> -> memref<640xf32, #tpu.memory_space<vmem_shared>>
      %dma_wait3A_34 = tpu.memref_slice %arg7[%mul3A_8] : memref<10240xf32, #tpu.memory_space<vmem_shared>> -> memref<640xf32, #tpu.memory_space<vmem_shared>>
      tpu.wait_dma2 semaphore(%run_scoped3A : memref<!tpu.dma_semaphore, #tpu.memory_space<semaphore_mem>>) src(%arg5 : memref<640xf32, #tpu.memory_space<vmem>>) dst(%dma_wait3A_34 : memref<640xf32, #tpu.memory_space<vmem_shared>>)
      tpu.yield
    }) : () -> ()
    %broadcast_in_dim3A_9 = arith.constant 1.000000e+00 : f32
    %broadcast_in_dim3A_10 = vector.broadcast %broadcast_in_dim3A_9 : f32 to vector<16xf32>
    %scan3A_11 = arith.constant 0 : i32
    %scan3A_12 = arith.constant 0 : i32
    %scan3A_13 = arith.constant 8 : i32
    %scan3A_14 = arith.addi %scan3A_12, %scan3A_13 : i32
    %scan3A_15 = arith.constant 1 : i32
    scf.for %scan3A_33 = %scan3A_12 to %scan3A_14 step %scan3A_15  : i32 {
      %mul3A_34 = arith.constant 16 : i32
      %mul3A_35 = arith.muli %scan3A_33, %mul3A_34 : i32
      %swap3A = arith.index_cast %mul3A_35 : i32 to index
      %swap3A_36 = tpu.vector_load %arg6[%swap3A] {strides = array<i32>} : memref<128xf32, #tpu.memory_space<vmem>>, vector<16xf32>,
      %swap3A_37 = vector.shape_cast %swap3A_36 : vector<16xf32> to vector<16xf32>
      %swap3A_38 = vector.shape_cast %broadcast_in_dim3A_10 : vector<16xf32> to vector<16xf32>
      tpu.vector_store %arg6[%swap3A], %swap3A_38 {strides = array<i32>} : memref<128xf32, #tpu.memory_space<vmem>>, vector<16xf32>,
    }
    %scan3A_16 = arith.constant 8 : i32
    %mul3A_17 = arith.constant 80 : i32
    %mul3A_18 = arith.muli %add3A, %mul3A_17 : i32
    "tpu.region"() ({
      %run_scoped3A = tpu.sem_alloc : memref<!tpu.dma_semaphore, #tpu.memory_space<semaphore_mem>>
      %dma_start3A = arith.constant 0 : i32
      %dma_start3A_33 = tpu.memref_slice %arg2[%mul3A_18, %dma_start3A] : memref<2560x128xi32, #tpu.memory_space<hbm>> -> memref<80x128xi32, #tpu.memory_space<hbm>>
      %dma_start3A_34 = arith.constant 0 : i32
      %dma_start3A_35 = tpu.memref_slice %arg2[%mul3A_18, %dma_start3A_34] : memref<2560x128xi32, #tpu.memory_space<hbm>> -> memref<80x128xi32, #tpu.memory_space<hbm>>
      tpu.enqueue_dma source(%dma_start3A_35 : memref<80x128xi32, #tpu.memory_space<hbm>>) target(%arg4 : memref<80x128xi32, #tpu.memory_space<vmem>>) target_semaphore(%run_scoped3A : memref<!tpu.dma_semaphore, #tpu.memory_space<semaphore_mem>>)
      %dma_wait3A = arith.constant 0 : i32
      %dma_wait3A_36 = tpu.memref_slice %arg2[%mul3A_18, %dma_wait3A] : memref<2560x128xi32, #tpu.memory_space<hbm>> -> memref<80x128xi32, #tpu.memory_space<hbm>>
      %dma_wait3A_37 = arith.constant 0 : i32
      %dma_wait3A_38 = tpu.memref_slice %arg2[%mul3A_18, %dma_wait3A_37] : memref<2560x128xi32, #tpu.memory_space<hbm>> -> memref<80x128xi32, #tpu.memory_space<hbm>>
      tpu.wait_dma2 semaphore(%run_scoped3A : memref<!tpu.dma_semaphore, #tpu.memory_space<semaphore_mem>>) src(%dma_wait3A_38 : memref<80x128xi32, #tpu.memory_space<hbm>>) dst(%arg4 : memref<80x128xi32, #tpu.memory_space<vmem>>)
      tpu.yield
    }) : () -> ()
    %barrier3A = arith.constant 0 : index
    tpu.barrier barrier_id(%barrier3A)
    %scan3A_19 = arith.constant 0 : i32
    %scan3A_20 = arith.constant 0 : i32
    %scan3A_21 = arith.constant 80 : i32
    %scan3A_22 = arith.addi %scan3A_20, %scan3A_21 : i32
    %scan3A_23 = arith.constant 1 : i32
    scf.for %scan3A_33 = %scan3A_20 to %scan3A_22 step %scan3A_23  : i32 {
      "tpu.region"() ({
        %run_scoped3A = tpu.sem_alloc : memref<!tpu.dma_semaphore, #tpu.memory_space<semaphore_mem>>
        %dma_start3A = arith.constant 0 : i32
        %dma_start3A_34 = tpu.memref_slice %arg4[%scan3A_33, %dma_start3A] : memref<80x128xi32, #tpu.memory_space<vmem>> -> memref<1x128xi32, #tpu.memory_space<vmem>>
        %dma_start3A_35 = tpu.memref_squeeze %dma_start3A_34 : memref<1x128xi32, #tpu.memory_space<vmem>> -> memref<128xi32, #tpu.memory_space<vmem>>
        %dma_start3A_36 = arith.constant 0 : i32
        %dma_start3A_37 = tpu.memref_slice %arg7[%dma_start3A_36] : memref<10240xf32, #tpu.memory_space<vmem_shared>> -> memref<10240xf32, #tpu.memory_space<vmem_shared>>
        tpu.enqueue_indirect_dma source(%arg6 : memref<128xf32, #tpu.memory_space<vmem>>) target(%dma_start3A_37 : memref<10240xf32, #tpu.memory_space<vmem_shared>>) offsets(%dma_start3A_35 : memref<128xi32, #tpu.memory_space<vmem>>) semaphore(%run_scoped3A : memref<!tpu.dma_semaphore, #tpu.memory_space<semaphore_mem>>) {add = true}
        %dma_wait3A = arith.constant 0 : i32
        %dma_wait3A_38 = tpu.memref_slice %arg4[%scan3A_33, %dma_wait3A] : memref<80x128xi32, #tpu.memory_space<vmem>> -> memref<1x128xi32, #tpu.memory_space<vmem>>
        %dma_wait3A_39 = tpu.memref_squeeze %dma_wait3A_38 : memref<1x128xi32, #tpu.memory_space<vmem>> -> memref<128xi32, #tpu.memory_space<vmem>>
        %dma_wait3A_40 = arith.constant 0 : i32
        %dma_wait3A_41 = tpu.memref_slice %arg7[%dma_wait3A_40] : memref<10240xf32, #tpu.memory_space<vmem_shared>> -> memref<10240xf32, #tpu.memory_space<vmem_shared>>
        tpu.wait_indirect_dma semaphore(%run_scoped3A : memref<!tpu.dma_semaphore, #tpu.memory_space<semaphore_mem>>) src(%arg6 : memref<128xf32, #tpu.memory_space<vmem>>) dst(%dma_wait3A_41 : memref<10240xf32, #tpu.memory_space<vmem_shared>>)
        tpu.yield
      }) : () -> ()
    }
    %scan3A_24 = arith.constant 80 : i32
    %barrier3A_25 = arith.constant 0 : index
    tpu.barrier barrier_id(%barrier3A_25)
    %mul3A_26 = arith.constant 640 : i32
    %mul3A_27 = arith.muli %arg1, %mul3A_26 : i32
    "tpu.region"() ({
      %run_scoped3A = tpu.sem_alloc : memref<!tpu.dma_semaphore, #tpu.memory_space<semaphore_mem>>
      %dma_start3A = tpu.memref_slice %arg7[%mul3A_27] : memref<10240xf32, #tpu.memory_space<vmem_shared>> -> memref<640xf32, #tpu.memory_space<vmem_shared>>
      %dma_start3A_33 = tpu.memref_slice %arg7[%mul3A_27] : memref<10240xf32, #tpu.memory_space<vmem_shared>> -> memref<640xf32, #tpu.memory_space<vmem_shared>>
      tpu.enqueue_dma source(%dma_start3A_33 : memref<640xf32, #tpu.memory_space<vmem_shared>>) target(%arg5 : memref<640xf32, #tpu.memory_space<vmem>>) target_semaphore(%run_scoped3A : memref<!tpu.dma_semaphore, #tpu.memory_space<semaphore_mem>>)
      %dma_wait3A = tpu.memref_slice %arg7[%mul3A_27] : memref<10240xf32, #tpu.memory_space<vmem_shared>> -> memref<640xf32, #tpu.memory_space<vmem_shared>>
      %dma_wait3A_34 = tpu.memref_slice %arg7[%mul3A_27] : memref<10240xf32, #tpu.memory_space<vmem_shared>> -> memref<640xf32, #tpu.memory_space<vmem_shared>>
      tpu.wait_dma2 semaphore(%run_scoped3A : memref<!tpu.dma_semaphore, #tpu.memory_space<semaphore_mem>>) src(%dma_wait3A_34 : memref<640xf32, #tpu.memory_space<vmem_shared>>) dst(%arg5 : memref<640xf32, #tpu.memory_space<vmem>>)
      tpu.yield
    }) : () -> ()
    %mul3A_28 = arith.constant 10240 : i32
    %mul3A_29 = arith.muli %arg0, %mul3A_28 : i32
    %mul3A_30 = arith.constant 640 : i32
    %mul3A_31 = arith.muli %arg1, %mul3A_30 : i32
    %add3A_32 = arith.addi %mul3A_29, %mul3A_31 : i32
    "tpu.region"() ({
      %run_scoped3A = tpu.sem_alloc : memref<!tpu.dma_semaphore, #tpu.memory_space<semaphore_mem>>
      %dma_start3A = tpu.memref_slice %arg3[%add3A_32] : memref<20480xf32, #tpu.memory_space<hbm>> -> memref<640xf32, #tpu.memory_space<hbm>>
      %dma_start3A_33 = tpu.memref_slice %arg3[%add3A_32] : memref<20480xf32, #tpu.memory_space<hbm>> -> memref<640xf32, #tpu.memory_space<hbm>>
      tpu.enqueue_dma source(%arg5 : memref<640xf32, #tpu.memory_space<vmem>>) target(%dma_start3A_33 : memref<640xf32, #tpu.memory_space<hbm>>) target_semaphore(%run_scoped3A : memref<!tpu.dma_semaphore, #tpu.memory_space<semaphore_mem>>)
      %dma_wait3A = tpu.memref_slice %arg3[%add3A_32] : memref<20480xf32, #tpu.memory_space<hbm>> -> memref<640xf32, #tpu.memory_space<hbm>>
      %dma_wait3A_34 = tpu.memref_slice %arg3[%add3A_32] : memref<20480xf32, #tpu.memory_space<hbm>> -> memref<640xf32, #tpu.memory_space<hbm>>
      tpu.wait_dma2 semaphore(%run_scoped3A : memref<!tpu.dma_semaphore, #tpu.memory_space<semaphore_mem>>) src(%arg5 : memref<640xf32, #tpu.memory_space<vmem>>) dst(%dma_wait3A_34 : memref<640xf32, #tpu.memory_space<hbm>>)
      tpu.yield
    }) : () -> ()
    return
  }
}

module attributes {stable_mosaic.version = 14 : i64} {
  func.func @_mm_body(%arg0: memref<10000x128xf32, #tpu.memory_space<vmem>>, %arg1: memref<128x128xf32, #tpu.memory_space<vmem>>, %arg2: memref<10000x1xf32, #tpu.memory_space<vmem>>, %arg3: memref<10000x128xf32, #tpu.memory_space<vmem>>) attributes {dimension_semantics = [], scalar_prefetch = 0 : i64, scratch_operands = 0 : i64, tpu.core_type = #tpu.core_type<tc>} {
    %get3A = arith.constant 0 : index
    %get3A_0 = arith.constant 0 : index
    %get3A_1 = vector.load %arg2[%get3A, %get3A_0] : memref<10000x1xf32, #tpu.memory_space<vmem>>, vector<10000x1xf32>
    %rsqrt3A = math.rsqrt %get3A_1 : vector<10000x1xf32>
    %get3A_2 = arith.constant 0 : index
    %get3A_3 = arith.constant 0 : index
    %get3A_4 = vector.load %arg0[%get3A_2, %get3A_3] : memref<10000x128xf32, #tpu.memory_space<vmem>>, vector<10000x128xf32>
    %get3A_5 = arith.constant 0 : index
    %get3A_6 = arith.constant 0 : index
    %get3A_7 = vector.load %arg1[%get3A_5, %get3A_6] : memref<128x128xf32, #tpu.memory_space<vmem>>, vector<128x128xf32>
    %dot_general3A = arith.constant dense<0.000000e+00> : vector<10000x128xf32>
    %dot_general3A_8 = tpu.matmul %get3A_4, %get3A_7, %dot_general3A {dimension_numbers = #tpu.dot_dimension_numbers<[1], [0], [0], [1], [0, 0, 1, 1], [], []>, transpose_lhs_hint = false} : vector<10000x128xf32>, vector<128x128xf32>, vector<10000x128xf32> -> vector<10000x128xf32>
    %mul3A = vector.broadcast %rsqrt3A : vector<10000x1xf32> to vector<10000x128xf32>
    %mul3A_9 = arith.mulf %dot_general3A_8, %mul3A : vector<10000x128xf32>
    %swap3A = arith.constant 0 : index
    %swap3A_10 = arith.constant 0 : index
    %swap3A_11 = vector.load %arg3[%swap3A, %swap3A_10] : memref<10000x128xf32, #tpu.memory_space<vmem>>, vector<10000x128xf32>
    tpu.vector_store %arg3[%swap3A, %swap3A_10], %mul3A_9 {strides = array<i32>} : memref<10000x128xf32, #tpu.memory_space<vmem>>, vector<10000x128xf32>,
    return
  }
}

module attributes {stable_mosaic.version = 14 : i64} {
  func.func @_fin_body(%arg0: memref<20480x128xf32, #tpu.memory_space<vmem>>, %arg1: memref<10000x128xf32, #tpu.memory_space<vmem>>, %arg2: memref<10000x1xf32, #tpu.memory_space<vmem>>, %arg3: memref<1x128xf32, #tpu.memory_space<vmem>>, %arg4: memref<1x128xf32, #tpu.memory_space<vmem>>, %arg5: memref<1x128xf32, #tpu.memory_space<vmem>>, %arg6: memref<10000x128xf32, #tpu.memory_space<vmem>>) attributes {dimension_semantics = [], scalar_prefetch = 0 : i64, scratch_operands = 0 : i64, tpu.core_type = #tpu.core_type<tc>} {
    %get3A = arith.constant 0 : index
    %get3A_0 = arith.constant 0 : index
    %get3A_1 = vector.load %arg2[%get3A, %get3A_0] : memref<10000x1xf32, #tpu.memory_space<vmem>>, vector<10000x1xf32>
    %rsqrt3A = math.rsqrt %get3A_1 : vector<10000x1xf32>
    %get3A_2 = arith.constant 0 : index
    %get3A_3 = arith.constant 0 : index
    %get3A_4 = vector.load %arg0[%get3A_2, %get3A_3] : memref<20480x128xf32, #tpu.memory_space<vmem>>, vector<10000x128xf32>
    %get3A_5 = arith.constant 10240 : index
    %get3A_6 = arith.constant 0 : index
    %get3A_7 = vector.load %arg0[%get3A_5, %get3A_6] : memref<20480x128xf32, #tpu.memory_space<vmem>>, vector<10000x128xf32>
    %add3A = arith.addf %get3A_4, %get3A_7 : vector<10000x128xf32>
    %get3A_8 = arith.constant 0 : index
    %get3A_9 = arith.constant 0 : index
    %get3A_10 = vector.load %arg1[%get3A_8, %get3A_9] : memref<10000x128xf32, #tpu.memory_space<vmem>>, vector<10000x128xf32>
    %add3A_11 = arith.addf %add3A, %get3A_10 : vector<10000x128xf32>
    %mul3A = vector.broadcast %rsqrt3A : vector<10000x1xf32> to vector<10000x128xf32>
    %mul3A_12 = arith.mulf %add3A_11, %mul3A : vector<10000x128xf32>
    %get3A_13 = arith.constant 0 : index
    %get3A_14 = arith.constant 0 : index
    %get3A_15 = vector.load %arg3[%get3A_13, %get3A_14] : memref<1x128xf32, #tpu.memory_space<vmem>>, vector<1x128xf32>
    %add3A_16 = vector.broadcast %get3A_15 : vector<1x128xf32> to vector<10000x128xf32>
    %add3A_17 = arith.addf %mul3A_12, %add3A_16 : vector<10000x128xf32>
    %reduce_sum3A = arith.constant dense<0.000000e+00> : vector<128xf32>
    %reduce_sum3A_18 = vector.multi_reduction <add>, %add3A_17, %reduce_sum3A [0] : vector<10000x128xf32> to vector<128xf32>
    %broadcast_in_dim3A = vector.shape_cast %reduce_sum3A_18 : vector<128xf32> to vector<1x128xf32>
    %div3A = arith.constant 1.000000e+04 : f32
    %div3A_19 = vector.broadcast %div3A : f32 to vector<1x128xf32>
    %div3A_20 = arith.divf %broadcast_in_dim3A, %div3A_19 : vector<1x128xf32>
    %sub3A = vector.broadcast %div3A_20 : vector<1x128xf32> to vector<10000x128xf32>
    %sub3A_21 = arith.subf %add3A_17, %sub3A : vector<10000x128xf32>
    %integer_pow3A = arith.mulf %sub3A_21, %sub3A_21 : vector<10000x128xf32>
    %reduce_sum3A_22 = arith.constant dense<0.000000e+00> : vector<128xf32>
    %reduce_sum3A_23 = vector.multi_reduction <add>, %integer_pow3A, %reduce_sum3A_22 [0] : vector<10000x128xf32> to vector<128xf32>
    %broadcast_in_dim3A_24 = vector.shape_cast %reduce_sum3A_23 : vector<128xf32> to vector<1x128xf32>
    %div3A_25 = arith.constant 1.000000e+04 : f32
    %div3A_26 = vector.broadcast %div3A_25 : f32 to vector<1x128xf32>
    %div3A_27 = arith.divf %broadcast_in_dim3A_24, %div3A_26 : vector<1x128xf32>
    %sub3A_28 = vector.broadcast %div3A_20 : vector<1x128xf32> to vector<10000x128xf32>
    %sub3A_29 = arith.subf %add3A_17, %sub3A_28 : vector<10000x128xf32>
    %add3A_30 = arith.constant 9.99999974E-6 : f32
    %add3A_31 = vector.broadcast %add3A_30 : f32 to vector<1x128xf32>
    %add3A_32 = arith.addf %div3A_27, %add3A_31 : vector<1x128xf32>
    %rsqrt3A_33 = math.rsqrt %add3A_32 : vector<1x128xf32>
    %mul3A_34 = vector.broadcast %rsqrt3A_33 : vector<1x128xf32> to vector<10000x128xf32>
    %mul3A_35 = arith.mulf %sub3A_29, %mul3A_34 : vector<10000x128xf32>
    %get3A_36 = arith.constant 0 : index
    %get3A_37 = arith.constant 0 : index
    %get3A_38 = vector.load %arg4[%get3A_36, %get3A_37] : memref<1x128xf32, #tpu.memory_space<vmem>>, vector<1x128xf32>
    %mul3A_39 = vector.broadcast %get3A_38 : vector<1x128xf32> to vector<10000x128xf32>
    %mul3A_40 = arith.mulf %mul3A_35, %mul3A_39 : vector<10000x128xf32>
    %get3A_41 = arith.constant 0 : index
    %get3A_42 = arith.constant 0 : index
    %get3A_43 = vector.load %arg5[%get3A_41, %get3A_42] : memref<1x128xf32, #tpu.memory_space<vmem>>, vector<1x128xf32>
    %add3A_44 = vector.broadcast %get3A_43 : vector<1x128xf32> to vector<10000x128xf32>
    %add3A_45 = arith.addf %mul3A_40, %add3A_44 : vector<10000x128xf32>
    %max3A = arith.constant 0.000000e+00 : f32
    %max3A_46 = vector.broadcast %max3A : f32 to vector<10000x128xf32>
    %max3A_47 = arith.maximumf %add3A_45, %max3A_46 : vector<10000x128xf32>
    %swap3A = arith.constant 0 : index
    %swap3A_48 = arith.constant 0 : index
    %swap3A_49 = vector.load %arg6[%swap3A, %swap3A_48] : memref<10000x128xf32, #tpu.memory_space<vmem>>, vector<10000x128xf32>
    tpu.vector_store %arg6[%swap3A, %swap3A_48], %max3A_47 {strides = array<i32>} : memref<10000x128xf32, #tpu.memory_space<vmem>>, vector<10000x128xf32>,
    return
  }
}

</mosaic_0001>

<sc_bundles>
// kernel: kernel.6.cloned.1.call-start
scs
__scs_entry_jumppad:
0x0: {  	(pc) =	sbr.rel $0x88, $3  }
0x1: {  	(tag) =	ssettag $0x0;
	lr =	simm.s32 $0x1  }
0x2: {  	[smem:$0x3F9B] =	sst lr;
	_ =	strace $0xD0000000  }
0x3: {  	_ = 	snop  }
0x4: {  	_ = 	snop  }
0x5: {  	_ = 	snop  }
0x6: {  	_ = 	snop  }
0x7: {  	_ = 	snop  }
__scs_overlays_trampoline_lowered:
0x8: {  	[smem:$0x3FAA] =	sst s0  }
0x9: {  	[smem:$0x3FAB] =	sst s1  }
0xa: {  	[smem:$0x3FAC] =	sst s2  }
0xb: {  	[smem:$0x3FAD] =	sst s3  }
0xc: {  	[smem:$0x3FAE] =	sst s4  }
0xd: {  	[smem:$0x3FAF] =	sst s5  }
0xe: {  	[smem:$0x3FB0] =	sst s6  }
0xf: {  	[smem:$0x3FB1] =	sst s7  }
0x10: {  	[smem:$0x3FB2] =	sst s8  }
0x11: {  	[smem:$0x3FB3] =	sst s9;
	s0 =	simm.s32 @!p0 $0x0  }
0x12: {  	s1 =	sld [smem:$0x3F99];
	s0 =	simm.s32 @p0 $0x1  }
0x13: {  	[smem:$0x3FB4] =	sst s0;
	s0 =	simm.s32 @!p1 $0x0  }
0x14: {  	s2 =	sld [smem:$0x3F98];
	s0 =	simm.s32 @p1 $0x1  }
0x15: {  	[smem:$0x3FB5] =	sst s0;
	s0 =	simm.s32 @!p2 $0x0  }
0x16: {  	s3 =	sld [smem:$0x3FDB];
	s0 =	simm.s32 @p2 $0x1  }
0x17: {  	s4 =	simm.s32 $0x1BF5;
	[smem:$0x3FB7] =	sst s0  }
0x18: {  	s0 =	sld [smem:$0x3F9A];
	_ =	swait.ge [sflag:s4], $0x0  }
0x19: {  	s7 =	sld [smem:$0x3F9B]  }
0x1a: {  	s8 =	sadd.s32 $0xFFFFE003, lr  }
0x1b: {  	s9 =	sadd.s32 $0xFFFFFEF7, lr;
	s5 =	simm.s32 $0xFFFFFFFF;
	p2 =	slt.u32 s8, $0xFFFFF086  }
0x1c: {  	p1 =	slt.u32 s9, $0xF7A;
	s5 =	simm.s32 @!p2 $0x0  }
0x1d: {  	s5 =	simm.s32 @p1 $0x1;
	p0 =	seq.s32 s7, s2  }
0x1e: {  	s7 =	smul.u32 @!p0 $0xF7A, s2;
	p2 =	seq.s32 @!p0 s5, $0x0  }
0x1f: {  	s9 =	smul.u32 $0xF7A, s1;
	s8 =	simm.s32 @!p0 $0x1BF5;
	p2 =	por !p2, p0  }
0x20: {  	[sflag:s8] =	ssyncset.s32 @!p0 $0xFFFFF086;
	s6 =	sadd.s32 @!p0 s3, s7;
	s7 =	simm.s32 @!p0 $0x108  }
0x21: {  	s3 =	sadd.s32 s3, s9;
	s6 =	sadd.s32 @!p0 $0x88, s6;
	s7 =	simm.s32 @p2 $0x1082  }
0x22: {  	[simem:s7], [sflag:s8] =	dma.local @!p0 [hbm:s6], $0xF7A  }
0x23: {  	s9 =	sor.u32 $0xD0000000, s2;
	s6 =	simm.s32 $0x108;
	_ =	swait.ge @!p0 [sflag:s8], $0x0  }
0x24: {  	s3 =	sadd.s32 $0x88, s3;
	s6 =	simm.s32 @!p1 $0x1082;
	[sflag:s4] =	ssyncset.s32 $0xFFFFF086  }
0x25: {  	[simem:s6], [sflag:s4] =	dma.local [hbm:s3], $0xF7A  }
0x26: {  	[smem:$0x3F9B] =	sst s1;
	(tag) =	ssettag s2;
	_ =	strace s9  }
0x27: {  	s1 =	sld [smem:$0x3FAB]  }
0x28: {  	s2 =	sld [smem:$0x3FAC]  }
0x29: {  	s4 =	sld [smem:$0x3FAE]  }
0x2a: {  	p0 =	seq.s32 s5, $0x0;
	s5 =	sld [smem:$0x3FAF]  }
0x2b: {  	s6 =	sld [smem:$0x3FB0]  }
0x2c: {  	s7 =	sld [smem:$0x3FB1]  }
0x2d: {  	s3 =	simm.s32 $0x108;
	s8 =	sld [smem:$0x3FB2]  }
0x2e: {  	s3 =	simm.s32 @!p0 $0x1082;
	s9 =	sld [smem:$0x3FB3]  }
0x2f: {  	lr =	sadd.s32 s0, s3;
	s0 =	sld [smem:$0x3FAA]  }
0x30: {  	s3 =	sld [smem:$0x3FAD]  }
0x31: {  	[smem:$0x3FB6] =	sst s10  }
0x32: {  	s10 =	sld [smem:$0x3FB4];
	_ =	sdelay $0x3  }
0x33: {  	p0 =	seq.s32 s10, $0x1;
	s10 =	sld [smem:$0x3FB6];
	_ =	sdelay $0x3  }
0x34: {  	[smem:$0x3FB6] =	sst s10  }
0x35: {  	s10 =	sld [smem:$0x3FB5];
	_ =	sdelay $0x3  }
0x36: {  	p1 =	seq.s32 s10, $0x1;
	s10 =	sld [smem:$0x3FB6];
	_ =	sdelay $0x3  }
0x37: {  	[smem:$0x3FB6] =	sst s10  }
0x38: {  	s10 =	sld [smem:$0x3FB7]  }
0x39: {  	_ = 	snop;
	(pc) =	sbr.ind lr, $3  }
0x3a: {  	_ = 	snop  }
0x3b: {  	_ = 	snop  }
0x3c: {  	p2 =	seq.s32 s10, $0x1;
	s10 =	sld [smem:$0x3FB6]  }
0x3d: {  	_ =	shalt  }
0x3e: {  	_ =	shalt  }
0x3f: {  	_ =	shalt  }
0x40: {  	_ =	shalt  }
0x41: {  	_ =	shalt  }
0x42: {  	_ =	shalt  }
0x43: {  	_ =	shalt  }
0x44: {  	_ =	shalt  }
0x45: {  	_ =	shalt  }
0x46: {  	_ =	shalt  }
0x47: {  	_ =	shalt  }
0x48: {  	_ =	shalt  }
0x49: {  	_ =	shalt  }
0x4a: {  	_ =	shalt  }
0x4b: {  	_ =	shalt  }
0x4c: {  	_ =	shalt  }
0x4d: {  	_ =	shalt  }
0x4e: {  	_ =	shalt  }
0x4f: {  	_ =	shalt  }
0x50: {  	_ =	shalt  }
0x51: {  	_ =	shalt  }
0x52: {  	_ =	shalt  }
0x53: {  	_ =	shalt  }
0x54: {  	_ =	shalt  }
0x55: {  	_ =	shalt  }
0x56: {  	_ =	shalt  }
0x57: {  	_ =	shalt  }
0x58: {  	_ =	shalt  }
0x59: {  	_ =	shalt  }
0x5a: {  	_ =	shalt  }
0x5b: {  	_ =	shalt  }
0x5c: {  	_ =	shalt  }
0x5d: {  	_ =	shalt  }
0x5e: {  	_ =	shalt  }
0x5f: {  	_ =	shalt  }
0x60: {  	_ =	shalt  }
0x61: {  	_ =	shalt  }
0x62: {  	_ =	shalt  }
0x63: {  	_ =	shalt  }
0x64: {  	_ =	shalt  }
0x65: {  	_ =	shalt  }
0x66: {  	_ =	shalt  }
0x67: {  	_ =	shalt  }
0x68: {  	_ =	shalt  }
0x69: {  	_ =	shalt  }
0x6a: {  	_ =	shalt  }
0x6b: {  	_ =	shalt  }
0x6c: {  	_ =	shalt  }
0x6d: {  	_ =	shalt  }
0x6e: {  	_ =	shalt  }
0x6f: {  	_ =	shalt  }
0x70: {  	_ =	shalt  }
0x71: {  	_ =	shalt  }
0x72: {  	_ =	shalt  }
0x73: {  	_ =	shalt  }
0x74: {  	_ =	shalt  }
0x75: {  	_ =	shalt  }
0x76: {  	_ =	shalt  }
0x77: {  	_ =	shalt  }
0x78: {  	_ =	shalt  }
0x79: {  	_ =	shalt  }
0x7a: {  	_ =	shalt  }
0x7b: {  	_ =	shalt  }
0x7c: {  	_ =	shalt  }
0x7d: {  	_ =	shalt  }
0x7e: {  	_ =	shalt  }
0x7f: {  	_ =	shalt  }
0x80: {  	_ =	shalt  }
0x81: {  	_ =	shalt  }
0x82: {  	_ =	shalt  }
0x83: {  	_ =	shalt  }
0x84: {  	_ =	shalt  }
0x85: {  	_ =	shalt  }
0x86: {  	_ =	shalt  }
0x87: {  	_ =	shalt  }
.Lfunc_end0:
.L_simem_size_0:
called_computation_lowered:
.L_overlay_start_0:
0x88: {  	s2 =	sld [smem:$0x3FD9]  }
0x89: {  	s3 =	sld [smem:$0x3FFE];
	_ =	sdelay $0x1  }
0x8a: {  	s1 =	srdreg.scid  }
0x8b: {  	s0 =	sand.u32 $0x1, s1  }
0x8c: {  	s17 =	sshll.u32 s0, $0xA;
	s2 =	sadd.s32 s3, s2  }
0x8d: {  	s2 =	sadd.s32 s2, s17  }
0x8e: {  	[smem:$0x3FC2] =	sst s2  }
0x8f: {  	_ = 	snop  }
0x90: {  	s2 =	sld [smem:$0x3FD0];
	(tm) =	ssettm $0x1  }
0x91: {  	s18 =	sld [smem:$0x3FFB];
	_ =	sdelay $0x3  }
0x92: {  	_ =	strace s18  }
0x93: {  	s3 =	sld [smem:$0x3FFC];
	_ =	sdelay $0x3  }
0x94: {  	_ =	strace s3  }
0x95: {  	s3 =	sld [smem:$0x3FFD];
	_ =	sdelay $0x3  }
0x96: {  	_ =	strace s3  }
0x97: {  	_ =	strace $0x8FFFFFFF  }
0x98: {  	s19 =	sld [smem:$0x3FDB];
	_ =	sdelay $0x1  }
0x99: {  	s4 =	simm.s32 $_scs_section_size  }
0x9a: {  	s5 =	simm.s32 $_size__tile_overlayer_lowered;
	s6 =	simm.s32 $_tile_overlayer_lowered  }
0x9b: {  	s22 =	simm.s32 $0x1BFF;
	s21 =	sshll.u32 s6, $0x1;
	s3 =	sadd.s32 s4, s19  }
0x9c: {  	s7 =	simm.s32 $0x0;
	s20 =	sshll.u32 s5, $0x1;
	s5 =	sadd.s32 s21, s3  }
0x9d: {  	[timem:s7], [sflag:s22] =	dma.local [hbm:s5], s20  }
0x9e: {  	_ =	swait.ge [sflag:s22], s20  }
0x9f: {  	s4 =	ssub.s32 $0x0, s20;
	[sflag:s22] =	ssyncset.done $0x0  }
0xa0: {  	[sflag:s22] =	ssyncadd.s32 s4;
	_ =	sdelay $0x1  }
0xa1: {  	s23 =	simm.s32 $0x1B8B  }
0xa2: {  	_ =	swait.ge [sflag:s23], $0x1  }
0xa3: {  	[sflag:s23] =	ssyncset.done $0x0  }
0xa4: {  	s25 =	simm.s32 $0x1B8E;
	s24 =	sld [smem:$0x3FFE];
	[sflag:s23] =	ssyncadd.s32 $0xFFFFFFFF  }
0xa5: {  	s26 =	simm.s32 $execute0_lowered;
	[smem:$0x3FD2] =	sst s25  }
0xa6: {  	s5 =	sshll.u32 s26, $0x1;
	_ =	strace $0x80000046;
	[dreg:$0x1] =	wrdreg $0xFFFFFFFF  }
0xa7: {  	s28 =	simm.s32 $_size_execute0_lowered;
	s3 =	sadd.s32 s3, s5;
	[dreg:$0x0] =	wrdreg $0x0  }
0xa8: {  	s5 =	sshll.u32 s28, $0x1;
	[dreg:$0x2] =	wrdreg s3  }
0xa9: {  	[dreg:$0x3] =	wrdreg s5  }
0xaa: {  	[dreg:$0x4] =	wrdreg $0xC0  }
0xab: {  	_ =	task [dreg:s7], $0x5FFFF  }
0xac: {  	[dreg:$0x1] =	wrdreg $0xFFFFFFFF  }
0xad: {  	[dreg:$0x0] =	wrdreg $0x60  }
0xae: {  	[dreg:$0x2] =	wrdreg s24  }
0xaf: {  	[dreg:$0x3] =	wrdreg s2  }
0xb0: {  	[dreg:$0x4] =	wrdreg $0x2B000  }
0xb1: {  	[dreg:$0x5] =	wrdreg $0x9  }
0xb2: {  	_ =	task.clear_ibuf [dreg:s7], $0x6FFFF;
	_ =	strace $0x90000046  }
0xb3: {  	s29 =	simm.s32 $0x9;
	_ =	strace $0x80000048  }
0xb4: {  	_ =	swait.ge [sflag:s29], $0x1  }
0xb5: {  	[sflag:s29] =	ssyncadd.s32 $0xFFFFFFFF  }
0xb6: {  	_ =	strace $0x90000048  }
0xb7: {  	_ =	sfence  }
0xb8: {  	s30 =	sld [smem:$0x0];
	_ =	sdelay $0x2  }
0xb9: {  	s31 =	sshll.u32 s1, $0xD;
	s1 =	sshrl.u32 s1, $0x2  }
0xba: {  	s3 =	sand.u32 $0x4000, s31;
	s1 =	sadd.s32 s1, s30  }
0xbb: {  	s0 =	sor.u32 s3, s0;
	s1 =	sshll.u32 s1, $0x11  }
0xbc: {  	s0 =	sor.u32 s1, s0  }
0xbd: {  	s0 =	sadd.s32 $0x8F2B, s0  }
0xbe: {  	[sflag:s0] =	ssyncadd.remote.s32 $0x1  }
0xbf: {  	_ =	sfence.sel $0xFFFF  }
0xc0: {  	[dreg:$0x0] =	wrdreg $0xFFFFFFFF;
	(pc) =	sbr.abs _section_cstart, $3  }
0xc1: {  	[dreg:$0x1] =	wrdreg $0xFFFFFFFF  }
0xc2: {  	_ =	task.clear_ibuf [dreg:s7], $0x2FFFF;
	_ =	strace $0x9FFFFFFF  }
0xc3: {  	(tm) =	ssettm $0x7FFFFFFF  }
tec
execute0_lowered:
.L_overlay_start_1:
0x0: {  	(tag) =	ssettag $0x1  }
0x1: {  	s4 =	rddreg [dreg:$0x0]  }
0x2: {  	s6 =	rddreg [dreg:$0x1]  }
0x3: {  	s2 =	rddreg [dreg:$0x2]  }
0x4: {  	s0 =	rddreg [dreg:$0x3]  }
0x5: {  	s3 =	srdreg.scid;
	s1 =	stileid.u32  }
0x6: {  	s11 =	simm.s32 $0x2A80;
	s12 =	simm.s32 $0x0;
	s5 =	sand.u32 $0x1, s3  }
0x7: {  	s7 =	sshll.u32 s1, $0x1;
	s8 =	smul.u32 $0x280, s1;
	s3 =	simm.s32 $0x0  }
0x8: {  	s7 =	sor.u32 s5, s7;
	s9 =	smul.u32 $0x2800, s5;
	s5 =	ssub.s32 $0x2, s5  }
0x9: {  	[smem:$0x7FF] =	sst s3;
	s7 =	smul.u32 $0x500, s7;
	s10 =	sshrl.u32 s5, $0x1  }
0xa: {  	_ =	strace $0x80000047;
	s9 =	sadd.s32 s8, s9;
	s10 =	ssub.s32 s5, s10  }
0xb: {  	s7 =	sadd.s32 s7, s4;
	s9 =	sshrl.u32 s9, $0x3;
	s4 =	sadd.s32 s8, s2  }
0xc: {  	s8 =	simm.s32 $0x2800;
	s5 =	sadd.s32 $0xBE00, s7;
	s6 =	sadd.s32 s6, s9  }
0xd: {  	v0 =	vimm.f32 $0.0e+00;
	v1 =	vimm.f32 $1.000000000e+00;
	s7 =	smax.u32 s10, $0x1;
	s9 =	simm.s32 $0x1;
	s10 =	simm.s32 $0x80  }
.LBB2_1:
0xe: {  	[tilespmem:$0x2800] =	vst v0  }
0xf: {  	[tilespmem:$0x2810] =	vst v0  }
0x10: {  	[tilespmem:$0x2820] =	vst v0  }
0x11: {  	[tilespmem:$0x2830] =	vst v0  }
0x12: {  	[tilespmem:$0x2840] =	vst v0  }
0x13: {  	[tilespmem:$0x2850] =	vst v0  }
0x14: {  	[tilespmem:$0x2860] =	vst v0  }
0x15: {  	[tilespmem:$0x2870] =	vst v0  }
0x16: {  	[tilespmem:$0x2880] =	vst v0  }
0x17: {  	[tilespmem:$0x2890] =	vst v0  }
0x18: {  	[tilespmem:$0x28A0] =	vst v0  }
0x19: {  	[tilespmem:$0x28B0] =	vst v0  }
0x1a: {  	[tilespmem:$0x28C0] =	vst v0  }
0x1b: {  	[tilespmem:$0x28D0] =	vst v0  }
0x1c: {  	[tilespmem:$0x28E0] =	vst v0  }
0x1d: {  	[tilespmem:$0x28F0] =	vst v0  }
0x1e: {  	[tilespmem:$0x2900] =	vst v0  }
0x1f: {  	[tilespmem:$0x2910] =	vst v0  }
0x20: {  	[tilespmem:$0x2920] =	vst v0  }
0x21: {  	[tilespmem:$0x2930] =	vst v0  }
0x22: {  	[tilespmem:$0x2940] =	vst v0  }
0x23: {  	[tilespmem:$0x2950] =	vst v0  }
0x24: {  	[tilespmem:$0x2960] =	vst v0  }
0x25: {  	[tilespmem:$0x2970] =	vst v0  }
0x26: {  	[tilespmem:$0x2980] =	vst v0  }
0x27: {  	[tilespmem:$0x2990] =	vst v0  }
0x28: {  	[tilespmem:$0x29A0] =	vst v0  }
0x29: {  	[tilespmem:$0x29B0] =	vst v0  }
0x2a: {  	[tilespmem:$0x29C0] =	vst v0  }
0x2b: {  	[tilespmem:$0x29D0] =	vst v0  }
0x2c: {  	[tilespmem:$0x29E0] =	vst v0  }
0x2d: {  	[tilespmem:$0x29F0] =	vst v0  }
0x2e: {  	[tilespmem:$0x2A00] =	vst v0  }
0x2f: {  	[tilespmem:$0x2A10] =	vst v0  }
0x30: {  	[tilespmem:$0x2A20] =	vst v0  }
0x31: {  	[tilespmem:$0x2A30] =	vst v0  }
0x32: {  	[tilespmem:$0x2A40] =	vst v0  }
0x33: {  	[tilespmem:$0x2A50] =	vst v0  }
0x34: {  	[tilespmem:$0x2A60] =	vst v0  }
0x35: {  	[tilespmem:$0x2A70] =	vst v0  }
0x36: {  	[spmem:s4] =	stream.linear.scatter [tilespmem:s8], [sflag:$0x1], $0x280, $0x38;
	[tilespmem:$0x2D80] =	vst v63  }
0x37: {  	_ =	swait.ge [sflag:s9], $0x280  }
0x38: {  	[sflag:s9] =	ssyncset.done $0x0  }
0x39: {  	[sflag:s9] =	ssyncadd.s32 $0xFFFFFD80  }
0x3a: {  	[tilespmem:$0x2A80] =	vst v1  }
0x3b: {  	[tilespmem:$0x2A90] =	vst v1  }
0x3c: {  	[tilespmem:$0x2AA0] =	vst v1  }
0x3d: {  	[tilespmem:$0x2AB0] =	vst v1  }
0x3e: {  	[tilespmem:$0x2AC0] =	vst v1  }
0x3f: {  	[tilespmem:$0x2AD0] =	vst v1  }
0x40: {  	[tilespmem:$0x2AE0] =	vst v1  }
0x41: {  	[tilespmem:$0x2AF0] =	vst v1  }
0x42: {  	[tilespmem:s3], [sflag:$0x1] =	stream.linear.gather [hbm4b:s5+s3], $0x2800, $0x38;
	[tilespmem:$0x2D80] =	vst v63  }
0x43: {  	_ =	swait.ge [sflag:s9], $0x2800  }
0x44: {  	[sflag:s9] =	ssyncset.done $0x0  }
0x45: {  	[sflag:s9] =	ssyncadd.s32 $0xFFFFD800  }
0x46: {  	s13 =	simm.s32 $0x0;
	[bflag:$0x0] =	sbarrier.arrive $0xFFFF  }
0x47: {  	[spmem:s2] =	stream.indirect.scatter.add.f32 [tilespmem:s11], [sflag:$0x1], $0x1, s13, s10, $0xb8;
	[tilespmem:$0x2D80] =	vst v63  }
0x48: {  	_ =	swait.ge [sflag:s9], $0x80  }
0x49: {  	s13 =	simm.s32 $0x200;
	[sflag:s9] =	ssyncset.done $0x0  }
.LBB2_2:
0x4a: {  	s14 =	sshra.s32 s13, $0x2;
	[sflag:s9] =	ssyncadd.s32 $0xFFFFFF80;
	p0 =	sne.s32 s13, $0x9E00  }
0x4b: {  	[spmem:s2] =	stream.indirect.scatter.add.f32 [tilespmem:s11], [sflag:$0x1], $0x1, s14, s10, $0xb8;
	[tilespmem:$0x2D80] =	vst v63  }
.Ltmp0:
0x4c: {  	_ = 	snop;
	(pc) =	sbr.rel @p0 .LBB2_2-.Ltmp0, $4  }
0x4d: {  	_ = 	snop  }
0x4e: {  	s13 =	sadd.s32 $0x200, s13  }
0x4f: {  	_ =	swait.ge [sflag:s9], $0x80  }
0x50: {  	[sflag:s9] =	ssyncset.done $0x0  }
0x51: {  	[sflag:s9] =	ssyncadd.s32 $0xFFFFFF80  }
0x52: {  	[bflag:$0x0] =	sbarrier.arrive $0xFFFF  }
0x53: {  	[tilespmem:s8], [sflag:$0x1] =	stream.linear.gather [spmem:s4], $0x280, $0x38;
	[tilespmem:$0x2D80] =	vst v63  }
0x54: {  	s12 =	sadd.s32 $0x1, s12;
	_ =	swait.ge [sflag:s9], $0x280  }
0x55: {  	p0 =	sne.s32 s12, s7;
	[sflag:s9] =	ssyncset.done $0x0  }
.Ltmp1:
0x56: {  	[sflag:s9] =	ssyncadd.s32 $0xFFFFFD80;
	(pc) =	sbr.rel @p0 .LBB2_1-.Ltmp1, $4  }
0x57: {  	[hbm4b:s6+s3] =	stream.linear.scatter [tilespmem:s8], [sflag:$0x1], $0x280, $0x38;
	[tilespmem:$0x2D80] =	vst v63  }
0x58: {  	_ =	swait.ge [sflag:s9], $0x280  }
0x59: {  	[sflag:s9] =	ssyncset.done $0x0  }
0x5a: {  	[sflag:s9] =	ssyncadd.s32 $0xFFFFFD80  }
0x5b: {  	_ =	sfence.sel $0x180000  }
0x5c: {  	[bflag:$0x0] =	sbarrier.arrive $0xFFFF  }
0x5d: {  	p0 =	sne.s32 s1, $0x0;
	_ =	strace $0x90000047  }
0x5e: {  	s0 =	sadd.s32 @!p0 $0x100000, s0;
	[bflag:$0x2] =	sbarrier.arrive $0xFFFF  }
0x5f: {  	[sflag:s0] =	ssyncadd.tile.s32 @!p0 $0x1;
	_ =	shalt  }
.Lfunc_end2:
_tile_overlayer_lowered:
.L_overlay_start_2:
0x60: {  	(tag) =	ssettag $0x2  }
0x61: {  	s0 =	rddreg [dreg:$0x0];
	s2 =	stileid.u32  }
0x62: {  	s1 =	rddreg [dreg:$0x1];
	p0 =	sne.s32 s2, $0x0  }
0x63: {  	s3 =	rddreg [dreg:$0x2];
	[bflag:$0x3] =	sbarrier.arrive $0xFFFF;
	s2 =	simm.s32 @!p0 $0x1C01  }
0x64: {  	[timem:s3], [sflag:s2] =	dma.local @!p0 [hbm:s0], s1  }
0x65: {  	s0 =	simm.s32 @!p0 $0x1  }
0x66: {  	_ =	swait.ge @!p0 [sflag:s0], s1  }
0x67: {  	s1 =	ssub.s32 @!p0 $0x0, s1;
	[sflag:s0] =	ssyncset.done @!p0 $0x0  }
0x68: {  	[sflag:s0] =	ssyncadd.s32 @!p0 s1  }
0x69: {  	[bflag:$0x3] =	sbarrier.arrive $0xFFFF  }
0x6a: {  	_ =	shalt  }

// kernel: kernel.9.cloned.1.call-start
scs
__scs_entry_jumppad:
0x0: {  	(pc) =	sbr.rel $0x88, $3  }
0x1: {  	(tag) =	ssettag $0x0;
	lr =	simm.s32 $0x1  }
0x2: {  	[smem:$0x3F9B] =	sst lr;
	_ =	strace $0xD0000000  }
0x3: {  	_ = 	snop  }
0x4: {  	_ = 	snop  }
0x5: {  	_ = 	snop  }
0x6: {  	_ = 	snop  }
0x7: {  	_ = 	snop  }
__scs_overlays_trampoline_lowered:
0x8: {  	[smem:$0x3FAA] =	sst s0  }
0x9: {  	[smem:$0x3FAB] =	sst s1  }
0xa: {  	[smem:$0x3FAC] =	sst s2  }
0xb: {  	[smem:$0x3FAD] =	sst s3  }
0xc: {  	[smem:$0x3FAE] =	sst s4  }
0xd: {  	[smem:$0x3FAF] =	sst s5  }
0xe: {  	[smem:$0x3FB0] =	sst s6  }
0xf: {  	[smem:$0x3FB1] =	sst s7  }
0x10: {  	[smem:$0x3FB2] =	sst s8  }
0x11: {  	[smem:$0x3FB3] =	sst s9;
	s0 =	simm.s32 @!p0 $0x0  }
0x12: {  	s1 =	sld [smem:$0x3F99];
	s0 =	simm.s32 @p0 $0x1  }
0x13: {  	[smem:$0x3FB4] =	sst s0;
	s0 =	simm.s32 @!p1 $0x0  }
0x14: {  	s2 =	sld [smem:$0x3F98];
	s0 =	simm.s32 @p1 $0x1  }
0x15: {  	[smem:$0x3FB5] =	sst s0;
	s0 =	simm.s32 @!p2 $0x0  }
0x16: {  	s3 =	sld [smem:$0x3FDB];
	s0 =	simm.s32 @p2 $0x1  }
0x17: {  	s4 =	simm.s32 $0x1BF5;
	[smem:$0x3FB7] =	sst s0  }
0x18: {  	s0 =	sld [smem:$0x3F9A];
	_ =	swait.ge [sflag:s4], $0x0  }
0x19: {  	s7 =	sld [smem:$0x3F9B]  }
0x1a: {  	s8 =	sadd.s32 $0xFFFFE003, lr  }
0x1b: {  	s9 =	sadd.s32 $0xFFFFFEF7, lr;
	s5 =	simm.s32 $0xFFFFFFFF;
	p2 =	slt.u32 s8, $0xFFFFF086  }
0x1c: {  	p1 =	slt.u32 s9, $0xF7A;
	s5 =	simm.s32 @!p2 $0x0  }
0x1d: {  	s5 =	simm.s32 @p1 $0x1;
	p0 =	seq.s32 s7, s2  }
0x1e: {  	s7 =	smul.u32 @!p0 $0xF7A, s2;
	p2 =	seq.s32 @!p0 s5, $0x0  }
0x1f: {  	s9 =	smul.u32 $0xF7A, s1;
	s8 =	simm.s32 @!p0 $0x1BF5;
	p2 =	por !p2, p0  }
0x20: {  	[sflag:s8] =	ssyncset.s32 @!p0 $0xFFFFF086;
	s6 =	sadd.s32 @!p0 s3, s7;
	s7 =	simm.s32 @!p0 $0x108  }
0x21: {  	s3 =	sadd.s32 s3, s9;
	s6 =	sadd.s32 @!p0 $0x88, s6;
	s7 =	simm.s32 @p2 $0x1082  }
0x22: {  	[simem:s7], [sflag:s8] =	dma.local @!p0 [hbm:s6], $0xF7A  }
0x23: {  	s9 =	sor.u32 $0xD0000000, s2;
	s6 =	simm.s32 $0x108;
	_ =	swait.ge @!p0 [sflag:s8], $0x0  }
0x24: {  	s3 =	sadd.s32 $0x88, s3;
	s6 =	simm.s32 @!p1 $0x1082;
	[sflag:s4] =	ssyncset.s32 $0xFFFFF086  }
0x25: {  	[simem:s6], [sflag:s4] =	dma.local [hbm:s3], $0xF7A  }
0x26: {  	[smem:$0x3F9B] =	sst s1;
	(tag) =	ssettag s2;
	_ =	strace s9  }
0x27: {  	s1 =	sld [smem:$0x3FAB]  }
0x28: {  	s2 =	sld [smem:$0x3FAC]  }
0x29: {  	s4 =	sld [smem:$0x3FAE]  }
0x2a: {  	p0 =	seq.s32 s5, $0x0;
	s5 =	sld [smem:$0x3FAF]  }
0x2b: {  	s6 =	sld [smem:$0x3FB0]  }
0x2c: {  	s7 =	sld [smem:$0x3FB1]  }
0x2d: {  	s3 =	simm.s32 $0x108;
	s8 =	sld [smem:$0x3FB2]  }
0x2e: {  	s3 =	simm.s32 @!p0 $0x1082;
	s9 =	sld [smem:$0x3FB3]  }
0x2f: {  	lr =	sadd.s32 s0, s3;
	s0 =	sld [smem:$0x3FAA]  }
0x30: {  	s3 =	sld [smem:$0x3FAD]  }
0x31: {  	[smem:$0x3FB6] =	sst s10  }
0x32: {  	s10 =	sld [smem:$0x3FB4];
	_ =	sdelay $0x3  }
0x33: {  	p0 =	seq.s32 s10, $0x1;
	s10 =	sld [smem:$0x3FB6];
	_ =	sdelay $0x3  }
0x34: {  	[smem:$0x3FB6] =	sst s10  }
0x35: {  	s10 =	sld [smem:$0x3FB5];
	_ =	sdelay $0x3  }
0x36: {  	p1 =	seq.s32 s10, $0x1;
	s10 =	sld [smem:$0x3FB6];
	_ =	sdelay $0x3  }
0x37: {  	[smem:$0x3FB6] =	sst s10  }
0x38: {  	s10 =	sld [smem:$0x3FB7]  }
0x39: {  	_ = 	snop;
	(pc) =	sbr.ind lr, $3  }
0x3a: {  	_ = 	snop  }
0x3b: {  	_ = 	snop  }
0x3c: {  	p2 =	seq.s32 s10, $0x1;
	s10 =	sld [smem:$0x3FB6]  }
0x3d: {  	_ =	shalt  }
0x3e: {  	_ =	shalt  }
0x3f: {  	_ =	shalt  }
0x40: {  	_ =	shalt  }
0x41: {  	_ =	shalt  }
0x42: {  	_ =	shalt  }
0x43: {  	_ =	shalt  }
0x44: {  	_ =	shalt  }
0x45: {  	_ =	shalt  }
0x46: {  	_ =	shalt  }
0x47: {  	_ =	shalt  }
0x48: {  	_ =	shalt  }
0x49: {  	_ =	shalt  }
0x4a: {  	_ =	shalt  }
0x4b: {  	_ =	shalt  }
0x4c: {  	_ =	shalt  }
0x4d: {  	_ =	shalt  }
0x4e: {  	_ =	shalt  }
0x4f: {  	_ =	shalt  }
0x50: {  	_ =	shalt  }
0x51: {  	_ =	shalt  }
0x52: {  	_ =	shalt  }
0x53: {  	_ =	shalt  }
0x54: {  	_ =	shalt  }
0x55: {  	_ =	shalt  }
0x56: {  	_ =	shalt  }
0x57: {  	_ =	shalt  }
0x58: {  	_ =	shalt  }
0x59: {  	_ =	shalt  }
0x5a: {  	_ =	shalt  }
0x5b: {  	_ =	shalt  }
0x5c: {  	_ =	shalt  }
0x5d: {  	_ =	shalt  }
0x5e: {  	_ =	shalt  }
0x5f: {  	_ =	shalt  }
0x60: {  	_ =	shalt  }
0x61: {  	_ =	shalt  }
0x62: {  	_ =	shalt  }
0x63: {  	_ =	shalt  }
0x64: {  	_ =	shalt  }
0x65: {  	_ =	shalt  }
0x66: {  	_ =	shalt  }
0x67: {  	_ =	shalt  }
0x68: {  	_ =	shalt  }
0x69: {  	_ =	shalt  }
0x6a: {  	_ =	shalt  }
0x6b: {  	_ =	shalt  }
0x6c: {  	_ =	shalt  }
0x6d: {  	_ =	shalt  }
0x6e: {  	_ =	shalt  }
0x6f: {  	_ =	shalt  }
0x70: {  	_ =	shalt  }
0x71: {  	_ =	shalt  }
0x72: {  	_ =	shalt  }
0x73: {  	_ =	shalt  }
0x74: {  	_ =	shalt  }
0x75: {  	_ =	shalt  }
0x76: {  	_ =	shalt  }
0x77: {  	_ =	shalt  }
0x78: {  	_ =	shalt  }
0x79: {  	_ =	shalt  }
0x7a: {  	_ =	shalt  }
0x7b: {  	_ =	shalt  }
0x7c: {  	_ =	shalt  }
0x7d: {  	_ =	shalt  }
0x7e: {  	_ =	shalt  }
0x7f: {  	_ =	shalt  }
0x80: {  	_ =	shalt  }
0x81: {  	_ =	shalt  }
0x82: {  	_ =	shalt  }
0x83: {  	_ =	shalt  }
0x84: {  	_ =	shalt  }
0x85: {  	_ =	shalt  }
0x86: {  	_ =	shalt  }
0x87: {  	_ =	shalt  }
.Lfunc_end0:
.L_simem_size_0:
called_computation.1_lowered:
.L_overlay_start_0:
0x88: {  	s2 =	sld [smem:$0x3FD9]  }
0x89: {  	s3 =	sld [smem:$0x3FFE];
	_ =	sdelay $0x1  }
0x8a: {  	s1 =	srdreg.scid  }
0x8b: {  	s0 =	sand.u32 $0x1, s1  }
0x8c: {  	s17 =	sshll.u32 s0, $0xA;
	s2 =	sadd.s32 s3, s2  }
0x8d: {  	s2 =	sadd.s32 s2, s17  }
0x8e: {  	[smem:$0x3FC2] =	sst s2  }
0x8f: {  	_ = 	snop  }
0x90: {  	s2 =	sld [smem:$0x3FD0];
	(tm) =	ssettm $0x1  }
0x91: {  	s18 =	sld [smem:$0x3FFB];
	_ =	sdelay $0x3  }
0x92: {  	_ =	strace s18  }
0x93: {  	s3 =	sld [smem:$0x3FFC];
	_ =	sdelay $0x3  }
0x94: {  	_ =	strace s3  }
0x95: {  	s3 =	sld [smem:$0x3FFD];
	_ =	sdelay $0x3  }
0x96: {  	_ =	strace s3  }
0x97: {  	_ =	strace $0x8FFFFFFF  }
0x98: {  	s19 =	sld [smem:$0x3FDB];
	_ =	sdelay $0x1  }
0x99: {  	s4 =	simm.s32 $_scs_section_size  }
0x9a: {  	s5 =	simm.s32 $_size__tile_overlayer_lowered;
	s6 =	simm.s32 $_tile_overlayer_lowered  }
0x9b: {  	s22 =	simm.s32 $0x1BFF;
	s21 =	sshll.u32 s6, $0x1;
	s3 =	sadd.s32 s4, s19  }
0x9c: {  	s7 =	simm.s32 $0x0;
	s20 =	sshll.u32 s5, $0x1;
	s5 =	sadd.s32 s21, s3  }
0x9d: {  	[timem:s7], [sflag:s22] =	dma.local [hbm:s5], s20  }
0x9e: {  	_ =	swait.ge [sflag:s22], s20  }
0x9f: {  	s4 =	ssub.s32 $0x0, s20;
	[sflag:s22] =	ssyncset.done $0x0  }
0xa0: {  	[sflag:s22] =	ssyncadd.s32 s4;
	_ =	sdelay $0x1  }
0xa1: {  	s23 =	simm.s32 $0x1B8B  }
0xa2: {  	_ =	swait.ge [sflag:s23], $0x1  }
0xa3: {  	[sflag:s23] =	ssyncset.done $0x0  }
0xa4: {  	s25 =	simm.s32 $0x1B8E;
	s24 =	sld [smem:$0x3FFE];
	[sflag:s23] =	ssyncadd.s32 $0xFFFFFFFF  }
0xa5: {  	s26 =	simm.s32 $execute0_lowered;
	[smem:$0x3FD2] =	sst s25  }
0xa6: {  	s5 =	sshll.u32 s26, $0x1;
	_ =	strace $0x80000049;
	[dreg:$0x1] =	wrdreg $0xFFFFFFFF  }
0xa7: {  	s28 =	simm.s32 $_size_execute0_lowered;
	s3 =	sadd.s32 s3, s5;
	[dreg:$0x0] =	wrdreg $0x0  }
0xa8: {  	s5 =	sshll.u32 s28, $0x1;
	[dreg:$0x2] =	wrdreg s3  }
0xa9: {  	[dreg:$0x3] =	wrdreg s5  }
0xaa: {  	[dreg:$0x4] =	wrdreg $0xC0  }
0xab: {  	_ =	task [dreg:s7], $0x5FFFF  }
0xac: {  	[dreg:$0x1] =	wrdreg $0xFFFFFFFF  }
0xad: {  	[dreg:$0x0] =	wrdreg $0x60  }
0xae: {  	[dreg:$0x2] =	wrdreg s2  }
0xaf: {  	[dreg:$0x3] =	wrdreg s24  }
0xb0: {  	[dreg:$0x4] =	wrdreg $0x90000  }
0xb1: {  	[dreg:$0x5] =	wrdreg $0x9  }
0xb2: {  	_ =	task.clear_ibuf [dreg:s7], $0x6FFFF;
	_ =	strace $0x90000049  }
0xb3: {  	s29 =	simm.s32 $0x9;
	_ =	strace $0x8000004B  }
0xb4: {  	_ =	swait.ge [sflag:s29], $0x1  }
0xb5: {  	[sflag:s29] =	ssyncadd.s32 $0xFFFFFFFF  }
0xb6: {  	_ =	strace $0x9000004B  }
0xb7: {  	_ =	sfence  }
0xb8: {  	s30 =	sld [smem:$0x0];
	_ =	sdelay $0x2  }
0xb9: {  	s31 =	sshll.u32 s1, $0xD;
	s1 =	sshrl.u32 s1, $0x2  }
0xba: {  	s3 =	sand.u32 $0x4000, s31;
	s1 =	sadd.s32 s1, s30  }
0xbb: {  	s0 =	sor.u32 s3, s0;
	s1 =	sshll.u32 s1, $0x11  }
0xbc: {  	s0 =	sor.u32 s1, s0  }
0xbd: {  	s0 =	sadd.s32 $0x8F2B, s0  }
0xbe: {  	[sflag:s0] =	ssyncadd.remote.s32 $0x1  }
0xbf: {  	_ =	sfence.sel $0xFFFF  }
0xc0: {  	[dreg:$0x0] =	wrdreg $0xFFFFFFFF;
	(pc) =	sbr.abs _section_cstart, $3  }
0xc1: {  	[dreg:$0x1] =	wrdreg $0xFFFFFFFF  }
0xc2: {  	_ =	task.clear_ibuf [dreg:s7], $0x2FFFF;
	_ =	strace $0x9FFFFFFF  }
0xc3: {  	(tm) =	ssettm $0x7FFFFFFF  }
tec
execute0_lowered:
.L_overlay_start_1:
0x0: {  	(tag) =	ssettag $0x1  }
0x1: {  	s0 =	srdreg.scid;
	s1 =	rddreg [dreg:$0x0]  }
0x2: {  	s11 =	stileid.u32;
	s4 =	rddreg [dreg:$0x1];
	s2 =	simm.s32 $0x0  }
0x3: {  	s0 =	sand.u32 $0x1, s0;
	s3 =	smul.u32 $0x280, s11;
	[smem:$0x7FF] =	sst s2  }
0x4: {  	s6 =	sadd.s32 $0x1E00, s4;
	s7 =	sadd.s32 $0xBE00, s4;
	s20 =	sshll.u32 s11, $0xB  }
0x5: {  	s5 =	smul.u32 $0x2800, s0;
	s19 =	ssub.s32 $0x2, s0;
	s21 =	sadd.s32 s6, s20  }
0x6: {  	s22 =	sadd.s32 s7, s20;
	s23 =	sor.u32 $0x100, s20;
	[dreg:$0x4] =	wrdreg s21  }
0x7: {  	p0 =	seq.s32 s0, $0x1;
	[dreg:$0x5] =	wrdreg s22;
	s25 =	sadd.s32 s6, s23  }
0x8: {  	s24 =	sor.u32 $0x200, s20;
	s0 =	sadd.s32 s7, s23;
	[dreg:$0x6] =	wrdreg s25  }
0x9: {  	s9 =	smul.u32 $0x50000, s11;
	s26 =	sadd.s32 s6, s24;
	[dreg:$0x7] =	wrdreg s0  }
0xa: {  	s29 =	sor.u32 $0x300, s20;
	s28 =	sadd.s32 s7, s24;
	[dreg:$0x8] =	wrdreg s26  }
0xb: {  	s30 =	sor.u32 $0x400, s20;
	s31 =	sadd.s32 s6, s29;
	[dreg:$0x9] =	wrdreg s28  }
0xc: {  	s14 =	sor.u32 $0x500, s20;
	s12 =	sadd.s32 s6, s30;
	[dreg:$0xa] =	wrdreg s31  }
0xd: {  	s15 =	sor.u32 $0x600, s20;
	s13 =	sadd.s32 s7, s30;
	[dreg:$0xc] =	wrdreg s12  }
0xe: {  	s8 =	sshrl.u32 s19, $0x1;
	s16 =	sadd.s32 s6, s14;
	[dreg:$0xd] =	wrdreg s13  }
0xf: {  	s17 =	sadd.s32 s6, s15;
	s18 =	sadd.s32 s7, s15;
	[dreg:$0xe] =	wrdreg s16  }
0x10: {  	s3 =	sadd.s32 s3, s5;
	s8 =	ssub.s32 s19, s8;
	[dreg:$0x10] =	wrdreg s17  }
0x11: {  	s0 =	sadd.s32 s7, s29;
	[dreg:$0x11] =	wrdreg s18;
	s19 =	sor.u32 $0x700, s20  }
0x12: {  	s20 =	sshll.u32 s11, $0x9;
	s16 =	simm.s32 $0x1000;
	s17 =	simm.s32 $0x2  }
0x13: {  	s18 =	simm.s32 $0x1;
	[dreg:$0xb] =	wrdreg s0;
	s0 =	sadd.s32 s7, s14  }
0x14: {  	s3 =	sshll.u32 s3, $0x4;
	s21 =	sadd.s32 s6, s19;
	[dreg:$0xf] =	wrdreg s0  }
0x15: {  	s22 =	sor.u32 $0x8000, s20;
	s10 =	sadd.s32 s3, s4;
	[dreg:$0x12] =	wrdreg s21  }
0x16: {  	s0 =	sadd.s32 s7, s19;
	s3 =	sor.u32 $0x8100, s20;
	s20 =	rddreg [dreg:$0x2]  }
0x17: {  	s4 =	sshrl.u32 s9, $0x2;
	s23 =	sadd.s32 s6, s22;
	[dreg:$0x13] =	wrdreg s0  }
0x18: {  	s21 =	simm.s32 $0x80;
	[dreg:$0x14] =	wrdreg s23;
	s0 =	sadd.s32 s7, s22  }
0x19: {  	s24 =	sadd.s32 s6, s3;
	s25 =	sadd.s32 s7, s3;
	s26 =	sadd.s32 $0x15E00, s10  }
0x1a: {  	s28 =	sadd.s32 $0x16200, s10;
	s29 =	sadd.s32 $0x16600, s10;
	[dreg:$0x15] =	wrdreg s0  }
0x1b: {  	s30 =	sadd.s32 $0x16A00, s10;
	s31 =	sadd.s32 $0x16E00, s10;
	[dreg:$0x16] =	wrdreg s24  }
0x1c: {  	s19 =	sadd.s32 $0x17200, s10;
	s3 =	sadd.s32 $0x17A00, s10;
	[dreg:$0x17] =	wrdreg s25  }
0x1d: {  	s5 =	sadd.s32 $0x18200, s10;
	_ =	strace $0x8000004A;
	[dreg:$0x18] =	wrdreg s26  }
0x1e: {  	s6 =	smax.u32 s8, $0x1;
	s22 =	simm.s32 $0xF80;
	[dreg:$0x19] =	wrdreg s28  }
0x1f: {  	s23 =	simm.s32 $0x5000;
	s25 =	sadd.s32 s4, s20;
	[dreg:$0x1a] =	wrdreg s29  }
.Ltmp0:
0x20: {  	s0 =	sadd.s32 $0x17600, s10;
	[dreg:$0x1b] =	wrdreg s30;
	(pc) =	sbr.rel .LBB2_1-.Ltmp0, $4  }
0x21: {  	s4 =	sadd.s32 $0x17E00, s10;
	s24 =	simm.s32 $0x0;
	[dreg:$0x1c] =	wrdreg s31  }
0x22: {  	s7 =	sadd.s32 $0x2000, s25;
	s8 =	sadd.s32 $0x4000, s25;
	s9 =	sadd.s32 $0x6000, s25  }
0x23: {  	s10 =	sadd.s32 $0x8000, s25;
	s11 =	sadd.s32 $0xA000, s25;
	s12 =	sadd.s32 $0xC000, s25  }
0x24: {  	v0 =	vimm.f32 $0.0e+00;
	s13 =	sadd.s32 $0xE000, s25;
	s14 =	sadd.s32 $0x10000, s25;
	s15 =	sadd.s32 $0x12000, s25  }
.LBB2_20:
0x25: {  	[sflag:s17] =	ssyncadd.s32 $0xFFFFC000  }
0x26: {  	_ =	swait.ge [sflag:s18], $0x4000  }
0x27: {  	[sflag:s18] =	ssyncset.done $0x0  }
0x28: {  	[sflag:s18] =	ssyncadd.s32 $0xFFFFC000  }
0x29: {  	[spmem:s20] =	stream.indirect.scatter.add.f32 [tilespmem:s23], [sflag:$0x2], $0x80, s22, s21, $0xb8;
	[tilespmem:$0x1D000] =	vst v63  }
.LBB2_26:
0x2a: {  	_ =	swait.ge [sflag:s17], $0x4000  }
0x2b: {  	[sflag:s17] =	ssyncset.done $0x0  }
0x2c: {  	[sflag:s17] =	ssyncadd.s32 $0xFFFFC000  }
0x2d: {  	[bflag:$0x0] =	sbarrier.arrive $0xFFFF  }
0x2e: {  	[tilespmem:s16], [sflag:$0x2] =	stream.linear.gather [spmem:s25], $0x2000, $0x38;
	[tilespmem:$0x1D000] =	vst v63  }
0x2f: {  	_ =	swait.ge [sflag:s17], $0x2000  }
0x30: {  	[sflag:s17] =	ssyncset.done $0x0  }
0x31: {  	s26 =	rddreg [dreg:$0x18];
	[sflag:s17] =	ssyncadd.s32 $0xFFFFE000  }
0x32: {  	[hbm4b:s26+s2] =	stream.linear.scatter [tilespmem:s16], [sflag:$0x2], $0x2000, $0x38;
	[tilespmem:$0x1D000] =	vst v63  }
0x33: {  	_ =	swait.ge [sflag:s17], $0x2000  }
0x34: {  	[sflag:s17] =	ssyncset.done $0x0  }
0x35: {  	[sflag:s17] =	ssyncadd.s32 $0xFFFFE000  }
0x36: {  	[tilespmem:s16], [sflag:$0x2] =	stream.linear.gather [spmem:s7], $0x2000, $0x38;
	[tilespmem:$0x1D000] =	vst v63  }
0x37: {  	_ =	swait.ge [sflag:s17], $0x2000  }
0x38: {  	[sflag:s17] =	ssyncset.done $0x0  }
0x39: {  	s28 =	rddreg [dreg:$0x19];
	[sflag:s17] =	ssyncadd.s32 $0xFFFFE000  }
0x3a: {  	[hbm4b:s28+s2] =	stream.linear.scatter [tilespmem:s16], [sflag:$0x2], $0x2000, $0x38;
	[tilespmem:$0x1D000] =	vst v63  }
0x3b: {  	_ =	swait.ge [sflag:s17], $0x2000  }
0x3c: {  	[sflag:s17] =	ssyncset.done $0x0  }
0x3d: {  	[sflag:s17] =	ssyncadd.s32 $0xFFFFE000  }
0x3e: {  	[tilespmem:s16], [sflag:$0x2] =	stream.linear.gather [spmem:s8], $0x2000, $0x38;
	[tilespmem:$0x1D000] =	vst v63  }
0x3f: {  	_ =	swait.ge [sflag:s17], $0x2000  }
0x40: {  	[sflag:s17] =	ssyncset.done $0x0  }
0x41: {  	s29 =	rddreg [dreg:$0x1a];
	[sflag:s17] =	ssyncadd.s32 $0xFFFFE000  }
0x42: {  	[hbm4b:s29+s2] =	stream.linear.scatter [tilespmem:s16], [sflag:$0x2], $0x2000, $0x38;
	[tilespmem:$0x1D000] =	vst v63  }
0x43: {  	_ =	swait.ge [sflag:s17], $0x2000  }
0x44: {  	[sflag:s17] =	ssyncset.done $0x0  }
0x45: {  	[sflag:s17] =	ssyncadd.s32 $0xFFFFE000  }
0x46: {  	[tilespmem:s16], [sflag:$0x2] =	stream.linear.gather [spmem:s9], $0x2000, $0x38;
	[tilespmem:$0x1D000] =	vst v63  }
0x47: {  	_ =	swait.ge [sflag:s17], $0x2000  }
0x48: {  	[sflag:s17] =	ssyncset.done $0x0  }
0x49: {  	s30 =	rddreg [dreg:$0x1b];
	[sflag:s17] =	ssyncadd.s32 $0xFFFFE000  }
0x4a: {  	[hbm4b:s30+s2] =	stream.linear.scatter [tilespmem:s16], [sflag:$0x2], $0x2000, $0x38;
	[tilespmem:$0x1D000] =	vst v63  }
0x4b: {  	_ =	swait.ge [sflag:s17], $0x2000  }
0x4c: {  	[sflag:s17] =	ssyncset.done $0x0  }
0x4d: {  	[sflag:s17] =	ssyncadd.s32 $0xFFFFE000  }
0x4e: {  	[tilespmem:s16], [sflag:$0x2] =	stream.linear.gather [spmem:s10], $0x2000, $0x38;
	[tilespmem:$0x1D000] =	vst v63  }
0x4f: {  	_ =	swait.ge [sflag:s17], $0x2000  }
0x50: {  	[sflag:s17] =	ssyncset.done $0x0  }
0x51: {  	s31 =	rddreg [dreg:$0x1c];
	[sflag:s17] =	ssyncadd.s32 $0xFFFFE000  }
0x52: {  	[hbm4b:s31+s2] =	stream.linear.scatter [tilespmem:s16], [sflag:$0x2], $0x2000, $0x38;
	[tilespmem:$0x1D000] =	vst v63  }
0x53: {  	_ =	swait.ge [sflag:s17], $0x2000  }
0x54: {  	[sflag:s17] =	ssyncset.done $0x0  }
0x55: {  	[sflag:s17] =	ssyncadd.s32 $0xFFFFE000  }
0x56: {  	[tilespmem:s16], [sflag:$0x2] =	stream.linear.gather [spmem:s11], $0x2000, $0x38;
	[tilespmem:$0x1D000] =	vst v63  }
0x57: {  	_ =	swait.ge [sflag:s17], $0x2000  }
0x58: {  	[sflag:s17] =	ssyncset.done $0x0  }
0x59: {  	[sflag:s17] =	ssyncadd.s32 $0xFFFFE000  }
0x5a: {  	[hbm4b:s19+s2] =	stream.linear.scatter [tilespmem:s16], [sflag:$0x2], $0x2000, $0x38;
	[tilespmem:$0x1D000] =	vst v63  }
0x5b: {  	_ =	swait.ge [sflag:s17], $0x2000  }
0x5c: {  	[sflag:s17] =	ssyncset.done $0x0  }
0x5d: {  	[sflag:s17] =	ssyncadd.s32 $0xFFFFE000  }
0x5e: {  	[tilespmem:s16], [sflag:$0x2] =	stream.linear.gather [spmem:s12], $0x2000, $0x38;
	[tilespmem:$0x1D000] =	vst v63  }
0x5f: {  	_ =	swait.ge [sflag:s17], $0x2000  }
0x60: {  	[sflag:s17] =	ssyncset.done $0x0  }
0x61: {  	[sflag:s17] =	ssyncadd.s32 $0xFFFFE000  }
0x62: {  	[hbm4b:s0+s2] =	stream.linear.scatter [tilespmem:s16], [sflag:$0x2], $0x2000, $0x38;
	[tilespmem:$0x1D000] =	vst v63  }
0x63: {  	_ =	swait.ge [sflag:s17], $0x2000  }
0x64: {  	[sflag:s17] =	ssyncset.done $0x0  }
0x65: {  	[sflag:s17] =	ssyncadd.s32 $0xFFFFE000  }
0x66: {  	[tilespmem:s16], [sflag:$0x2] =	stream.linear.gather [spmem:s13], $0x2000, $0x38;
	[tilespmem:$0x1D000] =	vst v63  }
0x67: {  	_ =	swait.ge [sflag:s17], $0x2000  }
0x68: {  	[sflag:s17] =	ssyncset.done $0x0  }
0x69: {  	[sflag:s17] =	ssyncadd.s32 $0xFFFFE000  }
0x6a: {  	[hbm4b:s3+s2] =	stream.linear.scatter [tilespmem:s16], [sflag:$0x2], $0x2000, $0x38;
	[tilespmem:$0x1D000] =	vst v63  }
0x6b: {  	_ =	swait.ge [sflag:s17], $0x2000  }
0x6c: {  	[sflag:s17] =	ssyncset.done $0x0  }
0x6d: {  	[sflag:s17] =	ssyncadd.s32 $0xFFFFE000  }
0x6e: {  	[tilespmem:s16], [sflag:$0x2] =	stream.linear.gather [spmem:s14], $0x2000, $0x38;
	[tilespmem:$0x1D000] =	vst v63  }
0x6f: {  	_ =	swait.ge [sflag:s17], $0x2000  }
0x70: {  	[sflag:s17] =	ssyncset.done $0x0  }
0x71: {  	[sflag:s17] =	ssyncadd.s32 $0xFFFFE000  }
0x72: {  	[hbm4b:s4+s2] =	stream.linear.scatter [tilespmem:s16], [sflag:$0x2], $0x2000, $0x38;
	[tilespmem:$0x1D000] =	vst v63  }
0x73: {  	_ =	swait.ge [sflag:s17], $0x2000  }
0x74: {  	[sflag:s17] =	ssyncset.done $0x0  }
0x75: {  	[sflag:s17] =	ssyncadd.s32 $0xFFFFE000  }
0x76: {  	[tilespmem:s16], [sflag:$0x2] =	stream.linear.gather [spmem:s15], $0x2000, $0x38;
	[tilespmem:$0x1D000] =	vst v63  }
0x77: {  	s24 =	sadd.s32 $0x1, s24;
	_ =	swait.ge [sflag:s17], $0x2000  }
0x78: {  	p1 =	sne.s32 s24, s6;
	[sflag:s17] =	ssyncset.done $0x0  }
.Ltmp1:
0x79: {  	[sflag:s17] =	ssyncadd.s32 $0xFFFFE000;
	(pc) =	sbr.rel @!p1 .LBB2_27-.Ltmp1, $4  }
0x7a: {  	[hbm4b:s5+s2] =	stream.linear.scatter [tilespmem:s16], [sflag:$0x2], $0x2000, $0x38;
	[tilespmem:$0x1D000] =	vst v63  }
0x7b: {  	_ =	swait.ge [sflag:s17], $0x2000  }
0x7c: {  	[sflag:s17] =	ssyncset.done $0x0  }
0x7d: {  	[sflag:s17] =	ssyncadd.s32 $0xFFFFE000  }
.LBB2_1:
0x7e: {  	s26 =	sand.u32 $0x7E00, s2  }
0x7f: {  	s28 =	sand.u32 $0x70, s2;
	s29 =	sshrl.u32 s26, $0x2  }
0x80: {  	s26 =	simm.s32 $0x40;
	s29 =	sor.u32 s28, s29;
	s28 =	simm.s32 $0x0  }
.LBB2_2:
0x81: {  	p1 =	sne.s32 s26, $0x7FC0  }
0x82: {  	[tilespmem:s29+$0x1000] =	vst v0;
	s28 =	sadd.s32 $0x10, s28;
	s29 =	smov.u32 s26;
	s26 =	sadd.s32 $0x40, s26  }
.Ltmp2:
0x83: {  	(pc) =	sbr.rel @p1 .LBB2_2-.Ltmp2, $4  }
0x84: {  	_ = 	snop  }
0x85: {  	s29 =	sand.u32 $0x7E00, s29  }
0x86: {  	s30 =	sand.u32 $0x70, s28;
	s29 =	sshrl.u32 s29, $0x2  }
0x87: {  	s29 =	sor.u32 s30, s29  }
0x88: {  	[tilespmem:s29+$0x1000] =	vst v0  }
0x89: {  	[spmem:s25] =	stream.linear.scatter [tilespmem:s16], [sflag:$0x2], $0x2000, $0x38;
	[tilespmem:$0x1D000] =	vst v63  }
0x8a: {  	_ =	swait.ge [sflag:s17], $0x2000  }
0x8b: {  	[sflag:s17] =	ssyncset.done $0x0  }
0x8c: {  	[sflag:s17] =	ssyncadd.s32 $0xFFFFE000  }
0x8d: {  	[spmem:s7] =	stream.linear.scatter [tilespmem:s16], [sflag:$0x2], $0x2000, $0x38;
	[tilespmem:$0x1D000] =	vst v63  }
0x8e: {  	_ =	swait.ge [sflag:s17], $0x2000  }
0x8f: {  	[sflag:s17] =	ssyncset.done $0x0  }
0x90: {  	[sflag:s17] =	ssyncadd.s32 $0xFFFFE000  }
0x91: {  	[spmem:s8] =	stream.linear.scatter [tilespmem:s16], [sflag:$0x2], $0x2000, $0x38;
	[tilespmem:$0x1D000] =	vst v63  }
0x92: {  	_ =	swait.ge [sflag:s17], $0x2000  }
0x93: {  	[sflag:s17] =	ssyncset.done $0x0  }
0x94: {  	[sflag:s17] =	ssyncadd.s32 $0xFFFFE000  }
0x95: {  	[spmem:s9] =	stream.linear.scatter [tilespmem:s16], [sflag:$0x2], $0x2000, $0x38;
	[tilespmem:$0x1D000] =	vst v63  }
0x96: {  	_ =	swait.ge [sflag:s17], $0x2000  }
0x97: {  	[sflag:s17] =	ssyncset.done $0x0  }
0x98: {  	[sflag:s17] =	ssyncadd.s32 $0xFFFFE000  }
0x99: {  	[spmem:s10] =	stream.linear.scatter [tilespmem:s16], [sflag:$0x2], $0x2000, $0x38;
	[tilespmem:$0x1D000] =	vst v63  }
0x9a: {  	_ =	swait.ge [sflag:s17], $0x2000  }
0x9b: {  	[sflag:s17] =	ssyncset.done $0x0  }
0x9c: {  	[sflag:s17] =	ssyncadd.s32 $0xFFFFE000  }
0x9d: {  	[spmem:s11] =	stream.linear.scatter [tilespmem:s16], [sflag:$0x2], $0x2000, $0x38;
	[tilespmem:$0x1D000] =	vst v63  }
0x9e: {  	_ =	swait.ge [sflag:s17], $0x2000  }
0x9f: {  	[sflag:s17] =	ssyncset.done $0x0  }
0xa0: {  	[sflag:s17] =	ssyncadd.s32 $0xFFFFE000  }
0xa1: {  	[spmem:s12] =	stream.linear.scatter [tilespmem:s16], [sflag:$0x2], $0x2000, $0x38;
	[tilespmem:$0x1D000] =	vst v63  }
0xa2: {  	_ =	swait.ge [sflag:s17], $0x2000  }
0xa3: {  	[sflag:s17] =	ssyncset.done $0x0  }
0xa4: {  	[sflag:s17] =	ssyncadd.s32 $0xFFFFE000  }
0xa5: {  	[spmem:s13] =	stream.linear.scatter [tilespmem:s16], [sflag:$0x2], $0x2000, $0x38;
	[tilespmem:$0x1D000] =	vst v63  }
0xa6: {  	_ =	swait.ge [sflag:s17], $0x2000  }
0xa7: {  	[sflag:s17] =	ssyncset.done $0x0  }
0xa8: {  	[sflag:s17] =	ssyncadd.s32 $0xFFFFE000  }
0xa9: {  	[spmem:s14] =	stream.linear.scatter [tilespmem:s16], [sflag:$0x2], $0x2000, $0x38;
	[tilespmem:$0x1D000] =	vst v63  }
0xaa: {  	_ =	swait.ge [sflag:s17], $0x2000  }
0xab: {  	[sflag:s17] =	ssyncset.done $0x0  }
0xac: {  	[sflag:s17] =	ssyncadd.s32 $0xFFFFE000  }
0xad: {  	[spmem:s15] =	stream.linear.scatter [tilespmem:s16], [sflag:$0x2], $0x2000, $0x38;
	[tilespmem:$0x1D000] =	vst v63  }
.Ltmp3:
0xae: {  	_ =	swait.ge [sflag:s17], $0x2000;
	(pc) =	sbr.rel @!p0 .LBB2_4-.Ltmp3, $4  }
0xaf: {  	[sflag:s17] =	ssyncset.done $0x0  }
0xb0: {  	[sflag:s17] =	ssyncadd.s32 $0xFFFFE000  }
0xb1: {  	[bflag:$0x0] =	sbarrier.arrive $0xFFFF  }
0xb2: {  	s29 =	simm.s32 $0x0  }
0xb3: {  	s26 =	rddreg [dreg:$0x14]  }
0xb4: {  	[tilespmem:s29], [sflag:$0x2] =	stream.linear.gather [hbm4b:s26+s29], $0x800, $0x38;
	[tilespmem:$0x1D000] =	vst v63  }
0xb5: {  	_ =	swait.ge [sflag:s17], $0x800  }
0xb6: {  	[sflag:s17] =	ssyncset.done $0x0  }
0xb7: {  	s26 =	simm.s32 $0x800;
	s28 =	rddreg [dreg:$0x15];
	[sflag:s17] =	ssyncadd.s32 $0xFFFFF800  }
0xb8: {  	[tilespmem:s26], [sflag:$0x2] =	stream.linear.gather [hbm4b:s28+s29], $0x800, $0x38;
	[tilespmem:$0x1D000] =	vst v63  }
0xb9: {  	_ =	swait.ge [sflag:s17], $0x800  }
0xba: {  	[sflag:s17] =	ssyncset.done $0x0  }
0xbb: {  	s28 =	simm.s32 $0x80;
	[sflag:s17] =	ssyncadd.s32 $0xFFFFF800  }
0xbc: {  	[tilespmem:s16], [sflag:$0x1] =	stream.indirect.gather [hbm4b:s1+s28], $0x80, s29, s28, $0xb8;
	[tilespmem:$0x1D000] =	vst v63  }
0xbd: {  	s29 =	simm.s32 $0x0;
	_ =	swait.ge [sflag:s18], $0x4000  }
0xbe: {  	s29 =	sand.u32 $0x4000, s29;
	[sflag:s18] =	ssyncset.done $0x0  }
0xbf: {  	s30 =	sxor.u32 $0x5000, s29;
	[sflag:s18] =	ssyncadd.s32 $0xFFFFC000  }
0xc0: {  	[tilespmem:s30], [sflag:$0x1] =	stream.indirect.gather [hbm4b:s1+s21], $0x80, s28, s21, $0xb8;
	[tilespmem:$0x1D000] =	vst v63  }
0xc1: {  	s29 =	sor.u32 $0x1000, s29  }
0xc2: {  	[spmem:s20] =	stream.indirect.scatter.add.f32 [tilespmem:s29], [sflag:$0x2], $0x80, s26, s21, $0xb8;
	[tilespmem:$0x1D000] =	vst v63  }
0xc3: {  	_ =	swait.ge [sflag:s17], $0x4000  }
0xc4: {  	s29 =	simm.s32 $0x1;
	[sflag:s17] =	ssyncset.done $0x0  }
.LBB2_22:
0xc5: {  	[sflag:s17] =	ssyncadd.s32 $0xFFFFC000;
	s26 =	sadd.s32 $0x80, s26;
	s28 =	sadd.s32 $0x80, s28  }
0xc6: {  	p1 =	sne.s32 s29, $0xE;
	s30 =	smov.u32 s29;
	s29 =	sadd.s32 $0x1, s29  }
0xc7: {  	s30 =	sshll.u32 s30, $0xE;
	_ =	swait.ge [sflag:s18], $0x4000  }
0xc8: {  	s30 =	sand.u32 $0x4000, s30;
	[sflag:s18] =	ssyncset.done $0x0  }
0xc9: {  	s31 =	sxor.u32 $0x5000, s30;
	[sflag:s18] =	ssyncadd.s32 $0xFFFFC000  }
0xca: {  	[tilespmem:s31], [sflag:$0x1] =	stream.indirect.gather [hbm4b:s1+s21], $0x80, s28, s21, $0xb8;
	[tilespmem:$0x1D000] =	vst v63  }
.Ltmp4:
0xcb: {  	_ = 	snop;
	(pc) =	sbr.rel @p1 .LBB2_22-.Ltmp4, $4  }
0xcc: {  	s30 =	sor.u32 $0x1000, s30  }
0xcd: {  	[spmem:s20] =	stream.indirect.scatter.add.f32 [tilespmem:s30], [sflag:$0x2], $0x80, s26, s21, $0xb8;
	[tilespmem:$0x1D000] =	vst v63  }
0xce: {  	_ =	swait.ge [sflag:s17], $0x4000  }
0xcf: {  	[sflag:s17] =	ssyncset.done $0x0  }
0xd0: {  	[sflag:s17] =	ssyncadd.s32 $0xFFFFC000  }
0xd1: {  	_ =	swait.ge [sflag:s18], $0x4000  }
0xd2: {  	[sflag:s18] =	ssyncset.done $0x0  }
0xd3: {  	s26 =	simm.s32 $0x80;
	[sflag:s18] =	ssyncadd.s32 $0xFFFFC000  }
0xd4: {  	[spmem:s20] =	stream.indirect.scatter.add.f32 [tilespmem:s23], [sflag:$0x2], $0x80, s22, s26, $0xb8;
	[tilespmem:$0x1D000] =	vst v63  }
0xd5: {  	_ =	swait.ge [sflag:s17], $0x4000  }
0xd6: {  	[sflag:s17] =	ssyncset.done $0x0  }
0xd7: {  	s29 =	simm.s32 $0x0;
	s28 =	rddreg [dreg:$0x16];
	[sflag:s17] =	ssyncadd.s32 $0xFFFFC000  }
0xd8: {  	[tilespmem:s29], [sflag:$0x2] =	stream.linear.gather [hbm4b:s28+s29], $0x800, $0x38;
	[tilespmem:$0x1D000] =	vst v63  }
0xd9: {  	_ =	swait.ge [sflag:s17], $0x800  }
0xda: {  	[sflag:s17] =	ssyncset.done $0x0  }
0xdb: {  	s28 =	simm.s32 $0x800;
	s30 =	rddreg [dreg:$0x17];
	[sflag:s17] =	ssyncadd.s32 $0xFFFFF800  }
0xdc: {  	[tilespmem:s28], [sflag:$0x2] =	stream.linear.gather [hbm4b:s30+s29], $0x800, $0x38;
	[tilespmem:$0x1D000] =	vst v63  }
0xdd: {  	_ =	swait.ge [sflag:s17], $0x800  }
0xde: {  	[sflag:s17] =	ssyncset.done $0x0  }
0xdf: {  	[sflag:s17] =	ssyncadd.s32 $0xFFFFF800  }
0xe0: {  	[tilespmem:s16], [sflag:$0x1] =	stream.indirect.gather [hbm4b:s1+s26], $0x80, s29, s26, $0xb8;
	[tilespmem:$0x1D000] =	vst v63  }
0xe1: {  	s29 =	simm.s32 $0x0;
	_ =	swait.ge [sflag:s18], $0x4000  }
0xe2: {  	s29 =	sand.u32 $0x4000, s29;
	[sflag:s18] =	ssyncset.done $0x0  }
0xe3: {  	s31 =	sxor.u32 $0x5000, s29;
	[sflag:s18] =	ssyncadd.s32 $0xFFFFC000  }
0xe4: {  	[tilespmem:s31], [sflag:$0x1] =	stream.indirect.gather [hbm4b:s1+s21], $0x80, s26, s21, $0xb8;
	[tilespmem:$0x1D000] =	vst v63  }
0xe5: {  	s29 =	sor.u32 $0x1000, s29  }
0xe6: {  	[spmem:s20] =	stream.indirect.scatter.add.f32 [tilespmem:s29], [sflag:$0x2], $0x80, s28, s21, $0xb8;
	[tilespmem:$0x1D000] =	vst v63  }
0xe7: {  	_ =	swait.ge [sflag:s17], $0x4000  }
0xe8: {  	s29 =	simm.s32 $0x1;
	[sflag:s17] =	ssyncset.done $0x0  }
.LBB2_24:
0xe9: {  	[sflag:s17] =	ssyncadd.s32 $0xFFFFC000;
	s28 =	sadd.s32 $0x80, s28;
	s26 =	sadd.s32 $0x80, s26  }
0xea: {  	p1 =	sne.s32 s29, $0xE;
	s30 =	smov.u32 s29;
	s29 =	sadd.s32 $0x1, s29  }
0xeb: {  	s30 =	sshll.u32 s30, $0xE;
	_ =	swait.ge [sflag:s18], $0x4000  }
0xec: {  	s30 =	sand.u32 $0x4000, s30;
	[sflag:s18] =	ssyncset.done $0x0  }
0xed: {  	s31 =	sxor.u32 $0x5000, s30;
	[sflag:s18] =	ssyncadd.s32 $0xFFFFC000  }
0xee: {  	[tilespmem:s31], [sflag:$0x1] =	stream.indirect.gather [hbm4b:s1+s21], $0x80, s26, s21, $0xb8;
	[tilespmem:$0x1D000] =	vst v63  }
.Ltmp5:
0xef: {  	_ = 	snop;
	(pc) =	sbr.rel @p1 .LBB2_24-.Ltmp5, $4  }
0xf0: {  	s30 =	sor.u32 $0x1000, s30  }
0xf1: {  	[spmem:s20] =	stream.indirect.scatter.add.f32 [tilespmem:s30], [sflag:$0x2], $0x80, s28, s21, $0xb8;
	[tilespmem:$0x1D000] =	vst v63  }
0xf2: {  	_ =	swait.ge [sflag:s17], $0x4000  }
0xf3: {  	[sflag:s17] =	ssyncset.done $0x0  }
.Ltmp6:
0xf4: {  	[sflag:s17] =	ssyncadd.s32 $0xFFFFC000;
	(pc) =	sbr.rel .LBB2_26-.Ltmp6, $4  }
0xf5: {  	_ =	swait.ge [sflag:s18], $0x4000  }
0xf6: {  	[sflag:s18] =	ssyncset.done $0x0  }
0xf7: {  	[sflag:s18] =	ssyncadd.s32 $0xFFFFC000  }
0xf8: {  	[spmem:s20] =	stream.indirect.scatter.add.f32 [tilespmem:s23], [sflag:$0x2], $0x80, s22, s21, $0xb8;
	[tilespmem:$0x1D000] =	vst v63  }
.LBB2_4:
0xf9: {  	s26 =	rddreg [dreg:$0x4]  }
0xfa: {  	[tilespmem:s29], [sflag:$0x2] =	stream.linear.gather [hbm4b:s26+s29], $0x800, $0x38;
	[tilespmem:$0x1D000] =	vst v63  }
0xfb: {  	_ =	swait.ge [sflag:s17], $0x800  }
0xfc: {  	[sflag:s17] =	ssyncset.done $0x0  }
0xfd: {  	s26 =	simm.s32 $0x800;
	s28 =	rddreg [dreg:$0x5];
	[sflag:s17] =	ssyncadd.s32 $0xFFFFF800  }
0xfe: {  	[tilespmem:s26], [sflag:$0x2] =	stream.linear.gather [hbm4b:s28+s29], $0x800, $0x38;
	[tilespmem:$0x1D000] =	vst v63  }
0xff: {  	_ =	swait.ge [sflag:s17], $0x800  }
0x100: {  	[sflag:s17] =	ssyncset.done $0x0  }
0x101: {  	s28 =	simm.s32 $0x80;
	[sflag:s17] =	ssyncadd.s32 $0xFFFFF800  }
0x102: {  	[tilespmem:s16], [sflag:$0x1] =	stream.indirect.gather [hbm4b:s1+s28], $0x80, s29, s28, $0xb8;
	[tilespmem:$0x1D000] =	vst v63  }
0x103: {  	s29 =	simm.s32 $0x0;
	_ =	swait.ge [sflag:s18], $0x4000  }
0x104: {  	s29 =	sand.u32 $0x4000, s29;
	[sflag:s18] =	ssyncset.done $0x0  }
0x105: {  	s30 =	sxor.u32 $0x5000, s29;
	[sflag:s18] =	ssyncadd.s32 $0xFFFFC000  }
0x106: {  	[tilespmem:s30], [sflag:$0x1] =	stream.indirect.gather [hbm4b:s1+s21], $0x80, s28, s21, $0xb8;
	[tilespmem:$0x1D000] =	vst v63  }
0x107: {  	s29 =	sor.u32 $0x1000, s29  }
0x108: {  	[spmem:s20] =	stream.indirect.scatter.add.f32 [tilespmem:s29], [sflag:$0x2], $0x80, s26, s21, $0xb8;
	[tilespmem:$0x1D000] =	vst v63  }
0x109: {  	_ =	swait.ge [sflag:s17], $0x4000  }
0x10a: {  	s29 =	simm.s32 $0x1;
	[sflag:s17] =	ssyncset.done $0x0  }
.LBB2_5:
0x10b: {  	[sflag:s17] =	ssyncadd.s32 $0xFFFFC000;
	s26 =	sadd.s32 $0x80, s26;
	s28 =	sadd.s32 $0x80, s28  }
0x10c: {  	p1 =	sne.s32 s29, $0xE;
	s30 =	smov.u32 s29;
	s29 =	sadd.s32 $0x1, s29  }
0x10d: {  	s30 =	sshll.u32 s30, $0xE;
	_ =	swait.ge [sflag:s18], $0x4000  }
0x10e: {  	s30 =	sand.u32 $0x4000, s30;
	[sflag:s18] =	ssyncset.done $0x0  }
0x10f: {  	s31 =	sxor.u32 $0x5000, s30;
	[sflag:s18] =	ssyncadd.s32 $0xFFFFC000  }
0x110: {  	[tilespmem:s31], [sflag:$0x1] =	stream.indirect.gather [hbm4b:s1+s21], $0x80, s28, s21, $0xb8;
	[tilespmem:$0x1D000] =	vst v63  }
.Ltmp7:
0x111: {  	_ = 	snop;
	(pc) =	sbr.rel @p1 .LBB2_5-.Ltmp7, $4  }
0x112: {  	s30 =	sor.u32 $0x1000, s30  }
0x113: {  	[spmem:s20] =	stream.indirect.scatter.add.f32 [tilespmem:s30], [sflag:$0x2], $0x80, s26, s21, $0xb8;
	[tilespmem:$0x1D000] =	vst v63  }
0x114: {  	_ =	swait.ge [sflag:s17], $0x4000  }
0x115: {  	[sflag:s17] =	ssyncset.done $0x0  }
0x116: {  	[sflag:s17] =	ssyncadd.s32 $0xFFFFC000  }
0x117: {  	_ =	swait.ge [sflag:s18], $0x4000  }
0x118: {  	[sflag:s18] =	ssyncset.done $0x0  }
0x119: {  	s26 =	simm.s32 $0x80;
	[sflag:s18] =	ssyncadd.s32 $0xFFFFC000  }
0x11a: {  	[spmem:s20] =	stream.indirect.scatter.add.f32 [tilespmem:s23], [sflag:$0x2], $0x80, s22, s26, $0xb8;
	[tilespmem:$0x1D000] =	vst v63  }
0x11b: {  	_ =	swait.ge [sflag:s17], $0x4000  }
0x11c: {  	[sflag:s17] =	ssyncset.done $0x0  }
0x11d: {  	s29 =	simm.s32 $0x0;
	s28 =	rddreg [dreg:$0x6];
	[sflag:s17] =	ssyncadd.s32 $0xFFFFC000  }
0x11e: {  	[tilespmem:s29], [sflag:$0x2] =	stream.linear.gather [hbm4b:s28+s29], $0x800, $0x38;
	[tilespmem:$0x1D000] =	vst v63  }
0x11f: {  	_ =	swait.ge [sflag:s17], $0x800  }
0x120: {  	[sflag:s17] =	ssyncset.done $0x0  }
0x121: {  	s28 =	simm.s32 $0x800;
	s30 =	rddreg [dreg:$0x7];
	[sflag:s17] =	ssyncadd.s32 $0xFFFFF800  }
0x122: {  	[tilespmem:s28], [sflag:$0x2] =	stream.linear.gather [hbm4b:s30+s29], $0x800, $0x38;
	[tilespmem:$0x1D000] =	vst v63  }
0x123: {  	_ =	swait.ge [sflag:s17], $0x800  }
0x124: {  	[sflag:s17] =	ssyncset.done $0x0  }
0x125: {  	[sflag:s17] =	ssyncadd.s32 $0xFFFFF800  }
0x126: {  	[tilespmem:s16], [sflag:$0x1] =	stream.indirect.gather [hbm4b:s1+s26], $0x80, s29, s26, $0xb8;
	[tilespmem:$0x1D000] =	vst v63  }
0x127: {  	s29 =	simm.s32 $0x0;
	_ =	swait.ge [sflag:s18], $0x4000  }
0x128: {  	s29 =	sand.u32 $0x4000, s29;
	[sflag:s18] =	ssyncset.done $0x0  }
0x129: {  	s31 =	sxor.u32 $0x5000, s29;
	[sflag:s18] =	ssyncadd.s32 $0xFFFFC000  }
0x12a: {  	[tilespmem:s31], [sflag:$0x1] =	stream.indirect.gather [hbm4b:s1+s21], $0x80, s26, s21, $0xb8;
	[tilespmem:$0x1D000] =	vst v63  }
0x12b: {  	s29 =	sor.u32 $0x1000, s29  }
0x12c: {  	[spmem:s20] =	stream.indirect.scatter.add.f32 [tilespmem:s29], [sflag:$0x2], $0x80, s28, s21, $0xb8;
	[tilespmem:$0x1D000] =	vst v63  }
0x12d: {  	_ =	swait.ge [sflag:s17], $0x4000  }
0x12e: {  	s29 =	simm.s32 $0x1;
	[sflag:s17] =	ssyncset.done $0x0  }
.LBB2_7:
0x12f: {  	[sflag:s17] =	ssyncadd.s32 $0xFFFFC000;
	s28 =	sadd.s32 $0x80, s28;
	s26 =	sadd.s32 $0x80, s26  }
0x130: {  	p1 =	sne.s32 s29, $0xE;
	s30 =	smov.u32 s29;
	s29 =	sadd.s32 $0x1, s29  }
0x131: {  	s30 =	sshll.u32 s30, $0xE;
	_ =	swait.ge [sflag:s18], $0x4000  }
0x132: {  	s30 =	sand.u32 $0x4000, s30;
	[sflag:s18] =	ssyncset.done $0x0  }
0x133: {  	s31 =	sxor.u32 $0x5000, s30;
	[sflag:s18] =	ssyncadd.s32 $0xFFFFC000  }
0x134: {  	[tilespmem:s31], [sflag:$0x1] =	stream.indirect.gather [hbm4b:s1+s21], $0x80, s26, s21, $0xb8;
	[tilespmem:$0x1D000] =	vst v63  }
.Ltmp8:
0x135: {  	_ = 	snop;
	(pc) =	sbr.rel @p1 .LBB2_7-.Ltmp8, $4  }
0x136: {  	s30 =	sor.u32 $0x1000, s30  }
0x137: {  	[spmem:s20] =	stream.indirect.scatter.add.f32 [tilespmem:s30], [sflag:$0x2], $0x80, s28, s21, $0xb8;
	[tilespmem:$0x1D000] =	vst v63  }
0x138: {  	_ =	swait.ge [sflag:s17], $0x4000  }
0x139: {  	[sflag:s17] =	ssyncset.done $0x0  }
0x13a: {  	[sflag:s17] =	ssyncadd.s32 $0xFFFFC000  }
0x13b: {  	_ =	swait.ge [sflag:s18], $0x4000  }
0x13c: {  	[sflag:s18] =	ssyncset.done $0x0  }
0x13d: {  	s26 =	simm.s32 $0x80;
	[sflag:s18] =	ssyncadd.s32 $0xFFFFC000  }
0x13e: {  	[spmem:s20] =	stream.indirect.scatter.add.f32 [tilespmem:s23], [sflag:$0x2], $0x80, s22, s26, $0xb8;
	[tilespmem:$0x1D000] =	vst v63  }
0x13f: {  	_ =	swait.ge [sflag:s17], $0x4000  }
0x140: {  	[sflag:s17] =	ssyncset.done $0x0  }
0x141: {  	s29 =	simm.s32 $0x0;
	s28 =	rddreg [dreg:$0x8];
	[sflag:s17] =	ssyncadd.s32 $0xFFFFC000  }
0x142: {  	[tilespmem:s29], [sflag:$0x2] =	stream.linear.gather [hbm4b:s28+s29], $0x800, $0x38;
	[tilespmem:$0x1D000] =	vst v63  }
0x143: {  	_ =	swait.ge [sflag:s17], $0x800  }
0x144: {  	[sflag:s17] =	ssyncset.done $0x0  }
0x145: {  	s28 =	simm.s32 $0x800;
	s30 =	rddreg [dreg:$0x9];
	[sflag:s17] =	ssyncadd.s32 $0xFFFFF800  }
0x146: {  	[tilespmem:s28], [sflag:$0x2] =	stream.linear.gather [hbm4b:s30+s29], $0x800, $0x38;
	[tilespmem:$0x1D000] =	vst v63  }
0x147: {  	_ =	swait.ge [sflag:s17], $0x800  }
0x148: {  	[sflag:s17] =	ssyncset.done $0x0  }
0x149: {  	[sflag:s17] =	ssyncadd.s32 $0xFFFFF800  }
0x14a: {  	[tilespmem:s16], [sflag:$0x1] =	stream.indirect.gather [hbm4b:s1+s26], $0x80, s29, s26, $0xb8;
	[tilespmem:$0x1D000] =	vst v63  }
0x14b: {  	s29 =	simm.s32 $0x0;
	_ =	swait.ge [sflag:s18], $0x4000  }
0x14c: {  	s29 =	sand.u32 $0x4000, s29;
	[sflag:s18] =	ssyncset.done $0x0  }
0x14d: {  	s31 =	sxor.u32 $0x5000, s29;
	[sflag:s18] =	ssyncadd.s32 $0xFFFFC000  }
0x14e: {  	[tilespmem:s31], [sflag:$0x1] =	stream.indirect.gather [hbm4b:s1+s21], $0x80, s26, s21, $0xb8;
	[tilespmem:$0x1D000] =	vst v63  }
0x14f: {  	s29 =	sor.u32 $0x1000, s29  }
0x150: {  	[spmem:s20] =	stream.indirect.scatter.add.f32 [tilespmem:s29], [sflag:$0x2], $0x80, s28, s21, $0xb8;
	[tilespmem:$0x1D000] =	vst v63  }
0x151: {  	_ =	swait.ge [sflag:s17], $0x4000  }
0x152: {  	s29 =	simm.s32 $0x1;
	[sflag:s17] =	ssyncset.done $0x0  }
.LBB2_9:
0x153: {  	[sflag:s17] =	ssyncadd.s32 $0xFFFFC000;
	s28 =	sadd.s32 $0x80, s28;
	s26 =	sadd.s32 $0x80, s26  }
0x154: {  	p1 =	sne.s32 s29, $0xE;
	s30 =	smov.u32 s29;
	s29 =	sadd.s32 $0x1, s29  }
0x155: {  	s30 =	sshll.u32 s30, $0xE;
	_ =	swait.ge [sflag:s18], $0x4000  }
0x156: {  	s30 =	sand.u32 $0x4000, s30;
	[sflag:s18] =	ssyncset.done $0x0  }
0x157: {  	s31 =	sxor.u32 $0x5000, s30;
	[sflag:s18] =	ssyncadd.s32 $0xFFFFC000  }
0x158: {  	[tilespmem:s31], [sflag:$0x1] =	stream.indirect.gather [hbm4b:s1+s21], $0x80, s26, s21, $0xb8;
	[tilespmem:$0x1D000] =	vst v63  }
.Ltmp9:
0x159: {  	_ = 	snop;
	(pc) =	sbr.rel @p1 .LBB2_9-.Ltmp9, $4  }
0x15a: {  	s30 =	sor.u32 $0x1000, s30  }
0x15b: {  	[spmem:s20] =	stream.indirect.scatter.add.f32 [tilespmem:s30], [sflag:$0x2], $0x80, s28, s21, $0xb8;
	[tilespmem:$0x1D000] =	vst v63  }
0x15c: {  	_ =	swait.ge [sflag:s17], $0x4000  }
0x15d: {  	[sflag:s17] =	ssyncset.done $0x0  }
0x15e: {  	[sflag:s17] =	ssyncadd.s32 $0xFFFFC000  }
0x15f: {  	_ =	swait.ge [sflag:s18], $0x4000  }
0x160: {  	[sflag:s18] =	ssyncset.done $0x0  }
0x161: {  	s26 =	simm.s32 $0x80;
	[sflag:s18] =	ssyncadd.s32 $0xFFFFC000  }
0x162: {  	[spmem:s20] =	stream.indirect.scatter.add.f32 [tilespmem:s23], [sflag:$0x2], $0x80, s22, s26, $0xb8;
	[tilespmem:$0x1D000] =	vst v63  }
0x163: {  	_ =	swait.ge [sflag:s17], $0x4000  }
0x164: {  	[sflag:s17] =	ssyncset.done $0x0  }
0x165: {  	s29 =	simm.s32 $0x0;
	s28 =	rddreg [dreg:$0xa];
	[sflag:s17] =	ssyncadd.s32 $0xFFFFC000  }
0x166: {  	[tilespmem:s29], [sflag:$0x2] =	stream.linear.gather [hbm4b:s28+s29], $0x800, $0x38;
	[tilespmem:$0x1D000] =	vst v63  }
0x167: {  	_ =	swait.ge [sflag:s17], $0x800  }
0x168: {  	[sflag:s17] =	ssyncset.done $0x0  }
0x169: {  	s28 =	simm.s32 $0x800;
	s30 =	rddreg [dreg:$0xb];
	[sflag:s17] =	ssyncadd.s32 $0xFFFFF800  }
0x16a: {  	[tilespmem:s28], [sflag:$0x2] =	stream.linear.gather [hbm4b:s30+s29], $0x800, $0x38;
	[tilespmem:$0x1D000] =	vst v63  }
0x16b: {  	_ =	swait.ge [sflag:s17], $0x800  }
0x16c: {  	[sflag:s17] =	ssyncset.done $0x0  }
0x16d: {  	[sflag:s17] =	ssyncadd.s32 $0xFFFFF800  }
0x16e: {  	[tilespmem:s16], [sflag:$0x1] =	stream.indirect.gather [hbm4b:s1+s26], $0x80, s29, s26, $0xb8;
	[tilespmem:$0x1D000] =	vst v63  }
0x16f: {  	s29 =	simm.s32 $0x0;
	_ =	swait.ge [sflag:s18], $0x4000  }
0x170: {  	s29 =	sand.u32 $0x4000, s29;
	[sflag:s18] =	ssyncset.done $0x0  }
0x171: {  	s31 =	sxor.u32 $0x5000, s29;
	[sflag:s18] =	ssyncadd.s32 $0xFFFFC000  }
0x172: {  	[tilespmem:s31], [sflag:$0x1] =	stream.indirect.gather [hbm4b:s1+s21], $0x80, s26, s21, $0xb8;
	[tilespmem:$0x1D000] =	vst v63  }
0x173: {  	s29 =	sor.u32 $0x1000, s29  }
0x174: {  	[spmem:s20] =	stream.indirect.scatter.add.f32 [tilespmem:s29], [sflag:$0x2], $0x80, s28, s21, $0xb8;
	[tilespmem:$0x1D000] =	vst v63  }
0x175: {  	_ =	swait.ge [sflag:s17], $0x4000  }
0x176: {  	s29 =	simm.s32 $0x1;
	[sflag:s17] =	ssyncset.done $0x0  }
.LBB2_11:
0x177: {  	[sflag:s17] =	ssyncadd.s32 $0xFFFFC000;
	s28 =	sadd.s32 $0x80, s28;
	s26 =	sadd.s32 $0x80, s26  }
0x178: {  	p1 =	sne.s32 s29, $0xE;
	s30 =	smov.u32 s29;
	s29 =	sadd.s32 $0x1, s29  }
0x179: {  	s30 =	sshll.u32 s30, $0xE;
	_ =	swait.ge [sflag:s18], $0x4000  }
0x17a: {  	s30 =	sand.u32 $0x4000, s30;
	[sflag:s18] =	ssyncset.done $0x0  }
0x17b: {  	s31 =	sxor.u32 $0x5000, s30;
	[sflag:s18] =	ssyncadd.s32 $0xFFFFC000  }
0x17c: {  	[tilespmem:s31], [sflag:$0x1] =	stream.indirect.gather [hbm4b:s1+s21], $0x80, s26, s21, $0xb8;
	[tilespmem:$0x1D000] =	vst v63  }
.Ltmp10:
0x17d: {  	_ = 	snop;
	(pc) =	sbr.rel @p1 .LBB2_11-.Ltmp10, $4  }
0x17e: {  	s30 =	sor.u32 $0x1000, s30  }
0x17f: {  	[spmem:s20] =	stream.indirect.scatter.add.f32 [tilespmem:s30], [sflag:$0x2], $0x80, s28, s21, $0xb8;
	[tilespmem:$0x1D000] =	vst v63  }
0x180: {  	_ =	swait.ge [sflag:s17], $0x4000  }
0x181: {  	[sflag:s17] =	ssyncset.done $0x0  }
0x182: {  	[sflag:s17] =	ssyncadd.s32 $0xFFFFC000  }
0x183: {  	_ =	swait.ge [sflag:s18], $0x4000  }
0x184: {  	[sflag:s18] =	ssyncset.done $0x0  }
0x185: {  	s26 =	simm.s32 $0x80;
	[sflag:s18] =	ssyncadd.s32 $0xFFFFC000  }
0x186: {  	[spmem:s20] =	stream.indirect.scatter.add.f32 [tilespmem:s23], [sflag:$0x2], $0x80, s22, s26, $0xb8;
	[tilespmem:$0x1D000] =	vst v63  }
0x187: {  	_ =	swait.ge [sflag:s17], $0x4000  }
0x188: {  	[sflag:s17] =	ssyncset.done $0x0  }
0x189: {  	s29 =	simm.s32 $0x0;
	s28 =	rddreg [dreg:$0xc];
	[sflag:s17] =	ssyncadd.s32 $0xFFFFC000  }
0x18a: {  	[tilespmem:s29], [sflag:$0x2] =	stream.linear.gather [hbm4b:s28+s29], $0x800, $0x38;
	[tilespmem:$0x1D000] =	vst v63  }
0x18b: {  	_ =	swait.ge [sflag:s17], $0x800  }
0x18c: {  	[sflag:s17] =	ssyncset.done $0x0  }
0x18d: {  	s28 =	simm.s32 $0x800;
	s30 =	rddreg [dreg:$0xd];
	[sflag:s17] =	ssyncadd.s32 $0xFFFFF800  }
0x18e: {  	[tilespmem:s28], [sflag:$0x2] =	stream.linear.gather [hbm4b:s30+s29], $0x800, $0x38;
	[tilespmem:$0x1D000] =	vst v63  }
0x18f: {  	_ =	swait.ge [sflag:s17], $0x800  }
0x190: {  	[sflag:s17] =	ssyncset.done $0x0  }
0x191: {  	[sflag:s17] =	ssyncadd.s32 $0xFFFFF800  }
0x192: {  	[tilespmem:s16], [sflag:$0x1] =	stream.indirect.gather [hbm4b:s1+s26], $0x80, s29, s26, $0xb8;
	[tilespmem:$0x1D000] =	vst v63  }
0x193: {  	s29 =	simm.s32 $0x0;
	_ =	swait.ge [sflag:s18], $0x4000  }
0x194: {  	s29 =	sand.u32 $0x4000, s29;
	[sflag:s18] =	ssyncset.done $0x0  }
0x195: {  	s31 =	sxor.u32 $0x5000, s29;
	[sflag:s18] =	ssyncadd.s32 $0xFFFFC000  }
0x196: {  	[tilespmem:s31], [sflag:$0x1] =	stream.indirect.gather [hbm4b:s1+s21], $0x80, s26, s21, $0xb8;
	[tilespmem:$0x1D000] =	vst v63  }
0x197: {  	s29 =	sor.u32 $0x1000, s29  }
0x198: {  	[spmem:s20] =	stream.indirect.scatter.add.f32 [tilespmem:s29], [sflag:$0x2], $0x80, s28, s21, $0xb8;
	[tilespmem:$0x1D000] =	vst v63  }
0x199: {  	_ =	swait.ge [sflag:s17], $0x4000  }
0x19a: {  	s29 =	simm.s32 $0x1;
	[sflag:s17] =	ssyncset.done $0x0  }
.LBB2_13:
0x19b: {  	[sflag:s17] =	ssyncadd.s32 $0xFFFFC000;
	s28 =	sadd.s32 $0x80, s28;
	s26 =	sadd.s32 $0x80, s26  }
0x19c: {  	p1 =	sne.s32 s29, $0xE;
	s30 =	smov.u32 s29;
	s29 =	sadd.s32 $0x1, s29  }
0x19d: {  	s30 =	sshll.u32 s30, $0xE;
	_ =	swait.ge [sflag:s18], $0x4000  }
0x19e: {  	s30 =	sand.u32 $0x4000, s30;
	[sflag:s18] =	ssyncset.done $0x0  }
0x19f: {  	s31 =	sxor.u32 $0x5000, s30;
	[sflag:s18] =	ssyncadd.s32 $0xFFFFC000  }
0x1a0: {  	[tilespmem:s31], [sflag:$0x1] =	stream.indirect.gather [hbm4b:s1+s21], $0x80, s26, s21, $0xb8;
	[tilespmem:$0x1D000] =	vst v63  }
.Ltmp11:
0x1a1: {  	_ = 	snop;
	(pc) =	sbr.rel @p1 .LBB2_13-.Ltmp11, $4  }
0x1a2: {  	s30 =	sor.u32 $0x1000, s30  }
0x1a3: {  	[spmem:s20] =	stream.indirect.scatter.add.f32 [tilespmem:s30], [sflag:$0x2], $0x80, s28, s21, $0xb8;
	[tilespmem:$0x1D000] =	vst v63  }
0x1a4: {  	_ =	swait.ge [sflag:s17], $0x4000  }
0x1a5: {  	[sflag:s17] =	ssyncset.done $0x0  }
0x1a6: {  	[sflag:s17] =	ssyncadd.s32 $0xFFFFC000  }
0x1a7: {  	_ =	swait.ge [sflag:s18], $0x4000  }
0x1a8: {  	[sflag:s18] =	ssyncset.done $0x0  }
0x1a9: {  	s26 =	simm.s32 $0x80;
	[sflag:s18] =	ssyncadd.s32 $0xFFFFC000  }
0x1aa: {  	[spmem:s20] =	stream.indirect.scatter.add.f32 [tilespmem:s23], [sflag:$0x2], $0x80, s22, s26, $0xb8;
	[tilespmem:$0x1D000] =	vst v63  }
0x1ab: {  	_ =	swait.ge [sflag:s17], $0x4000  }
0x1ac: {  	[sflag:s17] =	ssyncset.done $0x0  }
0x1ad: {  	s29 =	simm.s32 $0x0;
	s28 =	rddreg [dreg:$0xe];
	[sflag:s17] =	ssyncadd.s32 $0xFFFFC000  }
0x1ae: {  	[tilespmem:s29], [sflag:$0x2] =	stream.linear.gather [hbm4b:s28+s29], $0x800, $0x38;
	[tilespmem:$0x1D000] =	vst v63  }
0x1af: {  	_ =	swait.ge [sflag:s17], $0x800  }
0x1b0: {  	[sflag:s17] =	ssyncset.done $0x0  }
0x1b1: {  	s28 =	simm.s32 $0x800;
	s30 =	rddreg [dreg:$0xf];
	[sflag:s17] =	ssyncadd.s32 $0xFFFFF800  }
0x1b2: {  	[tilespmem:s28], [sflag:$0x2] =	stream.linear.gather [hbm4b:s30+s29], $0x800, $0x38;
	[tilespmem:$0x1D000] =	vst v63  }
0x1b3: {  	_ =	swait.ge [sflag:s17], $0x800  }
0x1b4: {  	[sflag:s17] =	ssyncset.done $0x0  }
0x1b5: {  	[sflag:s17] =	ssyncadd.s32 $0xFFFFF800  }
0x1b6: {  	[tilespmem:s16], [sflag:$0x1] =	stream.indirect.gather [hbm4b:s1+s26], $0x80, s29, s26, $0xb8;
	[tilespmem:$0x1D000] =	vst v63  }
0x1b7: {  	s29 =	simm.s32 $0x0;
	_ =	swait.ge [sflag:s18], $0x4000  }
0x1b8: {  	s29 =	sand.u32 $0x4000, s29;
	[sflag:s18] =	ssyncset.done $0x0  }
0x1b9: {  	s31 =	sxor.u32 $0x5000, s29;
	[sflag:s18] =	ssyncadd.s32 $0xFFFFC000  }
0x1ba: {  	[tilespmem:s31], [sflag:$0x1] =	stream.indirect.gather [hbm4b:s1+s21], $0x80, s26, s21, $0xb8;
	[tilespmem:$0x1D000] =	vst v63  }
0x1bb: {  	s29 =	sor.u32 $0x1000, s29  }
0x1bc: {  	[spmem:s20] =	stream.indirect.scatter.add.f32 [tilespmem:s29], [sflag:$0x2], $0x80, s28, s21, $0xb8;
	[tilespmem:$0x1D000] =	vst v63  }
0x1bd: {  	_ =	swait.ge [sflag:s17], $0x4000  }
0x1be: {  	s29 =	simm.s32 $0x1;
	[sflag:s17] =	ssyncset.done $0x0  }
.LBB2_15:
0x1bf: {  	[sflag:s17] =	ssyncadd.s32 $0xFFFFC000;
	s28 =	sadd.s32 $0x80, s28;
	s26 =	sadd.s32 $0x80, s26  }
0x1c0: {  	p1 =	sne.s32 s29, $0xE;
	s30 =	smov.u32 s29;
	s29 =	sadd.s32 $0x1, s29  }
0x1c1: {  	s30 =	sshll.u32 s30, $0xE;
	_ =	swait.ge [sflag:s18], $0x4000  }
0x1c2: {  	s30 =	sand.u32 $0x4000, s30;
	[sflag:s18] =	ssyncset.done $0x0  }
0x1c3: {  	s31 =	sxor.u32 $0x5000, s30;
	[sflag:s18] =	ssyncadd.s32 $0xFFFFC000  }
0x1c4: {  	[tilespmem:s31], [sflag:$0x1] =	stream.indirect.gather [hbm4b:s1+s21], $0x80, s26, s21, $0xb8;
	[tilespmem:$0x1D000] =	vst v63  }
.Ltmp12:
0x1c5: {  	_ = 	snop;
	(pc) =	sbr.rel @p1 .LBB2_15-.Ltmp12, $4  }
0x1c6: {  	s30 =	sor.u32 $0x1000, s30  }
0x1c7: {  	[spmem:s20] =	stream.indirect.scatter.add.f32 [tilespmem:s30], [sflag:$0x2], $0x80, s28, s21, $0xb8;
	[tilespmem:$0x1D000] =	vst v63  }
0x1c8: {  	_ =	swait.ge [sflag:s17], $0x4000  }
0x1c9: {  	[sflag:s17] =	ssyncset.done $0x0  }
0x1ca: {  	[sflag:s17] =	ssyncadd.s32 $0xFFFFC000  }
0x1cb: {  	_ =	swait.ge [sflag:s18], $0x4000  }
0x1cc: {  	[sflag:s18] =	ssyncset.done $0x0  }
0x1cd: {  	s26 =	simm.s32 $0x80;
	[sflag:s18] =	ssyncadd.s32 $0xFFFFC000  }
0x1ce: {  	[spmem:s20] =	stream.indirect.scatter.add.f32 [tilespmem:s23], [sflag:$0x2], $0x80, s22, s26, $0xb8;
	[tilespmem:$0x1D000] =	vst v63  }
0x1cf: {  	_ =	swait.ge [sflag:s17], $0x4000  }
0x1d0: {  	[sflag:s17] =	ssyncset.done $0x0  }
0x1d1: {  	s29 =	simm.s32 $0x0;
	s28 =	rddreg [dreg:$0x10];
	[sflag:s17] =	ssyncadd.s32 $0xFFFFC000  }
0x1d2: {  	[tilespmem:s29], [sflag:$0x2] =	stream.linear.gather [hbm4b:s28+s29], $0x800, $0x38;
	[tilespmem:$0x1D000] =	vst v63  }
0x1d3: {  	_ =	swait.ge [sflag:s17], $0x800  }
0x1d4: {  	[sflag:s17] =	ssyncset.done $0x0  }
0x1d5: {  	s28 =	simm.s32 $0x800;
	s30 =	rddreg [dreg:$0x11];
	[sflag:s17] =	ssyncadd.s32 $0xFFFFF800  }
0x1d6: {  	[tilespmem:s28], [sflag:$0x2] =	stream.linear.gather [hbm4b:s30+s29], $0x800, $0x38;
	[tilespmem:$0x1D000] =	vst v63  }
0x1d7: {  	_ =	swait.ge [sflag:s17], $0x800  }
0x1d8: {  	[sflag:s17] =	ssyncset.done $0x0  }
0x1d9: {  	[sflag:s17] =	ssyncadd.s32 $0xFFFFF800  }
0x1da: {  	[tilespmem:s16], [sflag:$0x1] =	stream.indirect.gather [hbm4b:s1+s26], $0x80, s29, s26, $0xb8;
	[tilespmem:$0x1D000] =	vst v63  }
0x1db: {  	s29 =	simm.s32 $0x0;
	_ =	swait.ge [sflag:s18], $0x4000  }
0x1dc: {  	s29 =	sand.u32 $0x4000, s29;
	[sflag:s18] =	ssyncset.done $0x0  }
0x1dd: {  	s31 =	sxor.u32 $0x5000, s29;
	[sflag:s18] =	ssyncadd.s32 $0xFFFFC000  }
0x1de: {  	[tilespmem:s31], [sflag:$0x1] =	stream.indirect.gather [hbm4b:s1+s21], $0x80, s26, s21, $0xb8;
	[tilespmem:$0x1D000] =	vst v63  }
0x1df: {  	s29 =	sor.u32 $0x1000, s29  }
0x1e0: {  	[spmem:s20] =	stream.indirect.scatter.add.f32 [tilespmem:s29], [sflag:$0x2], $0x80, s28, s21, $0xb8;
	[tilespmem:$0x1D000] =	vst v63  }
0x1e1: {  	_ =	swait.ge [sflag:s17], $0x4000  }
0x1e2: {  	s29 =	simm.s32 $0x1;
	[sflag:s17] =	ssyncset.done $0x0  }
.LBB2_17:
0x1e3: {  	[sflag:s17] =	ssyncadd.s32 $0xFFFFC000;
	s28 =	sadd.s32 $0x80, s28;
	s26 =	sadd.s32 $0x80, s26  }
0x1e4: {  	p1 =	sne.s32 s29, $0xE;
	s30 =	smov.u32 s29;
	s29 =	sadd.s32 $0x1, s29  }
0x1e5: {  	s30 =	sshll.u32 s30, $0xE;
	_ =	swait.ge [sflag:s18], $0x4000  }
0x1e6: {  	s30 =	sand.u32 $0x4000, s30;
	[sflag:s18] =	ssyncset.done $0x0  }
0x1e7: {  	s31 =	sxor.u32 $0x5000, s30;
	[sflag:s18] =	ssyncadd.s32 $0xFFFFC000  }
0x1e8: {  	[tilespmem:s31], [sflag:$0x1] =	stream.indirect.gather [hbm4b:s1+s21], $0x80, s26, s21, $0xb8;
	[tilespmem:$0x1D000] =	vst v63  }
.Ltmp13:
0x1e9: {  	_ = 	snop;
	(pc) =	sbr.rel @p1 .LBB2_17-.Ltmp13, $4  }
0x1ea: {  	s30 =	sor.u32 $0x1000, s30  }
0x1eb: {  	[spmem:s20] =	stream.indirect.scatter.add.f32 [tilespmem:s30], [sflag:$0x2], $0x80, s28, s21, $0xb8;
	[tilespmem:$0x1D000] =	vst v63  }
0x1ec: {  	_ =	swait.ge [sflag:s17], $0x4000  }
0x1ed: {  	[sflag:s17] =	ssyncset.done $0x0  }
0x1ee: {  	[sflag:s17] =	ssyncadd.s32 $0xFFFFC000  }
0x1ef: {  	_ =	swait.ge [sflag:s18], $0x4000  }
0x1f0: {  	[sflag:s18] =	ssyncset.done $0x0  }
0x1f1: {  	s26 =	simm.s32 $0x80;
	[sflag:s18] =	ssyncadd.s32 $0xFFFFC000  }
0x1f2: {  	[spmem:s20] =	stream.indirect.scatter.add.f32 [tilespmem:s23], [sflag:$0x2], $0x80, s22, s26, $0xb8;
	[tilespmem:$0x1D000] =	vst v63  }
0x1f3: {  	_ =	swait.ge [sflag:s17], $0x4000  }
0x1f4: {  	[sflag:s17] =	ssyncset.done $0x0  }
0x1f5: {  	s29 =	simm.s32 $0x0;
	s28 =	rddreg [dreg:$0x12];
	[sflag:s17] =	ssyncadd.s32 $0xFFFFC000  }
0x1f6: {  	[tilespmem:s29], [sflag:$0x2] =	stream.linear.gather [hbm4b:s28+s29], $0x800, $0x38;
	[tilespmem:$0x1D000] =	vst v63  }
0x1f7: {  	_ =	swait.ge [sflag:s17], $0x800  }
0x1f8: {  	[sflag:s17] =	ssyncset.done $0x0  }
0x1f9: {  	s28 =	simm.s32 $0x800;
	s30 =	rddreg [dreg:$0x13];
	[sflag:s17] =	ssyncadd.s32 $0xFFFFF800  }
0x1fa: {  	[tilespmem:s28], [sflag:$0x2] =	stream.linear.gather [hbm4b:s30+s29], $0x800, $0x38;
	[tilespmem:$0x1D000] =	vst v63  }
0x1fb: {  	_ =	swait.ge [sflag:s17], $0x800  }
0x1fc: {  	[sflag:s17] =	ssyncset.done $0x0  }
0x1fd: {  	[sflag:s17] =	ssyncadd.s32 $0xFFFFF800  }
0x1fe: {  	[tilespmem:s16], [sflag:$0x1] =	stream.indirect.gather [hbm4b:s1+s26], $0x80, s29, s26, $0xb8;
	[tilespmem:$0x1D000] =	vst v63  }
0x1ff: {  	s29 =	simm.s32 $0x0;
	_ =	swait.ge [sflag:s18], $0x4000  }
0x200: {  	s29 =	sand.u32 $0x4000, s29;
	[sflag:s18] =	ssyncset.done $0x0  }
0x201: {  	s31 =	sxor.u32 $0x5000, s29;
	[sflag:s18] =	ssyncadd.s32 $0xFFFFC000  }
0x202: {  	[tilespmem:s31], [sflag:$0x1] =	stream.indirect.gather [hbm4b:s1+s21], $0x80, s26, s21, $0xb8;
	[tilespmem:$0x1D000] =	vst v63  }
0x203: {  	s29 =	sor.u32 $0x1000, s29  }
0x204: {  	[spmem:s20] =	stream.indirect.scatter.add.f32 [tilespmem:s29], [sflag:$0x2], $0x80, s28, s21, $0xb8;
	[tilespmem:$0x1D000] =	vst v63  }
0x205: {  	_ =	swait.ge [sflag:s17], $0x4000  }
0x206: {  	s29 =	simm.s32 $0x1;
	[sflag:s17] =	ssyncset.done $0x0  }
.LBB2_19:
0x207: {  	[sflag:s17] =	ssyncadd.s32 $0xFFFFC000;
	s28 =	sadd.s32 $0x80, s28;
	s26 =	sadd.s32 $0x80, s26  }
0x208: {  	p1 =	seq.s32 s29, $0xE;
	s30 =	smov.u32 s29;
	s29 =	sadd.s32 $0x1, s29  }
0x209: {  	s30 =	sshll.u32 s30, $0xE;
	_ =	swait.ge [sflag:s18], $0x4000  }
0x20a: {  	s30 =	sand.u32 $0x4000, s30;
	[sflag:s18] =	ssyncset.done $0x0  }
0x20b: {  	s31 =	sxor.u32 $0x5000, s30;
	[sflag:s18] =	ssyncadd.s32 $0xFFFFC000  }
0x20c: {  	[tilespmem:s31], [sflag:$0x1] =	stream.indirect.gather [hbm4b:s1+s21], $0x80, s26, s21, $0xb8;
	[tilespmem:$0x1D000] =	vst v63  }
.Ltmp14:
0x20d: {  	_ = 	snop;
	(pc) =	sbr.rel @!p1 .LBB2_19-.Ltmp14, $4  }
0x20e: {  	s30 =	sor.u32 $0x1000, s30  }
0x20f: {  	[spmem:s20] =	stream.indirect.scatter.add.f32 [tilespmem:s30], [sflag:$0x2], $0x80, s28, s21, $0xb8;
	[tilespmem:$0x1D000] =	vst v63  }
0x210: {  	_ =	swait.ge [sflag:s17], $0x4000  }
0x211: {  	[sflag:s17] =	ssyncset.done $0x0  }
.Ltmp15:
0x212: {  	_ = 	snop;
	(pc) =	sbr.rel .LBB2_20-.Ltmp15, $1  }
0x213: {  	_ =	sdelay $0x3  }
.LBB2_27:
0x214: {  	_ =	sfence.sel $0x180000  }
0x215: {  	[bflag:$0x0] =	sbarrier.arrive $0xFFFF  }
0x216: {  	_ =	strace $0x9000004A  }
0x217: {  	s0 =	stileid.u32;
	[bflag:$0x2] =	sbarrier.arrive $0xFFFF  }
0x218: {  	p0 =	sne.s32 s0, $0x0;
	s0 =	rddreg [dreg:$0x3]  }
0x219: {  	s0 =	sadd.s32 @!p0 $0x100000, s0  }
0x21a: {  	[sflag:s0] =	ssyncadd.tile.s32 @!p0 $0x1;
	_ =	shalt  }
.Lfunc_end2:
_tile_overlayer_lowered:
.L_overlay_start_2:
0x21b: {  	(tag) =	ssettag $0x2  }
0x21c: {  	s0 =	rddreg [dreg:$0x0];
	s2 =	stileid.u32  }
0x21d: {  	s1 =	rddreg [dreg:$0x1];
	p0 =	sne.s32 s2, $0x0  }
0x21e: {  	s3 =	rddreg [dreg:$0x2];
	[bflag:$0x3] =	sbarrier.arrive $0xFFFF;
	s2 =	simm.s32 @!p0 $0x1C02  }
0x21f: {  	[timem:s3], [sflag:s2] =	dma.local @!p0 [hbm:s0], s1  }
0x220: {  	s0 =	simm.s32 @!p0 $0x2  }
0x221: {  	_ =	swait.ge @!p0 [sflag:s0], s1  }
0x222: {  	s1 =	ssub.s32 @!p0 $0x0, s1;
	[sflag:s0] =	ssyncset.done @!p0 $0x0  }
0x223: {  	[sflag:s0] =	ssyncadd.s32 @!p0 s1  }
0x224: {  	[bflag:$0x3] =	sbarrier.arrive $0xFFFF  }
0x225: {  	_ =	shalt  }

</sc_bundles>
